<compile_context>
chip_gen: v7x
topology: tpu7x:2x2x1
jax: 0.10.2.dev20260603
libtpu: 0.0.44.dev20260713+nightly
codegen_flags: <defaults>
</compile_context>

<pallas_src>
import functools

import jax
import jax.numpy as jnp
from jax import lax
from jax.experimental import pallas as pl
from jax.experimental.pallas import tpu as pltpu
from jax.experimental.pallas import tpu_sc as plsc

B = 16384
D = 16
V = 1000000
NC = 2
NS = 16
NW = NC * NS
BPW = B // NW
CH = 16
NCHUNK = BPW // CH

_mesh = plsc.VectorSubcoreMesh(core_axis_name="c", subcore_axis_name="s")


@functools.partial(
    pl.kernel,
    mesh=_mesh,
    compiler_params=pltpu.CompilerParams(use_tc_tiling_on_sc=True,
                                         needs_layout_passes=False),
    out_type=(
        jax.ShapeDtypeStruct((D, B), jnp.float32),
        jax.ShapeDtypeStruct((D, B), jnp.float32),
    ),
    scratch_types=[
        pltpu.VMEM((BPW,), jnp.int32),
        pltpu.VMEM((BPW,), jnp.int32),
        pltpu.VMEM((D, CH * 128), jnp.float32),
        pltpu.VMEM((D, CH * 128), jnp.float32),
        pltpu.VMEM((D, BPW), jnp.float32),
        pltpu.VMEM((D, BPW), jnp.float32),
        pltpu.SemaphoreType.DMA,
    ],
)
def _gather_sc(uidx_hbm, iidx_hbm, utabT_hbm, itabT_hbm, uoutT_hbm, ioutT_hbm,
               uidx_v, iidx_v, blkbuf0, blkbuf1, urowsT_v, irowsT_v, sem):
    wid = lax.axis_index("s") * NC + lax.axis_index("c")
    base = wid * BPW
    pltpu.sync_copy(uidx_hbm.at[pl.ds(base, BPW)], uidx_v)
    pltpu.sync_copy(iidx_hbm.at[pl.ds(base, BPW)], iidx_v)
    lanes = lax.iota(jnp.int32, 16)

    def run_pass(idx_v, tab_hbm, rowsT_v):
        def fire(c, buf):
            jv = idx_v[pl.ds(c * CH, CH)]
            blk = jax.lax.shift_right_logical(jv, 7)
            for k in range(CH):
                off = pl.multiple_of(blk[k] * 128, 128)
                pltpu.make_async_copy(
                    tab_hbm.at[:, pl.ds(off, 128)],
                    buf.at[:, pl.ds(k * 128, 128)], sem
                ).start()

        def wait_chunk(buf):
            pltpu.make_async_copy(
                tab_hbm.at[:, pl.ds(0, CH * 128)], buf, sem).wait()

        def extract(c, buf):
            jv = idx_v[pl.ds(c * CH, CH)]
            col = jax.lax.bitwise_and(jv, 127)
            for k in range(CH):
                v = plsc.load_gather(
                    buf,
                    [lanes, jnp.full((16,), k * 128, jnp.int32) + col[k]])
                plsc.store_scatter(
                    rowsT_v,
                    [lanes, jnp.full((16,), c * CH + k, jnp.int32)], v)

        fire(0, blkbuf0)

        def body(p, carry):
            c0 = p * 2
            fire(c0 + 1, blkbuf1)
            wait_chunk(blkbuf0)
            extract(c0, blkbuf0)

            @pl.when(p < NCHUNK // 2 - 1)
            def _():
                fire(c0 + 2, blkbuf0)

            wait_chunk(blkbuf1)
            extract(c0 + 1, blkbuf1)
            return carry

        lax.fori_loop(0, NCHUNK // 2, body, 0)

    run_pass(uidx_v, utabT_hbm, urowsT_v)
    run_pass(iidx_v, itabT_hbm, irowsT_v)
    pltpu.sync_copy(urowsT_v, uoutT_hbm.at[:, pl.ds(base, BPW)])
    pltpu.sync_copy(irowsT_v, ioutT_hbm.at[:, pl.ds(base, BPW)])


def _mlp_body(ue_ref, ie_ref, w1uT_ref, w1iT_ref, b1_ref, w2T_ref, b2_ref,
              w3T_ref, b3_ref, out_ref):
    x = (jnp.dot(w1uT_ref[...], ue_ref[...], preferred_element_type=jnp.float32)
         + jnp.dot(w1iT_ref[...], ie_ref[...], preferred_element_type=jnp.float32)
         + b1_ref[...])
    x = jnp.maximum(x, 0.0)
    x = jnp.maximum(
        jnp.dot(w2T_ref[...], x, preferred_element_type=jnp.float32) + b2_ref[...],
        0.0)
    x = jnp.dot(w3T_ref[...], x, preferred_element_type=jnp.float32) + b3_ref[...]
    out_ref[...] = jax.nn.sigmoid(x)


_COLS_BLK = 16384
_GRID = B // _COLS_BLK

_mlp_tc = pl.pallas_call(
    _mlp_body,
    grid=(_GRID,),
    in_specs=[
        pl.BlockSpec((D, _COLS_BLK), lambda i: (0, i)),
        pl.BlockSpec((D, _COLS_BLK), lambda i: (0, i)),
        pl.BlockSpec((16, D), lambda i: (0, 0)),
        pl.BlockSpec((16, D), lambda i: (0, 0)),
        pl.BlockSpec((16, 1), lambda i: (0, 0)),
        pl.BlockSpec((8, 16), lambda i: (0, 0)),
        pl.BlockSpec((8, 1), lambda i: (0, 0)),
        pl.BlockSpec((1, 8), lambda i: (0, 0)),
        pl.BlockSpec((1, 1), lambda i: (0, 0)),
    ],
    out_specs=pl.BlockSpec((1, _COLS_BLK), lambda i: (0, i)),
    out_shape=jax.ShapeDtypeStruct((1, B), jnp.float32),
)


def kernel(user_indices, item_indices, user_table, item_table,
           W1, b1, W2, b2, W3, b3):
    ueT, ieT = _gather_sc(user_indices, item_indices,
                          user_table.T, item_table.T)
    out = _mlp_tc(ueT, ieT, W1[:D].T, W1[D:].T, b1.reshape(16, 1),
                  W2.T, b2.reshape(8, 1), W3.T, b3.reshape(1, 1))
    return out[0]

# --- scband reference (transcript-rebuilt; emitter-appended) ---
"""Pipeline reference for scband-ncf-59519656788309 (READ-ONLY COPY).

The authoritative reference and input builder live on the scoring server;
editing this copy changes nothing except your own understanding.
"""

import jax, jax.numpy as jnp
import numpy as np

NUM_USERS = 1000000
NUM_ITEMS = 1000000
EMBED_DIM = 16
BATCH = 16384


def setup_inputs(seed: int = 0) -> dict:
    key = jax.random.key(seed)
    ks = jax.random.split(key, 10)
    user_indices = jax.random.randint(ks[0], (BATCH,), 0, NUM_USERS, dtype=jnp.int64 if jax.config.jax_enable_x64 else jnp.int32).astype(jnp.int32)
    item_indices = jax.random.randint(ks[1], (BATCH,), 0, NUM_ITEMS, dtype=jnp.int32)
    user_table = jax.random.normal(ks[2], (NUM_USERS, EMBED_DIM), dtype=jnp.float32)
    item_table = jax.random.normal(ks[3], (NUM_ITEMS, EMBED_DIM), dtype=jnp.float32)
    W1 = jax.random.normal(ks[4], (32, 16), dtype=jnp.float32) * (1.0 / np.sqrt(32))
    b1 = jnp.zeros((16,), dtype=jnp.float32)
    W2 = jax.random.normal(ks[5], (16, 8), dtype=jnp.float32) * (1.0 / np.sqrt(16))
    b2 = jnp.zeros((8,), dtype=jnp.float32)
    W3 = jax.random.normal(ks[6], (8, 1), dtype=jnp.float32) * (1.0 / np.sqrt(8))
    b3 = jnp.zeros((1,), dtype=jnp.float32)
    return {
        'user_indices': user_indices,
        'item_indices': item_indices,
        'user_table': user_table,
        'item_table': item_table,
        'W1': W1, 'b1': b1,
        'W2': W2, 'b2': b2,
        'W3': W3, 'b3': b3,
    }


def reference(user_indices, item_indices, user_table, item_table, W1, b1, W2, b2, W3, b3):
    user_embedding = jnp.take(user_table, user_indices, axis=0)
    item_embedding = jnp.take(item_table, item_indices, axis=0)
    vector = jnp.concatenate([user_embedding, item_embedding], axis=-1)
    x = jnp.maximum(vector @ W1 + b1, 0.0)
    x = jnp.maximum(x @ W2 + b2, 0.0)
    x = x @ W3 + b3
    out = jax.nn.sigmoid(x)
    return jnp.squeeze(out, axis=-1)

if __name__ == "__main__":
    import jax
    _d = setup_inputs()
    print(jax.jit(kernel)(*tuple(_d.values())))

</pallas_src>

<mosaic_0001>
#map = affine_map<(d0, d1) -> (0)>
#map1 = affine_map<(d0, d1) -> (0, 0)>
module attributes {stable_mosaic.version = 14 : i64} {
  func.func @_gather_sc(%arg0: i32, %arg1: i32, %arg2: memref<16384xi32, #tpu.memory_space<hbm>>, %arg3: memref<16384xi32, #tpu.memory_space<hbm>>, %arg4: memref<16x1000000xf32, #tpu.memory_space<hbm>>, %arg5: memref<16x1000000xf32, #tpu.memory_space<hbm>>, %arg6: memref<16x16384xf32, #tpu.memory_space<hbm>>, %arg7: memref<16x16384xf32, #tpu.memory_space<hbm>>, %arg8: memref<512xi32, #tpu.memory_space<vmem>>, %arg9: memref<512xi32, #tpu.memory_space<vmem>>, %arg10: memref<16x2048xf32, #tpu.memory_space<vmem>>, %arg11: memref<16x2048xf32, #tpu.memory_space<vmem>>, %arg12: memref<16x512xf32, #tpu.memory_space<vmem>>, %arg13: memref<16x512xf32, #tpu.memory_space<vmem>>, %arg14: memref<!tpu.dma_semaphore, #tpu.memory_space<semaphore_mem>>) attributes {dimension_semantics = [#tpu.dimension_semantics<core_parallel>, #tpu.dimension_semantics<subcore_parallel>], iteration_bounds = array<i64: 2, 16>, scalar_prefetch = 0 : i64, scratch_operands = 7 : i64, tpu.core_type = #tpu.core_type<sc_vector_subcore>, window_params = [{transform_indices = #map}, {transform_indices = #map}, {transform_indices = #map1}, {transform_indices = #map1}, {transform_indices = #map1}, {transform_indices = #map1}]} {
    %mul3A = arith.constant 2 : i32
    %mul3A_0 = arith.muli %arg1, %mul3A : i32
    %add3A = arith.addi %mul3A_0, %arg0 : i32
    %mul3A_1 = arith.constant 512 : i32
    %mul3A_2 = arith.muli %add3A, %mul3A_1 : i32
    "tpu.region"() ({
      %run_scoped3A = tpu.sem_alloc : memref<!tpu.dma_semaphore, #tpu.memory_space<semaphore_mem>>
      %dma_start3A_498 = tpu.memref_slice %arg2[%mul3A_2] : memref<16384xi32, #tpu.memory_space<hbm>> -> memref<512xi32, #tpu.memory_space<hbm>>
      %dma_start3A_499 = tpu.memref_slice %arg2[%mul3A_2] : memref<16384xi32, #tpu.memory_space<hbm>> -> memref<512xi32, #tpu.memory_space<hbm>>
      tpu.enqueue_dma source(%dma_start3A_499 : memref<512xi32, #tpu.memory_space<hbm>>) target(%arg8 : memref<512xi32, #tpu.memory_space<vmem>>) target_semaphore(%run_scoped3A : memref<!tpu.dma_semaphore, #tpu.memory_space<semaphore_mem>>)
      %dma_wait3A = tpu.memref_slice %arg2[%mul3A_2] : memref<16384xi32, #tpu.memory_space<hbm>> -> memref<512xi32, #tpu.memory_space<hbm>>
      %dma_wait3A_500 = tpu.memref_slice %arg2[%mul3A_2] : memref<16384xi32, #tpu.memory_space<hbm>> -> memref<512xi32, #tpu.memory_space<hbm>>
      tpu.wait_dma2 semaphore(%run_scoped3A : memref<!tpu.dma_semaphore, #tpu.memory_space<semaphore_mem>>) src(%dma_wait3A_500 : memref<512xi32, #tpu.memory_space<hbm>>) dst(%arg8 : memref<512xi32, #tpu.memory_space<vmem>>)
      tpu.yield
    }) : () -> ()
    "tpu.region"() ({
      %run_scoped3A = tpu.sem_alloc : memref<!tpu.dma_semaphore, #tpu.memory_space<semaphore_mem>>
      %dma_start3A_498 = tpu.memref_slice %arg3[%mul3A_2] : memref<16384xi32, #tpu.memory_space<hbm>> -> memref<512xi32, #tpu.memory_space<hbm>>
      %dma_start3A_499 = tpu.memref_slice %arg3[%mul3A_2] : memref<16384xi32, #tpu.memory_space<hbm>> -> memref<512xi32, #tpu.memory_space<hbm>>
      tpu.enqueue_dma source(%dma_start3A_499 : memref<512xi32, #tpu.memory_space<hbm>>) target(%arg9 : memref<512xi32, #tpu.memory_space<vmem>>) target_semaphore(%run_scoped3A : memref<!tpu.dma_semaphore, #tpu.memory_space<semaphore_mem>>)
      %dma_wait3A = tpu.memref_slice %arg3[%mul3A_2] : memref<16384xi32, #tpu.memory_space<hbm>> -> memref<512xi32, #tpu.memory_space<hbm>>
      %dma_wait3A_500 = tpu.memref_slice %arg3[%mul3A_2] : memref<16384xi32, #tpu.memory_space<hbm>> -> memref<512xi32, #tpu.memory_space<hbm>>
      tpu.wait_dma2 semaphore(%run_scoped3A : memref<!tpu.dma_semaphore, #tpu.memory_space<semaphore_mem>>) src(%dma_wait3A_500 : memref<512xi32, #tpu.memory_space<hbm>>) dst(%arg9 : memref<512xi32, #tpu.memory_space<vmem>>)
      tpu.yield
    }) : () -> ()
    %iota3A = tpu.iota {dimensions = array<i32: 0>} : vector<16xi32>
    %get3A = arith.constant 0 : index
    %get3A_3 = tpu.vector_load %arg8[%get3A] {strides = array<i32>} : memref<512xi32, #tpu.memory_space<vmem>>, vector<16xi32>,
    %shift_right_logical3A = arith.constant 7 : i32
    %shift_right_logical3A_4 = vector.broadcast %shift_right_logical3A : i32 to vector<16xi32>
    %shift_right_logical3A_5 = arith.shrui %get3A_3, %shift_right_logical3A_4 : vector<16xi32>
    %slice3A = vector.extract_strided_slice %shift_right_logical3A_5 {offsets = [0], sizes = [1], strides = [1]} : vector<16xi32> to vector<1xi32>
    %squeeze3A = vector.extract %slice3A[0] : i32 from vector<1xi32>
    %mul3A_6 = arith.constant 128 : i32
    %mul3A_7 = arith.muli %squeeze3A, %mul3A_6 : i32
    %multiple_of3A = tpu.assume_multiple %mul3A_7, 128 : i32
    %dma_start3A = arith.constant 0 : i32
    %dma_start3A_8 = arith.constant 0 : i32
    %dma_start3A_9 = tpu.memref_slice %arg10[%dma_start3A, %dma_start3A_8] : memref<16x2048xf32, #tpu.memory_space<vmem>> -> memref<16x128xf32, #tpu.memory_space<vmem>>
    %dma_start3A_10 = arith.constant 0 : i32
    %dma_start3A_11 = tpu.memref_slice %arg4[%dma_start3A_10, %multiple_of3A] : memref<16x1000000xf32, #tpu.memory_space<hbm>> -> memref<16x128xf32, #tpu.memory_space<hbm>>
    %dma_start3A_12 = arith.constant 0 : i32
    %dma_start3A_13 = arith.constant 0 : i32
    %dma_start3A_14 = tpu.memref_slice %arg10[%dma_start3A_12, %dma_start3A_13] : memref<16x2048xf32, #tpu.memory_space<vmem>> -> memref<16x128xf32, #tpu.memory_space<vmem>>
    %dma_start3A_15 = arith.constant 0 : i32
    %dma_start3A_16 = tpu.memref_slice %arg4[%dma_start3A_15, %multiple_of3A] : memref<16x1000000xf32, #tpu.memory_space<hbm>> -> memref<16x128xf32, #tpu.memory_space<hbm>>
    tpu.enqueue_dma source(%dma_start3A_16 : memref<16x128xf32, #tpu.memory_space<hbm>>) target(%dma_start3A_14 : memref<16x128xf32, #tpu.memory_space<vmem>>) target_semaphore(%arg14 : memref<!tpu.dma_semaphore, #tpu.memory_space<semaphore_mem>>)
    %slice3A_17 = vector.extract_strided_slice %shift_right_logical3A_5 {offsets = [1], sizes = [1], strides = [1]} : vector<16xi32> to vector<1xi32>
    %squeeze3A_18 = vector.extract %slice3A_17[0] : i32 from vector<1xi32>
    %mul3A_19 = arith.constant 128 : i32
    %mul3A_20 = arith.muli %squeeze3A_18, %mul3A_19 : i32
    %multiple_of3A_21 = tpu.assume_multiple %mul3A_20, 128 : i32
    %dma_start3A_22 = arith.constant 0 : i32
    %dma_start3A_23 = arith.constant 128 : i32
    %dma_start3A_24 = tpu.memref_slice %arg10[%dma_start3A_22, %dma_start3A_23] : memref<16x2048xf32, #tpu.memory_space<vmem>> -> memref<16x128xf32, #tpu.memory_space<vmem>>
    %dma_start3A_25 = arith.constant 0 : i32
    %dma_start3A_26 = tpu.memref_slice %arg4[%dma_start3A_25, %multiple_of3A_21] : memref<16x1000000xf32, #tpu.memory_space<hbm>> -> memref<16x128xf32, #tpu.memory_space<hbm>>
    %dma_start3A_27 = arith.constant 0 : i32
    %dma_start3A_28 = arith.constant 128 : i32
    %dma_start3A_29 = tpu.memref_slice %arg10[%dma_start3A_27, %dma_start3A_28] : memref<16x2048xf32, #tpu.memory_space<vmem>> -> memref<16x128xf32, #tpu.memory_space<vmem>>
    %dma_start3A_30 = arith.constant 0 : i32
    %dma_start3A_31 = tpu.memref_slice %arg4[%dma_start3A_30, %multiple_of3A_21] : memref<16x1000000xf32, #tpu.memory_space<hbm>> -> memref<16x128xf32, #tpu.memory_space<hbm>>
    tpu.enqueue_dma source(%dma_start3A_31 : memref<16x128xf32, #tpu.memory_space<hbm>>) target(%dma_start3A_29 : memref<16x128xf32, #tpu.memory_space<vmem>>) target_semaphore(%arg14 : memref<!tpu.dma_semaphore, #tpu.memory_space<semaphore_mem>>)
    %slice3A_32 = vector.extract_strided_slice %shift_right_logical3A_5 {offsets = [2], sizes = [1], strides = [1]} : vector<16xi32> to vector<1xi32>
    %squeeze3A_33 = vector.extract %slice3A_32[0] : i32 from vector<1xi32>
    %mul3A_34 = arith.constant 128 : i32
    %mul3A_35 = arith.muli %squeeze3A_33, %mul3A_34 : i32
    %multiple_of3A_36 = tpu.assume_multiple %mul3A_35, 128 : i32
    %dma_start3A_37 = arith.constant 0 : i32
    %dma_start3A_38 = arith.constant 256 : i32
    %dma_start3A_39 = tpu.memref_slice %arg10[%dma_start3A_37, %dma_start3A_38] : memref<16x2048xf32, #tpu.memory_space<vmem>> -> memref<16x128xf32, #tpu.memory_space<vmem>>
    %dma_start3A_40 = arith.constant 0 : i32
    %dma_start3A_41 = tpu.memref_slice %arg4[%dma_start3A_40, %multiple_of3A_36] : memref<16x1000000xf32, #tpu.memory_space<hbm>> -> memref<16x128xf32, #tpu.memory_space<hbm>>
    %dma_start3A_42 = arith.constant 0 : i32
    %dma_start3A_43 = arith.constant 256 : i32
    %dma_start3A_44 = tpu.memref_slice %arg10[%dma_start3A_42, %dma_start3A_43] : memref<16x2048xf32, #tpu.memory_space<vmem>> -> memref<16x128xf32, #tpu.memory_space<vmem>>
    %dma_start3A_45 = arith.constant 0 : i32
    %dma_start3A_46 = tpu.memref_slice %arg4[%dma_start3A_45, %multiple_of3A_36] : memref<16x1000000xf32, #tpu.memory_space<hbm>> -> memref<16x128xf32, #tpu.memory_space<hbm>>
    tpu.enqueue_dma source(%dma_start3A_46 : memref<16x128xf32, #tpu.memory_space<hbm>>) target(%dma_start3A_44 : memref<16x128xf32, #tpu.memory_space<vmem>>) target_semaphore(%arg14 : memref<!tpu.dma_semaphore, #tpu.memory_space<semaphore_mem>>)
    %slice3A_47 = vector.extract_strided_slice %shift_right_logical3A_5 {offsets = [3], sizes = [1], strides = [1]} : vector<16xi32> to vector<1xi32>
    %squeeze3A_48 = vector.extract %slice3A_47[0] : i32 from vector<1xi32>
    %mul3A_49 = arith.constant 128 : i32
    %mul3A_50 = arith.muli %squeeze3A_48, %mul3A_49 : i32
    %multiple_of3A_51 = tpu.assume_multiple %mul3A_50, 128 : i32
    %dma_start3A_52 = arith.constant 0 : i32
    %dma_start3A_53 = arith.constant 384 : i32
    %dma_start3A_54 = tpu.memref_slice %arg10[%dma_start3A_52, %dma_start3A_53] : memref<16x2048xf32, #tpu.memory_space<vmem>> -> memref<16x128xf32, #tpu.memory_space<vmem>>
    %dma_start3A_55 = arith.constant 0 : i32
    %dma_start3A_56 = tpu.memref_slice %arg4[%dma_start3A_55, %multiple_of3A_51] : memref<16x1000000xf32, #tpu.memory_space<hbm>> -> memref<16x128xf32, #tpu.memory_space<hbm>>
    %dma_start3A_57 = arith.constant 0 : i32
    %dma_start3A_58 = arith.constant 384 : i32
    %dma_start3A_59 = tpu.memref_slice %arg10[%dma_start3A_57, %dma_start3A_58] : memref<16x2048xf32, #tpu.memory_space<vmem>> -> memref<16x128xf32, #tpu.memory_space<vmem>>
    %dma_start3A_60 = arith.constant 0 : i32
    %dma_start3A_61 = tpu.memref_slice %arg4[%dma_start3A_60, %multiple_of3A_51] : memref<16x1000000xf32, #tpu.memory_space<hbm>> -> memref<16x128xf32, #tpu.memory_space<hbm>>
    tpu.enqueue_dma source(%dma_start3A_61 : memref<16x128xf32, #tpu.memory_space<hbm>>) target(%dma_start3A_59 : memref<16x128xf32, #tpu.memory_space<vmem>>) target_semaphore(%arg14 : memref<!tpu.dma_semaphore, #tpu.memory_space<semaphore_mem>>)
    %slice3A_62 = vector.extract_strided_slice %shift_right_logical3A_5 {offsets = [4], sizes = [1], strides = [1]} : vector<16xi32> to vector<1xi32>
    %squeeze3A_63 = vector.extract %slice3A_62[0] : i32 from vector<1xi32>
    %mul3A_64 = arith.constant 128 : i32
    %mul3A_65 = arith.muli %squeeze3A_63, %mul3A_64 : i32
    %multiple_of3A_66 = tpu.assume_multiple %mul3A_65, 128 : i32
    %dma_start3A_67 = arith.constant 0 : i32
    %dma_start3A_68 = arith.constant 512 : i32
    %dma_start3A_69 = tpu.memref_slice %arg10[%dma_start3A_67, %dma_start3A_68] : memref<16x2048xf32, #tpu.memory_space<vmem>> -> memref<16x128xf32, #tpu.memory_space<vmem>>
    %dma_start3A_70 = arith.constant 0 : i32
    %dma_start3A_71 = tpu.memref_slice %arg4[%dma_start3A_70, %multiple_of3A_66] : memref<16x1000000xf32, #tpu.memory_space<hbm>> -> memref<16x128xf32, #tpu.memory_space<hbm>>
    %dma_start3A_72 = arith.constant 0 : i32
    %dma_start3A_73 = arith.constant 512 : i32
    %dma_start3A_74 = tpu.memref_slice %arg10[%dma_start3A_72, %dma_start3A_73] : memref<16x2048xf32, #tpu.memory_space<vmem>> -> memref<16x128xf32, #tpu.memory_space<vmem>>
    %dma_start3A_75 = arith.constant 0 : i32
    %dma_start3A_76 = tpu.memref_slice %arg4[%dma_start3A_75, %multiple_of3A_66] : memref<16x1000000xf32, #tpu.memory_space<hbm>> -> memref<16x128xf32, #tpu.memory_space<hbm>>
    tpu.enqueue_dma source(%dma_start3A_76 : memref<16x128xf32, #tpu.memory_space<hbm>>) target(%dma_start3A_74 : memref<16x128xf32, #tpu.memory_space<vmem>>) target_semaphore(%arg14 : memref<!tpu.dma_semaphore, #tpu.memory_space<semaphore_mem>>)
    %slice3A_77 = vector.extract_strided_slice %shift_right_logical3A_5 {offsets = [5], sizes = [1], strides = [1]} : vector<16xi32> to vector<1xi32>
    %squeeze3A_78 = vector.extract %slice3A_77[0] : i32 from vector<1xi32>
    %mul3A_79 = arith.constant 128 : i32
    %mul3A_80 = arith.muli %squeeze3A_78, %mul3A_79 : i32
    %multiple_of3A_81 = tpu.assume_multiple %mul3A_80, 128 : i32
    %dma_start3A_82 = arith.constant 0 : i32
    %dma_start3A_83 = arith.constant 640 : i32
    %dma_start3A_84 = tpu.memref_slice %arg10[%dma_start3A_82, %dma_start3A_83] : memref<16x2048xf32, #tpu.memory_space<vmem>> -> memref<16x128xf32, #tpu.memory_space<vmem>>
    %dma_start3A_85 = arith.constant 0 : i32
    %dma_start3A_86 = tpu.memref_slice %arg4[%dma_start3A_85, %multiple_of3A_81] : memref<16x1000000xf32, #tpu.memory_space<hbm>> -> memref<16x128xf32, #tpu.memory_space<hbm>>
    %dma_start3A_87 = arith.constant 0 : i32
    %dma_start3A_88 = arith.constant 640 : i32
    %dma_start3A_89 = tpu.memref_slice %arg10[%dma_start3A_87, %dma_start3A_88] : memref<16x2048xf32, #tpu.memory_space<vmem>> -> memref<16x128xf32, #tpu.memory_space<vmem>>
    %dma_start3A_90 = arith.constant 0 : i32
    %dma_start3A_91 = tpu.memref_slice %arg4[%dma_start3A_90, %multiple_of3A_81] : memref<16x1000000xf32, #tpu.memory_space<hbm>> -> memref<16x128xf32, #tpu.memory_space<hbm>>
    tpu.enqueue_dma source(%dma_start3A_91 : memref<16x128xf32, #tpu.memory_space<hbm>>) target(%dma_start3A_89 : memref<16x128xf32, #tpu.memory_space<vmem>>) target_semaphore(%arg14 : memref<!tpu.dma_semaphore, #tpu.memory_space<semaphore_mem>>)
    %slice3A_92 = vector.extract_strided_slice %shift_right_logical3A_5 {offsets = [6], sizes = [1], strides = [1]} : vector<16xi32> to vector<1xi32>
    %squeeze3A_93 = vector.extract %slice3A_92[0] : i32 from vector<1xi32>
    %mul3A_94 = arith.constant 128 : i32
    %mul3A_95 = arith.muli %squeeze3A_93, %mul3A_94 : i32
    %multiple_of3A_96 = tpu.assume_multiple %mul3A_95, 128 : i32
    %dma_start3A_97 = arith.constant 0 : i32
    %dma_start3A_98 = arith.constant 768 : i32
    %dma_start3A_99 = tpu.memref_slice %arg10[%dma_start3A_97, %dma_start3A_98] : memref<16x2048xf32, #tpu.memory_space<vmem>> -> memref<16x128xf32, #tpu.memory_space<vmem>>
    %dma_start3A_100 = arith.constant 0 : i32
    %dma_start3A_101 = tpu.memref_slice %arg4[%dma_start3A_100, %multiple_of3A_96] : memref<16x1000000xf32, #tpu.memory_space<hbm>> -> memref<16x128xf32, #tpu.memory_space<hbm>>
    %dma_start3A_102 = arith.constant 0 : i32
    %dma_start3A_103 = arith.constant 768 : i32
    %dma_start3A_104 = tpu.memref_slice %arg10[%dma_start3A_102, %dma_start3A_103] : memref<16x2048xf32, #tpu.memory_space<vmem>> -> memref<16x128xf32, #tpu.memory_space<vmem>>
    %dma_start3A_105 = arith.constant 0 : i32
    %dma_start3A_106 = tpu.memref_slice %arg4[%dma_start3A_105, %multiple_of3A_96] : memref<16x1000000xf32, #tpu.memory_space<hbm>> -> memref<16x128xf32, #tpu.memory_space<hbm>>
    tpu.enqueue_dma source(%dma_start3A_106 : memref<16x128xf32, #tpu.memory_space<hbm>>) target(%dma_start3A_104 : memref<16x128xf32, #tpu.memory_space<vmem>>) target_semaphore(%arg14 : memref<!tpu.dma_semaphore, #tpu.memory_space<semaphore_mem>>)
    %slice3A_107 = vector.extract_strided_slice %shift_right_logical3A_5 {offsets = [7], sizes = [1], strides = [1]} : vector<16xi32> to vector<1xi32>
    %squeeze3A_108 = vector.extract %slice3A_107[0] : i32 from vector<1xi32>
    %mul3A_109 = arith.constant 128 : i32
    %mul3A_110 = arith.muli %squeeze3A_108, %mul3A_109 : i32
    %multiple_of3A_111 = tpu.assume_multiple %mul3A_110, 128 : i32
    %dma_start3A_112 = arith.constant 0 : i32
    %dma_start3A_113 = arith.constant 896 : i32
    %dma_start3A_114 = tpu.memref_slice %arg10[%dma_start3A_112, %dma_start3A_113] : memref<16x2048xf32, #tpu.memory_space<vmem>> -> memref<16x128xf32, #tpu.memory_space<vmem>>
    %dma_start3A_115 = arith.constant 0 : i32
    %dma_start3A_116 = tpu.memref_slice %arg4[%dma_start3A_115, %multiple_of3A_111] : memref<16x1000000xf32, #tpu.memory_space<hbm>> -> memref<16x128xf32, #tpu.memory_space<hbm>>
    %dma_start3A_117 = arith.constant 0 : i32
    %dma_start3A_118 = arith.constant 896 : i32
    %dma_start3A_119 = tpu.memref_slice %arg10[%dma_start3A_117, %dma_start3A_118] : memref<16x2048xf32, #tpu.memory_space<vmem>> -> memref<16x128xf32, #tpu.memory_space<vmem>>
    %dma_start3A_120 = arith.constant 0 : i32
    %dma_start3A_121 = tpu.memref_slice %arg4[%dma_start3A_120, %multiple_of3A_111] : memref<16x1000000xf32, #tpu.memory_space<hbm>> -> memref<16x128xf32, #tpu.memory_space<hbm>>
    tpu.enqueue_dma source(%dma_start3A_121 : memref<16x128xf32, #tpu.memory_space<hbm>>) target(%dma_start3A_119 : memref<16x128xf32, #tpu.memory_space<vmem>>) target_semaphore(%arg14 : memref<!tpu.dma_semaphore, #tpu.memory_space<semaphore_mem>>)
    %slice3A_122 = vector.extract_strided_slice %shift_right_logical3A_5 {offsets = [8], sizes = [1], strides = [1]} : vector<16xi32> to vector<1xi32>
    %squeeze3A_123 = vector.extract %slice3A_122[0] : i32 from vector<1xi32>
    %mul3A_124 = arith.constant 128 : i32
    %mul3A_125 = arith.muli %squeeze3A_123, %mul3A_124 : i32
    %multiple_of3A_126 = tpu.assume_multiple %mul3A_125, 128 : i32
    %dma_start3A_127 = arith.constant 0 : i32
    %dma_start3A_128 = arith.constant 1024 : i32
    %dma_start3A_129 = tpu.memref_slice %arg10[%dma_start3A_127, %dma_start3A_128] : memref<16x2048xf32, #tpu.memory_space<vmem>> -> memref<16x128xf32, #tpu.memory_space<vmem>>
    %dma_start3A_130 = arith.constant 0 : i32
    %dma_start3A_131 = tpu.memref_slice %arg4[%dma_start3A_130, %multiple_of3A_126] : memref<16x1000000xf32, #tpu.memory_space<hbm>> -> memref<16x128xf32, #tpu.memory_space<hbm>>
    %dma_start3A_132 = arith.constant 0 : i32
    %dma_start3A_133 = arith.constant 1024 : i32
    %dma_start3A_134 = tpu.memref_slice %arg10[%dma_start3A_132, %dma_start3A_133] : memref<16x2048xf32, #tpu.memory_space<vmem>> -> memref<16x128xf32, #tpu.memory_space<vmem>>
    %dma_start3A_135 = arith.constant 0 : i32
    %dma_start3A_136 = tpu.memref_slice %arg4[%dma_start3A_135, %multiple_of3A_126] : memref<16x1000000xf32, #tpu.memory_space<hbm>> -> memref<16x128xf32, #tpu.memory_space<hbm>>
    tpu.enqueue_dma source(%dma_start3A_136 : memref<16x128xf32, #tpu.memory_space<hbm>>) target(%dma_start3A_134 : memref<16x128xf32, #tpu.memory_space<vmem>>) target_semaphore(%arg14 : memref<!tpu.dma_semaphore, #tpu.memory_space<semaphore_mem>>)
    %slice3A_137 = vector.extract_strided_slice %shift_right_logical3A_5 {offsets = [9], sizes = [1], strides = [1]} : vector<16xi32> to vector<1xi32>
    %squeeze3A_138 = vector.extract %slice3A_137[0] : i32 from vector<1xi32>
    %mul3A_139 = arith.constant 128 : i32
    %mul3A_140 = arith.muli %squeeze3A_138, %mul3A_139 : i32
    %multiple_of3A_141 = tpu.assume_multiple %mul3A_140, 128 : i32
    %dma_start3A_142 = arith.constant 0 : i32
    %dma_start3A_143 = arith.constant 1152 : i32
    %dma_start3A_144 = tpu.memref_slice %arg10[%dma_start3A_142, %dma_start3A_143] : memref<16x2048xf32, #tpu.memory_space<vmem>> -> memref<16x128xf32, #tpu.memory_space<vmem>>
    %dma_start3A_145 = arith.constant 0 : i32
    %dma_start3A_146 = tpu.memref_slice %arg4[%dma_start3A_145, %multiple_of3A_141] : memref<16x1000000xf32, #tpu.memory_space<hbm>> -> memref<16x128xf32, #tpu.memory_space<hbm>>
    %dma_start3A_147 = arith.constant 0 : i32
    %dma_start3A_148 = arith.constant 1152 : i32
    %dma_start3A_149 = tpu.memref_slice %arg10[%dma_start3A_147, %dma_start3A_148] : memref<16x2048xf32, #tpu.memory_space<vmem>> -> memref<16x128xf32, #tpu.memory_space<vmem>>
    %dma_start3A_150 = arith.constant 0 : i32
    %dma_start3A_151 = tpu.memref_slice %arg4[%dma_start3A_150, %multiple_of3A_141] : memref<16x1000000xf32, #tpu.memory_space<hbm>> -> memref<16x128xf32, #tpu.memory_space<hbm>>
    tpu.enqueue_dma source(%dma_start3A_151 : memref<16x128xf32, #tpu.memory_space<hbm>>) target(%dma_start3A_149 : memref<16x128xf32, #tpu.memory_space<vmem>>) target_semaphore(%arg14 : memref<!tpu.dma_semaphore, #tpu.memory_space<semaphore_mem>>)
    %slice3A_152 = vector.extract_strided_slice %shift_right_logical3A_5 {offsets = [10], sizes = [1], strides = [1]} : vector<16xi32> to vector<1xi32>
    %squeeze3A_153 = vector.extract %slice3A_152[0] : i32 from vector<1xi32>
    %mul3A_154 = arith.constant 128 : i32
    %mul3A_155 = arith.muli %squeeze3A_153, %mul3A_154 : i32
    %multiple_of3A_156 = tpu.assume_multiple %mul3A_155, 128 : i32
    %dma_start3A_157 = arith.constant 0 : i32
    %dma_start3A_158 = arith.constant 1280 : i32
    %dma_start3A_159 = tpu.memref_slice %arg10[%dma_start3A_157, %dma_start3A_158] : memref<16x2048xf32, #tpu.memory_space<vmem>> -> memref<16x128xf32, #tpu.memory_space<vmem>>
    %dma_start3A_160 = arith.constant 0 : i32
    %dma_start3A_161 = tpu.memref_slice %arg4[%dma_start3A_160, %multiple_of3A_156] : memref<16x1000000xf32, #tpu.memory_space<hbm>> -> memref<16x128xf32, #tpu.memory_space<hbm>>
    %dma_start3A_162 = arith.constant 0 : i32
    %dma_start3A_163 = arith.constant 1280 : i32
    %dma_start3A_164 = tpu.memref_slice %arg10[%dma_start3A_162, %dma_start3A_163] : memref<16x2048xf32, #tpu.memory_space<vmem>> -> memref<16x128xf32, #tpu.memory_space<vmem>>
    %dma_start3A_165 = arith.constant 0 : i32
    %dma_start3A_166 = tpu.memref_slice %arg4[%dma_start3A_165, %multiple_of3A_156] : memref<16x1000000xf32, #tpu.memory_space<hbm>> -> memref<16x128xf32, #tpu.memory_space<hbm>>
    tpu.enqueue_dma source(%dma_start3A_166 : memref<16x128xf32, #tpu.memory_space<hbm>>) target(%dma_start3A_164 : memref<16x128xf32, #tpu.memory_space<vmem>>) target_semaphore(%arg14 : memref<!tpu.dma_semaphore, #tpu.memory_space<semaphore_mem>>)
    %slice3A_167 = vector.extract_strided_slice %shift_right_logical3A_5 {offsets = [11], sizes = [1], strides = [1]} : vector<16xi32> to vector<1xi32>
    %squeeze3A_168 = vector.extract %slice3A_167[0] : i32 from vector<1xi32>
    %mul3A_169 = arith.constant 128 : i32
    %mul3A_170 = arith.muli %squeeze3A_168, %mul3A_169 : i32
    %multiple_of3A_171 = tpu.assume_multiple %mul3A_170, 128 : i32
    %dma_start3A_172 = arith.constant 0 : i32
    %dma_start3A_173 = arith.constant 1408 : i32
    %dma_start3A_174 = tpu.memref_slice %arg10[%dma_start3A_172, %dma_start3A_173] : memref<16x2048xf32, #tpu.memory_space<vmem>> -> memref<16x128xf32, #tpu.memory_space<vmem>>
    %dma_start3A_175 = arith.constant 0 : i32
    %dma_start3A_176 = tpu.memref_slice %arg4[%dma_start3A_175, %multiple_of3A_171] : memref<16x1000000xf32, #tpu.memory_space<hbm>> -> memref<16x128xf32, #tpu.memory_space<hbm>>
    %dma_start3A_177 = arith.constant 0 : i32
    %dma_start3A_178 = arith.constant 1408 : i32
    %dma_start3A_179 = tpu.memref_slice %arg10[%dma_start3A_177, %dma_start3A_178] : memref<16x2048xf32, #tpu.memory_space<vmem>> -> memref<16x128xf32, #tpu.memory_space<vmem>>
    %dma_start3A_180 = arith.constant 0 : i32
    %dma_start3A_181 = tpu.memref_slice %arg4[%dma_start3A_180, %multiple_of3A_171] : memref<16x1000000xf32, #tpu.memory_space<hbm>> -> memref<16x128xf32, #tpu.memory_space<hbm>>
    tpu.enqueue_dma source(%dma_start3A_181 : memref<16x128xf32, #tpu.memory_space<hbm>>) target(%dma_start3A_179 : memref<16x128xf32, #tpu.memory_space<vmem>>) target_semaphore(%arg14 : memref<!tpu.dma_semaphore, #tpu.memory_space<semaphore_mem>>)
    %slice3A_182 = vector.extract_strided_slice %shift_right_logical3A_5 {offsets = [12], sizes = [1], strides = [1]} : vector<16xi32> to vector<1xi32>
    %squeeze3A_183 = vector.extract %slice3A_182[0] : i32 from vector<1xi32>
    %mul3A_184 = arith.constant 128 : i32
    %mul3A_185 = arith.muli %squeeze3A_183, %mul3A_184 : i32
    %multiple_of3A_186 = tpu.assume_multiple %mul3A_185, 128 : i32
    %dma_start3A_187 = arith.constant 0 : i32
    %dma_start3A_188 = arith.constant 1536 : i32
    %dma_start3A_189 = tpu.memref_slice %arg10[%dma_start3A_187, %dma_start3A_188] : memref<16x2048xf32, #tpu.memory_space<vmem>> -> memref<16x128xf32, #tpu.memory_space<vmem>>
    %dma_start3A_190 = arith.constant 0 : i32
    %dma_start3A_191 = tpu.memref_slice %arg4[%dma_start3A_190, %multiple_of3A_186] : memref<16x1000000xf32, #tpu.memory_space<hbm>> -> memref<16x128xf32, #tpu.memory_space<hbm>>
    %dma_start3A_192 = arith.constant 0 : i32
    %dma_start3A_193 = arith.constant 1536 : i32
    %dma_start3A_194 = tpu.memref_slice %arg10[%dma_start3A_192, %dma_start3A_193] : memref<16x2048xf32, #tpu.memory_space<vmem>> -> memref<16x128xf32, #tpu.memory_space<vmem>>
    %dma_start3A_195 = arith.constant 0 : i32
    %dma_start3A_196 = tpu.memref_slice %arg4[%dma_start3A_195, %multiple_of3A_186] : memref<16x1000000xf32, #tpu.memory_space<hbm>> -> memref<16x128xf32, #tpu.memory_space<hbm>>
    tpu.enqueue_dma source(%dma_start3A_196 : memref<16x128xf32, #tpu.memory_space<hbm>>) target(%dma_start3A_194 : memref<16x128xf32, #tpu.memory_space<vmem>>) target_semaphore(%arg14 : memref<!tpu.dma_semaphore, #tpu.memory_space<semaphore_mem>>)
    %slice3A_197 = vector.extract_strided_slice %shift_right_logical3A_5 {offsets = [13], sizes = [1], strides = [1]} : vector<16xi32> to vector<1xi32>
    %squeeze3A_198 = vector.extract %slice3A_197[0] : i32 from vector<1xi32>
    %mul3A_199 = arith.constant 128 : i32
    %mul3A_200 = arith.muli %squeeze3A_198, %mul3A_199 : i32
    %multiple_of3A_201 = tpu.assume_multiple %mul3A_200, 128 : i32
    %dma_start3A_202 = arith.constant 0 : i32
    %dma_start3A_203 = arith.constant 1664 : i32
    %dma_start3A_204 = tpu.memref_slice %arg10[%dma_start3A_202, %dma_start3A_203] : memref<16x2048xf32, #tpu.memory_space<vmem>> -> memref<16x128xf32, #tpu.memory_space<vmem>>
    %dma_start3A_205 = arith.constant 0 : i32
    %dma_start3A_206 = tpu.memref_slice %arg4[%dma_start3A_205, %multiple_of3A_201] : memref<16x1000000xf32, #tpu.memory_space<hbm>> -> memref<16x128xf32, #tpu.memory_space<hbm>>
    %dma_start3A_207 = arith.constant 0 : i32
    %dma_start3A_208 = arith.constant 1664 : i32
    %dma_start3A_209 = tpu.memref_slice %arg10[%dma_start3A_207, %dma_start3A_208] : memref<16x2048xf32, #tpu.memory_space<vmem>> -> memref<16x128xf32, #tpu.memory_space<vmem>>
    %dma_start3A_210 = arith.constant 0 : i32
    %dma_start3A_211 = tpu.memref_slice %arg4[%dma_start3A_210, %multiple_of3A_201] : memref<16x1000000xf32, #tpu.memory_space<hbm>> -> memref<16x128xf32, #tpu.memory_space<hbm>>
    tpu.enqueue_dma source(%dma_start3A_211 : memref<16x128xf32, #tpu.memory_space<hbm>>) target(%dma_start3A_209 : memref<16x128xf32, #tpu.memory_space<vmem>>) target_semaphore(%arg14 : memref<!tpu.dma_semaphore, #tpu.memory_space<semaphore_mem>>)
    %slice3A_212 = vector.extract_strided_slice %shift_right_logical3A_5 {offsets = [14], sizes = [1], strides = [1]} : vector<16xi32> to vector<1xi32>
    %squeeze3A_213 = vector.extract %slice3A_212[0] : i32 from vector<1xi32>
    %mul3A_214 = arith.constant 128 : i32
    %mul3A_215 = arith.muli %squeeze3A_213, %mul3A_214 : i32
    %multiple_of3A_216 = tpu.assume_multiple %mul3A_215, 128 : i32
    %dma_start3A_217 = arith.constant 0 : i32
    %dma_start3A_218 = arith.constant 1792 : i32
    %dma_start3A_219 = tpu.memref_slice %arg10[%dma_start3A_217, %dma_start3A_218] : memref<16x2048xf32, #tpu.memory_space<vmem>> -> memref<16x128xf32, #tpu.memory_space<vmem>>
    %dma_start3A_220 = arith.constant 0 : i32
    %dma_start3A_221 = tpu.memref_slice %arg4[%dma_start3A_220, %multiple_of3A_216] : memref<16x1000000xf32, #tpu.memory_space<hbm>> -> memref<16x128xf32, #tpu.memory_space<hbm>>
    %dma_start3A_222 = arith.constant 0 : i32
    %dma_start3A_223 = arith.constant 1792 : i32
    %dma_start3A_224 = tpu.memref_slice %arg10[%dma_start3A_222, %dma_start3A_223] : memref<16x2048xf32, #tpu.memory_space<vmem>> -> memref<16x128xf32, #tpu.memory_space<vmem>>
    %dma_start3A_225 = arith.constant 0 : i32
    %dma_start3A_226 = tpu.memref_slice %arg4[%dma_start3A_225, %multiple_of3A_216] : memref<16x1000000xf32, #tpu.memory_space<hbm>> -> memref<16x128xf32, #tpu.memory_space<hbm>>
    tpu.enqueue_dma source(%dma_start3A_226 : memref<16x128xf32, #tpu.memory_space<hbm>>) target(%dma_start3A_224 : memref<16x128xf32, #tpu.memory_space<vmem>>) target_semaphore(%arg14 : memref<!tpu.dma_semaphore, #tpu.memory_space<semaphore_mem>>)
    %slice3A_227 = vector.extract_strided_slice %shift_right_logical3A_5 {offsets = [15], sizes = [1], strides = [1]} : vector<16xi32> to vector<1xi32>
    %squeeze3A_228 = vector.extract %slice3A_227[0] : i32 from vector<1xi32>
    %mul3A_229 = arith.constant 128 : i32
    %mul3A_230 = arith.muli %squeeze3A_228, %mul3A_229 : i32
    %multiple_of3A_231 = tpu.assume_multiple %mul3A_230, 128 : i32
    %dma_start3A_232 = arith.constant 0 : i32
    %dma_start3A_233 = arith.constant 1920 : i32
    %dma_start3A_234 = tpu.memref_slice %arg10[%dma_start3A_232, %dma_start3A_233] : memref<16x2048xf32, #tpu.memory_space<vmem>> -> memref<16x128xf32, #tpu.memory_space<vmem>>
    %dma_start3A_235 = arith.constant 0 : i32
    %dma_start3A_236 = tpu.memref_slice %arg4[%dma_start3A_235, %multiple_of3A_231] : memref<16x1000000xf32, #tpu.memory_space<hbm>> -> memref<16x128xf32, #tpu.memory_space<hbm>>
    %dma_start3A_237 = arith.constant 0 : i32
    %dma_start3A_238 = arith.constant 1920 : i32
    %dma_start3A_239 = tpu.memref_slice %arg10[%dma_start3A_237, %dma_start3A_238] : memref<16x2048xf32, #tpu.memory_space<vmem>> -> memref<16x128xf32, #tpu.memory_space<vmem>>
    %dma_start3A_240 = arith.constant 0 : i32
    %dma_start3A_241 = tpu.memref_slice %arg4[%dma_start3A_240, %multiple_of3A_231] : memref<16x1000000xf32, #tpu.memory_space<hbm>> -> memref<16x128xf32, #tpu.memory_space<hbm>>
    tpu.enqueue_dma source(%dma_start3A_241 : memref<16x128xf32, #tpu.memory_space<hbm>>) target(%dma_start3A_239 : memref<16x128xf32, #tpu.memory_space<vmem>>) target_semaphore(%arg14 : memref<!tpu.dma_semaphore, #tpu.memory_space<semaphore_mem>>)
    %scan3A = arith.constant 0 : i32
    %scan3A_242 = arith.constant 0 : i32
    %scan3A_243 = arith.constant 16 : i32
    %scan3A_244 = arith.addi %scan3A_242, %scan3A_243 : i32
    %scan3A_245 = arith.constant 1 : i32
    scf.for %scan3A_498 = %scan3A_242 to %scan3A_244 step %scan3A_245  : i32 {
      %mul3A_499 = arith.constant 2 : i32
      %mul3A_500 = arith.muli %scan3A_498, %mul3A_499 : i32
      %add3A_501 = arith.constant 1 : i32
      %add3A_502 = arith.addi %mul3A_500, %add3A_501 : i32
      %mul3A_503 = arith.constant 16 : i32
      %mul3A_504 = arith.muli %add3A_502, %mul3A_503 : i32
      %get3A_505 = arith.index_cast %mul3A_504 : i32 to index
      %get3A_506 = tpu.vector_load %arg8[%get3A_505] {strides = array<i32>} : memref<512xi32, #tpu.memory_space<vmem>>, vector<16xi32>,
      %shift_right_logical3A_507 = arith.constant 7 : i32
      %shift_right_logical3A_508 = vector.broadcast %shift_right_logical3A_507 : i32 to vector<16xi32>
      %shift_right_logical3A_509 = arith.shrui %get3A_506, %shift_right_logical3A_508 : vector<16xi32>
      %slice3A_510 = vector.extract_strided_slice %shift_right_logical3A_509 {offsets = [0], sizes = [1], strides = [1]} : vector<16xi32> to vector<1xi32>
      %squeeze3A_511 = vector.extract %slice3A_510[0] : i32 from vector<1xi32>
      %mul3A_512 = arith.constant 128 : i32
      %mul3A_513 = arith.muli %squeeze3A_511, %mul3A_512 : i32
      %multiple_of3A_514 = tpu.assume_multiple %mul3A_513, 128 : i32
      %dma_start3A_515 = arith.constant 0 : i32
      %dma_start3A_516 = arith.constant 0 : i32
      %dma_start3A_517 = tpu.memref_slice %arg11[%dma_start3A_515, %dma_start3A_516] : memref<16x2048xf32, #tpu.memory_space<vmem>> -> memref<16x128xf32, #tpu.memory_space<vmem>>
      %dma_start3A_518 = arith.constant 0 : i32
      %dma_start3A_519 = tpu.memref_slice %arg4[%dma_start3A_518, %multiple_of3A_514] : memref<16x1000000xf32, #tpu.memory_space<hbm>> -> memref<16x128xf32, #tpu.memory_space<hbm>>
      %dma_start3A_520 = arith.constant 0 : i32
      %dma_start3A_521 = arith.constant 0 : i32
      %dma_start3A_522 = tpu.memref_slice %arg11[%dma_start3A_520, %dma_start3A_521] : memref<16x2048xf32, #tpu.memory_space<vmem>> -> memref<16x128xf32, #tpu.memory_space<vmem>>
      %dma_start3A_523 = arith.constant 0 : i32
      %dma_start3A_524 = tpu.memref_slice %arg4[%dma_start3A_523, %multiple_of3A_514] : memref<16x1000000xf32, #tpu.memory_space<hbm>> -> memref<16x128xf32, #tpu.memory_space<hbm>>
      tpu.enqueue_dma source(%dma_start3A_524 : memref<16x128xf32, #tpu.memory_space<hbm>>) target(%dma_start3A_522 : memref<16x128xf32, #tpu.memory_space<vmem>>) target_semaphore(%arg14 : memref<!tpu.dma_semaphore, #tpu.memory_space<semaphore_mem>>)
      %slice3A_525 = vector.extract_strided_slice %shift_right_logical3A_509 {offsets = [1], sizes = [1], strides = [1]} : vector<16xi32> to vector<1xi32>
      %squeeze3A_526 = vector.extract %slice3A_525[0] : i32 from vector<1xi32>
      %mul3A_527 = arith.constant 128 : i32
      %mul3A_528 = arith.muli %squeeze3A_526, %mul3A_527 : i32
      %multiple_of3A_529 = tpu.assume_multiple %mul3A_528, 128 : i32
      %dma_start3A_530 = arith.constant 0 : i32
      %dma_start3A_531 = arith.constant 128 : i32
      %dma_start3A_532 = tpu.memref_slice %arg11[%dma_start3A_530, %dma_start3A_531] : memref<16x2048xf32, #tpu.memory_space<vmem>> -> memref<16x128xf32, #tpu.memory_space<vmem>>
      %dma_start3A_533 = arith.constant 0 : i32
      %dma_start3A_534 = tpu.memref_slice %arg4[%dma_start3A_533, %multiple_of3A_529] : memref<16x1000000xf32, #tpu.memory_space<hbm>> -> memref<16x128xf32, #tpu.memory_space<hbm>>
      %dma_start3A_535 = arith.constant 0 : i32
      %dma_start3A_536 = arith.constant 128 : i32
      %dma_start3A_537 = tpu.memref_slice %arg11[%dma_start3A_535, %dma_start3A_536] : memref<16x2048xf32, #tpu.memory_space<vmem>> -> memref<16x128xf32, #tpu.memory_space<vmem>>
      %dma_start3A_538 = arith.constant 0 : i32
      %dma_start3A_539 = tpu.memref_slice %arg4[%dma_start3A_538, %multiple_of3A_529] : memref<16x1000000xf32, #tpu.memory_space<hbm>> -> memref<16x128xf32, #tpu.memory_space<hbm>>
      tpu.enqueue_dma source(%dma_start3A_539 : memref<16x128xf32, #tpu.memory_space<hbm>>) target(%dma_start3A_537 : memref<16x128xf32, #tpu.memory_space<vmem>>) target_semaphore(%arg14 : memref<!tpu.dma_semaphore, #tpu.memory_space<semaphore_mem>>)
      %slice3A_540 = vector.extract_strided_slice %shift_right_logical3A_509 {offsets = [2], sizes = [1], strides = [1]} : vector<16xi32> to vector<1xi32>
      %squeeze3A_541 = vector.extract %slice3A_540[0] : i32 from vector<1xi32>
      %mul3A_542 = arith.constant 128 : i32
      %mul3A_543 = arith.muli %squeeze3A_541, %mul3A_542 : i32
      %multiple_of3A_544 = tpu.assume_multiple %mul3A_543, 128 : i32
      %dma_start3A_545 = arith.constant 0 : i32
      %dma_start3A_546 = arith.constant 256 : i32
      %dma_start3A_547 = tpu.memref_slice %arg11[%dma_start3A_545, %dma_start3A_546] : memref<16x2048xf32, #tpu.memory_space<vmem>> -> memref<16x128xf32, #tpu.memory_space<vmem>>
      %dma_start3A_548 = arith.constant 0 : i32
      %dma_start3A_549 = tpu.memref_slice %arg4[%dma_start3A_548, %multiple_of3A_544] : memref<16x1000000xf32, #tpu.memory_space<hbm>> -> memref<16x128xf32, #tpu.memory_space<hbm>>
      %dma_start3A_550 = arith.constant 0 : i32
      %dma_start3A_551 = arith.constant 256 : i32
      %dma_start3A_552 = tpu.memref_slice %arg11[%dma_start3A_550, %dma_start3A_551] : memref<16x2048xf32, #tpu.memory_space<vmem>> -> memref<16x128xf32, #tpu.memory_space<vmem>>
      %dma_start3A_553 = arith.constant 0 : i32
      %dma_start3A_554 = tpu.memref_slice %arg4[%dma_start3A_553, %multiple_of3A_544] : memref<16x1000000xf32, #tpu.memory_space<hbm>> -> memref<16x128xf32, #tpu.memory_space<hbm>>
      tpu.enqueue_dma source(%dma_start3A_554 : memref<16x128xf32, #tpu.memory_space<hbm>>) target(%dma_start3A_552 : memref<16x128xf32, #tpu.memory_space<vmem>>) target_semaphore(%arg14 : memref<!tpu.dma_semaphore, #tpu.memory_space<semaphore_mem>>)
      %slice3A_555 = vector.extract_strided_slice %shift_right_logical3A_509 {offsets = [3], sizes = [1], strides = [1]} : vector<16xi32> to vector<1xi32>
      %squeeze3A_556 = vector.extract %slice3A_555[0] : i32 from vector<1xi32>
      %mul3A_557 = arith.constant 128 : i32
      %mul3A_558 = arith.muli %squeeze3A_556, %mul3A_557 : i32
      %multiple_of3A_559 = tpu.assume_multiple %mul3A_558, 128 : i32
      %dma_start3A_560 = arith.constant 0 : i32
      %dma_start3A_561 = arith.constant 384 : i32
      %dma_start3A_562 = tpu.memref_slice %arg11[%dma_start3A_560, %dma_start3A_561] : memref<16x2048xf32, #tpu.memory_space<vmem>> -> memref<16x128xf32, #tpu.memory_space<vmem>>
      %dma_start3A_563 = arith.constant 0 : i32
      %dma_start3A_564 = tpu.memref_slice %arg4[%dma_start3A_563, %multiple_of3A_559] : memref<16x1000000xf32, #tpu.memory_space<hbm>> -> memref<16x128xf32, #tpu.memory_space<hbm>>
      %dma_start3A_565 = arith.constant 0 : i32
      %dma_start3A_566 = arith.constant 384 : i32
      %dma_start3A_567 = tpu.memref_slice %arg11[%dma_start3A_565, %dma_start3A_566] : memref<16x2048xf32, #tpu.memory_space<vmem>> -> memref<16x128xf32, #tpu.memory_space<vmem>>
      %dma_start3A_568 = arith.constant 0 : i32
      %dma_start3A_569 = tpu.memref_slice %arg4[%dma_start3A_568, %multiple_of3A_559] : memref<16x1000000xf32, #tpu.memory_space<hbm>> -> memref<16x128xf32, #tpu.memory_space<hbm>>
      tpu.enqueue_dma source(%dma_start3A_569 : memref<16x128xf32, #tpu.memory_space<hbm>>) target(%dma_start3A_567 : memref<16x128xf32, #tpu.memory_space<vmem>>) target_semaphore(%arg14 : memref<!tpu.dma_semaphore, #tpu.memory_space<semaphore_mem>>)
      %slice3A_570 = vector.extract_strided_slice %shift_right_logical3A_509 {offsets = [4], sizes = [1], strides = [1]} : vector<16xi32> to vector<1xi32>
      %squeeze3A_571 = vector.extract %slice3A_570[0] : i32 from vector<1xi32>
      %mul3A_572 = arith.constant 128 : i32
      %mul3A_573 = arith.muli %squeeze3A_571, %mul3A_572 : i32
      %multiple_of3A_574 = tpu.assume_multiple %mul3A_573, 128 : i32
      %dma_start3A_575 = arith.constant 0 : i32
      %dma_start3A_576 = arith.constant 512 : i32
      %dma_start3A_577 = tpu.memref_slice %arg11[%dma_start3A_575, %dma_start3A_576] : memref<16x2048xf32, #tpu.memory_space<vmem>> -> memref<16x128xf32, #tpu.memory_space<vmem>>
      %dma_start3A_578 = arith.constant 0 : i32
      %dma_start3A_579 = tpu.memref_slice %arg4[%dma_start3A_578, %multiple_of3A_574] : memref<16x1000000xf32, #tpu.memory_space<hbm>> -> memref<16x128xf32, #tpu.memory_space<hbm>>
      %dma_start3A_580 = arith.constant 0 : i32
      %dma_start3A_581 = arith.constant 512 : i32
      %dma_start3A_582 = tpu.memref_slice %arg11[%dma_start3A_580, %dma_start3A_581] : memref<16x2048xf32, #tpu.memory_space<vmem>> -> memref<16x128xf32, #tpu.memory_space<vmem>>
      %dma_start3A_583 = arith.constant 0 : i32
      %dma_start3A_584 = tpu.memref_slice %arg4[%dma_start3A_583, %multiple_of3A_574] : memref<16x1000000xf32, #tpu.memory_space<hbm>> -> memref<16x128xf32, #tpu.memory_space<hbm>>
      tpu.enqueue_dma source(%dma_start3A_584 : memref<16x128xf32, #tpu.memory_space<hbm>>) target(%dma_start3A_582 : memref<16x128xf32, #tpu.memory_space<vmem>>) target_semaphore(%arg14 : memref<!tpu.dma_semaphore, #tpu.memory_space<semaphore_mem>>)
      %slice3A_585 = vector.extract_strided_slice %shift_right_logical3A_509 {offsets = [5], sizes = [1], strides = [1]} : vector<16xi32> to vector<1xi32>
      %squeeze3A_586 = vector.extract %slice3A_585[0] : i32 from vector<1xi32>
      %mul3A_587 = arith.constant 128 : i32
      %mul3A_588 = arith.muli %squeeze3A_586, %mul3A_587 : i32
      %multiple_of3A_589 = tpu.assume_multiple %mul3A_588, 128 : i32
      %dma_start3A_590 = arith.constant 0 : i32
      %dma_start3A_591 = arith.constant 640 : i32
      %dma_start3A_592 = tpu.memref_slice %arg11[%dma_start3A_590, %dma_start3A_591] : memref<16x2048xf32, #tpu.memory_space<vmem>> -> memref<16x128xf32, #tpu.memory_space<vmem>>
      %dma_start3A_593 = arith.constant 0 : i32
      %dma_start3A_594 = tpu.memref_slice %arg4[%dma_start3A_593, %multiple_of3A_589] : memref<16x1000000xf32, #tpu.memory_space<hbm>> -> memref<16x128xf32, #tpu.memory_space<hbm>>
      %dma_start3A_595 = arith.constant 0 : i32
      %dma_start3A_596 = arith.constant 640 : i32
      %dma_start3A_597 = tpu.memref_slice %arg11[%dma_start3A_595, %dma_start3A_596] : memref<16x2048xf32, #tpu.memory_space<vmem>> -> memref<16x128xf32, #tpu.memory_space<vmem>>
      %dma_start3A_598 = arith.constant 0 : i32
      %dma_start3A_599 = tpu.memref_slice %arg4[%dma_start3A_598, %multiple_of3A_589] : memref<16x1000000xf32, #tpu.memory_space<hbm>> -> memref<16x128xf32, #tpu.memory_space<hbm>>
      tpu.enqueue_dma source(%dma_start3A_599 : memref<16x128xf32, #tpu.memory_space<hbm>>) target(%dma_start3A_597 : memref<16x128xf32, #tpu.memory_space<vmem>>) target_semaphore(%arg14 : memref<!tpu.dma_semaphore, #tpu.memory_space<semaphore_mem>>)
      %slice3A_600 = vector.extract_strided_slice %shift_right_logical3A_509 {offsets = [6], sizes = [1], strides = [1]} : vector<16xi32> to vector<1xi32>
      %squeeze3A_601 = vector.extract %slice3A_600[0] : i32 from vector<1xi32>
      %mul3A_602 = arith.constant 128 : i32
      %mul3A_603 = arith.muli %squeeze3A_601, %mul3A_602 : i32
      %multiple_of3A_604 = tpu.assume_multiple %mul3A_603, 128 : i32
      %dma_start3A_605 = arith.constant 0 : i32
      %dma_start3A_606 = arith.constant 768 : i32
      %dma_start3A_607 = tpu.memref_slice %arg11[%dma_start3A_605, %dma_start3A_606] : memref<16x2048xf32, #tpu.memory_space<vmem>> -> memref<16x128xf32, #tpu.memory_space<vmem>>
      %dma_start3A_608 = arith.constant 0 : i32
      %dma_start3A_609 = tpu.memref_slice %arg4[%dma_start3A_608, %multiple_of3A_604] : memref<16x1000000xf32, #tpu.memory_space<hbm>> -> memref<16x128xf32, #tpu.memory_space<hbm>>
      %dma_start3A_610 = arith.constant 0 : i32
      %dma_start3A_611 = arith.constant 768 : i32
      %dma_start3A_612 = tpu.memref_slice %arg11[%dma_start3A_610, %dma_start3A_611] : memref<16x2048xf32, #tpu.memory_space<vmem>> -> memref<16x128xf32, #tpu.memory_space<vmem>>
      %dma_start3A_613 = arith.constant 0 : i32
      %dma_start3A_614 = tpu.memref_slice %arg4[%dma_start3A_613, %multiple_of3A_604] : memref<16x1000000xf32, #tpu.memory_space<hbm>> -> memref<16x128xf32, #tpu.memory_space<hbm>>
      tpu.enqueue_dma source(%dma_start3A_614 : memref<16x128xf32, #tpu.memory_space<hbm>>) target(%dma_start3A_612 : memref<16x128xf32, #tpu.memory_space<vmem>>) target_semaphore(%arg14 : memref<!tpu.dma_semaphore, #tpu.memory_space<semaphore_mem>>)
      %slice3A_615 = vector.extract_strided_slice %shift_right_logical3A_509 {offsets = [7], sizes = [1], strides = [1]} : vector<16xi32> to vector<1xi32>
      %squeeze3A_616 = vector.extract %slice3A_615[0] : i32 from vector<1xi32>
      %mul3A_617 = arith.constant 128 : i32
      %mul3A_618 = arith.muli %squeeze3A_616, %mul3A_617 : i32
      %multiple_of3A_619 = tpu.assume_multiple %mul3A_618, 128 : i32
      %dma_start3A_620 = arith.constant 0 : i32
      %dma_start3A_621 = arith.constant 896 : i32
      %dma_start3A_622 = tpu.memref_slice %arg11[%dma_start3A_620, %dma_start3A_621] : memref<16x2048xf32, #tpu.memory_space<vmem>> -> memref<16x128xf32, #tpu.memory_space<vmem>>
      %dma_start3A_623 = arith.constant 0 : i32
      %dma_start3A_624 = tpu.memref_slice %arg4[%dma_start3A_623, %multiple_of3A_619] : memref<16x1000000xf32, #tpu.memory_space<hbm>> -> memref<16x128xf32, #tpu.memory_space<hbm>>
      %dma_start3A_625 = arith.constant 0 : i32
      %dma_start3A_626 = arith.constant 896 : i32
      %dma_start3A_627 = tpu.memref_slice %arg11[%dma_start3A_625, %dma_start3A_626] : memref<16x2048xf32, #tpu.memory_space<vmem>> -> memref<16x128xf32, #tpu.memory_space<vmem>>
      %dma_start3A_628 = arith.constant 0 : i32
      %dma_start3A_629 = tpu.memref_slice %arg4[%dma_start3A_628, %multiple_of3A_619] : memref<16x1000000xf32, #tpu.memory_space<hbm>> -> memref<16x128xf32, #tpu.memory_space<hbm>>
      tpu.enqueue_dma source(%dma_start3A_629 : memref<16x128xf32, #tpu.memory_space<hbm>>) target(%dma_start3A_627 : memref<16x128xf32, #tpu.memory_space<vmem>>) target_semaphore(%arg14 : memref<!tpu.dma_semaphore, #tpu.memory_space<semaphore_mem>>)
      %slice3A_630 = vector.extract_strided_slice %shift_right_logical3A_509 {offsets = [8], sizes = [1], strides = [1]} : vector<16xi32> to vector<1xi32>
      %squeeze3A_631 = vector.extract %slice3A_630[0] : i32 from vector<1xi32>
      %mul3A_632 = arith.constant 128 : i32
      %mul3A_633 = arith.muli %squeeze3A_631, %mul3A_632 : i32
      %multiple_of3A_634 = tpu.assume_multiple %mul3A_633, 128 : i32
      %dma_start3A_635 = arith.constant 0 : i32
      %dma_start3A_636 = arith.constant 1024 : i32
      %dma_start3A_637 = tpu.memref_slice %arg11[%dma_start3A_635, %dma_start3A_636] : memref<16x2048xf32, #tpu.memory_space<vmem>> -> memref<16x128xf32, #tpu.memory_space<vmem>>
      %dma_start3A_638 = arith.constant 0 : i32
      %dma_start3A_639 = tpu.memref_slice %arg4[%dma_start3A_638, %multiple_of3A_634] : memref<16x1000000xf32, #tpu.memory_space<hbm>> -> memref<16x128xf32, #tpu.memory_space<hbm>>
      %dma_start3A_640 = arith.constant 0 : i32
      %dma_start3A_641 = arith.constant 1024 : i32
      %dma_start3A_642 = tpu.memref_slice %arg11[%dma_start3A_640, %dma_start3A_641] : memref<16x2048xf32, #tpu.memory_space<vmem>> -> memref<16x128xf32, #tpu.memory_space<vmem>>
      %dma_start3A_643 = arith.constant 0 : i32
      %dma_start3A_644 = tpu.memref_slice %arg4[%dma_start3A_643, %multiple_of3A_634] : memref<16x1000000xf32, #tpu.memory_space<hbm>> -> memref<16x128xf32, #tpu.memory_space<hbm>>
      tpu.enqueue_dma source(%dma_start3A_644 : memref<16x128xf32, #tpu.memory_space<hbm>>) target(%dma_start3A_642 : memref<16x128xf32, #tpu.memory_space<vmem>>) target_semaphore(%arg14 : memref<!tpu.dma_semaphore, #tpu.memory_space<semaphore_mem>>)
      %slice3A_645 = vector.extract_strided_slice %shift_right_logical3A_509 {offsets = [9], sizes = [1], strides = [1]} : vector<16xi32> to vector<1xi32>
      %squeeze3A_646 = vector.extract %slice3A_645[0] : i32 from vector<1xi32>
      %mul3A_647 = arith.constant 128 : i32
      %mul3A_648 = arith.muli %squeeze3A_646, %mul3A_647 : i32
      %multiple_of3A_649 = tpu.assume_multiple %mul3A_648, 128 : i32
      %dma_start3A_650 = arith.constant 0 : i32
      %dma_start3A_651 = arith.constant 1152 : i32
      %dma_start3A_652 = tpu.memref_slice %arg11[%dma_start3A_650, %dma_start3A_651] : memref<16x2048xf32, #tpu.memory_space<vmem>> -> memref<16x128xf32, #tpu.memory_space<vmem>>
      %dma_start3A_653 = arith.constant 0 : i32
      %dma_start3A_654 = tpu.memref_slice %arg4[%dma_start3A_653, %multiple_of3A_649] : memref<16x1000000xf32, #tpu.memory_space<hbm>> -> memref<16x128xf32, #tpu.memory_space<hbm>>
      %dma_start3A_655 = arith.constant 0 : i32
      %dma_start3A_656 = arith.constant 1152 : i32
      %dma_start3A_657 = tpu.memref_slice %arg11[%dma_start3A_655, %dma_start3A_656] : memref<16x2048xf32, #tpu.memory_space<vmem>> -> memref<16x128xf32, #tpu.memory_space<vmem>>
      %dma_start3A_658 = arith.constant 0 : i32
      %dma_start3A_659 = tpu.memref_slice %arg4[%dma_start3A_658, %multiple_of3A_649] : memref<16x1000000xf32, #tpu.memory_space<hbm>> -> memref<16x128xf32, #tpu.memory_space<hbm>>
      tpu.enqueue_dma source(%dma_start3A_659 : memref<16x128xf32, #tpu.memory_space<hbm>>) target(%dma_start3A_657 : memref<16x128xf32, #tpu.memory_space<vmem>>) target_semaphore(%arg14 : memref<!tpu.dma_semaphore, #tpu.memory_space<semaphore_mem>>)
      %slice3A_660 = vector.extract_strided_slice %shift_right_logical3A_509 {offsets = [10], sizes = [1], strides = [1]} : vector<16xi32> to vector<1xi32>
      %squeeze3A_661 = vector.extract %slice3A_660[0] : i32 from vector<1xi32>
      %mul3A_662 = arith.constant 128 : i32
      %mul3A_663 = arith.muli %squeeze3A_661, %mul3A_662 : i32
      %multiple_of3A_664 = tpu.assume_multiple %mul3A_663, 128 : i32
      %dma_start3A_665 = arith.constant 0 : i32
      %dma_start3A_666 = arith.constant 1280 : i32
      %dma_start3A_667 = tpu.memref_slice %arg11[%dma_start3A_665, %dma_start3A_666] : memref<16x2048xf32, #tpu.memory_space<vmem>> -> memref<16x128xf32, #tpu.memory_space<vmem>>
      %dma_start3A_668 = arith.constant 0 : i32
      %dma_start3A_669 = tpu.memref_slice %arg4[%dma_start3A_668, %multiple_of3A_664] : memref<16x1000000xf32, #tpu.memory_space<hbm>> -> memref<16x128xf32, #tpu.memory_space<hbm>>
      %dma_start3A_670 = arith.constant 0 : i32
      %dma_start3A_671 = arith.constant 1280 : i32
      %dma_start3A_672 = tpu.memref_slice %arg11[%dma_start3A_670, %dma_start3A_671] : memref<16x2048xf32, #tpu.memory_space<vmem>> -> memref<16x128xf32, #tpu.memory_space<vmem>>
      %dma_start3A_673 = arith.constant 0 : i32
      %dma_start3A_674 = tpu.memref_slice %arg4[%dma_start3A_673, %multiple_of3A_664] : memref<16x1000000xf32, #tpu.memory_space<hbm>> -> memref<16x128xf32, #tpu.memory_space<hbm>>
      tpu.enqueue_dma source(%dma_start3A_674 : memref<16x128xf32, #tpu.memory_space<hbm>>) target(%dma_start3A_672 : memref<16x128xf32, #tpu.memory_space<vmem>>) target_semaphore(%arg14 : memref<!tpu.dma_semaphore, #tpu.memory_space<semaphore_mem>>)
      %slice3A_675 = vector.extract_strided_slice %shift_right_logical3A_509 {offsets = [11], sizes = [1], strides = [1]} : vector<16xi32> to vector<1xi32>
      %squeeze3A_676 = vector.extract %slice3A_675[0] : i32 from vector<1xi32>
      %mul3A_677 = arith.constant 128 : i32
      %mul3A_678 = arith.muli %squeeze3A_676, %mul3A_677 : i32
      %multiple_of3A_679 = tpu.assume_multiple %mul3A_678, 128 : i32
      %dma_start3A_680 = arith.constant 0 : i32
      %dma_start3A_681 = arith.constant 1408 : i32
      %dma_start3A_682 = tpu.memref_slice %arg11[%dma_start3A_680, %dma_start3A_681] : memref<16x2048xf32, #tpu.memory_space<vmem>> -> memref<16x128xf32, #tpu.memory_space<vmem>>
      %dma_start3A_683 = arith.constant 0 : i32
      %dma_start3A_684 = tpu.memref_slice %arg4[%dma_start3A_683, %multiple_of3A_679] : memref<16x1000000xf32, #tpu.memory_space<hbm>> -> memref<16x128xf32, #tpu.memory_space<hbm>>
      %dma_start3A_685 = arith.constant 0 : i32
      %dma_start3A_686 = arith.constant 1408 : i32
      %dma_start3A_687 = tpu.memref_slice %arg11[%dma_start3A_685, %dma_start3A_686] : memref<16x2048xf32, #tpu.memory_space<vmem>> -> memref<16x128xf32, #tpu.memory_space<vmem>>
      %dma_start3A_688 = arith.constant 0 : i32
      %dma_start3A_689 = tpu.memref_slice %arg4[%dma_start3A_688, %multiple_of3A_679] : memref<16x1000000xf32, #tpu.memory_space<hbm>> -> memref<16x128xf32, #tpu.memory_space<hbm>>
      tpu.enqueue_dma source(%dma_start3A_689 : memref<16x128xf32, #tpu.memory_space<hbm>>) target(%dma_start3A_687 : memref<16x128xf32, #tpu.memory_space<vmem>>) target_semaphore(%arg14 : memref<!tpu.dma_semaphore, #tpu.memory_space<semaphore_mem>>)
      %slice3A_690 = vector.extract_strided_slice %shift_right_logical3A_509 {offsets = [12], sizes = [1], strides = [1]} : vector<16xi32> to vector<1xi32>
      %squeeze3A_691 = vector.extract %slice3A_690[0] : i32 from vector<1xi32>
      %mul3A_692 = arith.constant 128 : i32
      %mul3A_693 = arith.muli %squeeze3A_691, %mul3A_692 : i32
      %multiple_of3A_694 = tpu.assume_multiple %mul3A_693, 128 : i32
      %dma_start3A_695 = arith.constant 0 : i32
      %dma_start3A_696 = arith.constant 1536 : i32
      %dma_start3A_697 = tpu.memref_slice %arg11[%dma_start3A_695, %dma_start3A_696] : memref<16x2048xf32, #tpu.memory_space<vmem>> -> memref<16x128xf32, #tpu.memory_space<vmem>>
      %dma_start3A_698 = arith.constant 0 : i32
      %dma_start3A_699 = tpu.memref_slice %arg4[%dma_start3A_698, %multiple_of3A_694] : memref<16x1000000xf32, #tpu.memory_space<hbm>> -> memref<16x128xf32, #tpu.memory_space<hbm>>
      %dma_start3A_700 = arith.constant 0 : i32
      %dma_start3A_701 = arith.constant 1536 : i32
      %dma_start3A_702 = tpu.memref_slice %arg11[%dma_start3A_700, %dma_start3A_701] : memref<16x2048xf32, #tpu.memory_space<vmem>> -> memref<16x128xf32, #tpu.memory_space<vmem>>
      %dma_start3A_703 = arith.constant 0 : i32
      %dma_start3A_704 = tpu.memref_slice %arg4[%dma_start3A_703, %multiple_of3A_694] : memref<16x1000000xf32, #tpu.memory_space<hbm>> -> memref<16x128xf32, #tpu.memory_space<hbm>>
      tpu.enqueue_dma source(%dma_start3A_704 : memref<16x128xf32, #tpu.memory_space<hbm>>) target(%dma_start3A_702 : memref<16x128xf32, #tpu.memory_space<vmem>>) target_semaphore(%arg14 : memref<!tpu.dma_semaphore, #tpu.memory_space<semaphore_mem>>)
      %slice3A_705 = vector.extract_strided_slice %shift_right_logical3A_509 {offsets = [13], sizes = [1], strides = [1]} : vector<16xi32> to vector<1xi32>
      %squeeze3A_706 = vector.extract %slice3A_705[0] : i32 from vector<1xi32>
      %mul3A_707 = arith.constant 128 : i32
      %mul3A_708 = arith.muli %squeeze3A_706, %mul3A_707 : i32
      %multiple_of3A_709 = tpu.assume_multiple %mul3A_708, 128 : i32
      %dma_start3A_710 = arith.constant 0 : i32
      %dma_start3A_711 = arith.constant 1664 : i32
      %dma_start3A_712 = tpu.memref_slice %arg11[%dma_start3A_710, %dma_start3A_711] : memref<16x2048xf32, #tpu.memory_space<vmem>> -> memref<16x128xf32, #tpu.memory_space<vmem>>
      %dma_start3A_713 = arith.constant 0 : i32
      %dma_start3A_714 = tpu.memref_slice %arg4[%dma_start3A_713, %multiple_of3A_709] : memref<16x1000000xf32, #tpu.memory_space<hbm>> -> memref<16x128xf32, #tpu.memory_space<hbm>>
      %dma_start3A_715 = arith.constant 0 : i32
      %dma_start3A_716 = arith.constant 1664 : i32
      %dma_start3A_717 = tpu.memref_slice %arg11[%dma_start3A_715, %dma_start3A_716] : memref<16x2048xf32, #tpu.memory_space<vmem>> -> memref<16x128xf32, #tpu.memory_space<vmem>>
      %dma_start3A_718 = arith.constant 0 : i32
      %dma_start3A_719 = tpu.memref_slice %arg4[%dma_start3A_718, %multiple_of3A_709] : memref<16x1000000xf32, #tpu.memory_space<hbm>> -> memref<16x128xf32, #tpu.memory_space<hbm>>
      tpu.enqueue_dma source(%dma_start3A_719 : memref<16x128xf32, #tpu.memory_space<hbm>>) target(%dma_start3A_717 : memref<16x128xf32, #tpu.memory_space<vmem>>) target_semaphore(%arg14 : memref<!tpu.dma_semaphore, #tpu.memory_space<semaphore_mem>>)
      %slice3A_720 = vector.extract_strided_slice %shift_right_logical3A_509 {offsets = [14], sizes = [1], strides = [1]} : vector<16xi32> to vector<1xi32>
      %squeeze3A_721 = vector.extract %slice3A_720[0] : i32 from vector<1xi32>
      %mul3A_722 = arith.constant 128 : i32
      %mul3A_723 = arith.muli %squeeze3A_721, %mul3A_722 : i32
      %multiple_of3A_724 = tpu.assume_multiple %mul3A_723, 128 : i32
      %dma_start3A_725 = arith.constant 0 : i32
      %dma_start3A_726 = arith.constant 1792 : i32
      %dma_start3A_727 = tpu.memref_slice %arg11[%dma_start3A_725, %dma_start3A_726] : memref<16x2048xf32, #tpu.memory_space<vmem>> -> memref<16x128xf32, #tpu.memory_space<vmem>>
      %dma_start3A_728 = arith.constant 0 : i32
      %dma_start3A_729 = tpu.memref_slice %arg4[%dma_start3A_728, %multiple_of3A_724] : memref<16x1000000xf32, #tpu.memory_space<hbm>> -> memref<16x128xf32, #tpu.memory_space<hbm>>
      %dma_start3A_730 = arith.constant 0 : i32
      %dma_start3A_731 = arith.constant 1792 : i32
      %dma_start3A_732 = tpu.memref_slice %arg11[%dma_start3A_730, %dma_start3A_731] : memref<16x2048xf32, #tpu.memory_space<vmem>> -> memref<16x128xf32, #tpu.memory_space<vmem>>
      %dma_start3A_733 = arith.constant 0 : i32
      %dma_start3A_734 = tpu.memref_slice %arg4[%dma_start3A_733, %multiple_of3A_724] : memref<16x1000000xf32, #tpu.memory_space<hbm>> -> memref<16x128xf32, #tpu.memory_space<hbm>>
      tpu.enqueue_dma source(%dma_start3A_734 : memref<16x128xf32, #tpu.memory_space<hbm>>) target(%dma_start3A_732 : memref<16x128xf32, #tpu.memory_space<vmem>>) target_semaphore(%arg14 : memref<!tpu.dma_semaphore, #tpu.memory_space<semaphore_mem>>)
      %slice3A_735 = vector.extract_strided_slice %shift_right_logical3A_509 {offsets = [15], sizes = [1], strides = [1]} : vector<16xi32> to vector<1xi32>
      %squeeze3A_736 = vector.extract %slice3A_735[0] : i32 from vector<1xi32>
      %mul3A_737 = arith.constant 128 : i32
      %mul3A_738 = arith.muli %squeeze3A_736, %mul3A_737 : i32
      %multiple_of3A_739 = tpu.assume_multiple %mul3A_738, 128 : i32
      %dma_start3A_740 = arith.constant 0 : i32
      %dma_start3A_741 = arith.constant 1920 : i32
      %dma_start3A_742 = tpu.memref_slice %arg11[%dma_start3A_740, %dma_start3A_741] : memref<16x2048xf32, #tpu.memory_space<vmem>> -> memref<16x128xf32, #tpu.memory_space<vmem>>
      %dma_start3A_743 = arith.constant 0 : i32
      %dma_start3A_744 = tpu.memref_slice %arg4[%dma_start3A_743, %multiple_of3A_739] : memref<16x1000000xf32, #tpu.memory_space<hbm>> -> memref<16x128xf32, #tpu.memory_space<hbm>>
      %dma_start3A_745 = arith.constant 0 : i32
      %dma_start3A_746 = arith.constant 1920 : i32
      %dma_start3A_747 = tpu.memref_slice %arg11[%dma_start3A_745, %dma_start3A_746] : memref<16x2048xf32, #tpu.memory_space<vmem>> -> memref<16x128xf32, #tpu.memory_space<vmem>>
      %dma_start3A_748 = arith.constant 0 : i32
      %dma_start3A_749 = tpu.memref_slice %arg4[%dma_start3A_748, %multiple_of3A_739] : memref<16x1000000xf32, #tpu.memory_space<hbm>> -> memref<16x128xf32, #tpu.memory_space<hbm>>
      tpu.enqueue_dma source(%dma_start3A_749 : memref<16x128xf32, #tpu.memory_space<hbm>>) target(%dma_start3A_747 : memref<16x128xf32, #tpu.memory_space<vmem>>) target_semaphore(%arg14 : memref<!tpu.dma_semaphore, #tpu.memory_space<semaphore_mem>>)
      %dma_wait3A = arith.constant 0 : i32
      %dma_wait3A_750 = arith.constant 0 : i32
      %dma_wait3A_751 = tpu.memref_slice %arg4[%dma_wait3A, %dma_wait3A_750] : memref<16x1000000xf32, #tpu.memory_space<hbm>> -> memref<16x2048xf32, #tpu.memory_space<hbm>>
      %dma_wait3A_752 = arith.constant 0 : i32
      %dma_wait3A_753 = arith.constant 0 : i32
      %dma_wait3A_754 = tpu.memref_slice %arg4[%dma_wait3A_752, %dma_wait3A_753] : memref<16x1000000xf32, #tpu.memory_space<hbm>> -> memref<16x2048xf32, #tpu.memory_space<hbm>>
      tpu.wait_dma2 semaphore(%arg14 : memref<!tpu.dma_semaphore, #tpu.memory_space<semaphore_mem>>) src(%dma_wait3A_754 : memref<16x2048xf32, #tpu.memory_space<hbm>>) dst(%arg10 : memref<16x2048xf32, #tpu.memory_space<vmem>>)
      %mul3A_755 = arith.constant 16 : i32
      %mul3A_756 = arith.muli %mul3A_500, %mul3A_755 : i32
      %get3A_757 = arith.index_cast %mul3A_756 : i32 to index
      %get3A_758 = tpu.vector_load %arg8[%get3A_757] {strides = array<i32>} : memref<512xi32, #tpu.memory_space<vmem>>, vector<16xi32>,
      %and3A = arith.constant 127 : i32
      %and3A_759 = vector.broadcast %and3A : i32 to vector<16xi32>
      %and3A_760 = arith.andi %get3A_758, %and3A_759 : vector<16xi32>
      %broadcast_in_dim3A = arith.constant 0 : i32
      %broadcast_in_dim3A_761 = vector.broadcast %broadcast_in_dim3A : i32 to vector<16xi32>
      %slice3A_762 = vector.extract_strided_slice %and3A_760 {offsets = [0], sizes = [1], strides = [1]} : vector<16xi32> to vector<1xi32>
      %squeeze3A_763 = vector.extract %slice3A_762[0] : i32 from vector<1xi32>
      %add3A_764 = vector.broadcast %squeeze3A_763 : i32 to vector<16xi32>
      %add3A_765 = arith.addi %broadcast_in_dim3A_761, %add3A_764 : vector<16xi32>
      %gather3A = tpu.vector_load_idx %arg10[%iota3A, %add3A_765] : memref<16x2048xf32, #tpu.memory_space<vmem>>[vector<16xi32>, vector<16xi32>], vector<16xf32>,
      %mul3A_766 = arith.constant 16 : i32
      %mul3A_767 = arith.muli %mul3A_500, %mul3A_766 : i32
      %add3A_768 = arith.constant 0 : i32
      %add3A_769 = arith.addi %mul3A_767, %add3A_768 : i32
      %broadcast_in_dim3A_770 = vector.broadcast %add3A_769 : i32 to vector<16xi32>
      tpu.vector_store_idx %arg12[%iota3A, %broadcast_in_dim3A_770], %gather3A : memref<16x512xf32, #tpu.memory_space<vmem>>[vector<16xi32>, vector<16xi32>], vector<16xf32>,
      %broadcast_in_dim3A_771 = arith.constant 128 : i32
      %broadcast_in_dim3A_772 = vector.broadcast %broadcast_in_dim3A_771 : i32 to vector<16xi32>
      %slice3A_773 = vector.extract_strided_slice %and3A_760 {offsets = [1], sizes = [1], strides = [1]} : vector<16xi32> to vector<1xi32>
      %squeeze3A_774 = vector.extract %slice3A_773[0] : i32 from vector<1xi32>
      %add3A_775 = vector.broadcast %squeeze3A_774 : i32 to vector<16xi32>
      %add3A_776 = arith.addi %broadcast_in_dim3A_772, %add3A_775 : vector<16xi32>
      %gather3A_777 = tpu.vector_load_idx %arg10[%iota3A, %add3A_776] : memref<16x2048xf32, #tpu.memory_space<vmem>>[vector<16xi32>, vector<16xi32>], vector<16xf32>,
      %mul3A_778 = arith.constant 16 : i32
      %mul3A_779 = arith.muli %mul3A_500, %mul3A_778 : i32
      %add3A_780 = arith.constant 1 : i32
      %add3A_781 = arith.addi %mul3A_779, %add3A_780 : i32
      %broadcast_in_dim3A_782 = vector.broadcast %add3A_781 : i32 to vector<16xi32>
      tpu.vector_store_idx %arg12[%iota3A, %broadcast_in_dim3A_782], %gather3A_777 : memref<16x512xf32, #tpu.memory_space<vmem>>[vector<16xi32>, vector<16xi32>], vector<16xf32>,
      %broadcast_in_dim3A_783 = arith.constant 256 : i32
      %broadcast_in_dim3A_784 = vector.broadcast %broadcast_in_dim3A_783 : i32 to vector<16xi32>
      %slice3A_785 = vector.extract_strided_slice %and3A_760 {offsets = [2], sizes = [1], strides = [1]} : vector<16xi32> to vector<1xi32>
      %squeeze3A_786 = vector.extract %slice3A_785[0] : i32 from vector<1xi32>
      %add3A_787 = vector.broadcast %squeeze3A_786 : i32 to vector<16xi32>
      %add3A_788 = arith.addi %broadcast_in_dim3A_784, %add3A_787 : vector<16xi32>
      %gather3A_789 = tpu.vector_load_idx %arg10[%iota3A, %add3A_788] : memref<16x2048xf32, #tpu.memory_space<vmem>>[vector<16xi32>, vector<16xi32>], vector<16xf32>,
      %mul3A_790 = arith.constant 16 : i32
      %mul3A_791 = arith.muli %mul3A_500, %mul3A_790 : i32
      %add3A_792 = arith.constant 2 : i32
      %add3A_793 = arith.addi %mul3A_791, %add3A_792 : i32
      %broadcast_in_dim3A_794 = vector.broadcast %add3A_793 : i32 to vector<16xi32>
      tpu.vector_store_idx %arg12[%iota3A, %broadcast_in_dim3A_794], %gather3A_789 : memref<16x512xf32, #tpu.memory_space<vmem>>[vector<16xi32>, vector<16xi32>], vector<16xf32>,
      %broadcast_in_dim3A_795 = arith.constant 384 : i32
      %broadcast_in_dim3A_796 = vector.broadcast %broadcast_in_dim3A_795 : i32 to vector<16xi32>
      %slice3A_797 = vector.extract_strided_slice %and3A_760 {offsets = [3], sizes = [1], strides = [1]} : vector<16xi32> to vector<1xi32>
      %squeeze3A_798 = vector.extract %slice3A_797[0] : i32 from vector<1xi32>
      %add3A_799 = vector.broadcast %squeeze3A_798 : i32 to vector<16xi32>
      %add3A_800 = arith.addi %broadcast_in_dim3A_796, %add3A_799 : vector<16xi32>
      %gather3A_801 = tpu.vector_load_idx %arg10[%iota3A, %add3A_800] : memref<16x2048xf32, #tpu.memory_space<vmem>>[vector<16xi32>, vector<16xi32>], vector<16xf32>,
      %mul3A_802 = arith.constant 16 : i32
      %mul3A_803 = arith.muli %mul3A_500, %mul3A_802 : i32
      %add3A_804 = arith.constant 3 : i32
      %add3A_805 = arith.addi %mul3A_803, %add3A_804 : i32
      %broadcast_in_dim3A_806 = vector.broadcast %add3A_805 : i32 to vector<16xi32>
      tpu.vector_store_idx %arg12[%iota3A, %broadcast_in_dim3A_806], %gather3A_801 : memref<16x512xf32, #tpu.memory_space<vmem>>[vector<16xi32>, vector<16xi32>], vector<16xf32>,
      %broadcast_in_dim3A_807 = arith.constant 512 : i32
      %broadcast_in_dim3A_808 = vector.broadcast %broadcast_in_dim3A_807 : i32 to vector<16xi32>
      %slice3A_809 = vector.extract_strided_slice %and3A_760 {offsets = [4], sizes = [1], strides = [1]} : vector<16xi32> to vector<1xi32>
      %squeeze3A_810 = vector.extract %slice3A_809[0] : i32 from vector<1xi32>
      %add3A_811 = vector.broadcast %squeeze3A_810 : i32 to vector<16xi32>
      %add3A_812 = arith.addi %broadcast_in_dim3A_808, %add3A_811 : vector<16xi32>
      %gather3A_813 = tpu.vector_load_idx %arg10[%iota3A, %add3A_812] : memref<16x2048xf32, #tpu.memory_space<vmem>>[vector<16xi32>, vector<16xi32>], vector<16xf32>,
      %mul3A_814 = arith.constant 16 : i32
      %mul3A_815 = arith.muli %mul3A_500, %mul3A_814 : i32
      %add3A_816 = arith.constant 4 : i32
      %add3A_817 = arith.addi %mul3A_815, %add3A_816 : i32
      %broadcast_in_dim3A_818 = vector.broadcast %add3A_817 : i32 to vector<16xi32>
      tpu.vector_store_idx %arg12[%iota3A, %broadcast_in_dim3A_818], %gather3A_813 : memref<16x512xf32, #tpu.memory_space<vmem>>[vector<16xi32>, vector<16xi32>], vector<16xf32>,
      %broadcast_in_dim3A_819 = arith.constant 640 : i32
      %broadcast_in_dim3A_820 = vector.broadcast %broadcast_in_dim3A_819 : i32 to vector<16xi32>
      %slice3A_821 = vector.extract_strided_slice %and3A_760 {offsets = [5], sizes = [1], strides = [1]} : vector<16xi32> to vector<1xi32>
      %squeeze3A_822 = vector.extract %slice3A_821[0] : i32 from vector<1xi32>
      %add3A_823 = vector.broadcast %squeeze3A_822 : i32 to vector<16xi32>
      %add3A_824 = arith.addi %broadcast_in_dim3A_820, %add3A_823 : vector<16xi32>
      %gather3A_825 = tpu.vector_load_idx %arg10[%iota3A, %add3A_824] : memref<16x2048xf32, #tpu.memory_space<vmem>>[vector<16xi32>, vector<16xi32>], vector<16xf32>,
      %mul3A_826 = arith.constant 16 : i32
      %mul3A_827 = arith.muli %mul3A_500, %mul3A_826 : i32
      %add3A_828 = arith.constant 5 : i32
      %add3A_829 = arith.addi %mul3A_827, %add3A_828 : i32
      %broadcast_in_dim3A_830 = vector.broadcast %add3A_829 : i32 to vector<16xi32>
      tpu.vector_store_idx %arg12[%iota3A, %broadcast_in_dim3A_830], %gather3A_825 : memref<16x512xf32, #tpu.memory_space<vmem>>[vector<16xi32>, vector<16xi32>], vector<16xf32>,
      %broadcast_in_dim3A_831 = arith.constant 768 : i32
      %broadcast_in_dim3A_832 = vector.broadcast %broadcast_in_dim3A_831 : i32 to vector<16xi32>
      %slice3A_833 = vector.extract_strided_slice %and3A_760 {offsets = [6], sizes = [1], strides = [1]} : vector<16xi32> to vector<1xi32>
      %squeeze3A_834 = vector.extract %slice3A_833[0] : i32 from vector<1xi32>
      %add3A_835 = vector.broadcast %squeeze3A_834 : i32 to vector<16xi32>
      %add3A_836 = arith.addi %broadcast_in_dim3A_832, %add3A_835 : vector<16xi32>
      %gather3A_837 = tpu.vector_load_idx %arg10[%iota3A, %add3A_836] : memref<16x2048xf32, #tpu.memory_space<vmem>>[vector<16xi32>, vector<16xi32>], vector<16xf32>,
      %mul3A_838 = arith.constant 16 : i32
      %mul3A_839 = arith.muli %mul3A_500, %mul3A_838 : i32
      %add3A_840 = arith.constant 6 : i32
      %add3A_841 = arith.addi %mul3A_839, %add3A_840 : i32
      %broadcast_in_dim3A_842 = vector.broadcast %add3A_841 : i32 to vector<16xi32>
      tpu.vector_store_idx %arg12[%iota3A, %broadcast_in_dim3A_842], %gather3A_837 : memref<16x512xf32, #tpu.memory_space<vmem>>[vector<16xi32>, vector<16xi32>], vector<16xf32>,
      %broadcast_in_dim3A_843 = arith.constant 896 : i32
      %broadcast_in_dim3A_844 = vector.broadcast %broadcast_in_dim3A_843 : i32 to vector<16xi32>
      %slice3A_845 = vector.extract_strided_slice %and3A_760 {offsets = [7], sizes = [1], strides = [1]} : vector<16xi32> to vector<1xi32>
      %squeeze3A_846 = vector.extract %slice3A_845[0] : i32 from vector<1xi32>
      %add3A_847 = vector.broadcast %squeeze3A_846 : i32 to vector<16xi32>
      %add3A_848 = arith.addi %broadcast_in_dim3A_844, %add3A_847 : vector<16xi32>
      %gather3A_849 = tpu.vector_load_idx %arg10[%iota3A, %add3A_848] : memref<16x2048xf32, #tpu.memory_space<vmem>>[vector<16xi32>, vector<16xi32>], vector<16xf32>,
      %mul3A_850 = arith.constant 16 : i32
      %mul3A_851 = arith.muli %mul3A_500, %mul3A_850 : i32
      %add3A_852 = arith.constant 7 : i32
      %add3A_853 = arith.addi %mul3A_851, %add3A_852 : i32
      %broadcast_in_dim3A_854 = vector.broadcast %add3A_853 : i32 to vector<16xi32>
      tpu.vector_store_idx %arg12[%iota3A, %broadcast_in_dim3A_854], %gather3A_849 : memref<16x512xf32, #tpu.memory_space<vmem>>[vector<16xi32>, vector<16xi32>], vector<16xf32>,
      %broadcast_in_dim3A_855 = arith.constant 1024 : i32
      %broadcast_in_dim3A_856 = vector.broadcast %broadcast_in_dim3A_855 : i32 to vector<16xi32>
      %slice3A_857 = vector.extract_strided_slice %and3A_760 {offsets = [8], sizes = [1], strides = [1]} : vector<16xi32> to vector<1xi32>
      %squeeze3A_858 = vector.extract %slice3A_857[0] : i32 from vector<1xi32>
      %add3A_859 = vector.broadcast %squeeze3A_858 : i32 to vector<16xi32>
      %add3A_860 = arith.addi %broadcast_in_dim3A_856, %add3A_859 : vector<16xi32>
      %gather3A_861 = tpu.vector_load_idx %arg10[%iota3A, %add3A_860] : memref<16x2048xf32, #tpu.memory_space<vmem>>[vector<16xi32>, vector<16xi32>], vector<16xf32>,
      %mul3A_862 = arith.constant 16 : i32
      %mul3A_863 = arith.muli %mul3A_500, %mul3A_862 : i32
      %add3A_864 = arith.constant 8 : i32
      %add3A_865 = arith.addi %mul3A_863, %add3A_864 : i32
      %broadcast_in_dim3A_866 = vector.broadcast %add3A_865 : i32 to vector<16xi32>
      tpu.vector_store_idx %arg12[%iota3A, %broadcast_in_dim3A_866], %gather3A_861 : memref<16x512xf32, #tpu.memory_space<vmem>>[vector<16xi32>, vector<16xi32>], vector<16xf32>,
      %broadcast_in_dim3A_867 = arith.constant 1152 : i32
      %broadcast_in_dim3A_868 = vector.broadcast %broadcast_in_dim3A_867 : i32 to vector<16xi32>
      %slice3A_869 = vector.extract_strided_slice %and3A_760 {offsets = [9], sizes = [1], strides = [1]} : vector<16xi32> to vector<1xi32>
      %squeeze3A_870 = vector.extract %slice3A_869[0] : i32 from vector<1xi32>
      %add3A_871 = vector.broadcast %squeeze3A_870 : i32 to vector<16xi32>
      %add3A_872 = arith.addi %broadcast_in_dim3A_868, %add3A_871 : vector<16xi32>
      %gather3A_873 = tpu.vector_load_idx %arg10[%iota3A, %add3A_872] : memref<16x2048xf32, #tpu.memory_space<vmem>>[vector<16xi32>, vector<16xi32>], vector<16xf32>,
      %mul3A_874 = arith.constant 16 : i32
      %mul3A_875 = arith.muli %mul3A_500, %mul3A_874 : i32
      %add3A_876 = arith.constant 9 : i32
      %add3A_877 = arith.addi %mul3A_875, %add3A_876 : i32
      %broadcast_in_dim3A_878 = vector.broadcast %add3A_877 : i32 to vector<16xi32>
      tpu.vector_store_idx %arg12[%iota3A, %broadcast_in_dim3A_878], %gather3A_873 : memref<16x512xf32, #tpu.memory_space<vmem>>[vector<16xi32>, vector<16xi32>], vector<16xf32>,
      %broadcast_in_dim3A_879 = arith.constant 1280 : i32
      %broadcast_in_dim3A_880 = vector.broadcast %broadcast_in_dim3A_879 : i32 to vector<16xi32>
      %slice3A_881 = vector.extract_strided_slice %and3A_760 {offsets = [10], sizes = [1], strides = [1]} : vector<16xi32> to vector<1xi32>
      %squeeze3A_882 = vector.extract %slice3A_881[0] : i32 from vector<1xi32>
      %add3A_883 = vector.broadcast %squeeze3A_882 : i32 to vector<16xi32>
      %add3A_884 = arith.addi %broadcast_in_dim3A_880, %add3A_883 : vector<16xi32>
      %gather3A_885 = tpu.vector_load_idx %arg10[%iota3A, %add3A_884] : memref<16x2048xf32, #tpu.memory_space<vmem>>[vector<16xi32>, vector<16xi32>], vector<16xf32>,
      %mul3A_886 = arith.constant 16 : i32
      %mul3A_887 = arith.muli %mul3A_500, %mul3A_886 : i32
      %add3A_888 = arith.constant 10 : i32
      %add3A_889 = arith.addi %mul3A_887, %add3A_888 : i32
      %broadcast_in_dim3A_890 = vector.broadcast %add3A_889 : i32 to vector<16xi32>
      tpu.vector_store_idx %arg12[%iota3A, %broadcast_in_dim3A_890], %gather3A_885 : memref<16x512xf32, #tpu.memory_space<vmem>>[vector<16xi32>, vector<16xi32>], vector<16xf32>,
      %broadcast_in_dim3A_891 = arith.constant 1408 : i32
      %broadcast_in_dim3A_892 = vector.broadcast %broadcast_in_dim3A_891 : i32 to vector<16xi32>
      %slice3A_893 = vector.extract_strided_slice %and3A_760 {offsets = [11], sizes = [1], strides = [1]} : vector<16xi32> to vector<1xi32>
      %squeeze3A_894 = vector.extract %slice3A_893[0] : i32 from vector<1xi32>
      %add3A_895 = vector.broadcast %squeeze3A_894 : i32 to vector<16xi32>
      %add3A_896 = arith.addi %broadcast_in_dim3A_892, %add3A_895 : vector<16xi32>
      %gather3A_897 = tpu.vector_load_idx %arg10[%iota3A, %add3A_896] : memref<16x2048xf32, #tpu.memory_space<vmem>>[vector<16xi32>, vector<16xi32>], vector<16xf32>,
      %mul3A_898 = arith.constant 16 : i32
      %mul3A_899 = arith.muli %mul3A_500, %mul3A_898 : i32
      %add3A_900 = arith.constant 11 : i32
      %add3A_901 = arith.addi %mul3A_899, %add3A_900 : i32
      %broadcast_in_dim3A_902 = vector.broadcast %add3A_901 : i32 to vector<16xi32>
      tpu.vector_store_idx %arg12[%iota3A, %broadcast_in_dim3A_902], %gather3A_897 : memref<16x512xf32, #tpu.memory_space<vmem>>[vector<16xi32>, vector<16xi32>], vector<16xf32>,
      %broadcast_in_dim3A_903 = arith.constant 1536 : i32
      %broadcast_in_dim3A_904 = vector.broadcast %broadcast_in_dim3A_903 : i32 to vector<16xi32>
      %slice3A_905 = vector.extract_strided_slice %and3A_760 {offsets = [12], sizes = [1], strides = [1]} : vector<16xi32> to vector<1xi32>
      %squeeze3A_906 = vector.extract %slice3A_905[0] : i32 from vector<1xi32>
      %add3A_907 = vector.broadcast %squeeze3A_906 : i32 to vector<16xi32>
      %add3A_908 = arith.addi %broadcast_in_dim3A_904, %add3A_907 : vector<16xi32>
      %gather3A_909 = tpu.vector_load_idx %arg10[%iota3A, %add3A_908] : memref<16x2048xf32, #tpu.memory_space<vmem>>[vector<16xi32>, vector<16xi32>], vector<16xf32>,
      %mul3A_910 = arith.constant 16 : i32
      %mul3A_911 = arith.muli %mul3A_500, %mul3A_910 : i32
      %add3A_912 = arith.constant 12 : i32
      %add3A_913 = arith.addi %mul3A_911, %add3A_912 : i32
      %broadcast_in_dim3A_914 = vector.broadcast %add3A_913 : i32 to vector<16xi32>
      tpu.vector_store_idx %arg12[%iota3A, %broadcast_in_dim3A_914], %gather3A_909 : memref<16x512xf32, #tpu.memory_space<vmem>>[vector<16xi32>, vector<16xi32>], vector<16xf32>,
      %broadcast_in_dim3A_915 = arith.constant 1664 : i32
      %broadcast_in_dim3A_916 = vector.broadcast %broadcast_in_dim3A_915 : i32 to vector<16xi32>
      %slice3A_917 = vector.extract_strided_slice %and3A_760 {offsets = [13], sizes = [1], strides = [1]} : vector<16xi32> to vector<1xi32>
      %squeeze3A_918 = vector.extract %slice3A_917[0] : i32 from vector<1xi32>
      %add3A_919 = vector.broadcast %squeeze3A_918 : i32 to vector<16xi32>
      %add3A_920 = arith.addi %broadcast_in_dim3A_916, %add3A_919 : vector<16xi32>
      %gather3A_921 = tpu.vector_load_idx %arg10[%iota3A, %add3A_920] : memref<16x2048xf32, #tpu.memory_space<vmem>>[vector<16xi32>, vector<16xi32>], vector<16xf32>,
      %mul3A_922 = arith.constant 16 : i32
      %mul3A_923 = arith.muli %mul3A_500, %mul3A_922 : i32
      %add3A_924 = arith.constant 13 : i32
      %add3A_925 = arith.addi %mul3A_923, %add3A_924 : i32
      %broadcast_in_dim3A_926 = vector.broadcast %add3A_925 : i32 to vector<16xi32>
      tpu.vector_store_idx %arg12[%iota3A, %broadcast_in_dim3A_926], %gather3A_921 : memref<16x512xf32, #tpu.memory_space<vmem>>[vector<16xi32>, vector<16xi32>], vector<16xf32>,
      %broadcast_in_dim3A_927 = arith.constant 1792 : i32
      %broadcast_in_dim3A_928 = vector.broadcast %broadcast_in_dim3A_927 : i32 to vector<16xi32>
      %slice3A_929 = vector.extract_strided_slice %and3A_760 {offsets = [14], sizes = [1], strides = [1]} : vector<16xi32> to vector<1xi32>
      %squeeze3A_930 = vector.extract %slice3A_929[0] : i32 from vector<1xi32>
      %add3A_931 = vector.broadcast %squeeze3A_930 : i32 to vector<16xi32>
      %add3A_932 = arith.addi %broadcast_in_dim3A_928, %add3A_931 : vector<16xi32>
      %gather3A_933 = tpu.vector_load_idx %arg10[%iota3A, %add3A_932] : memref<16x2048xf32, #tpu.memory_space<vmem>>[vector<16xi32>, vector<16xi32>], vector<16xf32>,
      %mul3A_934 = arith.constant 16 : i32
      %mul3A_935 = arith.muli %mul3A_500, %mul3A_934 : i32
      %add3A_936 = arith.constant 14 : i32
      %add3A_937 = arith.addi %mul3A_935, %add3A_936 : i32
      %broadcast_in_dim3A_938 = vector.broadcast %add3A_937 : i32 to vector<16xi32>
      tpu.vector_store_idx %arg12[%iota3A, %broadcast_in_dim3A_938], %gather3A_933 : memref<16x512xf32, #tpu.memory_space<vmem>>[vector<16xi32>, vector<16xi32>], vector<16xf32>,
      %broadcast_in_dim3A_939 = arith.constant 1920 : i32
      %broadcast_in_dim3A_940 = vector.broadcast %broadcast_in_dim3A_939 : i32 to vector<16xi32>
      %slice3A_941 = vector.extract_strided_slice %and3A_760 {offsets = [15], sizes = [1], strides = [1]} : vector<16xi32> to vector<1xi32>
      %squeeze3A_942 = vector.extract %slice3A_941[0] : i32 from vector<1xi32>
      %add3A_943 = vector.broadcast %squeeze3A_942 : i32 to vector<16xi32>
      %add3A_944 = arith.addi %broadcast_in_dim3A_940, %add3A_943 : vector<16xi32>
      %gather3A_945 = tpu.vector_load_idx %arg10[%iota3A, %add3A_944] : memref<16x2048xf32, #tpu.memory_space<vmem>>[vector<16xi32>, vector<16xi32>], vector<16xf32>,
      %mul3A_946 = arith.constant 16 : i32
      %mul3A_947 = arith.muli %mul3A_500, %mul3A_946 : i32
      %add3A_948 = arith.constant 15 : i32
      %add3A_949 = arith.addi %mul3A_947, %add3A_948 : i32
      %broadcast_in_dim3A_950 = vector.broadcast %add3A_949 : i32 to vector<16xi32>
      tpu.vector_store_idx %arg12[%iota3A, %broadcast_in_dim3A_950], %gather3A_945 : memref<16x512xf32, #tpu.memory_space<vmem>>[vector<16xi32>, vector<16xi32>], vector<16xf32>,
      %lt3A = arith.constant 15 : i32
      %lt3A_951 = arith.cmpi slt, %scan3A_498, %lt3A : i32
      %convert_element_type3A = arith.extui %lt3A_951 : i1 to i32
      %cond3A = arith.constant 0 : i32
      %cond3A_952 = arith.cmpi ne, %convert_element_type3A, %cond3A : i32
      scf.if %cond3A_952 {
        %add3A_1160 = arith.constant 2 : i32
        %add3A_1161 = arith.addi %mul3A_500, %add3A_1160 : i32
        %mul3A_1162 = arith.constant 16 : i32
        %mul3A_1163 = arith.muli %add3A_1161, %mul3A_1162 : i32
        %get3A_1164 = arith.index_cast %mul3A_1163 : i32 to index
        %get3A_1165 = tpu.vector_load %arg8[%get3A_1164] {strides = array<i32>} : memref<512xi32, #tpu.memory_space<vmem>>, vector<16xi32>,
        %shift_right_logical3A_1166 = arith.constant 7 : i32
        %shift_right_logical3A_1167 = vector.broadcast %shift_right_logical3A_1166 : i32 to vector<16xi32>
        %shift_right_logical3A_1168 = arith.shrui %get3A_1165, %shift_right_logical3A_1167 : vector<16xi32>
        %slice3A_1169 = vector.extract_strided_slice %shift_right_logical3A_1168 {offsets = [0], sizes = [1], strides = [1]} : vector<16xi32> to vector<1xi32>
        %squeeze3A_1170 = vector.extract %slice3A_1169[0] : i32 from vector<1xi32>
        %mul3A_1171 = arith.constant 128 : i32
        %mul3A_1172 = arith.muli %squeeze3A_1170, %mul3A_1171 : i32
        %multiple_of3A_1173 = tpu.assume_multiple %mul3A_1172, 128 : i32
        %dma_start3A_1174 = arith.constant 0 : i32
        %dma_start3A_1175 = arith.constant 0 : i32
        %dma_start3A_1176 = tpu.memref_slice %arg10[%dma_start3A_1174, %dma_start3A_1175] : memref<16x2048xf32, #tpu.memory_space<vmem>> -> memref<16x128xf32, #tpu.memory_space<vmem>>
        %dma_start3A_1177 = arith.constant 0 : i32
        %dma_start3A_1178 = tpu.memref_slice %arg4[%dma_start3A_1177, %multiple_of3A_1173] : memref<16x1000000xf32, #tpu.memory_space<hbm>> -> memref<16x128xf32, #tpu.memory_space<hbm>>
        %dma_start3A_1179 = arith.constant 0 : i32
        %dma_start3A_1180 = arith.constant 0 : i32
        %dma_start3A_1181 = tpu.memref_slice %arg10[%dma_start3A_1179, %dma_start3A_1180] : memref<16x2048xf32, #tpu.memory_space<vmem>> -> memref<16x128xf32, #tpu.memory_space<vmem>>
        %dma_start3A_1182 = arith.constant 0 : i32
        %dma_start3A_1183 = tpu.memref_slice %arg4[%dma_start3A_1182, %multiple_of3A_1173] : memref<16x1000000xf32, #tpu.memory_space<hbm>> -> memref<16x128xf32, #tpu.memory_space<hbm>>
        tpu.enqueue_dma source(%dma_start3A_1183 : memref<16x128xf32, #tpu.memory_space<hbm>>) target(%dma_start3A_1181 : memref<16x128xf32, #tpu.memory_space<vmem>>) target_semaphore(%arg14 : memref<!tpu.dma_semaphore, #tpu.memory_space<semaphore_mem>>)
        %slice3A_1184 = vector.extract_strided_slice %shift_right_logical3A_1168 {offsets = [1], sizes = [1], strides = [1]} : vector<16xi32> to vector<1xi32>
        %squeeze3A_1185 = vector.extract %slice3A_1184[0] : i32 from vector<1xi32>
        %mul3A_1186 = arith.constant 128 : i32
        %mul3A_1187 = arith.muli %squeeze3A_1185, %mul3A_1186 : i32
        %multiple_of3A_1188 = tpu.assume_multiple %mul3A_1187, 128 : i32
        %dma_start3A_1189 = arith.constant 0 : i32
        %dma_start3A_1190 = arith.constant 128 : i32
        %dma_start3A_1191 = tpu.memref_slice %arg10[%dma_start3A_1189, %dma_start3A_1190] : memref<16x2048xf32, #tpu.memory_space<vmem>> -> memref<16x128xf32, #tpu.memory_space<vmem>>
        %dma_start3A_1192 = arith.constant 0 : i32
        %dma_start3A_1193 = tpu.memref_slice %arg4[%dma_start3A_1192, %multiple_of3A_1188] : memref<16x1000000xf32, #tpu.memory_space<hbm>> -> memref<16x128xf32, #tpu.memory_space<hbm>>
        %dma_start3A_1194 = arith.constant 0 : i32
        %dma_start3A_1195 = arith.constant 128 : i32
        %dma_start3A_1196 = tpu.memref_slice %arg10[%dma_start3A_1194, %dma_start3A_1195] : memref<16x2048xf32, #tpu.memory_space<vmem>> -> memref<16x128xf32, #tpu.memory_space<vmem>>
        %dma_start3A_1197 = arith.constant 0 : i32
        %dma_start3A_1198 = tpu.memref_slice %arg4[%dma_start3A_1197, %multiple_of3A_1188] : memref<16x1000000xf32, #tpu.memory_space<hbm>> -> memref<16x128xf32, #tpu.memory_space<hbm>>
        tpu.enqueue_dma source(%dma_start3A_1198 : memref<16x128xf32, #tpu.memory_space<hbm>>) target(%dma_start3A_1196 : memref<16x128xf32, #tpu.memory_space<vmem>>) target_semaphore(%arg14 : memref<!tpu.dma_semaphore, #tpu.memory_space<semaphore_mem>>)
        %slice3A_1199 = vector.extract_strided_slice %shift_right_logical3A_1168 {offsets = [2], sizes = [1], strides = [1]} : vector<16xi32> to vector<1xi32>
        %squeeze3A_1200 = vector.extract %slice3A_1199[0] : i32 from vector<1xi32>
        %mul3A_1201 = arith.constant 128 : i32
        %mul3A_1202 = arith.muli %squeeze3A_1200, %mul3A_1201 : i32
        %multiple_of3A_1203 = tpu.assume_multiple %mul3A_1202, 128 : i32
        %dma_start3A_1204 = arith.constant 0 : i32
        %dma_start3A_1205 = arith.constant 256 : i32
        %dma_start3A_1206 = tpu.memref_slice %arg10[%dma_start3A_1204, %dma_start3A_1205] : memref<16x2048xf32, #tpu.memory_space<vmem>> -> memref<16x128xf32, #tpu.memory_space<vmem>>
        %dma_start3A_1207 = arith.constant 0 : i32
        %dma_start3A_1208 = tpu.memref_slice %arg4[%dma_start3A_1207, %multiple_of3A_1203] : memref<16x1000000xf32, #tpu.memory_space<hbm>> -> memref<16x128xf32, #tpu.memory_space<hbm>>
        %dma_start3A_1209 = arith.constant 0 : i32
        %dma_start3A_1210 = arith.constant 256 : i32
        %dma_start3A_1211 = tpu.memref_slice %arg10[%dma_start3A_1209, %dma_start3A_1210] : memref<16x2048xf32, #tpu.memory_space<vmem>> -> memref<16x128xf32, #tpu.memory_space<vmem>>
        %dma_start3A_1212 = arith.constant 0 : i32
        %dma_start3A_1213 = tpu.memref_slice %arg4[%dma_start3A_1212, %multiple_of3A_1203] : memref<16x1000000xf32, #tpu.memory_space<hbm>> -> memref<16x128xf32, #tpu.memory_space<hbm>>
        tpu.enqueue_dma source(%dma_start3A_1213 : memref<16x128xf32, #tpu.memory_space<hbm>>) target(%dma_start3A_1211 : memref<16x128xf32, #tpu.memory_space<vmem>>) target_semaphore(%arg14 : memref<!tpu.dma_semaphore, #tpu.memory_space<semaphore_mem>>)
        %slice3A_1214 = vector.extract_strided_slice %shift_right_logical3A_1168 {offsets = [3], sizes = [1], strides = [1]} : vector<16xi32> to vector<1xi32>
        %squeeze3A_1215 = vector.extract %slice3A_1214[0] : i32 from vector<1xi32>
        %mul3A_1216 = arith.constant 128 : i32
        %mul3A_1217 = arith.muli %squeeze3A_1215, %mul3A_1216 : i32
        %multiple_of3A_1218 = tpu.assume_multiple %mul3A_1217, 128 : i32
        %dma_start3A_1219 = arith.constant 0 : i32
        %dma_start3A_1220 = arith.constant 384 : i32
        %dma_start3A_1221 = tpu.memref_slice %arg10[%dma_start3A_1219, %dma_start3A_1220] : memref<16x2048xf32, #tpu.memory_space<vmem>> -> memref<16x128xf32, #tpu.memory_space<vmem>>
        %dma_start3A_1222 = arith.constant 0 : i32
        %dma_start3A_1223 = tpu.memref_slice %arg4[%dma_start3A_1222, %multiple_of3A_1218] : memref<16x1000000xf32, #tpu.memory_space<hbm>> -> memref<16x128xf32, #tpu.memory_space<hbm>>
        %dma_start3A_1224 = arith.constant 0 : i32
        %dma_start3A_1225 = arith.constant 384 : i32
        %dma_start3A_1226 = tpu.memref_slice %arg10[%dma_start3A_1224, %dma_start3A_1225] : memref<16x2048xf32, #tpu.memory_space<vmem>> -> memref<16x128xf32, #tpu.memory_space<vmem>>
        %dma_start3A_1227 = arith.constant 0 : i32
        %dma_start3A_1228 = tpu.memref_slice %arg4[%dma_start3A_1227, %multiple_of3A_1218] : memref<16x1000000xf32, #tpu.memory_space<hbm>> -> memref<16x128xf32, #tpu.memory_space<hbm>>
        tpu.enqueue_dma source(%dma_start3A_1228 : memref<16x128xf32, #tpu.memory_space<hbm>>) target(%dma_start3A_1226 : memref<16x128xf32, #tpu.memory_space<vmem>>) target_semaphore(%arg14 : memref<!tpu.dma_semaphore, #tpu.memory_space<semaphore_mem>>)
        %slice3A_1229 = vector.extract_strided_slice %shift_right_logical3A_1168 {offsets = [4], sizes = [1], strides = [1]} : vector<16xi32> to vector<1xi32>
        %squeeze3A_1230 = vector.extract %slice3A_1229[0] : i32 from vector<1xi32>
        %mul3A_1231 = arith.constant 128 : i32
        %mul3A_1232 = arith.muli %squeeze3A_1230, %mul3A_1231 : i32
        %multiple_of3A_1233 = tpu.assume_multiple %mul3A_1232, 128 : i32
        %dma_start3A_1234 = arith.constant 0 : i32
        %dma_start3A_1235 = arith.constant 512 : i32
        %dma_start3A_1236 = tpu.memref_slice %arg10[%dma_start3A_1234, %dma_start3A_1235] : memref<16x2048xf32, #tpu.memory_space<vmem>> -> memref<16x128xf32, #tpu.memory_space<vmem>>
        %dma_start3A_1237 = arith.constant 0 : i32
        %dma_start3A_1238 = tpu.memref_slice %arg4[%dma_start3A_1237, %multiple_of3A_1233] : memref<16x1000000xf32, #tpu.memory_space<hbm>> -> memref<16x128xf32, #tpu.memory_space<hbm>>
        %dma_start3A_1239 = arith.constant 0 : i32
        %dma_start3A_1240 = arith.constant 512 : i32
        %dma_start3A_1241 = tpu.memref_slice %arg10[%dma_start3A_1239, %dma_start3A_1240] : memref<16x2048xf32, #tpu.memory_space<vmem>> -> memref<16x128xf32, #tpu.memory_space<vmem>>
        %dma_start3A_1242 = arith.constant 0 : i32
        %dma_start3A_1243 = tpu.memref_slice %arg4[%dma_start3A_1242, %multiple_of3A_1233] : memref<16x1000000xf32, #tpu.memory_space<hbm>> -> memref<16x128xf32, #tpu.memory_space<hbm>>
        tpu.enqueue_dma source(%dma_start3A_1243 : memref<16x128xf32, #tpu.memory_space<hbm>>) target(%dma_start3A_1241 : memref<16x128xf32, #tpu.memory_space<vmem>>) target_semaphore(%arg14 : memref<!tpu.dma_semaphore, #tpu.memory_space<semaphore_mem>>)
        %slice3A_1244 = vector.extract_strided_slice %shift_right_logical3A_1168 {offsets = [5], sizes = [1], strides = [1]} : vector<16xi32> to vector<1xi32>
        %squeeze3A_1245 = vector.extract %slice3A_1244[0] : i32 from vector<1xi32>
        %mul3A_1246 = arith.constant 128 : i32
        %mul3A_1247 = arith.muli %squeeze3A_1245, %mul3A_1246 : i32
        %multiple_of3A_1248 = tpu.assume_multiple %mul3A_1247, 128 : i32
        %dma_start3A_1249 = arith.constant 0 : i32
        %dma_start3A_1250 = arith.constant 640 : i32
        %dma_start3A_1251 = tpu.memref_slice %arg10[%dma_start3A_1249, %dma_start3A_1250] : memref<16x2048xf32, #tpu.memory_space<vmem>> -> memref<16x128xf32, #tpu.memory_space<vmem>>
        %dma_start3A_1252 = arith.constant 0 : i32
        %dma_start3A_1253 = tpu.memref_slice %arg4[%dma_start3A_1252, %multiple_of3A_1248] : memref<16x1000000xf32, #tpu.memory_space<hbm>> -> memref<16x128xf32, #tpu.memory_space<hbm>>
        %dma_start3A_1254 = arith.constant 0 : i32
        %dma_start3A_1255 = arith.constant 640 : i32
        %dma_start3A_1256 = tpu.memref_slice %arg10[%dma_start3A_1254, %dma_start3A_1255] : memref<16x2048xf32, #tpu.memory_space<vmem>> -> memref<16x128xf32, #tpu.memory_space<vmem>>
        %dma_start3A_1257 = arith.constant 0 : i32
        %dma_start3A_1258 = tpu.memref_slice %arg4[%dma_start3A_1257, %multiple_of3A_1248] : memref<16x1000000xf32, #tpu.memory_space<hbm>> -> memref<16x128xf32, #tpu.memory_space<hbm>>
        tpu.enqueue_dma source(%dma_start3A_1258 : memref<16x128xf32, #tpu.memory_space<hbm>>) target(%dma_start3A_1256 : memref<16x128xf32, #tpu.memory_space<vmem>>) target_semaphore(%arg14 : memref<!tpu.dma_semaphore, #tpu.memory_space<semaphore_mem>>)
        %slice3A_1259 = vector.extract_strided_slice %shift_right_logical3A_1168 {offsets = [6], sizes = [1], strides = [1]} : vector<16xi32> to vector<1xi32>
        %squeeze3A_1260 = vector.extract %slice3A_1259[0] : i32 from vector<1xi32>
        %mul3A_1261 = arith.constant 128 : i32
        %mul3A_1262 = arith.muli %squeeze3A_1260, %mul3A_1261 : i32
        %multiple_of3A_1263 = tpu.assume_multiple %mul3A_1262, 128 : i32
        %dma_start3A_1264 = arith.constant 0 : i32
        %dma_start3A_1265 = arith.constant 768 : i32
        %dma_start3A_1266 = tpu.memref_slice %arg10[%dma_start3A_1264, %dma_start3A_1265] : memref<16x2048xf32, #tpu.memory_space<vmem>> -> memref<16x128xf32, #tpu.memory_space<vmem>>
        %dma_start3A_1267 = arith.constant 0 : i32
        %dma_start3A_1268 = tpu.memref_slice %arg4[%dma_start3A_1267, %multiple_of3A_1263] : memref<16x1000000xf32, #tpu.memory_space<hbm>> -> memref<16x128xf32, #tpu.memory_space<hbm>>
        %dma_start3A_1269 = arith.constant 0 : i32
        %dma_start3A_1270 = arith.constant 768 : i32
        %dma_start3A_1271 = tpu.memref_slice %arg10[%dma_start3A_1269, %dma_start3A_1270] : memref<16x2048xf32, #tpu.memory_space<vmem>> -> memref<16x128xf32, #tpu.memory_space<vmem>>
        %dma_start3A_1272 = arith.constant 0 : i32
        %dma_start3A_1273 = tpu.memref_slice %arg4[%dma_start3A_1272, %multiple_of3A_1263] : memref<16x1000000xf32, #tpu.memory_space<hbm>> -> memref<16x128xf32, #tpu.memory_space<hbm>>
        tpu.enqueue_dma source(%dma_start3A_1273 : memref<16x128xf32, #tpu.memory_space<hbm>>) target(%dma_start3A_1271 : memref<16x128xf32, #tpu.memory_space<vmem>>) target_semaphore(%arg14 : memref<!tpu.dma_semaphore, #tpu.memory_space<semaphore_mem>>)
        %slice3A_1274 = vector.extract_strided_slice %shift_right_logical3A_1168 {offsets = [7], sizes = [1], strides = [1]} : vector<16xi32> to vector<1xi32>
        %squeeze3A_1275 = vector.extract %slice3A_1274[0] : i32 from vector<1xi32>
        %mul3A_1276 = arith.constant 128 : i32
        %mul3A_1277 = arith.muli %squeeze3A_1275, %mul3A_1276 : i32
        %multiple_of3A_1278 = tpu.assume_multiple %mul3A_1277, 128 : i32
        %dma_start3A_1279 = arith.constant 0 : i32
        %dma_start3A_1280 = arith.constant 896 : i32
        %dma_start3A_1281 = tpu.memref_slice %arg10[%dma_start3A_1279, %dma_start3A_1280] : memref<16x2048xf32, #tpu.memory_space<vmem>> -> memref<16x128xf32, #tpu.memory_space<vmem>>
        %dma_start3A_1282 = arith.constant 0 : i32
        %dma_start3A_1283 = tpu.memref_slice %arg4[%dma_start3A_1282, %multiple_of3A_1278] : memref<16x1000000xf32, #tpu.memory_space<hbm>> -> memref<16x128xf32, #tpu.memory_space<hbm>>
        %dma_start3A_1284 = arith.constant 0 : i32
        %dma_start3A_1285 = arith.constant 896 : i32
        %dma_start3A_1286 = tpu.memref_slice %arg10[%dma_start3A_1284, %dma_start3A_1285] : memref<16x2048xf32, #tpu.memory_space<vmem>> -> memref<16x128xf32, #tpu.memory_space<vmem>>
        %dma_start3A_1287 = arith.constant 0 : i32
        %dma_start3A_1288 = tpu.memref_slice %arg4[%dma_start3A_1287, %multiple_of3A_1278] : memref<16x1000000xf32, #tpu.memory_space<hbm>> -> memref<16x128xf32, #tpu.memory_space<hbm>>
        tpu.enqueue_dma source(%dma_start3A_1288 : memref<16x128xf32, #tpu.memory_space<hbm>>) target(%dma_start3A_1286 : memref<16x128xf32, #tpu.memory_space<vmem>>) target_semaphore(%arg14 : memref<!tpu.dma_semaphore, #tpu.memory_space<semaphore_mem>>)
        %slice3A_1289 = vector.extract_strided_slice %shift_right_logical3A_1168 {offsets = [8], sizes = [1], strides = [1]} : vector<16xi32> to vector<1xi32>
        %squeeze3A_1290 = vector.extract %slice3A_1289[0] : i32 from vector<1xi32>
        %mul3A_1291 = arith.constant 128 : i32
        %mul3A_1292 = arith.muli %squeeze3A_1290, %mul3A_1291 : i32
        %multiple_of3A_1293 = tpu.assume_multiple %mul3A_1292, 128 : i32
        %dma_start3A_1294 = arith.constant 0 : i32
        %dma_start3A_1295 = arith.constant 1024 : i32
        %dma_start3A_1296 = tpu.memref_slice %arg10[%dma_start3A_1294, %dma_start3A_1295] : memref<16x2048xf32, #tpu.memory_space<vmem>> -> memref<16x128xf32, #tpu.memory_space<vmem>>
        %dma_start3A_1297 = arith.constant 0 : i32
        %dma_start3A_1298 = tpu.memref_slice %arg4[%dma_start3A_1297, %multiple_of3A_1293] : memref<16x1000000xf32, #tpu.memory_space<hbm>> -> memref<16x128xf32, #tpu.memory_space<hbm>>
        %dma_start3A_1299 = arith.constant 0 : i32
        %dma_start3A_1300 = arith.constant 1024 : i32
        %dma_start3A_1301 = tpu.memref_slice %arg10[%dma_start3A_1299, %dma_start3A_1300] : memref<16x2048xf32, #tpu.memory_space<vmem>> -> memref<16x128xf32, #tpu.memory_space<vmem>>
        %dma_start3A_1302 = arith.constant 0 : i32
        %dma_start3A_1303 = tpu.memref_slice %arg4[%dma_start3A_1302, %multiple_of3A_1293] : memref<16x1000000xf32, #tpu.memory_space<hbm>> -> memref<16x128xf32, #tpu.memory_space<hbm>>
        tpu.enqueue_dma source(%dma_start3A_1303 : memref<16x128xf32, #tpu.memory_space<hbm>>) target(%dma_start3A_1301 : memref<16x128xf32, #tpu.memory_space<vmem>>) target_semaphore(%arg14 : memref<!tpu.dma_semaphore, #tpu.memory_space<semaphore_mem>>)
        %slice3A_1304 = vector.extract_strided_slice %shift_right_logical3A_1168 {offsets = [9], sizes = [1], strides = [1]} : vector<16xi32> to vector<1xi32>
        %squeeze3A_1305 = vector.extract %slice3A_1304[0] : i32 from vector<1xi32>
        %mul3A_1306 = arith.constant 128 : i32
        %mul3A_1307 = arith.muli %squeeze3A_1305, %mul3A_1306 : i32
        %multiple_of3A_1308 = tpu.assume_multiple %mul3A_1307, 128 : i32
        %dma_start3A_1309 = arith.constant 0 : i32
        %dma_start3A_1310 = arith.constant 1152 : i32
        %dma_start3A_1311 = tpu.memref_slice %arg10[%dma_start3A_1309, %dma_start3A_1310] : memref<16x2048xf32, #tpu.memory_space<vmem>> -> memref<16x128xf32, #tpu.memory_space<vmem>>
        %dma_start3A_1312 = arith.constant 0 : i32
        %dma_start3A_1313 = tpu.memref_slice %arg4[%dma_start3A_1312, %multiple_of3A_1308] : memref<16x1000000xf32, #tpu.memory_space<hbm>> -> memref<16x128xf32, #tpu.memory_space<hbm>>
        %dma_start3A_1314 = arith.constant 0 : i32
        %dma_start3A_1315 = arith.constant 1152 : i32
        %dma_start3A_1316 = tpu.memref_slice %arg10[%dma_start3A_1314, %dma_start3A_1315] : memref<16x2048xf32, #tpu.memory_space<vmem>> -> memref<16x128xf32, #tpu.memory_space<vmem>>
        %dma_start3A_1317 = arith.constant 0 : i32
        %dma_start3A_1318 = tpu.memref_slice %arg4[%dma_start3A_1317, %multiple_of3A_1308] : memref<16x1000000xf32, #tpu.memory_space<hbm>> -> memref<16x128xf32, #tpu.memory_space<hbm>>
        tpu.enqueue_dma source(%dma_start3A_1318 : memref<16x128xf32, #tpu.memory_space<hbm>>) target(%dma_start3A_1316 : memref<16x128xf32, #tpu.memory_space<vmem>>) target_semaphore(%arg14 : memref<!tpu.dma_semaphore, #tpu.memory_space<semaphore_mem>>)
        %slice3A_1319 = vector.extract_strided_slice %shift_right_logical3A_1168 {offsets = [10], sizes = [1], strides = [1]} : vector<16xi32> to vector<1xi32>
        %squeeze3A_1320 = vector.extract %slice3A_1319[0] : i32 from vector<1xi32>
        %mul3A_1321 = arith.constant 128 : i32
        %mul3A_1322 = arith.muli %squeeze3A_1320, %mul3A_1321 : i32
        %multiple_of3A_1323 = tpu.assume_multiple %mul3A_1322, 128 : i32
        %dma_start3A_1324 = arith.constant 0 : i32
        %dma_start3A_1325 = arith.constant 1280 : i32
        %dma_start3A_1326 = tpu.memref_slice %arg10[%dma_start3A_1324, %dma_start3A_1325] : memref<16x2048xf32, #tpu.memory_space<vmem>> -> memref<16x128xf32, #tpu.memory_space<vmem>>
        %dma_start3A_1327 = arith.constant 0 : i32
        %dma_start3A_1328 = tpu.memref_slice %arg4[%dma_start3A_1327, %multiple_of3A_1323] : memref<16x1000000xf32, #tpu.memory_space<hbm>> -> memref<16x128xf32, #tpu.memory_space<hbm>>
        %dma_start3A_1329 = arith.constant 0 : i32
        %dma_start3A_1330 = arith.constant 1280 : i32
        %dma_start3A_1331 = tpu.memref_slice %arg10[%dma_start3A_1329, %dma_start3A_1330] : memref<16x2048xf32, #tpu.memory_space<vmem>> -> memref<16x128xf32, #tpu.memory_space<vmem>>
        %dma_start3A_1332 = arith.constant 0 : i32
        %dma_start3A_1333 = tpu.memref_slice %arg4[%dma_start3A_1332, %multiple_of3A_1323] : memref<16x1000000xf32, #tpu.memory_space<hbm>> -> memref<16x128xf32, #tpu.memory_space<hbm>>
        tpu.enqueue_dma source(%dma_start3A_1333 : memref<16x128xf32, #tpu.memory_space<hbm>>) target(%dma_start3A_1331 : memref<16x128xf32, #tpu.memory_space<vmem>>) target_semaphore(%arg14 : memref<!tpu.dma_semaphore, #tpu.memory_space<semaphore_mem>>)
        %slice3A_1334 = vector.extract_strided_slice %shift_right_logical3A_1168 {offsets = [11], sizes = [1], strides = [1]} : vector<16xi32> to vector<1xi32>
        %squeeze3A_1335 = vector.extract %slice3A_1334[0] : i32 from vector<1xi32>
        %mul3A_1336 = arith.constant 128 : i32
        %mul3A_1337 = arith.muli %squeeze3A_1335, %mul3A_1336 : i32
        %multiple_of3A_1338 = tpu.assume_multiple %mul3A_1337, 128 : i32
        %dma_start3A_1339 = arith.constant 0 : i32
        %dma_start3A_1340 = arith.constant 1408 : i32
        %dma_start3A_1341 = tpu.memref_slice %arg10[%dma_start3A_1339, %dma_start3A_1340] : memref<16x2048xf32, #tpu.memory_space<vmem>> -> memref<16x128xf32, #tpu.memory_space<vmem>>
        %dma_start3A_1342 = arith.constant 0 : i32
        %dma_start3A_1343 = tpu.memref_slice %arg4[%dma_start3A_1342, %multiple_of3A_1338] : memref<16x1000000xf32, #tpu.memory_space<hbm>> -> memref<16x128xf32, #tpu.memory_space<hbm>>
        %dma_start3A_1344 = arith.constant 0 : i32
        %dma_start3A_1345 = arith.constant 1408 : i32
        %dma_start3A_1346 = tpu.memref_slice %arg10[%dma_start3A_1344, %dma_start3A_1345] : memref<16x2048xf32, #tpu.memory_space<vmem>> -> memref<16x128xf32, #tpu.memory_space<vmem>>
        %dma_start3A_1347 = arith.constant 0 : i32
        %dma_start3A_1348 = tpu.memref_slice %arg4[%dma_start3A_1347, %multiple_of3A_1338] : memref<16x1000000xf32, #tpu.memory_space<hbm>> -> memref<16x128xf32, #tpu.memory_space<hbm>>
        tpu.enqueue_dma source(%dma_start3A_1348 : memref<16x128xf32, #tpu.memory_space<hbm>>) target(%dma_start3A_1346 : memref<16x128xf32, #tpu.memory_space<vmem>>) target_semaphore(%arg14 : memref<!tpu.dma_semaphore, #tpu.memory_space<semaphore_mem>>)
        %slice3A_1349 = vector.extract_strided_slice %shift_right_logical3A_1168 {offsets = [12], sizes = [1], strides = [1]} : vector<16xi32> to vector<1xi32>
        %squeeze3A_1350 = vector.extract %slice3A_1349[0] : i32 from vector<1xi32>
        %mul3A_1351 = arith.constant 128 : i32
        %mul3A_1352 = arith.muli %squeeze3A_1350, %mul3A_1351 : i32
        %multiple_of3A_1353 = tpu.assume_multiple %mul3A_1352, 128 : i32
        %dma_start3A_1354 = arith.constant 0 : i32
        %dma_start3A_1355 = arith.constant 1536 : i32
        %dma_start3A_1356 = tpu.memref_slice %arg10[%dma_start3A_1354, %dma_start3A_1355] : memref<16x2048xf32, #tpu.memory_space<vmem>> -> memref<16x128xf32, #tpu.memory_space<vmem>>
        %dma_start3A_1357 = arith.constant 0 : i32
        %dma_start3A_1358 = tpu.memref_slice %arg4[%dma_start3A_1357, %multiple_of3A_1353] : memref<16x1000000xf32, #tpu.memory_space<hbm>> -> memref<16x128xf32, #tpu.memory_space<hbm>>
        %dma_start3A_1359 = arith.constant 0 : i32
        %dma_start3A_1360 = arith.constant 1536 : i32
        %dma_start3A_1361 = tpu.memref_slice %arg10[%dma_start3A_1359, %dma_start3A_1360] : memref<16x2048xf32, #tpu.memory_space<vmem>> -> memref<16x128xf32, #tpu.memory_space<vmem>>
        %dma_start3A_1362 = arith.constant 0 : i32
        %dma_start3A_1363 = tpu.memref_slice %arg4[%dma_start3A_1362, %multiple_of3A_1353] : memref<16x1000000xf32, #tpu.memory_space<hbm>> -> memref<16x128xf32, #tpu.memory_space<hbm>>
        tpu.enqueue_dma source(%dma_start3A_1363 : memref<16x128xf32, #tpu.memory_space<hbm>>) target(%dma_start3A_1361 : memref<16x128xf32, #tpu.memory_space<vmem>>) target_semaphore(%arg14 : memref<!tpu.dma_semaphore, #tpu.memory_space<semaphore_mem>>)
        %slice3A_1364 = vector.extract_strided_slice %shift_right_logical3A_1168 {offsets = [13], sizes = [1], strides = [1]} : vector<16xi32> to vector<1xi32>
        %squeeze3A_1365 = vector.extract %slice3A_1364[0] : i32 from vector<1xi32>
        %mul3A_1366 = arith.constant 128 : i32
        %mul3A_1367 = arith.muli %squeeze3A_1365, %mul3A_1366 : i32
        %multiple_of3A_1368 = tpu.assume_multiple %mul3A_1367, 128 : i32
        %dma_start3A_1369 = arith.constant 0 : i32
        %dma_start3A_1370 = arith.constant 1664 : i32
        %dma_start3A_1371 = tpu.memref_slice %arg10[%dma_start3A_1369, %dma_start3A_1370] : memref<16x2048xf32, #tpu.memory_space<vmem>> -> memref<16x128xf32, #tpu.memory_space<vmem>>
        %dma_start3A_1372 = arith.constant 0 : i32
        %dma_start3A_1373 = tpu.memref_slice %arg4[%dma_start3A_1372, %multiple_of3A_1368] : memref<16x1000000xf32, #tpu.memory_space<hbm>> -> memref<16x128xf32, #tpu.memory_space<hbm>>
        %dma_start3A_1374 = arith.constant 0 : i32
        %dma_start3A_1375 = arith.constant 1664 : i32
        %dma_start3A_1376 = tpu.memref_slice %arg10[%dma_start3A_1374, %dma_start3A_1375] : memref<16x2048xf32, #tpu.memory_space<vmem>> -> memref<16x128xf32, #tpu.memory_space<vmem>>
        %dma_start3A_1377 = arith.constant 0 : i32
        %dma_start3A_1378 = tpu.memref_slice %arg4[%dma_start3A_1377, %multiple_of3A_1368] : memref<16x1000000xf32, #tpu.memory_space<hbm>> -> memref<16x128xf32, #tpu.memory_space<hbm>>
        tpu.enqueue_dma source(%dma_start3A_1378 : memref<16x128xf32, #tpu.memory_space<hbm>>) target(%dma_start3A_1376 : memref<16x128xf32, #tpu.memory_space<vmem>>) target_semaphore(%arg14 : memref<!tpu.dma_semaphore, #tpu.memory_space<semaphore_mem>>)
        %slice3A_1379 = vector.extract_strided_slice %shift_right_logical3A_1168 {offsets = [14], sizes = [1], strides = [1]} : vector<16xi32> to vector<1xi32>
        %squeeze3A_1380 = vector.extract %slice3A_1379[0] : i32 from vector<1xi32>
        %mul3A_1381 = arith.constant 128 : i32
        %mul3A_1382 = arith.muli %squeeze3A_1380, %mul3A_1381 : i32
        %multiple_of3A_1383 = tpu.assume_multiple %mul3A_1382, 128 : i32
        %dma_start3A_1384 = arith.constant 0 : i32
        %dma_start3A_1385 = arith.constant 1792 : i32
        %dma_start3A_1386 = tpu.memref_slice %arg10[%dma_start3A_1384, %dma_start3A_1385] : memref<16x2048xf32, #tpu.memory_space<vmem>> -> memref<16x128xf32, #tpu.memory_space<vmem>>
        %dma_start3A_1387 = arith.constant 0 : i32
        %dma_start3A_1388 = tpu.memref_slice %arg4[%dma_start3A_1387, %multiple_of3A_1383] : memref<16x1000000xf32, #tpu.memory_space<hbm>> -> memref<16x128xf32, #tpu.memory_space<hbm>>
        %dma_start3A_1389 = arith.constant 0 : i32
        %dma_start3A_1390 = arith.constant 1792 : i32
        %dma_start3A_1391 = tpu.memref_slice %arg10[%dma_start3A_1389, %dma_start3A_1390] : memref<16x2048xf32, #tpu.memory_space<vmem>> -> memref<16x128xf32, #tpu.memory_space<vmem>>
        %dma_start3A_1392 = arith.constant 0 : i32
        %dma_start3A_1393 = tpu.memref_slice %arg4[%dma_start3A_1392, %multiple_of3A_1383] : memref<16x1000000xf32, #tpu.memory_space<hbm>> -> memref<16x128xf32, #tpu.memory_space<hbm>>
        tpu.enqueue_dma source(%dma_start3A_1393 : memref<16x128xf32, #tpu.memory_space<hbm>>) target(%dma_start3A_1391 : memref<16x128xf32, #tpu.memory_space<vmem>>) target_semaphore(%arg14 : memref<!tpu.dma_semaphore, #tpu.memory_space<semaphore_mem>>)
        %slice3A_1394 = vector.extract_strided_slice %shift_right_logical3A_1168 {offsets = [15], sizes = [1], strides = [1]} : vector<16xi32> to vector<1xi32>
        %squeeze3A_1395 = vector.extract %slice3A_1394[0] : i32 from vector<1xi32>
        %mul3A_1396 = arith.constant 128 : i32
        %mul3A_1397 = arith.muli %squeeze3A_1395, %mul3A_1396 : i32
        %multiple_of3A_1398 = tpu.assume_multiple %mul3A_1397, 128 : i32
        %dma_start3A_1399 = arith.constant 0 : i32
        %dma_start3A_1400 = arith.constant 1920 : i32
        %dma_start3A_1401 = tpu.memref_slice %arg10[%dma_start3A_1399, %dma_start3A_1400] : memref<16x2048xf32, #tpu.memory_space<vmem>> -> memref<16x128xf32, #tpu.memory_space<vmem>>
        %dma_start3A_1402 = arith.constant 0 : i32
        %dma_start3A_1403 = tpu.memref_slice %arg4[%dma_start3A_1402, %multiple_of3A_1398] : memref<16x1000000xf32, #tpu.memory_space<hbm>> -> memref<16x128xf32, #tpu.memory_space<hbm>>
        %dma_start3A_1404 = arith.constant 0 : i32
        %dma_start3A_1405 = arith.constant 1920 : i32
        %dma_start3A_1406 = tpu.memref_slice %arg10[%dma_start3A_1404, %dma_start3A_1405] : memref<16x2048xf32, #tpu.memory_space<vmem>> -> memref<16x128xf32, #tpu.memory_space<vmem>>
        %dma_start3A_1407 = arith.constant 0 : i32
        %dma_start3A_1408 = tpu.memref_slice %arg4[%dma_start3A_1407, %multiple_of3A_1398] : memref<16x1000000xf32, #tpu.memory_space<hbm>> -> memref<16x128xf32, #tpu.memory_space<hbm>>
        tpu.enqueue_dma source(%dma_start3A_1408 : memref<16x128xf32, #tpu.memory_space<hbm>>) target(%dma_start3A_1406 : memref<16x128xf32, #tpu.memory_space<vmem>>) target_semaphore(%arg14 : memref<!tpu.dma_semaphore, #tpu.memory_space<semaphore_mem>>)
      } else {
      }
      %dma_wait3A_953 = arith.constant 0 : i32
      %dma_wait3A_954 = arith.constant 0 : i32
      %dma_wait3A_955 = tpu.memref_slice %arg4[%dma_wait3A_953, %dma_wait3A_954] : memref<16x1000000xf32, #tpu.memory_space<hbm>> -> memref<16x2048xf32, #tpu.memory_space<hbm>>
      %dma_wait3A_956 = arith.constant 0 : i32
      %dma_wait3A_957 = arith.constant 0 : i32
      %dma_wait3A_958 = tpu.memref_slice %arg4[%dma_wait3A_956, %dma_wait3A_957] : memref<16x1000000xf32, #tpu.memory_space<hbm>> -> memref<16x2048xf32, #tpu.memory_space<hbm>>
      tpu.wait_dma2 semaphore(%arg14 : memref<!tpu.dma_semaphore, #tpu.memory_space<semaphore_mem>>) src(%dma_wait3A_958 : memref<16x2048xf32, #tpu.memory_space<hbm>>) dst(%arg11 : memref<16x2048xf32, #tpu.memory_space<vmem>>)
      %add3A_959 = arith.constant 1 : i32
      %add3A_960 = arith.addi %mul3A_500, %add3A_959 : i32
      %mul3A_961 = arith.constant 16 : i32
      %mul3A_962 = arith.muli %add3A_960, %mul3A_961 : i32
      %get3A_963 = arith.index_cast %mul3A_962 : i32 to index
      %get3A_964 = tpu.vector_load %arg8[%get3A_963] {strides = array<i32>} : memref<512xi32, #tpu.memory_space<vmem>>, vector<16xi32>,
      %and3A_965 = arith.constant 127 : i32
      %and3A_966 = vector.broadcast %and3A_965 : i32 to vector<16xi32>
      %and3A_967 = arith.andi %get3A_964, %and3A_966 : vector<16xi32>
      %broadcast_in_dim3A_968 = arith.constant 0 : i32
      %broadcast_in_dim3A_969 = vector.broadcast %broadcast_in_dim3A_968 : i32 to vector<16xi32>
      %slice3A_970 = vector.extract_strided_slice %and3A_967 {offsets = [0], sizes = [1], strides = [1]} : vector<16xi32> to vector<1xi32>
      %squeeze3A_971 = vector.extract %slice3A_970[0] : i32 from vector<1xi32>
      %add3A_972 = vector.broadcast %squeeze3A_971 : i32 to vector<16xi32>
      %add3A_973 = arith.addi %broadcast_in_dim3A_969, %add3A_972 : vector<16xi32>
      %gather3A_974 = tpu.vector_load_idx %arg11[%iota3A, %add3A_973] : memref<16x2048xf32, #tpu.memory_space<vmem>>[vector<16xi32>, vector<16xi32>], vector<16xf32>,
      %mul3A_975 = arith.constant 16 : i32
      %mul3A_976 = arith.muli %add3A_960, %mul3A_975 : i32
      %add3A_977 = arith.constant 0 : i32
      %add3A_978 = arith.addi %mul3A_976, %add3A_977 : i32
      %broadcast_in_dim3A_979 = vector.broadcast %add3A_978 : i32 to vector<16xi32>
      tpu.vector_store_idx %arg12[%iota3A, %broadcast_in_dim3A_979], %gather3A_974 : memref<16x512xf32, #tpu.memory_space<vmem>>[vector<16xi32>, vector<16xi32>], vector<16xf32>,
      %broadcast_in_dim3A_980 = arith.constant 128 : i32
      %broadcast_in_dim3A_981 = vector.broadcast %broadcast_in_dim3A_980 : i32 to vector<16xi32>
      %slice3A_982 = vector.extract_strided_slice %and3A_967 {offsets = [1], sizes = [1], strides = [1]} : vector<16xi32> to vector<1xi32>
      %squeeze3A_983 = vector.extract %slice3A_982[0] : i32 from vector<1xi32>
      %add3A_984 = vector.broadcast %squeeze3A_983 : i32 to vector<16xi32>
      %add3A_985 = arith.addi %broadcast_in_dim3A_981, %add3A_984 : vector<16xi32>
      %gather3A_986 = tpu.vector_load_idx %arg11[%iota3A, %add3A_985] : memref<16x2048xf32, #tpu.memory_space<vmem>>[vector<16xi32>, vector<16xi32>], vector<16xf32>,
      %mul3A_987 = arith.constant 16 : i32
      %mul3A_988 = arith.muli %add3A_960, %mul3A_987 : i32
      %add3A_989 = arith.constant 1 : i32
      %add3A_990 = arith.addi %mul3A_988, %add3A_989 : i32
      %broadcast_in_dim3A_991 = vector.broadcast %add3A_990 : i32 to vector<16xi32>
      tpu.vector_store_idx %arg12[%iota3A, %broadcast_in_dim3A_991], %gather3A_986 : memref<16x512xf32, #tpu.memory_space<vmem>>[vector<16xi32>, vector<16xi32>], vector<16xf32>,
      %broadcast_in_dim3A_992 = arith.constant 256 : i32
      %broadcast_in_dim3A_993 = vector.broadcast %broadcast_in_dim3A_992 : i32 to vector<16xi32>
      %slice3A_994 = vector.extract_strided_slice %and3A_967 {offsets = [2], sizes = [1], strides = [1]} : vector<16xi32> to vector<1xi32>
      %squeeze3A_995 = vector.extract %slice3A_994[0] : i32 from vector<1xi32>
      %add3A_996 = vector.broadcast %squeeze3A_995 : i32 to vector<16xi32>
      %add3A_997 = arith.addi %broadcast_in_dim3A_993, %add3A_996 : vector<16xi32>
      %gather3A_998 = tpu.vector_load_idx %arg11[%iota3A, %add3A_997] : memref<16x2048xf32, #tpu.memory_space<vmem>>[vector<16xi32>, vector<16xi32>], vector<16xf32>,
      %mul3A_999 = arith.constant 16 : i32
      %mul3A_1000 = arith.muli %add3A_960, %mul3A_999 : i32
      %add3A_1001 = arith.constant 2 : i32
      %add3A_1002 = arith.addi %mul3A_1000, %add3A_1001 : i32
      %broadcast_in_dim3A_1003 = vector.broadcast %add3A_1002 : i32 to vector<16xi32>
      tpu.vector_store_idx %arg12[%iota3A, %broadcast_in_dim3A_1003], %gather3A_998 : memref<16x512xf32, #tpu.memory_space<vmem>>[vector<16xi32>, vector<16xi32>], vector<16xf32>,
      %broadcast_in_dim3A_1004 = arith.constant 384 : i32
      %broadcast_in_dim3A_1005 = vector.broadcast %broadcast_in_dim3A_1004 : i32 to vector<16xi32>
      %slice3A_1006 = vector.extract_strided_slice %and3A_967 {offsets = [3], sizes = [1], strides = [1]} : vector<16xi32> to vector<1xi32>
      %squeeze3A_1007 = vector.extract %slice3A_1006[0] : i32 from vector<1xi32>
      %add3A_1008 = vector.broadcast %squeeze3A_1007 : i32 to vector<16xi32>
      %add3A_1009 = arith.addi %broadcast_in_dim3A_1005, %add3A_1008 : vector<16xi32>
      %gather3A_1010 = tpu.vector_load_idx %arg11[%iota3A, %add3A_1009] : memref<16x2048xf32, #tpu.memory_space<vmem>>[vector<16xi32>, vector<16xi32>], vector<16xf32>,
      %mul3A_1011 = arith.constant 16 : i32
      %mul3A_1012 = arith.muli %add3A_960, %mul3A_1011 : i32
      %add3A_1013 = arith.constant 3 : i32
      %add3A_1014 = arith.addi %mul3A_1012, %add3A_1013 : i32
      %broadcast_in_dim3A_1015 = vector.broadcast %add3A_1014 : i32 to vector<16xi32>
      tpu.vector_store_idx %arg12[%iota3A, %broadcast_in_dim3A_1015], %gather3A_1010 : memref<16x512xf32, #tpu.memory_space<vmem>>[vector<16xi32>, vector<16xi32>], vector<16xf32>,
      %broadcast_in_dim3A_1016 = arith.constant 512 : i32
      %broadcast_in_dim3A_1017 = vector.broadcast %broadcast_in_dim3A_1016 : i32 to vector<16xi32>
      %slice3A_1018 = vector.extract_strided_slice %and3A_967 {offsets = [4], sizes = [1], strides = [1]} : vector<16xi32> to vector<1xi32>
      %squeeze3A_1019 = vector.extract %slice3A_1018[0] : i32 from vector<1xi32>
      %add3A_1020 = vector.broadcast %squeeze3A_1019 : i32 to vector<16xi32>
      %add3A_1021 = arith.addi %broadcast_in_dim3A_1017, %add3A_1020 : vector<16xi32>
      %gather3A_1022 = tpu.vector_load_idx %arg11[%iota3A, %add3A_1021] : memref<16x2048xf32, #tpu.memory_space<vmem>>[vector<16xi32>, vector<16xi32>], vector<16xf32>,
      %mul3A_1023 = arith.constant 16 : i32
      %mul3A_1024 = arith.muli %add3A_960, %mul3A_1023 : i32
      %add3A_1025 = arith.constant 4 : i32
      %add3A_1026 = arith.addi %mul3A_1024, %add3A_1025 : i32
      %broadcast_in_dim3A_1027 = vector.broadcast %add3A_1026 : i32 to vector<16xi32>
      tpu.vector_store_idx %arg12[%iota3A, %broadcast_in_dim3A_1027], %gather3A_1022 : memref<16x512xf32, #tpu.memory_space<vmem>>[vector<16xi32>, vector<16xi32>], vector<16xf32>,
      %broadcast_in_dim3A_1028 = arith.constant 640 : i32
      %broadcast_in_dim3A_1029 = vector.broadcast %broadcast_in_dim3A_1028 : i32 to vector<16xi32>
      %slice3A_1030 = vector.extract_strided_slice %and3A_967 {offsets = [5], sizes = [1], strides = [1]} : vector<16xi32> to vector<1xi32>
      %squeeze3A_1031 = vector.extract %slice3A_1030[0] : i32 from vector<1xi32>
      %add3A_1032 = vector.broadcast %squeeze3A_1031 : i32 to vector<16xi32>
      %add3A_1033 = arith.addi %broadcast_in_dim3A_1029, %add3A_1032 : vector<16xi32>
      %gather3A_1034 = tpu.vector_load_idx %arg11[%iota3A, %add3A_1033] : memref<16x2048xf32, #tpu.memory_space<vmem>>[vector<16xi32>, vector<16xi32>], vector<16xf32>,
      %mul3A_1035 = arith.constant 16 : i32
      %mul3A_1036 = arith.muli %add3A_960, %mul3A_1035 : i32
      %add3A_1037 = arith.constant 5 : i32
      %add3A_1038 = arith.addi %mul3A_1036, %add3A_1037 : i32
      %broadcast_in_dim3A_1039 = vector.broadcast %add3A_1038 : i32 to vector<16xi32>
      tpu.vector_store_idx %arg12[%iota3A, %broadcast_in_dim3A_1039], %gather3A_1034 : memref<16x512xf32, #tpu.memory_space<vmem>>[vector<16xi32>, vector<16xi32>], vector<16xf32>,
      %broadcast_in_dim3A_1040 = arith.constant 768 : i32
      %broadcast_in_dim3A_1041 = vector.broadcast %broadcast_in_dim3A_1040 : i32 to vector<16xi32>
      %slice3A_1042 = vector.extract_strided_slice %and3A_967 {offsets = [6], sizes = [1], strides = [1]} : vector<16xi32> to vector<1xi32>
      %squeeze3A_1043 = vector.extract %slice3A_1042[0] : i32 from vector<1xi32>
      %add3A_1044 = vector.broadcast %squeeze3A_1043 : i32 to vector<16xi32>
      %add3A_1045 = arith.addi %broadcast_in_dim3A_1041, %add3A_1044 : vector<16xi32>
      %gather3A_1046 = tpu.vector_load_idx %arg11[%iota3A, %add3A_1045] : memref<16x2048xf32, #tpu.memory_space<vmem>>[vector<16xi32>, vector<16xi32>], vector<16xf32>,
      %mul3A_1047 = arith.constant 16 : i32
      %mul3A_1048 = arith.muli %add3A_960, %mul3A_1047 : i32
      %add3A_1049 = arith.constant 6 : i32
      %add3A_1050 = arith.addi %mul3A_1048, %add3A_1049 : i32
      %broadcast_in_dim3A_1051 = vector.broadcast %add3A_1050 : i32 to vector<16xi32>
      tpu.vector_store_idx %arg12[%iota3A, %broadcast_in_dim3A_1051], %gather3A_1046 : memref<16x512xf32, #tpu.memory_space<vmem>>[vector<16xi32>, vector<16xi32>], vector<16xf32>,
      %broadcast_in_dim3A_1052 = arith.constant 896 : i32
      %broadcast_in_dim3A_1053 = vector.broadcast %broadcast_in_dim3A_1052 : i32 to vector<16xi32>
      %slice3A_1054 = vector.extract_strided_slice %and3A_967 {offsets = [7], sizes = [1], strides = [1]} : vector<16xi32> to vector<1xi32>
      %squeeze3A_1055 = vector.extract %slice3A_1054[0] : i32 from vector<1xi32>
      %add3A_1056 = vector.broadcast %squeeze3A_1055 : i32 to vector<16xi32>
      %add3A_1057 = arith.addi %broadcast_in_dim3A_1053, %add3A_1056 : vector<16xi32>
      %gather3A_1058 = tpu.vector_load_idx %arg11[%iota3A, %add3A_1057] : memref<16x2048xf32, #tpu.memory_space<vmem>>[vector<16xi32>, vector<16xi32>], vector<16xf32>,
      %mul3A_1059 = arith.constant 16 : i32
      %mul3A_1060 = arith.muli %add3A_960, %mul3A_1059 : i32
      %add3A_1061 = arith.constant 7 : i32
      %add3A_1062 = arith.addi %mul3A_1060, %add3A_1061 : i32
      %broadcast_in_dim3A_1063 = vector.broadcast %add3A_1062 : i32 to vector<16xi32>
      tpu.vector_store_idx %arg12[%iota3A, %broadcast_in_dim3A_1063], %gather3A_1058 : memref<16x512xf32, #tpu.memory_space<vmem>>[vector<16xi32>, vector<16xi32>], vector<16xf32>,
      %broadcast_in_dim3A_1064 = arith.constant 1024 : i32
      %broadcast_in_dim3A_1065 = vector.broadcast %broadcast_in_dim3A_1064 : i32 to vector<16xi32>
      %slice3A_1066 = vector.extract_strided_slice %and3A_967 {offsets = [8], sizes = [1], strides = [1]} : vector<16xi32> to vector<1xi32>
      %squeeze3A_1067 = vector.extract %slice3A_1066[0] : i32 from vector<1xi32>
      %add3A_1068 = vector.broadcast %squeeze3A_1067 : i32 to vector<16xi32>
      %add3A_1069 = arith.addi %broadcast_in_dim3A_1065, %add3A_1068 : vector<16xi32>
      %gather3A_1070 = tpu.vector_load_idx %arg11[%iota3A, %add3A_1069] : memref<16x2048xf32, #tpu.memory_space<vmem>>[vector<16xi32>, vector<16xi32>], vector<16xf32>,
      %mul3A_1071 = arith.constant 16 : i32
      %mul3A_1072 = arith.muli %add3A_960, %mul3A_1071 : i32
      %add3A_1073 = arith.constant 8 : i32
      %add3A_1074 = arith.addi %mul3A_1072, %add3A_1073 : i32
      %broadcast_in_dim3A_1075 = vector.broadcast %add3A_1074 : i32 to vector<16xi32>
      tpu.vector_store_idx %arg12[%iota3A, %broadcast_in_dim3A_1075], %gather3A_1070 : memref<16x512xf32, #tpu.memory_space<vmem>>[vector<16xi32>, vector<16xi32>], vector<16xf32>,
      %broadcast_in_dim3A_1076 = arith.constant 1152 : i32
      %broadcast_in_dim3A_1077 = vector.broadcast %broadcast_in_dim3A_1076 : i32 to vector<16xi32>
      %slice3A_1078 = vector.extract_strided_slice %and3A_967 {offsets = [9], sizes = [1], strides = [1]} : vector<16xi32> to vector<1xi32>
      %squeeze3A_1079 = vector.extract %slice3A_1078[0] : i32 from vector<1xi32>
      %add3A_1080 = vector.broadcast %squeeze3A_1079 : i32 to vector<16xi32>
      %add3A_1081 = arith.addi %broadcast_in_dim3A_1077, %add3A_1080 : vector<16xi32>
      %gather3A_1082 = tpu.vector_load_idx %arg11[%iota3A, %add3A_1081] : memref<16x2048xf32, #tpu.memory_space<vmem>>[vector<16xi32>, vector<16xi32>], vector<16xf32>,
      %mul3A_1083 = arith.constant 16 : i32
      %mul3A_1084 = arith.muli %add3A_960, %mul3A_1083 : i32
      %add3A_1085 = arith.constant 9 : i32
      %add3A_1086 = arith.addi %mul3A_1084, %add3A_1085 : i32
      %broadcast_in_dim3A_1087 = vector.broadcast %add3A_1086 : i32 to vector<16xi32>
      tpu.vector_store_idx %arg12[%iota3A, %broadcast_in_dim3A_1087], %gather3A_1082 : memref<16x512xf32, #tpu.memory_space<vmem>>[vector<16xi32>, vector<16xi32>], vector<16xf32>,
      %broadcast_in_dim3A_1088 = arith.constant 1280 : i32
      %broadcast_in_dim3A_1089 = vector.broadcast %broadcast_in_dim3A_1088 : i32 to vector<16xi32>
      %slice3A_1090 = vector.extract_strided_slice %and3A_967 {offsets = [10], sizes = [1], strides = [1]} : vector<16xi32> to vector<1xi32>
      %squeeze3A_1091 = vector.extract %slice3A_1090[0] : i32 from vector<1xi32>
      %add3A_1092 = vector.broadcast %squeeze3A_1091 : i32 to vector<16xi32>
      %add3A_1093 = arith.addi %broadcast_in_dim3A_1089, %add3A_1092 : vector<16xi32>
      %gather3A_1094 = tpu.vector_load_idx %arg11[%iota3A, %add3A_1093] : memref<16x2048xf32, #tpu.memory_space<vmem>>[vector<16xi32>, vector<16xi32>], vector<16xf32>,
      %mul3A_1095 = arith.constant 16 : i32
      %mul3A_1096 = arith.muli %add3A_960, %mul3A_1095 : i32
      %add3A_1097 = arith.constant 10 : i32
      %add3A_1098 = arith.addi %mul3A_1096, %add3A_1097 : i32
      %broadcast_in_dim3A_1099 = vector.broadcast %add3A_1098 : i32 to vector<16xi32>
      tpu.vector_store_idx %arg12[%iota3A, %broadcast_in_dim3A_1099], %gather3A_1094 : memref<16x512xf32, #tpu.memory_space<vmem>>[vector<16xi32>, vector<16xi32>], vector<16xf32>,
      %broadcast_in_dim3A_1100 = arith.constant 1408 : i32
      %broadcast_in_dim3A_1101 = vector.broadcast %broadcast_in_dim3A_1100 : i32 to vector<16xi32>
      %slice3A_1102 = vector.extract_strided_slice %and3A_967 {offsets = [11], sizes = [1], strides = [1]} : vector<16xi32> to vector<1xi32>
      %squeeze3A_1103 = vector.extract %slice3A_1102[0] : i32 from vector<1xi32>
      %add3A_1104 = vector.broadcast %squeeze3A_1103 : i32 to vector<16xi32>
      %add3A_1105 = arith.addi %broadcast_in_dim3A_1101, %add3A_1104 : vector<16xi32>
      %gather3A_1106 = tpu.vector_load_idx %arg11[%iota3A, %add3A_1105] : memref<16x2048xf32, #tpu.memory_space<vmem>>[vector<16xi32>, vector<16xi32>], vector<16xf32>,
      %mul3A_1107 = arith.constant 16 : i32
      %mul3A_1108 = arith.muli %add3A_960, %mul3A_1107 : i32
      %add3A_1109 = arith.constant 11 : i32
      %add3A_1110 = arith.addi %mul3A_1108, %add3A_1109 : i32
      %broadcast_in_dim3A_1111 = vector.broadcast %add3A_1110 : i32 to vector<16xi32>
      tpu.vector_store_idx %arg12[%iota3A, %broadcast_in_dim3A_1111], %gather3A_1106 : memref<16x512xf32, #tpu.memory_space<vmem>>[vector<16xi32>, vector<16xi32>], vector<16xf32>,
      %broadcast_in_dim3A_1112 = arith.constant 1536 : i32
      %broadcast_in_dim3A_1113 = vector.broadcast %broadcast_in_dim3A_1112 : i32 to vector<16xi32>
      %slice3A_1114 = vector.extract_strided_slice %and3A_967 {offsets = [12], sizes = [1], strides = [1]} : vector<16xi32> to vector<1xi32>
      %squeeze3A_1115 = vector.extract %slice3A_1114[0] : i32 from vector<1xi32>
      %add3A_1116 = vector.broadcast %squeeze3A_1115 : i32 to vector<16xi32>
      %add3A_1117 = arith.addi %broadcast_in_dim3A_1113, %add3A_1116 : vector<16xi32>
      %gather3A_1118 = tpu.vector_load_idx %arg11[%iota3A, %add3A_1117] : memref<16x2048xf32, #tpu.memory_space<vmem>>[vector<16xi32>, vector<16xi32>], vector<16xf32>,
      %mul3A_1119 = arith.constant 16 : i32
      %mul3A_1120 = arith.muli %add3A_960, %mul3A_1119 : i32
      %add3A_1121 = arith.constant 12 : i32
      %add3A_1122 = arith.addi %mul3A_1120, %add3A_1121 : i32
      %broadcast_in_dim3A_1123 = vector.broadcast %add3A_1122 : i32 to vector<16xi32>
      tpu.vector_store_idx %arg12[%iota3A, %broadcast_in_dim3A_1123], %gather3A_1118 : memref<16x512xf32, #tpu.memory_space<vmem>>[vector<16xi32>, vector<16xi32>], vector<16xf32>,
      %broadcast_in_dim3A_1124 = arith.constant 1664 : i32
      %broadcast_in_dim3A_1125 = vector.broadcast %broadcast_in_dim3A_1124 : i32 to vector<16xi32>
      %slice3A_1126 = vector.extract_strided_slice %and3A_967 {offsets = [13], sizes = [1], strides = [1]} : vector<16xi32> to vector<1xi32>
      %squeeze3A_1127 = vector.extract %slice3A_1126[0] : i32 from vector<1xi32>
      %add3A_1128 = vector.broadcast %squeeze3A_1127 : i32 to vector<16xi32>
      %add3A_1129 = arith.addi %broadcast_in_dim3A_1125, %add3A_1128 : vector<16xi32>
      %gather3A_1130 = tpu.vector_load_idx %arg11[%iota3A, %add3A_1129] : memref<16x2048xf32, #tpu.memory_space<vmem>>[vector<16xi32>, vector<16xi32>], vector<16xf32>,
      %mul3A_1131 = arith.constant 16 : i32
      %mul3A_1132 = arith.muli %add3A_960, %mul3A_1131 : i32
      %add3A_1133 = arith.constant 13 : i32
      %add3A_1134 = arith.addi %mul3A_1132, %add3A_1133 : i32
      %broadcast_in_dim3A_1135 = vector.broadcast %add3A_1134 : i32 to vector<16xi32>
      tpu.vector_store_idx %arg12[%iota3A, %broadcast_in_dim3A_1135], %gather3A_1130 : memref<16x512xf32, #tpu.memory_space<vmem>>[vector<16xi32>, vector<16xi32>], vector<16xf32>,
      %broadcast_in_dim3A_1136 = arith.constant 1792 : i32
      %broadcast_in_dim3A_1137 = vector.broadcast %broadcast_in_dim3A_1136 : i32 to vector<16xi32>
      %slice3A_1138 = vector.extract_strided_slice %and3A_967 {offsets = [14], sizes = [1], strides = [1]} : vector<16xi32> to vector<1xi32>
      %squeeze3A_1139 = vector.extract %slice3A_1138[0] : i32 from vector<1xi32>
      %add3A_1140 = vector.broadcast %squeeze3A_1139 : i32 to vector<16xi32>
      %add3A_1141 = arith.addi %broadcast_in_dim3A_1137, %add3A_1140 : vector<16xi32>
      %gather3A_1142 = tpu.vector_load_idx %arg11[%iota3A, %add3A_1141] : memref<16x2048xf32, #tpu.memory_space<vmem>>[vector<16xi32>, vector<16xi32>], vector<16xf32>,
      %mul3A_1143 = arith.constant 16 : i32
      %mul3A_1144 = arith.muli %add3A_960, %mul3A_1143 : i32
      %add3A_1145 = arith.constant 14 : i32
      %add3A_1146 = arith.addi %mul3A_1144, %add3A_1145 : i32
      %broadcast_in_dim3A_1147 = vector.broadcast %add3A_1146 : i32 to vector<16xi32>
      tpu.vector_store_idx %arg12[%iota3A, %broadcast_in_dim3A_1147], %gather3A_1142 : memref<16x512xf32, #tpu.memory_space<vmem>>[vector<16xi32>, vector<16xi32>], vector<16xf32>,
      %broadcast_in_dim3A_1148 = arith.constant 1920 : i32
      %broadcast_in_dim3A_1149 = vector.broadcast %broadcast_in_dim3A_1148 : i32 to vector<16xi32>
      %slice3A_1150 = vector.extract_strided_slice %and3A_967 {offsets = [15], sizes = [1], strides = [1]} : vector<16xi32> to vector<1xi32>
      %squeeze3A_1151 = vector.extract %slice3A_1150[0] : i32 from vector<1xi32>
      %add3A_1152 = vector.broadcast %squeeze3A_1151 : i32 to vector<16xi32>
      %add3A_1153 = arith.addi %broadcast_in_dim3A_1149, %add3A_1152 : vector<16xi32>
      %gather3A_1154 = tpu.vector_load_idx %arg11[%iota3A, %add3A_1153] : memref<16x2048xf32, #tpu.memory_space<vmem>>[vector<16xi32>, vector<16xi32>], vector<16xf32>,
      %mul3A_1155 = arith.constant 16 : i32
      %mul3A_1156 = arith.muli %add3A_960, %mul3A_1155 : i32
      %add3A_1157 = arith.constant 15 : i32
      %add3A_1158 = arith.addi %mul3A_1156, %add3A_1157 : i32
      %broadcast_in_dim3A_1159 = vector.broadcast %add3A_1158 : i32 to vector<16xi32>
      tpu.vector_store_idx %arg12[%iota3A, %broadcast_in_dim3A_1159], %gather3A_1154 : memref<16x512xf32, #tpu.memory_space<vmem>>[vector<16xi32>, vector<16xi32>], vector<16xf32>,
    }
    %scan3A_246 = arith.constant 16 : i32
    %get3A_247 = arith.constant 0 : index
    %get3A_248 = tpu.vector_load %arg9[%get3A_247] {strides = array<i32>} : memref<512xi32, #tpu.memory_space<vmem>>, vector<16xi32>,
    %shift_right_logical3A_249 = arith.constant 7 : i32
    %shift_right_logical3A_250 = vector.broadcast %shift_right_logical3A_249 : i32 to vector<16xi32>
    %shift_right_logical3A_251 = arith.shrui %get3A_248, %shift_right_logical3A_250 : vector<16xi32>
    %slice3A_252 = vector.extract_strided_slice %shift_right_logical3A_251 {offsets = [0], sizes = [1], strides = [1]} : vector<16xi32> to vector<1xi32>
    %squeeze3A_253 = vector.extract %slice3A_252[0] : i32 from vector<1xi32>
    %mul3A_254 = arith.constant 128 : i32
    %mul3A_255 = arith.muli %squeeze3A_253, %mul3A_254 : i32
    %multiple_of3A_256 = tpu.assume_multiple %mul3A_255, 128 : i32
    %dma_start3A_257 = arith.constant 0 : i32
    %dma_start3A_258 = arith.constant 0 : i32
    %dma_start3A_259 = tpu.memref_slice %arg10[%dma_start3A_257, %dma_start3A_258] : memref<16x2048xf32, #tpu.memory_space<vmem>> -> memref<16x128xf32, #tpu.memory_space<vmem>>
    %dma_start3A_260 = arith.constant 0 : i32
    %dma_start3A_261 = tpu.memref_slice %arg5[%dma_start3A_260, %multiple_of3A_256] : memref<16x1000000xf32, #tpu.memory_space<hbm>> -> memref<16x128xf32, #tpu.memory_space<hbm>>
    %dma_start3A_262 = arith.constant 0 : i32
    %dma_start3A_263 = arith.constant 0 : i32
    %dma_start3A_264 = tpu.memref_slice %arg10[%dma_start3A_262, %dma_start3A_263] : memref<16x2048xf32, #tpu.memory_space<vmem>> -> memref<16x128xf32, #tpu.memory_space<vmem>>
    %dma_start3A_265 = arith.constant 0 : i32
    %dma_start3A_266 = tpu.memref_slice %arg5[%dma_start3A_265, %multiple_of3A_256] : memref<16x1000000xf32, #tpu.memory_space<hbm>> -> memref<16x128xf32, #tpu.memory_space<hbm>>
    tpu.enqueue_dma source(%dma_start3A_266 : memref<16x128xf32, #tpu.memory_space<hbm>>) target(%dma_start3A_264 : memref<16x128xf32, #tpu.memory_space<vmem>>) target_semaphore(%arg14 : memref<!tpu.dma_semaphore, #tpu.memory_space<semaphore_mem>>)
    %slice3A_267 = vector.extract_strided_slice %shift_right_logical3A_251 {offsets = [1], sizes = [1], strides = [1]} : vector<16xi32> to vector<1xi32>
    %squeeze3A_268 = vector.extract %slice3A_267[0] : i32 from vector<1xi32>
    %mul3A_269 = arith.constant 128 : i32
    %mul3A_270 = arith.muli %squeeze3A_268, %mul3A_269 : i32
    %multiple_of3A_271 = tpu.assume_multiple %mul3A_270, 128 : i32
    %dma_start3A_272 = arith.constant 0 : i32
    %dma_start3A_273 = arith.constant 128 : i32
    %dma_start3A_274 = tpu.memref_slice %arg10[%dma_start3A_272, %dma_start3A_273] : memref<16x2048xf32, #tpu.memory_space<vmem>> -> memref<16x128xf32, #tpu.memory_space<vmem>>
    %dma_start3A_275 = arith.constant 0 : i32
    %dma_start3A_276 = tpu.memref_slice %arg5[%dma_start3A_275, %multiple_of3A_271] : memref<16x1000000xf32, #tpu.memory_space<hbm>> -> memref<16x128xf32, #tpu.memory_space<hbm>>
    %dma_start3A_277 = arith.constant 0 : i32
    %dma_start3A_278 = arith.constant 128 : i32
    %dma_start3A_279 = tpu.memref_slice %arg10[%dma_start3A_277, %dma_start3A_278] : memref<16x2048xf32, #tpu.memory_space<vmem>> -> memref<16x128xf32, #tpu.memory_space<vmem>>
    %dma_start3A_280 = arith.constant 0 : i32
    %dma_start3A_281 = tpu.memref_slice %arg5[%dma_start3A_280, %multiple_of3A_271] : memref<16x1000000xf32, #tpu.memory_space<hbm>> -> memref<16x128xf32, #tpu.memory_space<hbm>>
    tpu.enqueue_dma source(%dma_start3A_281 : memref<16x128xf32, #tpu.memory_space<hbm>>) target(%dma_start3A_279 : memref<16x128xf32, #tpu.memory_space<vmem>>) target_semaphore(%arg14 : memref<!tpu.dma_semaphore, #tpu.memory_space<semaphore_mem>>)
    %slice3A_282 = vector.extract_strided_slice %shift_right_logical3A_251 {offsets = [2], sizes = [1], strides = [1]} : vector<16xi32> to vector<1xi32>
    %squeeze3A_283 = vector.extract %slice3A_282[0] : i32 from vector<1xi32>
    %mul3A_284 = arith.constant 128 : i32
    %mul3A_285 = arith.muli %squeeze3A_283, %mul3A_284 : i32
    %multiple_of3A_286 = tpu.assume_multiple %mul3A_285, 128 : i32
    %dma_start3A_287 = arith.constant 0 : i32
    %dma_start3A_288 = arith.constant 256 : i32
    %dma_start3A_289 = tpu.memref_slice %arg10[%dma_start3A_287, %dma_start3A_288] : memref<16x2048xf32, #tpu.memory_space<vmem>> -> memref<16x128xf32, #tpu.memory_space<vmem>>
    %dma_start3A_290 = arith.constant 0 : i32
    %dma_start3A_291 = tpu.memref_slice %arg5[%dma_start3A_290, %multiple_of3A_286] : memref<16x1000000xf32, #tpu.memory_space<hbm>> -> memref<16x128xf32, #tpu.memory_space<hbm>>
    %dma_start3A_292 = arith.constant 0 : i32
    %dma_start3A_293 = arith.constant 256 : i32
    %dma_start3A_294 = tpu.memref_slice %arg10[%dma_start3A_292, %dma_start3A_293] : memref<16x2048xf32, #tpu.memory_space<vmem>> -> memref<16x128xf32, #tpu.memory_space<vmem>>
    %dma_start3A_295 = arith.constant 0 : i32
    %dma_start3A_296 = tpu.memref_slice %arg5[%dma_start3A_295, %multiple_of3A_286] : memref<16x1000000xf32, #tpu.memory_space<hbm>> -> memref<16x128xf32, #tpu.memory_space<hbm>>
    tpu.enqueue_dma source(%dma_start3A_296 : memref<16x128xf32, #tpu.memory_space<hbm>>) target(%dma_start3A_294 : memref<16x128xf32, #tpu.memory_space<vmem>>) target_semaphore(%arg14 : memref<!tpu.dma_semaphore, #tpu.memory_space<semaphore_mem>>)
    %slice3A_297 = vector.extract_strided_slice %shift_right_logical3A_251 {offsets = [3], sizes = [1], strides = [1]} : vector<16xi32> to vector<1xi32>
    %squeeze3A_298 = vector.extract %slice3A_297[0] : i32 from vector<1xi32>
    %mul3A_299 = arith.constant 128 : i32
    %mul3A_300 = arith.muli %squeeze3A_298, %mul3A_299 : i32
    %multiple_of3A_301 = tpu.assume_multiple %mul3A_300, 128 : i32
    %dma_start3A_302 = arith.constant 0 : i32
    %dma_start3A_303 = arith.constant 384 : i32
    %dma_start3A_304 = tpu.memref_slice %arg10[%dma_start3A_302, %dma_start3A_303] : memref<16x2048xf32, #tpu.memory_space<vmem>> -> memref<16x128xf32, #tpu.memory_space<vmem>>
    %dma_start3A_305 = arith.constant 0 : i32
    %dma_start3A_306 = tpu.memref_slice %arg5[%dma_start3A_305, %multiple_of3A_301] : memref<16x1000000xf32, #tpu.memory_space<hbm>> -> memref<16x128xf32, #tpu.memory_space<hbm>>
    %dma_start3A_307 = arith.constant 0 : i32
    %dma_start3A_308 = arith.constant 384 : i32
    %dma_start3A_309 = tpu.memref_slice %arg10[%dma_start3A_307, %dma_start3A_308] : memref<16x2048xf32, #tpu.memory_space<vmem>> -> memref<16x128xf32, #tpu.memory_space<vmem>>
    %dma_start3A_310 = arith.constant 0 : i32
    %dma_start3A_311 = tpu.memref_slice %arg5[%dma_start3A_310, %multiple_of3A_301] : memref<16x1000000xf32, #tpu.memory_space<hbm>> -> memref<16x128xf32, #tpu.memory_space<hbm>>
    tpu.enqueue_dma source(%dma_start3A_311 : memref<16x128xf32, #tpu.memory_space<hbm>>) target(%dma_start3A_309 : memref<16x128xf32, #tpu.memory_space<vmem>>) target_semaphore(%arg14 : memref<!tpu.dma_semaphore, #tpu.memory_space<semaphore_mem>>)
    %slice3A_312 = vector.extract_strided_slice %shift_right_logical3A_251 {offsets = [4], sizes = [1], strides = [1]} : vector<16xi32> to vector<1xi32>
    %squeeze3A_313 = vector.extract %slice3A_312[0] : i32 from vector<1xi32>
    %mul3A_314 = arith.constant 128 : i32
    %mul3A_315 = arith.muli %squeeze3A_313, %mul3A_314 : i32
    %multiple_of3A_316 = tpu.assume_multiple %mul3A_315, 128 : i32
    %dma_start3A_317 = arith.constant 0 : i32
    %dma_start3A_318 = arith.constant 512 : i32
    %dma_start3A_319 = tpu.memref_slice %arg10[%dma_start3A_317, %dma_start3A_318] : memref<16x2048xf32, #tpu.memory_space<vmem>> -> memref<16x128xf32, #tpu.memory_space<vmem>>
    %dma_start3A_320 = arith.constant 0 : i32
    %dma_start3A_321 = tpu.memref_slice %arg5[%dma_start3A_320, %multiple_of3A_316] : memref<16x1000000xf32, #tpu.memory_space<hbm>> -> memref<16x128xf32, #tpu.memory_space<hbm>>
    %dma_start3A_322 = arith.constant 0 : i32
    %dma_start3A_323 = arith.constant 512 : i32
    %dma_start3A_324 = tpu.memref_slice %arg10[%dma_start3A_322, %dma_start3A_323] : memref<16x2048xf32, #tpu.memory_space<vmem>> -> memref<16x128xf32, #tpu.memory_space<vmem>>
    %dma_start3A_325 = arith.constant 0 : i32
    %dma_start3A_326 = tpu.memref_slice %arg5[%dma_start3A_325, %multiple_of3A_316] : memref<16x1000000xf32, #tpu.memory_space<hbm>> -> memref<16x128xf32, #tpu.memory_space<hbm>>
    tpu.enqueue_dma source(%dma_start3A_326 : memref<16x128xf32, #tpu.memory_space<hbm>>) target(%dma_start3A_324 : memref<16x128xf32, #tpu.memory_space<vmem>>) target_semaphore(%arg14 : memref<!tpu.dma_semaphore, #tpu.memory_space<semaphore_mem>>)
    %slice3A_327 = vector.extract_strided_slice %shift_right_logical3A_251 {offsets = [5], sizes = [1], strides = [1]} : vector<16xi32> to vector<1xi32>
    %squeeze3A_328 = vector.extract %slice3A_327[0] : i32 from vector<1xi32>
    %mul3A_329 = arith.constant 128 : i32
    %mul3A_330 = arith.muli %squeeze3A_328, %mul3A_329 : i32
    %multiple_of3A_331 = tpu.assume_multiple %mul3A_330, 128 : i32
    %dma_start3A_332 = arith.constant 0 : i32
    %dma_start3A_333 = arith.constant 640 : i32
    %dma_start3A_334 = tpu.memref_slice %arg10[%dma_start3A_332, %dma_start3A_333] : memref<16x2048xf32, #tpu.memory_space<vmem>> -> memref<16x128xf32, #tpu.memory_space<vmem>>
    %dma_start3A_335 = arith.constant 0 : i32
    %dma_start3A_336 = tpu.memref_slice %arg5[%dma_start3A_335, %multiple_of3A_331] : memref<16x1000000xf32, #tpu.memory_space<hbm>> -> memref<16x128xf32, #tpu.memory_space<hbm>>
    %dma_start3A_337 = arith.constant 0 : i32
    %dma_start3A_338 = arith.constant 640 : i32
    %dma_start3A_339 = tpu.memref_slice %arg10[%dma_start3A_337, %dma_start3A_338] : memref<16x2048xf32, #tpu.memory_space<vmem>> -> memref<16x128xf32, #tpu.memory_space<vmem>>
    %dma_start3A_340 = arith.constant 0 : i32
    %dma_start3A_341 = tpu.memref_slice %arg5[%dma_start3A_340, %multiple_of3A_331] : memref<16x1000000xf32, #tpu.memory_space<hbm>> -> memref<16x128xf32, #tpu.memory_space<hbm>>
    tpu.enqueue_dma source(%dma_start3A_341 : memref<16x128xf32, #tpu.memory_space<hbm>>) target(%dma_start3A_339 : memref<16x128xf32, #tpu.memory_space<vmem>>) target_semaphore(%arg14 : memref<!tpu.dma_semaphore, #tpu.memory_space<semaphore_mem>>)
    %slice3A_342 = vector.extract_strided_slice %shift_right_logical3A_251 {offsets = [6], sizes = [1], strides = [1]} : vector<16xi32> to vector<1xi32>
    %squeeze3A_343 = vector.extract %slice3A_342[0] : i32 from vector<1xi32>
    %mul3A_344 = arith.constant 128 : i32
    %mul3A_345 = arith.muli %squeeze3A_343, %mul3A_344 : i32
    %multiple_of3A_346 = tpu.assume_multiple %mul3A_345, 128 : i32
    %dma_start3A_347 = arith.constant 0 : i32
    %dma_start3A_348 = arith.constant 768 : i32
    %dma_start3A_349 = tpu.memref_slice %arg10[%dma_start3A_347, %dma_start3A_348] : memref<16x2048xf32, #tpu.memory_space<vmem>> -> memref<16x128xf32, #tpu.memory_space<vmem>>
    %dma_start3A_350 = arith.constant 0 : i32
    %dma_start3A_351 = tpu.memref_slice %arg5[%dma_start3A_350, %multiple_of3A_346] : memref<16x1000000xf32, #tpu.memory_space<hbm>> -> memref<16x128xf32, #tpu.memory_space<hbm>>
    %dma_start3A_352 = arith.constant 0 : i32
    %dma_start3A_353 = arith.constant 768 : i32
    %dma_start3A_354 = tpu.memref_slice %arg10[%dma_start3A_352, %dma_start3A_353] : memref<16x2048xf32, #tpu.memory_space<vmem>> -> memref<16x128xf32, #tpu.memory_space<vmem>>
    %dma_start3A_355 = arith.constant 0 : i32
    %dma_start3A_356 = tpu.memref_slice %arg5[%dma_start3A_355, %multiple_of3A_346] : memref<16x1000000xf32, #tpu.memory_space<hbm>> -> memref<16x128xf32, #tpu.memory_space<hbm>>
    tpu.enqueue_dma source(%dma_start3A_356 : memref<16x128xf32, #tpu.memory_space<hbm>>) target(%dma_start3A_354 : memref<16x128xf32, #tpu.memory_space<vmem>>) target_semaphore(%arg14 : memref<!tpu.dma_semaphore, #tpu.memory_space<semaphore_mem>>)
    %slice3A_357 = vector.extract_strided_slice %shift_right_logical3A_251 {offsets = [7], sizes = [1], strides = [1]} : vector<16xi32> to vector<1xi32>
    %squeeze3A_358 = vector.extract %slice3A_357[0] : i32 from vector<1xi32>
    %mul3A_359 = arith.constant 128 : i32
    %mul3A_360 = arith.muli %squeeze3A_358, %mul3A_359 : i32
    %multiple_of3A_361 = tpu.assume_multiple %mul3A_360, 128 : i32
    %dma_start3A_362 = arith.constant 0 : i32
    %dma_start3A_363 = arith.constant 896 : i32
    %dma_start3A_364 = tpu.memref_slice %arg10[%dma_start3A_362, %dma_start3A_363] : memref<16x2048xf32, #tpu.memory_space<vmem>> -> memref<16x128xf32, #tpu.memory_space<vmem>>
    %dma_start3A_365 = arith.constant 0 : i32
    %dma_start3A_366 = tpu.memref_slice %arg5[%dma_start3A_365, %multiple_of3A_361] : memref<16x1000000xf32, #tpu.memory_space<hbm>> -> memref<16x128xf32, #tpu.memory_space<hbm>>
    %dma_start3A_367 = arith.constant 0 : i32
    %dma_start3A_368 = arith.constant 896 : i32
    %dma_start3A_369 = tpu.memref_slice %arg10[%dma_start3A_367, %dma_start3A_368] : memref<16x2048xf32, #tpu.memory_space<vmem>> -> memref<16x128xf32, #tpu.memory_space<vmem>>
    %dma_start3A_370 = arith.constant 0 : i32
    %dma_start3A_371 = tpu.memref_slice %arg5[%dma_start3A_370, %multiple_of3A_361] : memref<16x1000000xf32, #tpu.memory_space<hbm>> -> memref<16x128xf32, #tpu.memory_space<hbm>>
    tpu.enqueue_dma source(%dma_start3A_371 : memref<16x128xf32, #tpu.memory_space<hbm>>) target(%dma_start3A_369 : memref<16x128xf32, #tpu.memory_space<vmem>>) target_semaphore(%arg14 : memref<!tpu.dma_semaphore, #tpu.memory_space<semaphore_mem>>)
    %slice3A_372 = vector.extract_strided_slice %shift_right_logical3A_251 {offsets = [8], sizes = [1], strides = [1]} : vector<16xi32> to vector<1xi32>
    %squeeze3A_373 = vector.extract %slice3A_372[0] : i32 from vector<1xi32>
    %mul3A_374 = arith.constant 128 : i32
    %mul3A_375 = arith.muli %squeeze3A_373, %mul3A_374 : i32
    %multiple_of3A_376 = tpu.assume_multiple %mul3A_375, 128 : i32
    %dma_start3A_377 = arith.constant 0 : i32
    %dma_start3A_378 = arith.constant 1024 : i32
    %dma_start3A_379 = tpu.memref_slice %arg10[%dma_start3A_377, %dma_start3A_378] : memref<16x2048xf32, #tpu.memory_space<vmem>> -> memref<16x128xf32, #tpu.memory_space<vmem>>
    %dma_start3A_380 = arith.constant 0 : i32
    %dma_start3A_381 = tpu.memref_slice %arg5[%dma_start3A_380, %multiple_of3A_376] : memref<16x1000000xf32, #tpu.memory_space<hbm>> -> memref<16x128xf32, #tpu.memory_space<hbm>>
    %dma_start3A_382 = arith.constant 0 : i32
    %dma_start3A_383 = arith.constant 1024 : i32
    %dma_start3A_384 = tpu.memref_slice %arg10[%dma_start3A_382, %dma_start3A_383] : memref<16x2048xf32, #tpu.memory_space<vmem>> -> memref<16x128xf32, #tpu.memory_space<vmem>>
    %dma_start3A_385 = arith.constant 0 : i32
    %dma_start3A_386 = tpu.memref_slice %arg5[%dma_start3A_385, %multiple_of3A_376] : memref<16x1000000xf32, #tpu.memory_space<hbm>> -> memref<16x128xf32, #tpu.memory_space<hbm>>
    tpu.enqueue_dma source(%dma_start3A_386 : memref<16x128xf32, #tpu.memory_space<hbm>>) target(%dma_start3A_384 : memref<16x128xf32, #tpu.memory_space<vmem>>) target_semaphore(%arg14 : memref<!tpu.dma_semaphore, #tpu.memory_space<semaphore_mem>>)
    %slice3A_387 = vector.extract_strided_slice %shift_right_logical3A_251 {offsets = [9], sizes = [1], strides = [1]} : vector<16xi32> to vector<1xi32>
    %squeeze3A_388 = vector.extract %slice3A_387[0] : i32 from vector<1xi32>
    %mul3A_389 = arith.constant 128 : i32
    %mul3A_390 = arith.muli %squeeze3A_388, %mul3A_389 : i32
    %multiple_of3A_391 = tpu.assume_multiple %mul3A_390, 128 : i32
    %dma_start3A_392 = arith.constant 0 : i32
    %dma_start3A_393 = arith.constant 1152 : i32
    %dma_start3A_394 = tpu.memref_slice %arg10[%dma_start3A_392, %dma_start3A_393] : memref<16x2048xf32, #tpu.memory_space<vmem>> -> memref<16x128xf32, #tpu.memory_space<vmem>>
    %dma_start3A_395 = arith.constant 0 : i32
    %dma_start3A_396 = tpu.memref_slice %arg5[%dma_start3A_395, %multiple_of3A_391] : memref<16x1000000xf32, #tpu.memory_space<hbm>> -> memref<16x128xf32, #tpu.memory_space<hbm>>
    %dma_start3A_397 = arith.constant 0 : i32
    %dma_start3A_398 = arith.constant 1152 : i32
    %dma_start3A_399 = tpu.memref_slice %arg10[%dma_start3A_397, %dma_start3A_398] : memref<16x2048xf32, #tpu.memory_space<vmem>> -> memref<16x128xf32, #tpu.memory_space<vmem>>
    %dma_start3A_400 = arith.constant 0 : i32
    %dma_start3A_401 = tpu.memref_slice %arg5[%dma_start3A_400, %multiple_of3A_391] : memref<16x1000000xf32, #tpu.memory_space<hbm>> -> memref<16x128xf32, #tpu.memory_space<hbm>>
    tpu.enqueue_dma source(%dma_start3A_401 : memref<16x128xf32, #tpu.memory_space<hbm>>) target(%dma_start3A_399 : memref<16x128xf32, #tpu.memory_space<vmem>>) target_semaphore(%arg14 : memref<!tpu.dma_semaphore, #tpu.memory_space<semaphore_mem>>)
    %slice3A_402 = vector.extract_strided_slice %shift_right_logical3A_251 {offsets = [10], sizes = [1], strides = [1]} : vector<16xi32> to vector<1xi32>
    %squeeze3A_403 = vector.extract %slice3A_402[0] : i32 from vector<1xi32>
    %mul3A_404 = arith.constant 128 : i32
    %mul3A_405 = arith.muli %squeeze3A_403, %mul3A_404 : i32
    %multiple_of3A_406 = tpu.assume_multiple %mul3A_405, 128 : i32
    %dma_start3A_407 = arith.constant 0 : i32
    %dma_start3A_408 = arith.constant 1280 : i32
    %dma_start3A_409 = tpu.memref_slice %arg10[%dma_start3A_407, %dma_start3A_408] : memref<16x2048xf32, #tpu.memory_space<vmem>> -> memref<16x128xf32, #tpu.memory_space<vmem>>
    %dma_start3A_410 = arith.constant 0 : i32
    %dma_start3A_411 = tpu.memref_slice %arg5[%dma_start3A_410, %multiple_of3A_406] : memref<16x1000000xf32, #tpu.memory_space<hbm>> -> memref<16x128xf32, #tpu.memory_space<hbm>>
    %dma_start3A_412 = arith.constant 0 : i32
    %dma_start3A_413 = arith.constant 1280 : i32
    %dma_start3A_414 = tpu.memref_slice %arg10[%dma_start3A_412, %dma_start3A_413] : memref<16x2048xf32, #tpu.memory_space<vmem>> -> memref<16x128xf32, #tpu.memory_space<vmem>>
    %dma_start3A_415 = arith.constant 0 : i32
    %dma_start3A_416 = tpu.memref_slice %arg5[%dma_start3A_415, %multiple_of3A_406] : memref<16x1000000xf32, #tpu.memory_space<hbm>> -> memref<16x128xf32, #tpu.memory_space<hbm>>
    tpu.enqueue_dma source(%dma_start3A_416 : memref<16x128xf32, #tpu.memory_space<hbm>>) target(%dma_start3A_414 : memref<16x128xf32, #tpu.memory_space<vmem>>) target_semaphore(%arg14 : memref<!tpu.dma_semaphore, #tpu.memory_space<semaphore_mem>>)
    %slice3A_417 = vector.extract_strided_slice %shift_right_logical3A_251 {offsets = [11], sizes = [1], strides = [1]} : vector<16xi32> to vector<1xi32>
    %squeeze3A_418 = vector.extract %slice3A_417[0] : i32 from vector<1xi32>
    %mul3A_419 = arith.constant 128 : i32
    %mul3A_420 = arith.muli %squeeze3A_418, %mul3A_419 : i32
    %multiple_of3A_421 = tpu.assume_multiple %mul3A_420, 128 : i32
    %dma_start3A_422 = arith.constant 0 : i32
    %dma_start3A_423 = arith.constant 1408 : i32
    %dma_start3A_424 = tpu.memref_slice %arg10[%dma_start3A_422, %dma_start3A_423] : memref<16x2048xf32, #tpu.memory_space<vmem>> -> memref<16x128xf32, #tpu.memory_space<vmem>>
    %dma_start3A_425 = arith.constant 0 : i32
    %dma_start3A_426 = tpu.memref_slice %arg5[%dma_start3A_425, %multiple_of3A_421] : memref<16x1000000xf32, #tpu.memory_space<hbm>> -> memref<16x128xf32, #tpu.memory_space<hbm>>
    %dma_start3A_427 = arith.constant 0 : i32
    %dma_start3A_428 = arith.constant 1408 : i32
    %dma_start3A_429 = tpu.memref_slice %arg10[%dma_start3A_427, %dma_start3A_428] : memref<16x2048xf32, #tpu.memory_space<vmem>> -> memref<16x128xf32, #tpu.memory_space<vmem>>
    %dma_start3A_430 = arith.constant 0 : i32
    %dma_start3A_431 = tpu.memref_slice %arg5[%dma_start3A_430, %multiple_of3A_421] : memref<16x1000000xf32, #tpu.memory_space<hbm>> -> memref<16x128xf32, #tpu.memory_space<hbm>>
    tpu.enqueue_dma source(%dma_start3A_431 : memref<16x128xf32, #tpu.memory_space<hbm>>) target(%dma_start3A_429 : memref<16x128xf32, #tpu.memory_space<vmem>>) target_semaphore(%arg14 : memref<!tpu.dma_semaphore, #tpu.memory_space<semaphore_mem>>)
    %slice3A_432 = vector.extract_strided_slice %shift_right_logical3A_251 {offsets = [12], sizes = [1], strides = [1]} : vector<16xi32> to vector<1xi32>
    %squeeze3A_433 = vector.extract %slice3A_432[0] : i32 from vector<1xi32>
    %mul3A_434 = arith.constant 128 : i32
    %mul3A_435 = arith.muli %squeeze3A_433, %mul3A_434 : i32
    %multiple_of3A_436 = tpu.assume_multiple %mul3A_435, 128 : i32
    %dma_start3A_437 = arith.constant 0 : i32
    %dma_start3A_438 = arith.constant 1536 : i32
    %dma_start3A_439 = tpu.memref_slice %arg10[%dma_start3A_437, %dma_start3A_438] : memref<16x2048xf32, #tpu.memory_space<vmem>> -> memref<16x128xf32, #tpu.memory_space<vmem>>
    %dma_start3A_440 = arith.constant 0 : i32
    %dma_start3A_441 = tpu.memref_slice %arg5[%dma_start3A_440, %multiple_of3A_436] : memref<16x1000000xf32, #tpu.memory_space<hbm>> -> memref<16x128xf32, #tpu.memory_space<hbm>>
    %dma_start3A_442 = arith.constant 0 : i32
    %dma_start3A_443 = arith.constant 1536 : i32
    %dma_start3A_444 = tpu.memref_slice %arg10[%dma_start3A_442, %dma_start3A_443] : memref<16x2048xf32, #tpu.memory_space<vmem>> -> memref<16x128xf32, #tpu.memory_space<vmem>>
    %dma_start3A_445 = arith.constant 0 : i32
    %dma_start3A_446 = tpu.memref_slice %arg5[%dma_start3A_445, %multiple_of3A_436] : memref<16x1000000xf32, #tpu.memory_space<hbm>> -> memref<16x128xf32, #tpu.memory_space<hbm>>
    tpu.enqueue_dma source(%dma_start3A_446 : memref<16x128xf32, #tpu.memory_space<hbm>>) target(%dma_start3A_444 : memref<16x128xf32, #tpu.memory_space<vmem>>) target_semaphore(%arg14 : memref<!tpu.dma_semaphore, #tpu.memory_space<semaphore_mem>>)
    %slice3A_447 = vector.extract_strided_slice %shift_right_logical3A_251 {offsets = [13], sizes = [1], strides = [1]} : vector<16xi32> to vector<1xi32>
    %squeeze3A_448 = vector.extract %slice3A_447[0] : i32 from vector<1xi32>
    %mul3A_449 = arith.constant 128 : i32
    %mul3A_450 = arith.muli %squeeze3A_448, %mul3A_449 : i32
    %multiple_of3A_451 = tpu.assume_multiple %mul3A_450, 128 : i32
    %dma_start3A_452 = arith.constant 0 : i32
    %dma_start3A_453 = arith.constant 1664 : i32
    %dma_start3A_454 = tpu.memref_slice %arg10[%dma_start3A_452, %dma_start3A_453] : memref<16x2048xf32, #tpu.memory_space<vmem>> -> memref<16x128xf32, #tpu.memory_space<vmem>>
    %dma_start3A_455 = arith.constant 0 : i32
    %dma_start3A_456 = tpu.memref_slice %arg5[%dma_start3A_455, %multiple_of3A_451] : memref<16x1000000xf32, #tpu.memory_space<hbm>> -> memref<16x128xf32, #tpu.memory_space<hbm>>
    %dma_start3A_457 = arith.constant 0 : i32
    %dma_start3A_458 = arith.constant 1664 : i32
    %dma_start3A_459 = tpu.memref_slice %arg10[%dma_start3A_457, %dma_start3A_458] : memref<16x2048xf32, #tpu.memory_space<vmem>> -> memref<16x128xf32, #tpu.memory_space<vmem>>
    %dma_start3A_460 = arith.constant 0 : i32
    %dma_start3A_461 = tpu.memref_slice %arg5[%dma_start3A_460, %multiple_of3A_451] : memref<16x1000000xf32, #tpu.memory_space<hbm>> -> memref<16x128xf32, #tpu.memory_space<hbm>>
    tpu.enqueue_dma source(%dma_start3A_461 : memref<16x128xf32, #tpu.memory_space<hbm>>) target(%dma_start3A_459 : memref<16x128xf32, #tpu.memory_space<vmem>>) target_semaphore(%arg14 : memref<!tpu.dma_semaphore, #tpu.memory_space<semaphore_mem>>)
    %slice3A_462 = vector.extract_strided_slice %shift_right_logical3A_251 {offsets = [14], sizes = [1], strides = [1]} : vector<16xi32> to vector<1xi32>
    %squeeze3A_463 = vector.extract %slice3A_462[0] : i32 from vector<1xi32>
    %mul3A_464 = arith.constant 128 : i32
    %mul3A_465 = arith.muli %squeeze3A_463, %mul3A_464 : i32
    %multiple_of3A_466 = tpu.assume_multiple %mul3A_465, 128 : i32
    %dma_start3A_467 = arith.constant 0 : i32
    %dma_start3A_468 = arith.constant 1792 : i32
    %dma_start3A_469 = tpu.memref_slice %arg10[%dma_start3A_467, %dma_start3A_468] : memref<16x2048xf32, #tpu.memory_space<vmem>> -> memref<16x128xf32, #tpu.memory_space<vmem>>
    %dma_start3A_470 = arith.constant 0 : i32
    %dma_start3A_471 = tpu.memref_slice %arg5[%dma_start3A_470, %multiple_of3A_466] : memref<16x1000000xf32, #tpu.memory_space<hbm>> -> memref<16x128xf32, #tpu.memory_space<hbm>>
    %dma_start3A_472 = arith.constant 0 : i32
    %dma_start3A_473 = arith.constant 1792 : i32
    %dma_start3A_474 = tpu.memref_slice %arg10[%dma_start3A_472, %dma_start3A_473] : memref<16x2048xf32, #tpu.memory_space<vmem>> -> memref<16x128xf32, #tpu.memory_space<vmem>>
    %dma_start3A_475 = arith.constant 0 : i32
    %dma_start3A_476 = tpu.memref_slice %arg5[%dma_start3A_475, %multiple_of3A_466] : memref<16x1000000xf32, #tpu.memory_space<hbm>> -> memref<16x128xf32, #tpu.memory_space<hbm>>
    tpu.enqueue_dma source(%dma_start3A_476 : memref<16x128xf32, #tpu.memory_space<hbm>>) target(%dma_start3A_474 : memref<16x128xf32, #tpu.memory_space<vmem>>) target_semaphore(%arg14 : memref<!tpu.dma_semaphore, #tpu.memory_space<semaphore_mem>>)
    %slice3A_477 = vector.extract_strided_slice %shift_right_logical3A_251 {offsets = [15], sizes = [1], strides = [1]} : vector<16xi32> to vector<1xi32>
    %squeeze3A_478 = vector.extract %slice3A_477[0] : i32 from vector<1xi32>
    %mul3A_479 = arith.constant 128 : i32
    %mul3A_480 = arith.muli %squeeze3A_478, %mul3A_479 : i32
    %multiple_of3A_481 = tpu.assume_multiple %mul3A_480, 128 : i32
    %dma_start3A_482 = arith.constant 0 : i32
    %dma_start3A_483 = arith.constant 1920 : i32
    %dma_start3A_484 = tpu.memref_slice %arg10[%dma_start3A_482, %dma_start3A_483] : memref<16x2048xf32, #tpu.memory_space<vmem>> -> memref<16x128xf32, #tpu.memory_space<vmem>>
    %dma_start3A_485 = arith.constant 0 : i32
    %dma_start3A_486 = tpu.memref_slice %arg5[%dma_start3A_485, %multiple_of3A_481] : memref<16x1000000xf32, #tpu.memory_space<hbm>> -> memref<16x128xf32, #tpu.memory_space<hbm>>
    %dma_start3A_487 = arith.constant 0 : i32
    %dma_start3A_488 = arith.constant 1920 : i32
    %dma_start3A_489 = tpu.memref_slice %arg10[%dma_start3A_487, %dma_start3A_488] : memref<16x2048xf32, #tpu.memory_space<vmem>> -> memref<16x128xf32, #tpu.memory_space<vmem>>
    %dma_start3A_490 = arith.constant 0 : i32
    %dma_start3A_491 = tpu.memref_slice %arg5[%dma_start3A_490, %multiple_of3A_481] : memref<16x1000000xf32, #tpu.memory_space<hbm>> -> memref<16x128xf32, #tpu.memory_space<hbm>>
    tpu.enqueue_dma source(%dma_start3A_491 : memref<16x128xf32, #tpu.memory_space<hbm>>) target(%dma_start3A_489 : memref<16x128xf32, #tpu.memory_space<vmem>>) target_semaphore(%arg14 : memref<!tpu.dma_semaphore, #tpu.memory_space<semaphore_mem>>)
    %scan3A_492 = arith.constant 0 : i32
    %scan3A_493 = arith.constant 0 : i32
    %scan3A_494 = arith.constant 16 : i32
    %scan3A_495 = arith.addi %scan3A_493, %scan3A_494 : i32
    %scan3A_496 = arith.constant 1 : i32
    scf.for %scan3A_498 = %scan3A_493 to %scan3A_495 step %scan3A_496  : i32 {
      %mul3A_499 = arith.constant 2 : i32
      %mul3A_500 = arith.muli %scan3A_498, %mul3A_499 : i32
      %add3A_501 = arith.constant 1 : i32
      %add3A_502 = arith.addi %mul3A_500, %add3A_501 : i32
      %mul3A_503 = arith.constant 16 : i32
      %mul3A_504 = arith.muli %add3A_502, %mul3A_503 : i32
      %get3A_505 = arith.index_cast %mul3A_504 : i32 to index
      %get3A_506 = tpu.vector_load %arg9[%get3A_505] {strides = array<i32>} : memref<512xi32, #tpu.memory_space<vmem>>, vector<16xi32>,
      %shift_right_logical3A_507 = arith.constant 7 : i32
      %shift_right_logical3A_508 = vector.broadcast %shift_right_logical3A_507 : i32 to vector<16xi32>
      %shift_right_logical3A_509 = arith.shrui %get3A_506, %shift_right_logical3A_508 : vector<16xi32>
      %slice3A_510 = vector.extract_strided_slice %shift_right_logical3A_509 {offsets = [0], sizes = [1], strides = [1]} : vector<16xi32> to vector<1xi32>
      %squeeze3A_511 = vector.extract %slice3A_510[0] : i32 from vector<1xi32>
      %mul3A_512 = arith.constant 128 : i32
      %mul3A_513 = arith.muli %squeeze3A_511, %mul3A_512 : i32
      %multiple_of3A_514 = tpu.assume_multiple %mul3A_513, 128 : i32
      %dma_start3A_515 = arith.constant 0 : i32
      %dma_start3A_516 = arith.constant 0 : i32
      %dma_start3A_517 = tpu.memref_slice %arg11[%dma_start3A_515, %dma_start3A_516] : memref<16x2048xf32, #tpu.memory_space<vmem>> -> memref<16x128xf32, #tpu.memory_space<vmem>>
      %dma_start3A_518 = arith.constant 0 : i32
      %dma_start3A_519 = tpu.memref_slice %arg5[%dma_start3A_518, %multiple_of3A_514] : memref<16x1000000xf32, #tpu.memory_space<hbm>> -> memref<16x128xf32, #tpu.memory_space<hbm>>
      %dma_start3A_520 = arith.constant 0 : i32
      %dma_start3A_521 = arith.constant 0 : i32
      %dma_start3A_522 = tpu.memref_slice %arg11[%dma_start3A_520, %dma_start3A_521] : memref<16x2048xf32, #tpu.memory_space<vmem>> -> memref<16x128xf32, #tpu.memory_space<vmem>>
      %dma_start3A_523 = arith.constant 0 : i32
      %dma_start3A_524 = tpu.memref_slice %arg5[%dma_start3A_523, %multiple_of3A_514] : memref<16x1000000xf32, #tpu.memory_space<hbm>> -> memref<16x128xf32, #tpu.memory_space<hbm>>
      tpu.enqueue_dma source(%dma_start3A_524 : memref<16x128xf32, #tpu.memory_space<hbm>>) target(%dma_start3A_522 : memref<16x128xf32, #tpu.memory_space<vmem>>) target_semaphore(%arg14 : memref<!tpu.dma_semaphore, #tpu.memory_space<semaphore_mem>>)
      %slice3A_525 = vector.extract_strided_slice %shift_right_logical3A_509 {offsets = [1], sizes = [1], strides = [1]} : vector<16xi32> to vector<1xi32>
      %squeeze3A_526 = vector.extract %slice3A_525[0] : i32 from vector<1xi32>
      %mul3A_527 = arith.constant 128 : i32
      %mul3A_528 = arith.muli %squeeze3A_526, %mul3A_527 : i32
      %multiple_of3A_529 = tpu.assume_multiple %mul3A_528, 128 : i32
      %dma_start3A_530 = arith.constant 0 : i32
      %dma_start3A_531 = arith.constant 128 : i32
      %dma_start3A_532 = tpu.memref_slice %arg11[%dma_start3A_530, %dma_start3A_531] : memref<16x2048xf32, #tpu.memory_space<vmem>> -> memref<16x128xf32, #tpu.memory_space<vmem>>
      %dma_start3A_533 = arith.constant 0 : i32
      %dma_start3A_534 = tpu.memref_slice %arg5[%dma_start3A_533, %multiple_of3A_529] : memref<16x1000000xf32, #tpu.memory_space<hbm>> -> memref<16x128xf32, #tpu.memory_space<hbm>>
      %dma_start3A_535 = arith.constant 0 : i32
      %dma_start3A_536 = arith.constant 128 : i32
      %dma_start3A_537 = tpu.memref_slice %arg11[%dma_start3A_535, %dma_start3A_536] : memref<16x2048xf32, #tpu.memory_space<vmem>> -> memref<16x128xf32, #tpu.memory_space<vmem>>
      %dma_start3A_538 = arith.constant 0 : i32
      %dma_start3A_539 = tpu.memref_slice %arg5[%dma_start3A_538, %multiple_of3A_529] : memref<16x1000000xf32, #tpu.memory_space<hbm>> -> memref<16x128xf32, #tpu.memory_space<hbm>>
      tpu.enqueue_dma source(%dma_start3A_539 : memref<16x128xf32, #tpu.memory_space<hbm>>) target(%dma_start3A_537 : memref<16x128xf32, #tpu.memory_space<vmem>>) target_semaphore(%arg14 : memref<!tpu.dma_semaphore, #tpu.memory_space<semaphore_mem>>)
      %slice3A_540 = vector.extract_strided_slice %shift_right_logical3A_509 {offsets = [2], sizes = [1], strides = [1]} : vector<16xi32> to vector<1xi32>
      %squeeze3A_541 = vector.extract %slice3A_540[0] : i32 from vector<1xi32>
      %mul3A_542 = arith.constant 128 : i32
      %mul3A_543 = arith.muli %squeeze3A_541, %mul3A_542 : i32
      %multiple_of3A_544 = tpu.assume_multiple %mul3A_543, 128 : i32
      %dma_start3A_545 = arith.constant 0 : i32
      %dma_start3A_546 = arith.constant 256 : i32
      %dma_start3A_547 = tpu.memref_slice %arg11[%dma_start3A_545, %dma_start3A_546] : memref<16x2048xf32, #tpu.memory_space<vmem>> -> memref<16x128xf32, #tpu.memory_space<vmem>>
      %dma_start3A_548 = arith.constant 0 : i32
      %dma_start3A_549 = tpu.memref_slice %arg5[%dma_start3A_548, %multiple_of3A_544] : memref<16x1000000xf32, #tpu.memory_space<hbm>> -> memref<16x128xf32, #tpu.memory_space<hbm>>
      %dma_start3A_550 = arith.constant 0 : i32
      %dma_start3A_551 = arith.constant 256 : i32
      %dma_start3A_552 = tpu.memref_slice %arg11[%dma_start3A_550, %dma_start3A_551] : memref<16x2048xf32, #tpu.memory_space<vmem>> -> memref<16x128xf32, #tpu.memory_space<vmem>>
      %dma_start3A_553 = arith.constant 0 : i32
      %dma_start3A_554 = tpu.memref_slice %arg5[%dma_start3A_553, %multiple_of3A_544] : memref<16x1000000xf32, #tpu.memory_space<hbm>> -> memref<16x128xf32, #tpu.memory_space<hbm>>
      tpu.enqueue_dma source(%dma_start3A_554 : memref<16x128xf32, #tpu.memory_space<hbm>>) target(%dma_start3A_552 : memref<16x128xf32, #tpu.memory_space<vmem>>) target_semaphore(%arg14 : memref<!tpu.dma_semaphore, #tpu.memory_space<semaphore_mem>>)
      %slice3A_555 = vector.extract_strided_slice %shift_right_logical3A_509 {offsets = [3], sizes = [1], strides = [1]} : vector<16xi32> to vector<1xi32>
      %squeeze3A_556 = vector.extract %slice3A_555[0] : i32 from vector<1xi32>
      %mul3A_557 = arith.constant 128 : i32
      %mul3A_558 = arith.muli %squeeze3A_556, %mul3A_557 : i32
      %multiple_of3A_559 = tpu.assume_multiple %mul3A_558, 128 : i32
      %dma_start3A_560 = arith.constant 0 : i32
      %dma_start3A_561 = arith.constant 384 : i32
      %dma_start3A_562 = tpu.memref_slice %arg11[%dma_start3A_560, %dma_start3A_561] : memref<16x2048xf32, #tpu.memory_space<vmem>> -> memref<16x128xf32, #tpu.memory_space<vmem>>
      %dma_start3A_563 = arith.constant 0 : i32
      %dma_start3A_564 = tpu.memref_slice %arg5[%dma_start3A_563, %multiple_of3A_559] : memref<16x1000000xf32, #tpu.memory_space<hbm>> -> memref<16x128xf32, #tpu.memory_space<hbm>>
      %dma_start3A_565 = arith.constant 0 : i32
      %dma_start3A_566 = arith.constant 384 : i32
      %dma_start3A_567 = tpu.memref_slice %arg11[%dma_start3A_565, %dma_start3A_566] : memref<16x2048xf32, #tpu.memory_space<vmem>> -> memref<16x128xf32, #tpu.memory_space<vmem>>
      %dma_start3A_568 = arith.constant 0 : i32
      %dma_start3A_569 = tpu.memref_slice %arg5[%dma_start3A_568, %multiple_of3A_559] : memref<16x1000000xf32, #tpu.memory_space<hbm>> -> memref<16x128xf32, #tpu.memory_space<hbm>>
      tpu.enqueue_dma source(%dma_start3A_569 : memref<16x128xf32, #tpu.memory_space<hbm>>) target(%dma_start3A_567 : memref<16x128xf32, #tpu.memory_space<vmem>>) target_semaphore(%arg14 : memref<!tpu.dma_semaphore, #tpu.memory_space<semaphore_mem>>)
      %slice3A_570 = vector.extract_strided_slice %shift_right_logical3A_509 {offsets = [4], sizes = [1], strides = [1]} : vector<16xi32> to vector<1xi32>
      %squeeze3A_571 = vector.extract %slice3A_570[0] : i32 from vector<1xi32>
      %mul3A_572 = arith.constant 128 : i32
      %mul3A_573 = arith.muli %squeeze3A_571, %mul3A_572 : i32
      %multiple_of3A_574 = tpu.assume_multiple %mul3A_573, 128 : i32
      %dma_start3A_575 = arith.constant 0 : i32
      %dma_start3A_576 = arith.constant 512 : i32
      %dma_start3A_577 = tpu.memref_slice %arg11[%dma_start3A_575, %dma_start3A_576] : memref<16x2048xf32, #tpu.memory_space<vmem>> -> memref<16x128xf32, #tpu.memory_space<vmem>>
      %dma_start3A_578 = arith.constant 0 : i32
      %dma_start3A_579 = tpu.memref_slice %arg5[%dma_start3A_578, %multiple_of3A_574] : memref<16x1000000xf32, #tpu.memory_space<hbm>> -> memref<16x128xf32, #tpu.memory_space<hbm>>
      %dma_start3A_580 = arith.constant 0 : i32
      %dma_start3A_581 = arith.constant 512 : i32
      %dma_start3A_582 = tpu.memref_slice %arg11[%dma_start3A_580, %dma_start3A_581] : memref<16x2048xf32, #tpu.memory_space<vmem>> -> memref<16x128xf32, #tpu.memory_space<vmem>>
      %dma_start3A_583 = arith.constant 0 : i32
      %dma_start3A_584 = tpu.memref_slice %arg5[%dma_start3A_583, %multiple_of3A_574] : memref<16x1000000xf32, #tpu.memory_space<hbm>> -> memref<16x128xf32, #tpu.memory_space<hbm>>
      tpu.enqueue_dma source(%dma_start3A_584 : memref<16x128xf32, #tpu.memory_space<hbm>>) target(%dma_start3A_582 : memref<16x128xf32, #tpu.memory_space<vmem>>) target_semaphore(%arg14 : memref<!tpu.dma_semaphore, #tpu.memory_space<semaphore_mem>>)
      %slice3A_585 = vector.extract_strided_slice %shift_right_logical3A_509 {offsets = [5], sizes = [1], strides = [1]} : vector<16xi32> to vector<1xi32>
      %squeeze3A_586 = vector.extract %slice3A_585[0] : i32 from vector<1xi32>
      %mul3A_587 = arith.constant 128 : i32
      %mul3A_588 = arith.muli %squeeze3A_586, %mul3A_587 : i32
      %multiple_of3A_589 = tpu.assume_multiple %mul3A_588, 128 : i32
      %dma_start3A_590 = arith.constant 0 : i32
      %dma_start3A_591 = arith.constant 640 : i32
      %dma_start3A_592 = tpu.memref_slice %arg11[%dma_start3A_590, %dma_start3A_591] : memref<16x2048xf32, #tpu.memory_space<vmem>> -> memref<16x128xf32, #tpu.memory_space<vmem>>
      %dma_start3A_593 = arith.constant 0 : i32
      %dma_start3A_594 = tpu.memref_slice %arg5[%dma_start3A_593, %multiple_of3A_589] : memref<16x1000000xf32, #tpu.memory_space<hbm>> -> memref<16x128xf32, #tpu.memory_space<hbm>>
      %dma_start3A_595 = arith.constant 0 : i32
      %dma_start3A_596 = arith.constant 640 : i32
      %dma_start3A_597 = tpu.memref_slice %arg11[%dma_start3A_595, %dma_start3A_596] : memref<16x2048xf32, #tpu.memory_space<vmem>> -> memref<16x128xf32, #tpu.memory_space<vmem>>
      %dma_start3A_598 = arith.constant 0 : i32
      %dma_start3A_599 = tpu.memref_slice %arg5[%dma_start3A_598, %multiple_of3A_589] : memref<16x1000000xf32, #tpu.memory_space<hbm>> -> memref<16x128xf32, #tpu.memory_space<hbm>>
      tpu.enqueue_dma source(%dma_start3A_599 : memref<16x128xf32, #tpu.memory_space<hbm>>) target(%dma_start3A_597 : memref<16x128xf32, #tpu.memory_space<vmem>>) target_semaphore(%arg14 : memref<!tpu.dma_semaphore, #tpu.memory_space<semaphore_mem>>)
      %slice3A_600 = vector.extract_strided_slice %shift_right_logical3A_509 {offsets = [6], sizes = [1], strides = [1]} : vector<16xi32> to vector<1xi32>
      %squeeze3A_601 = vector.extract %slice3A_600[0] : i32 from vector<1xi32>
      %mul3A_602 = arith.constant 128 : i32
      %mul3A_603 = arith.muli %squeeze3A_601, %mul3A_602 : i32
      %multiple_of3A_604 = tpu.assume_multiple %mul3A_603, 128 : i32
      %dma_start3A_605 = arith.constant 0 : i32
      %dma_start3A_606 = arith.constant 768 : i32
      %dma_start3A_607 = tpu.memref_slice %arg11[%dma_start3A_605, %dma_start3A_606] : memref<16x2048xf32, #tpu.memory_space<vmem>> -> memref<16x128xf32, #tpu.memory_space<vmem>>
      %dma_start3A_608 = arith.constant 0 : i32
      %dma_start3A_609 = tpu.memref_slice %arg5[%dma_start3A_608, %multiple_of3A_604] : memref<16x1000000xf32, #tpu.memory_space<hbm>> -> memref<16x128xf32, #tpu.memory_space<hbm>>
      %dma_start3A_610 = arith.constant 0 : i32
      %dma_start3A_611 = arith.constant 768 : i32
      %dma_start3A_612 = tpu.memref_slice %arg11[%dma_start3A_610, %dma_start3A_611] : memref<16x2048xf32, #tpu.memory_space<vmem>> -> memref<16x128xf32, #tpu.memory_space<vmem>>
      %dma_start3A_613 = arith.constant 0 : i32
      %dma_start3A_614 = tpu.memref_slice %arg5[%dma_start3A_613, %multiple_of3A_604] : memref<16x1000000xf32, #tpu.memory_space<hbm>> -> memref<16x128xf32, #tpu.memory_space<hbm>>
      tpu.enqueue_dma source(%dma_start3A_614 : memref<16x128xf32, #tpu.memory_space<hbm>>) target(%dma_start3A_612 : memref<16x128xf32, #tpu.memory_space<vmem>>) target_semaphore(%arg14 : memref<!tpu.dma_semaphore, #tpu.memory_space<semaphore_mem>>)
      %slice3A_615 = vector.extract_strided_slice %shift_right_logical3A_509 {offsets = [7], sizes = [1], strides = [1]} : vector<16xi32> to vector<1xi32>
      %squeeze3A_616 = vector.extract %slice3A_615[0] : i32 from vector<1xi32>
      %mul3A_617 = arith.constant 128 : i32
      %mul3A_618 = arith.muli %squeeze3A_616, %mul3A_617 : i32
      %multiple_of3A_619 = tpu.assume_multiple %mul3A_618, 128 : i32
      %dma_start3A_620 = arith.constant 0 : i32
      %dma_start3A_621 = arith.constant 896 : i32
      %dma_start3A_622 = tpu.memref_slice %arg11[%dma_start3A_620, %dma_start3A_621] : memref<16x2048xf32, #tpu.memory_space<vmem>> -> memref<16x128xf32, #tpu.memory_space<vmem>>
      %dma_start3A_623 = arith.constant 0 : i32
      %dma_start3A_624 = tpu.memref_slice %arg5[%dma_start3A_623, %multiple_of3A_619] : memref<16x1000000xf32, #tpu.memory_space<hbm>> -> memref<16x128xf32, #tpu.memory_space<hbm>>
      %dma_start3A_625 = arith.constant 0 : i32
      %dma_start3A_626 = arith.constant 896 : i32
      %dma_start3A_627 = tpu.memref_slice %arg11[%dma_start3A_625, %dma_start3A_626] : memref<16x2048xf32, #tpu.memory_space<vmem>> -> memref<16x128xf32, #tpu.memory_space<vmem>>
      %dma_start3A_628 = arith.constant 0 : i32
      %dma_start3A_629 = tpu.memref_slice %arg5[%dma_start3A_628, %multiple_of3A_619] : memref<16x1000000xf32, #tpu.memory_space<hbm>> -> memref<16x128xf32, #tpu.memory_space<hbm>>
      tpu.enqueue_dma source(%dma_start3A_629 : memref<16x128xf32, #tpu.memory_space<hbm>>) target(%dma_start3A_627 : memref<16x128xf32, #tpu.memory_space<vmem>>) target_semaphore(%arg14 : memref<!tpu.dma_semaphore, #tpu.memory_space<semaphore_mem>>)
      %slice3A_630 = vector.extract_strided_slice %shift_right_logical3A_509 {offsets = [8], sizes = [1], strides = [1]} : vector<16xi32> to vector<1xi32>
      %squeeze3A_631 = vector.extract %slice3A_630[0] : i32 from vector<1xi32>
      %mul3A_632 = arith.constant 128 : i32
      %mul3A_633 = arith.muli %squeeze3A_631, %mul3A_632 : i32
      %multiple_of3A_634 = tpu.assume_multiple %mul3A_633, 128 : i32
      %dma_start3A_635 = arith.constant 0 : i32
      %dma_start3A_636 = arith.constant 1024 : i32
      %dma_start3A_637 = tpu.memref_slice %arg11[%dma_start3A_635, %dma_start3A_636] : memref<16x2048xf32, #tpu.memory_space<vmem>> -> memref<16x128xf32, #tpu.memory_space<vmem>>
      %dma_start3A_638 = arith.constant 0 : i32
      %dma_start3A_639 = tpu.memref_slice %arg5[%dma_start3A_638, %multiple_of3A_634] : memref<16x1000000xf32, #tpu.memory_space<hbm>> -> memref<16x128xf32, #tpu.memory_space<hbm>>
      %dma_start3A_640 = arith.constant 0 : i32
      %dma_start3A_641 = arith.constant 1024 : i32
      %dma_start3A_642 = tpu.memref_slice %arg11[%dma_start3A_640, %dma_start3A_641] : memref<16x2048xf32, #tpu.memory_space<vmem>> -> memref<16x128xf32, #tpu.memory_space<vmem>>
      %dma_start3A_643 = arith.constant 0 : i32
      %dma_start3A_644 = tpu.memref_slice %arg5[%dma_start3A_643, %multiple_of3A_634] : memref<16x1000000xf32, #tpu.memory_space<hbm>> -> memref<16x128xf32, #tpu.memory_space<hbm>>
      tpu.enqueue_dma source(%dma_start3A_644 : memref<16x128xf32, #tpu.memory_space<hbm>>) target(%dma_start3A_642 : memref<16x128xf32, #tpu.memory_space<vmem>>) target_semaphore(%arg14 : memref<!tpu.dma_semaphore, #tpu.memory_space<semaphore_mem>>)
      %slice3A_645 = vector.extract_strided_slice %shift_right_logical3A_509 {offsets = [9], sizes = [1], strides = [1]} : vector<16xi32> to vector<1xi32>
      %squeeze3A_646 = vector.extract %slice3A_645[0] : i32 from vector<1xi32>
      %mul3A_647 = arith.constant 128 : i32
      %mul3A_648 = arith.muli %squeeze3A_646, %mul3A_647 : i32
      %multiple_of3A_649 = tpu.assume_multiple %mul3A_648, 128 : i32
      %dma_start3A_650 = arith.constant 0 : i32
      %dma_start3A_651 = arith.constant 1152 : i32
      %dma_start3A_652 = tpu.memref_slice %arg11[%dma_start3A_650, %dma_start3A_651] : memref<16x2048xf32, #tpu.memory_space<vmem>> -> memref<16x128xf32, #tpu.memory_space<vmem>>
      %dma_start3A_653 = arith.constant 0 : i32
      %dma_start3A_654 = tpu.memref_slice %arg5[%dma_start3A_653, %multiple_of3A_649] : memref<16x1000000xf32, #tpu.memory_space<hbm>> -> memref<16x128xf32, #tpu.memory_space<hbm>>
      %dma_start3A_655 = arith.constant 0 : i32
      %dma_start3A_656 = arith.constant 1152 : i32
      %dma_start3A_657 = tpu.memref_slice %arg11[%dma_start3A_655, %dma_start3A_656] : memref<16x2048xf32, #tpu.memory_space<vmem>> -> memref<16x128xf32, #tpu.memory_space<vmem>>
      %dma_start3A_658 = arith.constant 0 : i32
      %dma_start3A_659 = tpu.memref_slice %arg5[%dma_start3A_658, %multiple_of3A_649] : memref<16x1000000xf32, #tpu.memory_space<hbm>> -> memref<16x128xf32, #tpu.memory_space<hbm>>
      tpu.enqueue_dma source(%dma_start3A_659 : memref<16x128xf32, #tpu.memory_space<hbm>>) target(%dma_start3A_657 : memref<16x128xf32, #tpu.memory_space<vmem>>) target_semaphore(%arg14 : memref<!tpu.dma_semaphore, #tpu.memory_space<semaphore_mem>>)
      %slice3A_660 = vector.extract_strided_slice %shift_right_logical3A_509 {offsets = [10], sizes = [1], strides = [1]} : vector<16xi32> to vector<1xi32>
      %squeeze3A_661 = vector.extract %slice3A_660[0] : i32 from vector<1xi32>
      %mul3A_662 = arith.constant 128 : i32
      %mul3A_663 = arith.muli %squeeze3A_661, %mul3A_662 : i32
      %multiple_of3A_664 = tpu.assume_multiple %mul3A_663, 128 : i32
      %dma_start3A_665 = arith.constant 0 : i32
      %dma_start3A_666 = arith.constant 1280 : i32
      %dma_start3A_667 = tpu.memref_slice %arg11[%dma_start3A_665, %dma_start3A_666] : memref<16x2048xf32, #tpu.memory_space<vmem>> -> memref<16x128xf32, #tpu.memory_space<vmem>>
      %dma_start3A_668 = arith.constant 0 : i32
      %dma_start3A_669 = tpu.memref_slice %arg5[%dma_start3A_668, %multiple_of3A_664] : memref<16x1000000xf32, #tpu.memory_space<hbm>> -> memref<16x128xf32, #tpu.memory_space<hbm>>
      %dma_start3A_670 = arith.constant 0 : i32
      %dma_start3A_671 = arith.constant 1280 : i32
      %dma_start3A_672 = tpu.memref_slice %arg11[%dma_start3A_670, %dma_start3A_671] : memref<16x2048xf32, #tpu.memory_space<vmem>> -> memref<16x128xf32, #tpu.memory_space<vmem>>
      %dma_start3A_673 = arith.constant 0 : i32
      %dma_start3A_674 = tpu.memref_slice %arg5[%dma_start3A_673, %multiple_of3A_664] : memref<16x1000000xf32, #tpu.memory_space<hbm>> -> memref<16x128xf32, #tpu.memory_space<hbm>>
      tpu.enqueue_dma source(%dma_start3A_674 : memref<16x128xf32, #tpu.memory_space<hbm>>) target(%dma_start3A_672 : memref<16x128xf32, #tpu.memory_space<vmem>>) target_semaphore(%arg14 : memref<!tpu.dma_semaphore, #tpu.memory_space<semaphore_mem>>)
      %slice3A_675 = vector.extract_strided_slice %shift_right_logical3A_509 {offsets = [11], sizes = [1], strides = [1]} : vector<16xi32> to vector<1xi32>
      %squeeze3A_676 = vector.extract %slice3A_675[0] : i32 from vector<1xi32>
      %mul3A_677 = arith.constant 128 : i32
      %mul3A_678 = arith.muli %squeeze3A_676, %mul3A_677 : i32
      %multiple_of3A_679 = tpu.assume_multiple %mul3A_678, 128 : i32
      %dma_start3A_680 = arith.constant 0 : i32
      %dma_start3A_681 = arith.constant 1408 : i32
      %dma_start3A_682 = tpu.memref_slice %arg11[%dma_start3A_680, %dma_start3A_681] : memref<16x2048xf32, #tpu.memory_space<vmem>> -> memref<16x128xf32, #tpu.memory_space<vmem>>
      %dma_start3A_683 = arith.constant 0 : i32
      %dma_start3A_684 = tpu.memref_slice %arg5[%dma_start3A_683, %multiple_of3A_679] : memref<16x1000000xf32, #tpu.memory_space<hbm>> -> memref<16x128xf32, #tpu.memory_space<hbm>>
      %dma_start3A_685 = arith.constant 0 : i32
      %dma_start3A_686 = arith.constant 1408 : i32
      %dma_start3A_687 = tpu.memref_slice %arg11[%dma_start3A_685, %dma_start3A_686] : memref<16x2048xf32, #tpu.memory_space<vmem>> -> memref<16x128xf32, #tpu.memory_space<vmem>>
      %dma_start3A_688 = arith.constant 0 : i32
      %dma_start3A_689 = tpu.memref_slice %arg5[%dma_start3A_688, %multiple_of3A_679] : memref<16x1000000xf32, #tpu.memory_space<hbm>> -> memref<16x128xf32, #tpu.memory_space<hbm>>
      tpu.enqueue_dma source(%dma_start3A_689 : memref<16x128xf32, #tpu.memory_space<hbm>>) target(%dma_start3A_687 : memref<16x128xf32, #tpu.memory_space<vmem>>) target_semaphore(%arg14 : memref<!tpu.dma_semaphore, #tpu.memory_space<semaphore_mem>>)
      %slice3A_690 = vector.extract_strided_slice %shift_right_logical3A_509 {offsets = [12], sizes = [1], strides = [1]} : vector<16xi32> to vector<1xi32>
      %squeeze3A_691 = vector.extract %slice3A_690[0] : i32 from vector<1xi32>
      %mul3A_692 = arith.constant 128 : i32
      %mul3A_693 = arith.muli %squeeze3A_691, %mul3A_692 : i32
      %multiple_of3A_694 = tpu.assume_multiple %mul3A_693, 128 : i32
      %dma_start3A_695 = arith.constant 0 : i32
      %dma_start3A_696 = arith.constant 1536 : i32
      %dma_start3A_697 = tpu.memref_slice %arg11[%dma_start3A_695, %dma_start3A_696] : memref<16x2048xf32, #tpu.memory_space<vmem>> -> memref<16x128xf32, #tpu.memory_space<vmem>>
      %dma_start3A_698 = arith.constant 0 : i32
      %dma_start3A_699 = tpu.memref_slice %arg5[%dma_start3A_698, %multiple_of3A_694] : memref<16x1000000xf32, #tpu.memory_space<hbm>> -> memref<16x128xf32, #tpu.memory_space<hbm>>
      %dma_start3A_700 = arith.constant 0 : i32
      %dma_start3A_701 = arith.constant 1536 : i32
      %dma_start3A_702 = tpu.memref_slice %arg11[%dma_start3A_700, %dma_start3A_701] : memref<16x2048xf32, #tpu.memory_space<vmem>> -> memref<16x128xf32, #tpu.memory_space<vmem>>
      %dma_start3A_703 = arith.constant 0 : i32
      %dma_start3A_704 = tpu.memref_slice %arg5[%dma_start3A_703, %multiple_of3A_694] : memref<16x1000000xf32, #tpu.memory_space<hbm>> -> memref<16x128xf32, #tpu.memory_space<hbm>>
      tpu.enqueue_dma source(%dma_start3A_704 : memref<16x128xf32, #tpu.memory_space<hbm>>) target(%dma_start3A_702 : memref<16x128xf32, #tpu.memory_space<vmem>>) target_semaphore(%arg14 : memref<!tpu.dma_semaphore, #tpu.memory_space<semaphore_mem>>)
      %slice3A_705 = vector.extract_strided_slice %shift_right_logical3A_509 {offsets = [13], sizes = [1], strides = [1]} : vector<16xi32> to vector<1xi32>
      %squeeze3A_706 = vector.extract %slice3A_705[0] : i32 from vector<1xi32>
      %mul3A_707 = arith.constant 128 : i32
      %mul3A_708 = arith.muli %squeeze3A_706, %mul3A_707 : i32
      %multiple_of3A_709 = tpu.assume_multiple %mul3A_708, 128 : i32
      %dma_start3A_710 = arith.constant 0 : i32
      %dma_start3A_711 = arith.constant 1664 : i32
      %dma_start3A_712 = tpu.memref_slice %arg11[%dma_start3A_710, %dma_start3A_711] : memref<16x2048xf32, #tpu.memory_space<vmem>> -> memref<16x128xf32, #tpu.memory_space<vmem>>
      %dma_start3A_713 = arith.constant 0 : i32
      %dma_start3A_714 = tpu.memref_slice %arg5[%dma_start3A_713, %multiple_of3A_709] : memref<16x1000000xf32, #tpu.memory_space<hbm>> -> memref<16x128xf32, #tpu.memory_space<hbm>>
      %dma_start3A_715 = arith.constant 0 : i32
      %dma_start3A_716 = arith.constant 1664 : i32
      %dma_start3A_717 = tpu.memref_slice %arg11[%dma_start3A_715, %dma_start3A_716] : memref<16x2048xf32, #tpu.memory_space<vmem>> -> memref<16x128xf32, #tpu.memory_space<vmem>>
      %dma_start3A_718 = arith.constant 0 : i32
      %dma_start3A_719 = tpu.memref_slice %arg5[%dma_start3A_718, %multiple_of3A_709] : memref<16x1000000xf32, #tpu.memory_space<hbm>> -> memref<16x128xf32, #tpu.memory_space<hbm>>
      tpu.enqueue_dma source(%dma_start3A_719 : memref<16x128xf32, #tpu.memory_space<hbm>>) target(%dma_start3A_717 : memref<16x128xf32, #tpu.memory_space<vmem>>) target_semaphore(%arg14 : memref<!tpu.dma_semaphore, #tpu.memory_space<semaphore_mem>>)
      %slice3A_720 = vector.extract_strided_slice %shift_right_logical3A_509 {offsets = [14], sizes = [1], strides = [1]} : vector<16xi32> to vector<1xi32>
      %squeeze3A_721 = vector.extract %slice3A_720[0] : i32 from vector<1xi32>
      %mul3A_722 = arith.constant 128 : i32
      %mul3A_723 = arith.muli %squeeze3A_721, %mul3A_722 : i32
      %multiple_of3A_724 = tpu.assume_multiple %mul3A_723, 128 : i32
      %dma_start3A_725 = arith.constant 0 : i32
      %dma_start3A_726 = arith.constant 1792 : i32
      %dma_start3A_727 = tpu.memref_slice %arg11[%dma_start3A_725, %dma_start3A_726] : memref<16x2048xf32, #tpu.memory_space<vmem>> -> memref<16x128xf32, #tpu.memory_space<vmem>>
      %dma_start3A_728 = arith.constant 0 : i32
      %dma_start3A_729 = tpu.memref_slice %arg5[%dma_start3A_728, %multiple_of3A_724] : memref<16x1000000xf32, #tpu.memory_space<hbm>> -> memref<16x128xf32, #tpu.memory_space<hbm>>
      %dma_start3A_730 = arith.constant 0 : i32
      %dma_start3A_731 = arith.constant 1792 : i32
      %dma_start3A_732 = tpu.memref_slice %arg11[%dma_start3A_730, %dma_start3A_731] : memref<16x2048xf32, #tpu.memory_space<vmem>> -> memref<16x128xf32, #tpu.memory_space<vmem>>
      %dma_start3A_733 = arith.constant 0 : i32
      %dma_start3A_734 = tpu.memref_slice %arg5[%dma_start3A_733, %multiple_of3A_724] : memref<16x1000000xf32, #tpu.memory_space<hbm>> -> memref<16x128xf32, #tpu.memory_space<hbm>>
      tpu.enqueue_dma source(%dma_start3A_734 : memref<16x128xf32, #tpu.memory_space<hbm>>) target(%dma_start3A_732 : memref<16x128xf32, #tpu.memory_space<vmem>>) target_semaphore(%arg14 : memref<!tpu.dma_semaphore, #tpu.memory_space<semaphore_mem>>)
      %slice3A_735 = vector.extract_strided_slice %shift_right_logical3A_509 {offsets = [15], sizes = [1], strides = [1]} : vector<16xi32> to vector<1xi32>
      %squeeze3A_736 = vector.extract %slice3A_735[0] : i32 from vector<1xi32>
      %mul3A_737 = arith.constant 128 : i32
      %mul3A_738 = arith.muli %squeeze3A_736, %mul3A_737 : i32
      %multiple_of3A_739 = tpu.assume_multiple %mul3A_738, 128 : i32
      %dma_start3A_740 = arith.constant 0 : i32
      %dma_start3A_741 = arith.constant 1920 : i32
      %dma_start3A_742 = tpu.memref_slice %arg11[%dma_start3A_740, %dma_start3A_741] : memref<16x2048xf32, #tpu.memory_space<vmem>> -> memref<16x128xf32, #tpu.memory_space<vmem>>
      %dma_start3A_743 = arith.constant 0 : i32
      %dma_start3A_744 = tpu.memref_slice %arg5[%dma_start3A_743, %multiple_of3A_739] : memref<16x1000000xf32, #tpu.memory_space<hbm>> -> memref<16x128xf32, #tpu.memory_space<hbm>>
      %dma_start3A_745 = arith.constant 0 : i32
      %dma_start3A_746 = arith.constant 1920 : i32
      %dma_start3A_747 = tpu.memref_slice %arg11[%dma_start3A_745, %dma_start3A_746] : memref<16x2048xf32, #tpu.memory_space<vmem>> -> memref<16x128xf32, #tpu.memory_space<vmem>>
      %dma_start3A_748 = arith.constant 0 : i32
      %dma_start3A_749 = tpu.memref_slice %arg5[%dma_start3A_748, %multiple_of3A_739] : memref<16x1000000xf32, #tpu.memory_space<hbm>> -> memref<16x128xf32, #tpu.memory_space<hbm>>
      tpu.enqueue_dma source(%dma_start3A_749 : memref<16x128xf32, #tpu.memory_space<hbm>>) target(%dma_start3A_747 : memref<16x128xf32, #tpu.memory_space<vmem>>) target_semaphore(%arg14 : memref<!tpu.dma_semaphore, #tpu.memory_space<semaphore_mem>>)
      %dma_wait3A = arith.constant 0 : i32
      %dma_wait3A_750 = arith.constant 0 : i32
      %dma_wait3A_751 = tpu.memref_slice %arg5[%dma_wait3A, %dma_wait3A_750] : memref<16x1000000xf32, #tpu.memory_space<hbm>> -> memref<16x2048xf32, #tpu.memory_space<hbm>>
      %dma_wait3A_752 = arith.constant 0 : i32
      %dma_wait3A_753 = arith.constant 0 : i32
      %dma_wait3A_754 = tpu.memref_slice %arg5[%dma_wait3A_752, %dma_wait3A_753] : memref<16x1000000xf32, #tpu.memory_space<hbm>> -> memref<16x2048xf32, #tpu.memory_space<hbm>>
      tpu.wait_dma2 semaphore(%arg14 : memref<!tpu.dma_semaphore, #tpu.memory_space<semaphore_mem>>) src(%dma_wait3A_754 : memref<16x2048xf32, #tpu.memory_space<hbm>>) dst(%arg10 : memref<16x2048xf32, #tpu.memory_space<vmem>>)
      %mul3A_755 = arith.constant 16 : i32
      %mul3A_756 = arith.muli %mul3A_500, %mul3A_755 : i32
      %get3A_757 = arith.index_cast %mul3A_756 : i32 to index
      %get3A_758 = tpu.vector_load %arg9[%get3A_757] {strides = array<i32>} : memref<512xi32, #tpu.memory_space<vmem>>, vector<16xi32>,
      %and3A = arith.constant 127 : i32
      %and3A_759 = vector.broadcast %and3A : i32 to vector<16xi32>
      %and3A_760 = arith.andi %get3A_758, %and3A_759 : vector<16xi32>
      %broadcast_in_dim3A = arith.constant 0 : i32
      %broadcast_in_dim3A_761 = vector.broadcast %broadcast_in_dim3A : i32 to vector<16xi32>
      %slice3A_762 = vector.extract_strided_slice %and3A_760 {offsets = [0], sizes = [1], strides = [1]} : vector<16xi32> to vector<1xi32>
      %squeeze3A_763 = vector.extract %slice3A_762[0] : i32 from vector<1xi32>
      %add3A_764 = vector.broadcast %squeeze3A_763 : i32 to vector<16xi32>
      %add3A_765 = arith.addi %broadcast_in_dim3A_761, %add3A_764 : vector<16xi32>
      %gather3A = tpu.vector_load_idx %arg10[%iota3A, %add3A_765] : memref<16x2048xf32, #tpu.memory_space<vmem>>[vector<16xi32>, vector<16xi32>], vector<16xf32>,
      %mul3A_766 = arith.constant 16 : i32
      %mul3A_767 = arith.muli %mul3A_500, %mul3A_766 : i32
      %add3A_768 = arith.constant 0 : i32
      %add3A_769 = arith.addi %mul3A_767, %add3A_768 : i32
      %broadcast_in_dim3A_770 = vector.broadcast %add3A_769 : i32 to vector<16xi32>
      tpu.vector_store_idx %arg13[%iota3A, %broadcast_in_dim3A_770], %gather3A : memref<16x512xf32, #tpu.memory_space<vmem>>[vector<16xi32>, vector<16xi32>], vector<16xf32>,
      %broadcast_in_dim3A_771 = arith.constant 128 : i32
      %broadcast_in_dim3A_772 = vector.broadcast %broadcast_in_dim3A_771 : i32 to vector<16xi32>
      %slice3A_773 = vector.extract_strided_slice %and3A_760 {offsets = [1], sizes = [1], strides = [1]} : vector<16xi32> to vector<1xi32>
      %squeeze3A_774 = vector.extract %slice3A_773[0] : i32 from vector<1xi32>
      %add3A_775 = vector.broadcast %squeeze3A_774 : i32 to vector<16xi32>
      %add3A_776 = arith.addi %broadcast_in_dim3A_772, %add3A_775 : vector<16xi32>
      %gather3A_777 = tpu.vector_load_idx %arg10[%iota3A, %add3A_776] : memref<16x2048xf32, #tpu.memory_space<vmem>>[vector<16xi32>, vector<16xi32>], vector<16xf32>,
      %mul3A_778 = arith.constant 16 : i32
      %mul3A_779 = arith.muli %mul3A_500, %mul3A_778 : i32
      %add3A_780 = arith.constant 1 : i32
      %add3A_781 = arith.addi %mul3A_779, %add3A_780 : i32
      %broadcast_in_dim3A_782 = vector.broadcast %add3A_781 : i32 to vector<16xi32>
      tpu.vector_store_idx %arg13[%iota3A, %broadcast_in_dim3A_782], %gather3A_777 : memref<16x512xf32, #tpu.memory_space<vmem>>[vector<16xi32>, vector<16xi32>], vector<16xf32>,
      %broadcast_in_dim3A_783 = arith.constant 256 : i32
      %broadcast_in_dim3A_784 = vector.broadcast %broadcast_in_dim3A_783 : i32 to vector<16xi32>
      %slice3A_785 = vector.extract_strided_slice %and3A_760 {offsets = [2], sizes = [1], strides = [1]} : vector<16xi32> to vector<1xi32>
      %squeeze3A_786 = vector.extract %slice3A_785[0] : i32 from vector<1xi32>
      %add3A_787 = vector.broadcast %squeeze3A_786 : i32 to vector<16xi32>
      %add3A_788 = arith.addi %broadcast_in_dim3A_784, %add3A_787 : vector<16xi32>
      %gather3A_789 = tpu.vector_load_idx %arg10[%iota3A, %add3A_788] : memref<16x2048xf32, #tpu.memory_space<vmem>>[vector<16xi32>, vector<16xi32>], vector<16xf32>,
      %mul3A_790 = arith.constant 16 : i32
      %mul3A_791 = arith.muli %mul3A_500, %mul3A_790 : i32
      %add3A_792 = arith.constant 2 : i32
      %add3A_793 = arith.addi %mul3A_791, %add3A_792 : i32
      %broadcast_in_dim3A_794 = vector.broadcast %add3A_793 : i32 to vector<16xi32>
      tpu.vector_store_idx %arg13[%iota3A, %broadcast_in_dim3A_794], %gather3A_789 : memref<16x512xf32, #tpu.memory_space<vmem>>[vector<16xi32>, vector<16xi32>], vector<16xf32>,
      %broadcast_in_dim3A_795 = arith.constant 384 : i32
      %broadcast_in_dim3A_796 = vector.broadcast %broadcast_in_dim3A_795 : i32 to vector<16xi32>
      %slice3A_797 = vector.extract_strided_slice %and3A_760 {offsets = [3], sizes = [1], strides = [1]} : vector<16xi32> to vector<1xi32>
      %squeeze3A_798 = vector.extract %slice3A_797[0] : i32 from vector<1xi32>
      %add3A_799 = vector.broadcast %squeeze3A_798 : i32 to vector<16xi32>
      %add3A_800 = arith.addi %broadcast_in_dim3A_796, %add3A_799 : vector<16xi32>
      %gather3A_801 = tpu.vector_load_idx %arg10[%iota3A, %add3A_800] : memref<16x2048xf32, #tpu.memory_space<vmem>>[vector<16xi32>, vector<16xi32>], vector<16xf32>,
      %mul3A_802 = arith.constant 16 : i32
      %mul3A_803 = arith.muli %mul3A_500, %mul3A_802 : i32
      %add3A_804 = arith.constant 3 : i32
      %add3A_805 = arith.addi %mul3A_803, %add3A_804 : i32
      %broadcast_in_dim3A_806 = vector.broadcast %add3A_805 : i32 to vector<16xi32>
      tpu.vector_store_idx %arg13[%iota3A, %broadcast_in_dim3A_806], %gather3A_801 : memref<16x512xf32, #tpu.memory_space<vmem>>[vector<16xi32>, vector<16xi32>], vector<16xf32>,
      %broadcast_in_dim3A_807 = arith.constant 512 : i32
      %broadcast_in_dim3A_808 = vector.broadcast %broadcast_in_dim3A_807 : i32 to vector<16xi32>
      %slice3A_809 = vector.extract_strided_slice %and3A_760 {offsets = [4], sizes = [1], strides = [1]} : vector<16xi32> to vector<1xi32>
      %squeeze3A_810 = vector.extract %slice3A_809[0] : i32 from vector<1xi32>
      %add3A_811 = vector.broadcast %squeeze3A_810 : i32 to vector<16xi32>
      %add3A_812 = arith.addi %broadcast_in_dim3A_808, %add3A_811 : vector<16xi32>
      %gather3A_813 = tpu.vector_load_idx %arg10[%iota3A, %add3A_812] : memref<16x2048xf32, #tpu.memory_space<vmem>>[vector<16xi32>, vector<16xi32>], vector<16xf32>,
      %mul3A_814 = arith.constant 16 : i32
      %mul3A_815 = arith.muli %mul3A_500, %mul3A_814 : i32
      %add3A_816 = arith.constant 4 : i32
      %add3A_817 = arith.addi %mul3A_815, %add3A_816 : i32
      %broadcast_in_dim3A_818 = vector.broadcast %add3A_817 : i32 to vector<16xi32>
      tpu.vector_store_idx %arg13[%iota3A, %broadcast_in_dim3A_818], %gather3A_813 : memref<16x512xf32, #tpu.memory_space<vmem>>[vector<16xi32>, vector<16xi32>], vector<16xf32>,
      %broadcast_in_dim3A_819 = arith.constant 640 : i32
      %broadcast_in_dim3A_820 = vector.broadcast %broadcast_in_dim3A_819 : i32 to vector<16xi32>
      %slice3A_821 = vector.extract_strided_slice %and3A_760 {offsets = [5], sizes = [1], strides = [1]} : vector<16xi32> to vector<1xi32>
      %squeeze3A_822 = vector.extract %slice3A_821[0] : i32 from vector<1xi32>
      %add3A_823 = vector.broadcast %squeeze3A_822 : i32 to vector<16xi32>
      %add3A_824 = arith.addi %broadcast_in_dim3A_820, %add3A_823 : vector<16xi32>
      %gather3A_825 = tpu.vector_load_idx %arg10[%iota3A, %add3A_824] : memref<16x2048xf32, #tpu.memory_space<vmem>>[vector<16xi32>, vector<16xi32>], vector<16xf32>,
      %mul3A_826 = arith.constant 16 : i32
      %mul3A_827 = arith.muli %mul3A_500, %mul3A_826 : i32
      %add3A_828 = arith.constant 5 : i32
      %add3A_829 = arith.addi %mul3A_827, %add3A_828 : i32
      %broadcast_in_dim3A_830 = vector.broadcast %add3A_829 : i32 to vector<16xi32>
      tpu.vector_store_idx %arg13[%iota3A, %broadcast_in_dim3A_830], %gather3A_825 : memref<16x512xf32, #tpu.memory_space<vmem>>[vector<16xi32>, vector<16xi32>], vector<16xf32>,
      %broadcast_in_dim3A_831 = arith.constant 768 : i32
      %broadcast_in_dim3A_832 = vector.broadcast %broadcast_in_dim3A_831 : i32 to vector<16xi32>
      %slice3A_833 = vector.extract_strided_slice %and3A_760 {offsets = [6], sizes = [1], strides = [1]} : vector<16xi32> to vector<1xi32>
      %squeeze3A_834 = vector.extract %slice3A_833[0] : i32 from vector<1xi32>
      %add3A_835 = vector.broadcast %squeeze3A_834 : i32 to vector<16xi32>
      %add3A_836 = arith.addi %broadcast_in_dim3A_832, %add3A_835 : vector<16xi32>
      %gather3A_837 = tpu.vector_load_idx %arg10[%iota3A, %add3A_836] : memref<16x2048xf32, #tpu.memory_space<vmem>>[vector<16xi32>, vector<16xi32>], vector<16xf32>,
      %mul3A_838 = arith.constant 16 : i32
      %mul3A_839 = arith.muli %mul3A_500, %mul3A_838 : i32
      %add3A_840 = arith.constant 6 : i32
      %add3A_841 = arith.addi %mul3A_839, %add3A_840 : i32
      %broadcast_in_dim3A_842 = vector.broadcast %add3A_841 : i32 to vector<16xi32>
      tpu.vector_store_idx %arg13[%iota3A, %broadcast_in_dim3A_842], %gather3A_837 : memref<16x512xf32, #tpu.memory_space<vmem>>[vector<16xi32>, vector<16xi32>], vector<16xf32>,
      %broadcast_in_dim3A_843 = arith.constant 896 : i32
      %broadcast_in_dim3A_844 = vector.broadcast %broadcast_in_dim3A_843 : i32 to vector<16xi32>
      %slice3A_845 = vector.extract_strided_slice %and3A_760 {offsets = [7], sizes = [1], strides = [1]} : vector<16xi32> to vector<1xi32>
      %squeeze3A_846 = vector.extract %slice3A_845[0] : i32 from vector<1xi32>
      %add3A_847 = vector.broadcast %squeeze3A_846 : i32 to vector<16xi32>
      %add3A_848 = arith.addi %broadcast_in_dim3A_844, %add3A_847 : vector<16xi32>
      %gather3A_849 = tpu.vector_load_idx %arg10[%iota3A, %add3A_848] : memref<16x2048xf32, #tpu.memory_space<vmem>>[vector<16xi32>, vector<16xi32>], vector<16xf32>,
      %mul3A_850 = arith.constant 16 : i32
      %mul3A_851 = arith.muli %mul3A_500, %mul3A_850 : i32
      %add3A_852 = arith.constant 7 : i32
      %add3A_853 = arith.addi %mul3A_851, %add3A_852 : i32
      %broadcast_in_dim3A_854 = vector.broadcast %add3A_853 : i32 to vector<16xi32>
      tpu.vector_store_idx %arg13[%iota3A, %broadcast_in_dim3A_854], %gather3A_849 : memref<16x512xf32, #tpu.memory_space<vmem>>[vector<16xi32>, vector<16xi32>], vector<16xf32>,
      %broadcast_in_dim3A_855 = arith.constant 1024 : i32
      %broadcast_in_dim3A_856 = vector.broadcast %broadcast_in_dim3A_855 : i32 to vector<16xi32>
      %slice3A_857 = vector.extract_strided_slice %and3A_760 {offsets = [8], sizes = [1], strides = [1]} : vector<16xi32> to vector<1xi32>
      %squeeze3A_858 = vector.extract %slice3A_857[0] : i32 from vector<1xi32>
      %add3A_859 = vector.broadcast %squeeze3A_858 : i32 to vector<16xi32>
      %add3A_860 = arith.addi %broadcast_in_dim3A_856, %add3A_859 : vector<16xi32>
      %gather3A_861 = tpu.vector_load_idx %arg10[%iota3A, %add3A_860] : memref<16x2048xf32, #tpu.memory_space<vmem>>[vector<16xi32>, vector<16xi32>], vector<16xf32>,
      %mul3A_862 = arith.constant 16 : i32
      %mul3A_863 = arith.muli %mul3A_500, %mul3A_862 : i32
      %add3A_864 = arith.constant 8 : i32
      %add3A_865 = arith.addi %mul3A_863, %add3A_864 : i32
      %broadcast_in_dim3A_866 = vector.broadcast %add3A_865 : i32 to vector<16xi32>
      tpu.vector_store_idx %arg13[%iota3A, %broadcast_in_dim3A_866], %gather3A_861 : memref<16x512xf32, #tpu.memory_space<vmem>>[vector<16xi32>, vector<16xi32>], vector<16xf32>,
      %broadcast_in_dim3A_867 = arith.constant 1152 : i32
      %broadcast_in_dim3A_868 = vector.broadcast %broadcast_in_dim3A_867 : i32 to vector<16xi32>
      %slice3A_869 = vector.extract_strided_slice %and3A_760 {offsets = [9], sizes = [1], strides = [1]} : vector<16xi32> to vector<1xi32>
      %squeeze3A_870 = vector.extract %slice3A_869[0] : i32 from vector<1xi32>
      %add3A_871 = vector.broadcast %squeeze3A_870 : i32 to vector<16xi32>
      %add3A_872 = arith.addi %broadcast_in_dim3A_868, %add3A_871 : vector<16xi32>
      %gather3A_873 = tpu.vector_load_idx %arg10[%iota3A, %add3A_872] : memref<16x2048xf32, #tpu.memory_space<vmem>>[vector<16xi32>, vector<16xi32>], vector<16xf32>,
      %mul3A_874 = arith.constant 16 : i32
      %mul3A_875 = arith.muli %mul3A_500, %mul3A_874 : i32
      %add3A_876 = arith.constant 9 : i32
      %add3A_877 = arith.addi %mul3A_875, %add3A_876 : i32
      %broadcast_in_dim3A_878 = vector.broadcast %add3A_877 : i32 to vector<16xi32>
      tpu.vector_store_idx %arg13[%iota3A, %broadcast_in_dim3A_878], %gather3A_873 : memref<16x512xf32, #tpu.memory_space<vmem>>[vector<16xi32>, vector<16xi32>], vector<16xf32>,
      %broadcast_in_dim3A_879 = arith.constant 1280 : i32
      %broadcast_in_dim3A_880 = vector.broadcast %broadcast_in_dim3A_879 : i32 to vector<16xi32>
      %slice3A_881 = vector.extract_strided_slice %and3A_760 {offsets = [10], sizes = [1], strides = [1]} : vector<16xi32> to vector<1xi32>
      %squeeze3A_882 = vector.extract %slice3A_881[0] : i32 from vector<1xi32>
      %add3A_883 = vector.broadcast %squeeze3A_882 : i32 to vector<16xi32>
      %add3A_884 = arith.addi %broadcast_in_dim3A_880, %add3A_883 : vector<16xi32>
      %gather3A_885 = tpu.vector_load_idx %arg10[%iota3A, %add3A_884] : memref<16x2048xf32, #tpu.memory_space<vmem>>[vector<16xi32>, vector<16xi32>], vector<16xf32>,
      %mul3A_886 = arith.constant 16 : i32
      %mul3A_887 = arith.muli %mul3A_500, %mul3A_886 : i32
      %add3A_888 = arith.constant 10 : i32
      %add3A_889 = arith.addi %mul3A_887, %add3A_888 : i32
      %broadcast_in_dim3A_890 = vector.broadcast %add3A_889 : i32 to vector<16xi32>
      tpu.vector_store_idx %arg13[%iota3A, %broadcast_in_dim3A_890], %gather3A_885 : memref<16x512xf32, #tpu.memory_space<vmem>>[vector<16xi32>, vector<16xi32>], vector<16xf32>,
      %broadcast_in_dim3A_891 = arith.constant 1408 : i32
      %broadcast_in_dim3A_892 = vector.broadcast %broadcast_in_dim3A_891 : i32 to vector<16xi32>
      %slice3A_893 = vector.extract_strided_slice %and3A_760 {offsets = [11], sizes = [1], strides = [1]} : vector<16xi32> to vector<1xi32>
      %squeeze3A_894 = vector.extract %slice3A_893[0] : i32 from vector<1xi32>
      %add3A_895 = vector.broadcast %squeeze3A_894 : i32 to vector<16xi32>
      %add3A_896 = arith.addi %broadcast_in_dim3A_892, %add3A_895 : vector<16xi32>
      %gather3A_897 = tpu.vector_load_idx %arg10[%iota3A, %add3A_896] : memref<16x2048xf32, #tpu.memory_space<vmem>>[vector<16xi32>, vector<16xi32>], vector<16xf32>,
      %mul3A_898 = arith.constant 16 : i32
      %mul3A_899 = arith.muli %mul3A_500, %mul3A_898 : i32
      %add3A_900 = arith.constant 11 : i32
      %add3A_901 = arith.addi %mul3A_899, %add3A_900 : i32
      %broadcast_in_dim3A_902 = vector.broadcast %add3A_901 : i32 to vector<16xi32>
      tpu.vector_store_idx %arg13[%iota3A, %broadcast_in_dim3A_902], %gather3A_897 : memref<16x512xf32, #tpu.memory_space<vmem>>[vector<16xi32>, vector<16xi32>], vector<16xf32>,
      %broadcast_in_dim3A_903 = arith.constant 1536 : i32
      %broadcast_in_dim3A_904 = vector.broadcast %broadcast_in_dim3A_903 : i32 to vector<16xi32>
      %slice3A_905 = vector.extract_strided_slice %and3A_760 {offsets = [12], sizes = [1], strides = [1]} : vector<16xi32> to vector<1xi32>
      %squeeze3A_906 = vector.extract %slice3A_905[0] : i32 from vector<1xi32>
      %add3A_907 = vector.broadcast %squeeze3A_906 : i32 to vector<16xi32>
      %add3A_908 = arith.addi %broadcast_in_dim3A_904, %add3A_907 : vector<16xi32>
      %gather3A_909 = tpu.vector_load_idx %arg10[%iota3A, %add3A_908] : memref<16x2048xf32, #tpu.memory_space<vmem>>[vector<16xi32>, vector<16xi32>], vector<16xf32>,
      %mul3A_910 = arith.constant 16 : i32
      %mul3A_911 = arith.muli %mul3A_500, %mul3A_910 : i32
      %add3A_912 = arith.constant 12 : i32
      %add3A_913 = arith.addi %mul3A_911, %add3A_912 : i32
      %broadcast_in_dim3A_914 = vector.broadcast %add3A_913 : i32 to vector<16xi32>
      tpu.vector_store_idx %arg13[%iota3A, %broadcast_in_dim3A_914], %gather3A_909 : memref<16x512xf32, #tpu.memory_space<vmem>>[vector<16xi32>, vector<16xi32>], vector<16xf32>,
      %broadcast_in_dim3A_915 = arith.constant 1664 : i32
      %broadcast_in_dim3A_916 = vector.broadcast %broadcast_in_dim3A_915 : i32 to vector<16xi32>
      %slice3A_917 = vector.extract_strided_slice %and3A_760 {offsets = [13], sizes = [1], strides = [1]} : vector<16xi32> to vector<1xi32>
      %squeeze3A_918 = vector.extract %slice3A_917[0] : i32 from vector<1xi32>
      %add3A_919 = vector.broadcast %squeeze3A_918 : i32 to vector<16xi32>
      %add3A_920 = arith.addi %broadcast_in_dim3A_916, %add3A_919 : vector<16xi32>
      %gather3A_921 = tpu.vector_load_idx %arg10[%iota3A, %add3A_920] : memref<16x2048xf32, #tpu.memory_space<vmem>>[vector<16xi32>, vector<16xi32>], vector<16xf32>,
      %mul3A_922 = arith.constant 16 : i32
      %mul3A_923 = arith.muli %mul3A_500, %mul3A_922 : i32
      %add3A_924 = arith.constant 13 : i32
      %add3A_925 = arith.addi %mul3A_923, %add3A_924 : i32
      %broadcast_in_dim3A_926 = vector.broadcast %add3A_925 : i32 to vector<16xi32>
      tpu.vector_store_idx %arg13[%iota3A, %broadcast_in_dim3A_926], %gather3A_921 : memref<16x512xf32, #tpu.memory_space<vmem>>[vector<16xi32>, vector<16xi32>], vector<16xf32>,
      %broadcast_in_dim3A_927 = arith.constant 1792 : i32
      %broadcast_in_dim3A_928 = vector.broadcast %broadcast_in_dim3A_927 : i32 to vector<16xi32>
      %slice3A_929 = vector.extract_strided_slice %and3A_760 {offsets = [14], sizes = [1], strides = [1]} : vector<16xi32> to vector<1xi32>
      %squeeze3A_930 = vector.extract %slice3A_929[0] : i32 from vector<1xi32>
      %add3A_931 = vector.broadcast %squeeze3A_930 : i32 to vector<16xi32>
      %add3A_932 = arith.addi %broadcast_in_dim3A_928, %add3A_931 : vector<16xi32>
      %gather3A_933 = tpu.vector_load_idx %arg10[%iota3A, %add3A_932] : memref<16x2048xf32, #tpu.memory_space<vmem>>[vector<16xi32>, vector<16xi32>], vector<16xf32>,
      %mul3A_934 = arith.constant 16 : i32
      %mul3A_935 = arith.muli %mul3A_500, %mul3A_934 : i32
      %add3A_936 = arith.constant 14 : i32
      %add3A_937 = arith.addi %mul3A_935, %add3A_936 : i32
      %broadcast_in_dim3A_938 = vector.broadcast %add3A_937 : i32 to vector<16xi32>
      tpu.vector_store_idx %arg13[%iota3A, %broadcast_in_dim3A_938], %gather3A_933 : memref<16x512xf32, #tpu.memory_space<vmem>>[vector<16xi32>, vector<16xi32>], vector<16xf32>,
      %broadcast_in_dim3A_939 = arith.constant 1920 : i32
      %broadcast_in_dim3A_940 = vector.broadcast %broadcast_in_dim3A_939 : i32 to vector<16xi32>
      %slice3A_941 = vector.extract_strided_slice %and3A_760 {offsets = [15], sizes = [1], strides = [1]} : vector<16xi32> to vector<1xi32>
      %squeeze3A_942 = vector.extract %slice3A_941[0] : i32 from vector<1xi32>
      %add3A_943 = vector.broadcast %squeeze3A_942 : i32 to vector<16xi32>
      %add3A_944 = arith.addi %broadcast_in_dim3A_940, %add3A_943 : vector<16xi32>
      %gather3A_945 = tpu.vector_load_idx %arg10[%iota3A, %add3A_944] : memref<16x2048xf32, #tpu.memory_space<vmem>>[vector<16xi32>, vector<16xi32>], vector<16xf32>,
      %mul3A_946 = arith.constant 16 : i32
      %mul3A_947 = arith.muli %mul3A_500, %mul3A_946 : i32
      %add3A_948 = arith.constant 15 : i32
      %add3A_949 = arith.addi %mul3A_947, %add3A_948 : i32
      %broadcast_in_dim3A_950 = vector.broadcast %add3A_949 : i32 to vector<16xi32>
      tpu.vector_store_idx %arg13[%iota3A, %broadcast_in_dim3A_950], %gather3A_945 : memref<16x512xf32, #tpu.memory_space<vmem>>[vector<16xi32>, vector<16xi32>], vector<16xf32>,
      %lt3A = arith.constant 15 : i32
      %lt3A_951 = arith.cmpi slt, %scan3A_498, %lt3A : i32
      %convert_element_type3A = arith.extui %lt3A_951 : i1 to i32
      %cond3A = arith.constant 0 : i32
      %cond3A_952 = arith.cmpi ne, %convert_element_type3A, %cond3A : i32
      scf.if %cond3A_952 {
        %add3A_1160 = arith.constant 2 : i32
        %add3A_1161 = arith.addi %mul3A_500, %add3A_1160 : i32
        %mul3A_1162 = arith.constant 16 : i32
        %mul3A_1163 = arith.muli %add3A_1161, %mul3A_1162 : i32
        %get3A_1164 = arith.index_cast %mul3A_1163 : i32 to index
        %get3A_1165 = tpu.vector_load %arg9[%get3A_1164] {strides = array<i32>} : memref<512xi32, #tpu.memory_space<vmem>>, vector<16xi32>,
        %shift_right_logical3A_1166 = arith.constant 7 : i32
        %shift_right_logical3A_1167 = vector.broadcast %shift_right_logical3A_1166 : i32 to vector<16xi32>
        %shift_right_logical3A_1168 = arith.shrui %get3A_1165, %shift_right_logical3A_1167 : vector<16xi32>
        %slice3A_1169 = vector.extract_strided_slice %shift_right_logical3A_1168 {offsets = [0], sizes = [1], strides = [1]} : vector<16xi32> to vector<1xi32>
        %squeeze3A_1170 = vector.extract %slice3A_1169[0] : i32 from vector<1xi32>
        %mul3A_1171 = arith.constant 128 : i32
        %mul3A_1172 = arith.muli %squeeze3A_1170, %mul3A_1171 : i32
        %multiple_of3A_1173 = tpu.assume_multiple %mul3A_1172, 128 : i32
        %dma_start3A_1174 = arith.constant 0 : i32
        %dma_start3A_1175 = arith.constant 0 : i32
        %dma_start3A_1176 = tpu.memref_slice %arg10[%dma_start3A_1174, %dma_start3A_1175] : memref<16x2048xf32, #tpu.memory_space<vmem>> -> memref<16x128xf32, #tpu.memory_space<vmem>>
        %dma_start3A_1177 = arith.constant 0 : i32
        %dma_start3A_1178 = tpu.memref_slice %arg5[%dma_start3A_1177, %multiple_of3A_1173] : memref<16x1000000xf32, #tpu.memory_space<hbm>> -> memref<16x128xf32, #tpu.memory_space<hbm>>
        %dma_start3A_1179 = arith.constant 0 : i32
        %dma_start3A_1180 = arith.constant 0 : i32
        %dma_start3A_1181 = tpu.memref_slice %arg10[%dma_start3A_1179, %dma_start3A_1180] : memref<16x2048xf32, #tpu.memory_space<vmem>> -> memref<16x128xf32, #tpu.memory_space<vmem>>
        %dma_start3A_1182 = arith.constant 0 : i32
        %dma_start3A_1183 = tpu.memref_slice %arg5[%dma_start3A_1182, %multiple_of3A_1173] : memref<16x1000000xf32, #tpu.memory_space<hbm>> -> memref<16x128xf32, #tpu.memory_space<hbm>>
        tpu.enqueue_dma source(%dma_start3A_1183 : memref<16x128xf32, #tpu.memory_space<hbm>>) target(%dma_start3A_1181 : memref<16x128xf32, #tpu.memory_space<vmem>>) target_semaphore(%arg14 : memref<!tpu.dma_semaphore, #tpu.memory_space<semaphore_mem>>)
        %slice3A_1184 = vector.extract_strided_slice %shift_right_logical3A_1168 {offsets = [1], sizes = [1], strides = [1]} : vector<16xi32> to vector<1xi32>
        %squeeze3A_1185 = vector.extract %slice3A_1184[0] : i32 from vector<1xi32>
        %mul3A_1186 = arith.constant 128 : i32
        %mul3A_1187 = arith.muli %squeeze3A_1185, %mul3A_1186 : i32
        %multiple_of3A_1188 = tpu.assume_multiple %mul3A_1187, 128 : i32
        %dma_start3A_1189 = arith.constant 0 : i32
        %dma_start3A_1190 = arith.constant 128 : i32
        %dma_start3A_1191 = tpu.memref_slice %arg10[%dma_start3A_1189, %dma_start3A_1190] : memref<16x2048xf32, #tpu.memory_space<vmem>> -> memref<16x128xf32, #tpu.memory_space<vmem>>
        %dma_start3A_1192 = arith.constant 0 : i32
        %dma_start3A_1193 = tpu.memref_slice %arg5[%dma_start3A_1192, %multiple_of3A_1188] : memref<16x1000000xf32, #tpu.memory_space<hbm>> -> memref<16x128xf32, #tpu.memory_space<hbm>>
        %dma_start3A_1194 = arith.constant 0 : i32
        %dma_start3A_1195 = arith.constant 128 : i32
        %dma_start3A_1196 = tpu.memref_slice %arg10[%dma_start3A_1194, %dma_start3A_1195] : memref<16x2048xf32, #tpu.memory_space<vmem>> -> memref<16x128xf32, #tpu.memory_space<vmem>>
        %dma_start3A_1197 = arith.constant 0 : i32
        %dma_start3A_1198 = tpu.memref_slice %arg5[%dma_start3A_1197, %multiple_of3A_1188] : memref<16x1000000xf32, #tpu.memory_space<hbm>> -> memref<16x128xf32, #tpu.memory_space<hbm>>
        tpu.enqueue_dma source(%dma_start3A_1198 : memref<16x128xf32, #tpu.memory_space<hbm>>) target(%dma_start3A_1196 : memref<16x128xf32, #tpu.memory_space<vmem>>) target_semaphore(%arg14 : memref<!tpu.dma_semaphore, #tpu.memory_space<semaphore_mem>>)
        %slice3A_1199 = vector.extract_strided_slice %shift_right_logical3A_1168 {offsets = [2], sizes = [1], strides = [1]} : vector<16xi32> to vector<1xi32>
        %squeeze3A_1200 = vector.extract %slice3A_1199[0] : i32 from vector<1xi32>
        %mul3A_1201 = arith.constant 128 : i32
        %mul3A_1202 = arith.muli %squeeze3A_1200, %mul3A_1201 : i32
        %multiple_of3A_1203 = tpu.assume_multiple %mul3A_1202, 128 : i32
        %dma_start3A_1204 = arith.constant 0 : i32
        %dma_start3A_1205 = arith.constant 256 : i32
        %dma_start3A_1206 = tpu.memref_slice %arg10[%dma_start3A_1204, %dma_start3A_1205] : memref<16x2048xf32, #tpu.memory_space<vmem>> -> memref<16x128xf32, #tpu.memory_space<vmem>>
        %dma_start3A_1207 = arith.constant 0 : i32
        %dma_start3A_1208 = tpu.memref_slice %arg5[%dma_start3A_1207, %multiple_of3A_1203] : memref<16x1000000xf32, #tpu.memory_space<hbm>> -> memref<16x128xf32, #tpu.memory_space<hbm>>
        %dma_start3A_1209 = arith.constant 0 : i32
        %dma_start3A_1210 = arith.constant 256 : i32
        %dma_start3A_1211 = tpu.memref_slice %arg10[%dma_start3A_1209, %dma_start3A_1210] : memref<16x2048xf32, #tpu.memory_space<vmem>> -> memref<16x128xf32, #tpu.memory_space<vmem>>
        %dma_start3A_1212 = arith.constant 0 : i32
        %dma_start3A_1213 = tpu.memref_slice %arg5[%dma_start3A_1212, %multiple_of3A_1203] : memref<16x1000000xf32, #tpu.memory_space<hbm>> -> memref<16x128xf32, #tpu.memory_space<hbm>>
        tpu.enqueue_dma source(%dma_start3A_1213 : memref<16x128xf32, #tpu.memory_space<hbm>>) target(%dma_start3A_1211 : memref<16x128xf32, #tpu.memory_space<vmem>>) target_semaphore(%arg14 : memref<!tpu.dma_semaphore, #tpu.memory_space<semaphore_mem>>)
        %slice3A_1214 = vector.extract_strided_slice %shift_right_logical3A_1168 {offsets = [3], sizes = [1], strides = [1]} : vector<16xi32> to vector<1xi32>
        %squeeze3A_1215 = vector.extract %slice3A_1214[0] : i32 from vector<1xi32>
        %mul3A_1216 = arith.constant 128 : i32
        %mul3A_1217 = arith.muli %squeeze3A_1215, %mul3A_1216 : i32
        %multiple_of3A_1218 = tpu.assume_multiple %mul3A_1217, 128 : i32
        %dma_start3A_1219 = arith.constant 0 : i32
        %dma_start3A_1220 = arith.constant 384 : i32
        %dma_start3A_1221 = tpu.memref_slice %arg10[%dma_start3A_1219, %dma_start3A_1220] : memref<16x2048xf32, #tpu.memory_space<vmem>> -> memref<16x128xf32, #tpu.memory_space<vmem>>
        %dma_start3A_1222 = arith.constant 0 : i32
        %dma_start3A_1223 = tpu.memref_slice %arg5[%dma_start3A_1222, %multiple_of3A_1218] : memref<16x1000000xf32, #tpu.memory_space<hbm>> -> memref<16x128xf32, #tpu.memory_space<hbm>>
        %dma_start3A_1224 = arith.constant 0 : i32
        %dma_start3A_1225 = arith.constant 384 : i32
        %dma_start3A_1226 = tpu.memref_slice %arg10[%dma_start3A_1224, %dma_start3A_1225] : memref<16x2048xf32, #tpu.memory_space<vmem>> -> memref<16x128xf32, #tpu.memory_space<vmem>>
        %dma_start3A_1227 = arith.constant 0 : i32
        %dma_start3A_1228 = tpu.memref_slice %arg5[%dma_start3A_1227, %multiple_of3A_1218] : memref<16x1000000xf32, #tpu.memory_space<hbm>> -> memref<16x128xf32, #tpu.memory_space<hbm>>
        tpu.enqueue_dma source(%dma_start3A_1228 : memref<16x128xf32, #tpu.memory_space<hbm>>) target(%dma_start3A_1226 : memref<16x128xf32, #tpu.memory_space<vmem>>) target_semaphore(%arg14 : memref<!tpu.dma_semaphore, #tpu.memory_space<semaphore_mem>>)
        %slice3A_1229 = vector.extract_strided_slice %shift_right_logical3A_1168 {offsets = [4], sizes = [1], strides = [1]} : vector<16xi32> to vector<1xi32>
        %squeeze3A_1230 = vector.extract %slice3A_1229[0] : i32 from vector<1xi32>
        %mul3A_1231 = arith.constant 128 : i32
        %mul3A_1232 = arith.muli %squeeze3A_1230, %mul3A_1231 : i32
        %multiple_of3A_1233 = tpu.assume_multiple %mul3A_1232, 128 : i32
        %dma_start3A_1234 = arith.constant 0 : i32
        %dma_start3A_1235 = arith.constant 512 : i32
        %dma_start3A_1236 = tpu.memref_slice %arg10[%dma_start3A_1234, %dma_start3A_1235] : memref<16x2048xf32, #tpu.memory_space<vmem>> -> memref<16x128xf32, #tpu.memory_space<vmem>>
        %dma_start3A_1237 = arith.constant 0 : i32
        %dma_start3A_1238 = tpu.memref_slice %arg5[%dma_start3A_1237, %multiple_of3A_1233] : memref<16x1000000xf32, #tpu.memory_space<hbm>> -> memref<16x128xf32, #tpu.memory_space<hbm>>
        %dma_start3A_1239 = arith.constant 0 : i32
        %dma_start3A_1240 = arith.constant 512 : i32
        %dma_start3A_1241 = tpu.memref_slice %arg10[%dma_start3A_1239, %dma_start3A_1240] : memref<16x2048xf32, #tpu.memory_space<vmem>> -> memref<16x128xf32, #tpu.memory_space<vmem>>
        %dma_start3A_1242 = arith.constant 0 : i32
        %dma_start3A_1243 = tpu.memref_slice %arg5[%dma_start3A_1242, %multiple_of3A_1233] : memref<16x1000000xf32, #tpu.memory_space<hbm>> -> memref<16x128xf32, #tpu.memory_space<hbm>>
        tpu.enqueue_dma source(%dma_start3A_1243 : memref<16x128xf32, #tpu.memory_space<hbm>>) target(%dma_start3A_1241 : memref<16x128xf32, #tpu.memory_space<vmem>>) target_semaphore(%arg14 : memref<!tpu.dma_semaphore, #tpu.memory_space<semaphore_mem>>)
        %slice3A_1244 = vector.extract_strided_slice %shift_right_logical3A_1168 {offsets = [5], sizes = [1], strides = [1]} : vector<16xi32> to vector<1xi32>
        %squeeze3A_1245 = vector.extract %slice3A_1244[0] : i32 from vector<1xi32>
        %mul3A_1246 = arith.constant 128 : i32
        %mul3A_1247 = arith.muli %squeeze3A_1245, %mul3A_1246 : i32
        %multiple_of3A_1248 = tpu.assume_multiple %mul3A_1247, 128 : i32
        %dma_start3A_1249 = arith.constant 0 : i32
        %dma_start3A_1250 = arith.constant 640 : i32
        %dma_start3A_1251 = tpu.memref_slice %arg10[%dma_start3A_1249, %dma_start3A_1250] : memref<16x2048xf32, #tpu.memory_space<vmem>> -> memref<16x128xf32, #tpu.memory_space<vmem>>
        %dma_start3A_1252 = arith.constant 0 : i32
        %dma_start3A_1253 = tpu.memref_slice %arg5[%dma_start3A_1252, %multiple_of3A_1248] : memref<16x1000000xf32, #tpu.memory_space<hbm>> -> memref<16x128xf32, #tpu.memory_space<hbm>>
        %dma_start3A_1254 = arith.constant 0 : i32
        %dma_start3A_1255 = arith.constant 640 : i32
        %dma_start3A_1256 = tpu.memref_slice %arg10[%dma_start3A_1254, %dma_start3A_1255] : memref<16x2048xf32, #tpu.memory_space<vmem>> -> memref<16x128xf32, #tpu.memory_space<vmem>>
        %dma_start3A_1257 = arith.constant 0 : i32
        %dma_start3A_1258 = tpu.memref_slice %arg5[%dma_start3A_1257, %multiple_of3A_1248] : memref<16x1000000xf32, #tpu.memory_space<hbm>> -> memref<16x128xf32, #tpu.memory_space<hbm>>
        tpu.enqueue_dma source(%dma_start3A_1258 : memref<16x128xf32, #tpu.memory_space<hbm>>) target(%dma_start3A_1256 : memref<16x128xf32, #tpu.memory_space<vmem>>) target_semaphore(%arg14 : memref<!tpu.dma_semaphore, #tpu.memory_space<semaphore_mem>>)
        %slice3A_1259 = vector.extract_strided_slice %shift_right_logical3A_1168 {offsets = [6], sizes = [1], strides = [1]} : vector<16xi32> to vector<1xi32>
        %squeeze3A_1260 = vector.extract %slice3A_1259[0] : i32 from vector<1xi32>
        %mul3A_1261 = arith.constant 128 : i32
        %mul3A_1262 = arith.muli %squeeze3A_1260, %mul3A_1261 : i32
        %multiple_of3A_1263 = tpu.assume_multiple %mul3A_1262, 128 : i32
        %dma_start3A_1264 = arith.constant 0 : i32
        %dma_start3A_1265 = arith.constant 768 : i32
        %dma_start3A_1266 = tpu.memref_slice %arg10[%dma_start3A_1264, %dma_start3A_1265] : memref<16x2048xf32, #tpu.memory_space<vmem>> -> memref<16x128xf32, #tpu.memory_space<vmem>>
        %dma_start3A_1267 = arith.constant 0 : i32
        %dma_start3A_1268 = tpu.memref_slice %arg5[%dma_start3A_1267, %multiple_of3A_1263] : memref<16x1000000xf32, #tpu.memory_space<hbm>> -> memref<16x128xf32, #tpu.memory_space<hbm>>
        %dma_start3A_1269 = arith.constant 0 : i32
        %dma_start3A_1270 = arith.constant 768 : i32
        %dma_start3A_1271 = tpu.memref_slice %arg10[%dma_start3A_1269, %dma_start3A_1270] : memref<16x2048xf32, #tpu.memory_space<vmem>> -> memref<16x128xf32, #tpu.memory_space<vmem>>
        %dma_start3A_1272 = arith.constant 0 : i32
        %dma_start3A_1273 = tpu.memref_slice %arg5[%dma_start3A_1272, %multiple_of3A_1263] : memref<16x1000000xf32, #tpu.memory_space<hbm>> -> memref<16x128xf32, #tpu.memory_space<hbm>>
        tpu.enqueue_dma source(%dma_start3A_1273 : memref<16x128xf32, #tpu.memory_space<hbm>>) target(%dma_start3A_1271 : memref<16x128xf32, #tpu.memory_space<vmem>>) target_semaphore(%arg14 : memref<!tpu.dma_semaphore, #tpu.memory_space<semaphore_mem>>)
        %slice3A_1274 = vector.extract_strided_slice %shift_right_logical3A_1168 {offsets = [7], sizes = [1], strides = [1]} : vector<16xi32> to vector<1xi32>
        %squeeze3A_1275 = vector.extract %slice3A_1274[0] : i32 from vector<1xi32>
        %mul3A_1276 = arith.constant 128 : i32
        %mul3A_1277 = arith.muli %squeeze3A_1275, %mul3A_1276 : i32
        %multiple_of3A_1278 = tpu.assume_multiple %mul3A_1277, 128 : i32
        %dma_start3A_1279 = arith.constant 0 : i32
        %dma_start3A_1280 = arith.constant 896 : i32
        %dma_start3A_1281 = tpu.memref_slice %arg10[%dma_start3A_1279, %dma_start3A_1280] : memref<16x2048xf32, #tpu.memory_space<vmem>> -> memref<16x128xf32, #tpu.memory_space<vmem>>
        %dma_start3A_1282 = arith.constant 0 : i32
        %dma_start3A_1283 = tpu.memref_slice %arg5[%dma_start3A_1282, %multiple_of3A_1278] : memref<16x1000000xf32, #tpu.memory_space<hbm>> -> memref<16x128xf32, #tpu.memory_space<hbm>>
        %dma_start3A_1284 = arith.constant 0 : i32
        %dma_start3A_1285 = arith.constant 896 : i32
        %dma_start3A_1286 = tpu.memref_slice %arg10[%dma_start3A_1284, %dma_start3A_1285] : memref<16x2048xf32, #tpu.memory_space<vmem>> -> memref<16x128xf32, #tpu.memory_space<vmem>>
        %dma_start3A_1287 = arith.constant 0 : i32
        %dma_start3A_1288 = tpu.memref_slice %arg5[%dma_start3A_1287, %multiple_of3A_1278] : memref<16x1000000xf32, #tpu.memory_space<hbm>> -> memref<16x128xf32, #tpu.memory_space<hbm>>
        tpu.enqueue_dma source(%dma_start3A_1288 : memref<16x128xf32, #tpu.memory_space<hbm>>) target(%dma_start3A_1286 : memref<16x128xf32, #tpu.memory_space<vmem>>) target_semaphore(%arg14 : memref<!tpu.dma_semaphore, #tpu.memory_space<semaphore_mem>>)
        %slice3A_1289 = vector.extract_strided_slice %shift_right_logical3A_1168 {offsets = [8], sizes = [1], strides = [1]} : vector<16xi32> to vector<1xi32>
        %squeeze3A_1290 = vector.extract %slice3A_1289[0] : i32 from vector<1xi32>
        %mul3A_1291 = arith.constant 128 : i32
        %mul3A_1292 = arith.muli %squeeze3A_1290, %mul3A_1291 : i32
        %multiple_of3A_1293 = tpu.assume_multiple %mul3A_1292, 128 : i32
        %dma_start3A_1294 = arith.constant 0 : i32
        %dma_start3A_1295 = arith.constant 1024 : i32
        %dma_start3A_1296 = tpu.memref_slice %arg10[%dma_start3A_1294, %dma_start3A_1295] : memref<16x2048xf32, #tpu.memory_space<vmem>> -> memref<16x128xf32, #tpu.memory_space<vmem>>
        %dma_start3A_1297 = arith.constant 0 : i32
        %dma_start3A_1298 = tpu.memref_slice %arg5[%dma_start3A_1297, %multiple_of3A_1293] : memref<16x1000000xf32, #tpu.memory_space<hbm>> -> memref<16x128xf32, #tpu.memory_space<hbm>>
        %dma_start3A_1299 = arith.constant 0 : i32
        %dma_start3A_1300 = arith.constant 1024 : i32
        %dma_start3A_1301 = tpu.memref_slice %arg10[%dma_start3A_1299, %dma_start3A_1300] : memref<16x2048xf32, #tpu.memory_space<vmem>> -> memref<16x128xf32, #tpu.memory_space<vmem>>
        %dma_start3A_1302 = arith.constant 0 : i32
        %dma_start3A_1303 = tpu.memref_slice %arg5[%dma_start3A_1302, %multiple_of3A_1293] : memref<16x1000000xf32, #tpu.memory_space<hbm>> -> memref<16x128xf32, #tpu.memory_space<hbm>>
        tpu.enqueue_dma source(%dma_start3A_1303 : memref<16x128xf32, #tpu.memory_space<hbm>>) target(%dma_start3A_1301 : memref<16x128xf32, #tpu.memory_space<vmem>>) target_semaphore(%arg14 : memref<!tpu.dma_semaphore, #tpu.memory_space<semaphore_mem>>)
        %slice3A_1304 = vector.extract_strided_slice %shift_right_logical3A_1168 {offsets = [9], sizes = [1], strides = [1]} : vector<16xi32> to vector<1xi32>
        %squeeze3A_1305 = vector.extract %slice3A_1304[0] : i32 from vector<1xi32>
        %mul3A_1306 = arith.constant 128 : i32
        %mul3A_1307 = arith.muli %squeeze3A_1305, %mul3A_1306 : i32
        %multiple_of3A_1308 = tpu.assume_multiple %mul3A_1307, 128 : i32
        %dma_start3A_1309 = arith.constant 0 : i32
        %dma_start3A_1310 = arith.constant 1152 : i32
        %dma_start3A_1311 = tpu.memref_slice %arg10[%dma_start3A_1309, %dma_start3A_1310] : memref<16x2048xf32, #tpu.memory_space<vmem>> -> memref<16x128xf32, #tpu.memory_space<vmem>>
        %dma_start3A_1312 = arith.constant 0 : i32
        %dma_start3A_1313 = tpu.memref_slice %arg5[%dma_start3A_1312, %multiple_of3A_1308] : memref<16x1000000xf32, #tpu.memory_space<hbm>> -> memref<16x128xf32, #tpu.memory_space<hbm>>
        %dma_start3A_1314 = arith.constant 0 : i32
        %dma_start3A_1315 = arith.constant 1152 : i32
        %dma_start3A_1316 = tpu.memref_slice %arg10[%dma_start3A_1314, %dma_start3A_1315] : memref<16x2048xf32, #tpu.memory_space<vmem>> -> memref<16x128xf32, #tpu.memory_space<vmem>>
        %dma_start3A_1317 = arith.constant 0 : i32
        %dma_start3A_1318 = tpu.memref_slice %arg5[%dma_start3A_1317, %multiple_of3A_1308] : memref<16x1000000xf32, #tpu.memory_space<hbm>> -> memref<16x128xf32, #tpu.memory_space<hbm>>
        tpu.enqueue_dma source(%dma_start3A_1318 : memref<16x128xf32, #tpu.memory_space<hbm>>) target(%dma_start3A_1316 : memref<16x128xf32, #tpu.memory_space<vmem>>) target_semaphore(%arg14 : memref<!tpu.dma_semaphore, #tpu.memory_space<semaphore_mem>>)
        %slice3A_1319 = vector.extract_strided_slice %shift_right_logical3A_1168 {offsets = [10], sizes = [1], strides = [1]} : vector<16xi32> to vector<1xi32>
        %squeeze3A_1320 = vector.extract %slice3A_1319[0] : i32 from vector<1xi32>
        %mul3A_1321 = arith.constant 128 : i32
        %mul3A_1322 = arith.muli %squeeze3A_1320, %mul3A_1321 : i32
        %multiple_of3A_1323 = tpu.assume_multiple %mul3A_1322, 128 : i32
        %dma_start3A_1324 = arith.constant 0 : i32
        %dma_start3A_1325 = arith.constant 1280 : i32
        %dma_start3A_1326 = tpu.memref_slice %arg10[%dma_start3A_1324, %dma_start3A_1325] : memref<16x2048xf32, #tpu.memory_space<vmem>> -> memref<16x128xf32, #tpu.memory_space<vmem>>
        %dma_start3A_1327 = arith.constant 0 : i32
        %dma_start3A_1328 = tpu.memref_slice %arg5[%dma_start3A_1327, %multiple_of3A_1323] : memref<16x1000000xf32, #tpu.memory_space<hbm>> -> memref<16x128xf32, #tpu.memory_space<hbm>>
        %dma_start3A_1329 = arith.constant 0 : i32
        %dma_start3A_1330 = arith.constant 1280 : i32
        %dma_start3A_1331 = tpu.memref_slice %arg10[%dma_start3A_1329, %dma_start3A_1330] : memref<16x2048xf32, #tpu.memory_space<vmem>> -> memref<16x128xf32, #tpu.memory_space<vmem>>
        %dma_start3A_1332 = arith.constant 0 : i32
        %dma_start3A_1333 = tpu.memref_slice %arg5[%dma_start3A_1332, %multiple_of3A_1323] : memref<16x1000000xf32, #tpu.memory_space<hbm>> -> memref<16x128xf32, #tpu.memory_space<hbm>>
        tpu.enqueue_dma source(%dma_start3A_1333 : memref<16x128xf32, #tpu.memory_space<hbm>>) target(%dma_start3A_1331 : memref<16x128xf32, #tpu.memory_space<vmem>>) target_semaphore(%arg14 : memref<!tpu.dma_semaphore, #tpu.memory_space<semaphore_mem>>)
        %slice3A_1334 = vector.extract_strided_slice %shift_right_logical3A_1168 {offsets = [11], sizes = [1], strides = [1]} : vector<16xi32> to vector<1xi32>
        %squeeze3A_1335 = vector.extract %slice3A_1334[0] : i32 from vector<1xi32>
        %mul3A_1336 = arith.constant 128 : i32
        %mul3A_1337 = arith.muli %squeeze3A_1335, %mul3A_1336 : i32
        %multiple_of3A_1338 = tpu.assume_multiple %mul3A_1337, 128 : i32
        %dma_start3A_1339 = arith.constant 0 : i32
        %dma_start3A_1340 = arith.constant 1408 : i32
        %dma_start3A_1341 = tpu.memref_slice %arg10[%dma_start3A_1339, %dma_start3A_1340] : memref<16x2048xf32, #tpu.memory_space<vmem>> -> memref<16x128xf32, #tpu.memory_space<vmem>>
        %dma_start3A_1342 = arith.constant 0 : i32
        %dma_start3A_1343 = tpu.memref_slice %arg5[%dma_start3A_1342, %multiple_of3A_1338] : memref<16x1000000xf32, #tpu.memory_space<hbm>> -> memref<16x128xf32, #tpu.memory_space<hbm>>
        %dma_start3A_1344 = arith.constant 0 : i32
        %dma_start3A_1345 = arith.constant 1408 : i32
        %dma_start3A_1346 = tpu.memref_slice %arg10[%dma_start3A_1344, %dma_start3A_1345] : memref<16x2048xf32, #tpu.memory_space<vmem>> -> memref<16x128xf32, #tpu.memory_space<vmem>>
        %dma_start3A_1347 = arith.constant 0 : i32
        %dma_start3A_1348 = tpu.memref_slice %arg5[%dma_start3A_1347, %multiple_of3A_1338] : memref<16x1000000xf32, #tpu.memory_space<hbm>> -> memref<16x128xf32, #tpu.memory_space<hbm>>
        tpu.enqueue_dma source(%dma_start3A_1348 : memref<16x128xf32, #tpu.memory_space<hbm>>) target(%dma_start3A_1346 : memref<16x128xf32, #tpu.memory_space<vmem>>) target_semaphore(%arg14 : memref<!tpu.dma_semaphore, #tpu.memory_space<semaphore_mem>>)
        %slice3A_1349 = vector.extract_strided_slice %shift_right_logical3A_1168 {offsets = [12], sizes = [1], strides = [1]} : vector<16xi32> to vector<1xi32>
        %squeeze3A_1350 = vector.extract %slice3A_1349[0] : i32 from vector<1xi32>
        %mul3A_1351 = arith.constant 128 : i32
        %mul3A_1352 = arith.muli %squeeze3A_1350, %mul3A_1351 : i32
        %multiple_of3A_1353 = tpu.assume_multiple %mul3A_1352, 128 : i32
        %dma_start3A_1354 = arith.constant 0 : i32
        %dma_start3A_1355 = arith.constant 1536 : i32
        %dma_start3A_1356 = tpu.memref_slice %arg10[%dma_start3A_1354, %dma_start3A_1355] : memref<16x2048xf32, #tpu.memory_space<vmem>> -> memref<16x128xf32, #tpu.memory_space<vmem>>
        %dma_start3A_1357 = arith.constant 0 : i32
        %dma_start3A_1358 = tpu.memref_slice %arg5[%dma_start3A_1357, %multiple_of3A_1353] : memref<16x1000000xf32, #tpu.memory_space<hbm>> -> memref<16x128xf32, #tpu.memory_space<hbm>>
        %dma_start3A_1359 = arith.constant 0 : i32
        %dma_start3A_1360 = arith.constant 1536 : i32
        %dma_start3A_1361 = tpu.memref_slice %arg10[%dma_start3A_1359, %dma_start3A_1360] : memref<16x2048xf32, #tpu.memory_space<vmem>> -> memref<16x128xf32, #tpu.memory_space<vmem>>
        %dma_start3A_1362 = arith.constant 0 : i32
        %dma_start3A_1363 = tpu.memref_slice %arg5[%dma_start3A_1362, %multiple_of3A_1353] : memref<16x1000000xf32, #tpu.memory_space<hbm>> -> memref<16x128xf32, #tpu.memory_space<hbm>>
        tpu.enqueue_dma source(%dma_start3A_1363 : memref<16x128xf32, #tpu.memory_space<hbm>>) target(%dma_start3A_1361 : memref<16x128xf32, #tpu.memory_space<vmem>>) target_semaphore(%arg14 : memref<!tpu.dma_semaphore, #tpu.memory_space<semaphore_mem>>)
        %slice3A_1364 = vector.extract_strided_slice %shift_right_logical3A_1168 {offsets = [13], sizes = [1], strides = [1]} : vector<16xi32> to vector<1xi32>
        %squeeze3A_1365 = vector.extract %slice3A_1364[0] : i32 from vector<1xi32>
        %mul3A_1366 = arith.constant 128 : i32
        %mul3A_1367 = arith.muli %squeeze3A_1365, %mul3A_1366 : i32
        %multiple_of3A_1368 = tpu.assume_multiple %mul3A_1367, 128 : i32
        %dma_start3A_1369 = arith.constant 0 : i32
        %dma_start3A_1370 = arith.constant 1664 : i32
        %dma_start3A_1371 = tpu.memref_slice %arg10[%dma_start3A_1369, %dma_start3A_1370] : memref<16x2048xf32, #tpu.memory_space<vmem>> -> memref<16x128xf32, #tpu.memory_space<vmem>>
        %dma_start3A_1372 = arith.constant 0 : i32
        %dma_start3A_1373 = tpu.memref_slice %arg5[%dma_start3A_1372, %multiple_of3A_1368] : memref<16x1000000xf32, #tpu.memory_space<hbm>> -> memref<16x128xf32, #tpu.memory_space<hbm>>
        %dma_start3A_1374 = arith.constant 0 : i32
        %dma_start3A_1375 = arith.constant 1664 : i32
        %dma_start3A_1376 = tpu.memref_slice %arg10[%dma_start3A_1374, %dma_start3A_1375] : memref<16x2048xf32, #tpu.memory_space<vmem>> -> memref<16x128xf32, #tpu.memory_space<vmem>>
        %dma_start3A_1377 = arith.constant 0 : i32
        %dma_start3A_1378 = tpu.memref_slice %arg5[%dma_start3A_1377, %multiple_of3A_1368] : memref<16x1000000xf32, #tpu.memory_space<hbm>> -> memref<16x128xf32, #tpu.memory_space<hbm>>
        tpu.enqueue_dma source(%dma_start3A_1378 : memref<16x128xf32, #tpu.memory_space<hbm>>) target(%dma_start3A_1376 : memref<16x128xf32, #tpu.memory_space<vmem>>) target_semaphore(%arg14 : memref<!tpu.dma_semaphore, #tpu.memory_space<semaphore_mem>>)
        %slice3A_1379 = vector.extract_strided_slice %shift_right_logical3A_1168 {offsets = [14], sizes = [1], strides = [1]} : vector<16xi32> to vector<1xi32>
        %squeeze3A_1380 = vector.extract %slice3A_1379[0] : i32 from vector<1xi32>
        %mul3A_1381 = arith.constant 128 : i32
        %mul3A_1382 = arith.muli %squeeze3A_1380, %mul3A_1381 : i32
        %multiple_of3A_1383 = tpu.assume_multiple %mul3A_1382, 128 : i32
        %dma_start3A_1384 = arith.constant 0 : i32
        %dma_start3A_1385 = arith.constant 1792 : i32
        %dma_start3A_1386 = tpu.memref_slice %arg10[%dma_start3A_1384, %dma_start3A_1385] : memref<16x2048xf32, #tpu.memory_space<vmem>> -> memref<16x128xf32, #tpu.memory_space<vmem>>
        %dma_start3A_1387 = arith.constant 0 : i32
        %dma_start3A_1388 = tpu.memref_slice %arg5[%dma_start3A_1387, %multiple_of3A_1383] : memref<16x1000000xf32, #tpu.memory_space<hbm>> -> memref<16x128xf32, #tpu.memory_space<hbm>>
        %dma_start3A_1389 = arith.constant 0 : i32
        %dma_start3A_1390 = arith.constant 1792 : i32
        %dma_start3A_1391 = tpu.memref_slice %arg10[%dma_start3A_1389, %dma_start3A_1390] : memref<16x2048xf32, #tpu.memory_space<vmem>> -> memref<16x128xf32, #tpu.memory_space<vmem>>
        %dma_start3A_1392 = arith.constant 0 : i32
        %dma_start3A_1393 = tpu.memref_slice %arg5[%dma_start3A_1392, %multiple_of3A_1383] : memref<16x1000000xf32, #tpu.memory_space<hbm>> -> memref<16x128xf32, #tpu.memory_space<hbm>>
        tpu.enqueue_dma source(%dma_start3A_1393 : memref<16x128xf32, #tpu.memory_space<hbm>>) target(%dma_start3A_1391 : memref<16x128xf32, #tpu.memory_space<vmem>>) target_semaphore(%arg14 : memref<!tpu.dma_semaphore, #tpu.memory_space<semaphore_mem>>)
        %slice3A_1394 = vector.extract_strided_slice %shift_right_logical3A_1168 {offsets = [15], sizes = [1], strides = [1]} : vector<16xi32> to vector<1xi32>
        %squeeze3A_1395 = vector.extract %slice3A_1394[0] : i32 from vector<1xi32>
        %mul3A_1396 = arith.constant 128 : i32
        %mul3A_1397 = arith.muli %squeeze3A_1395, %mul3A_1396 : i32
        %multiple_of3A_1398 = tpu.assume_multiple %mul3A_1397, 128 : i32
        %dma_start3A_1399 = arith.constant 0 : i32
        %dma_start3A_1400 = arith.constant 1920 : i32
        %dma_start3A_1401 = tpu.memref_slice %arg10[%dma_start3A_1399, %dma_start3A_1400] : memref<16x2048xf32, #tpu.memory_space<vmem>> -> memref<16x128xf32, #tpu.memory_space<vmem>>
        %dma_start3A_1402 = arith.constant 0 : i32
        %dma_start3A_1403 = tpu.memref_slice %arg5[%dma_start3A_1402, %multiple_of3A_1398] : memref<16x1000000xf32, #tpu.memory_space<hbm>> -> memref<16x128xf32, #tpu.memory_space<hbm>>
        %dma_start3A_1404 = arith.constant 0 : i32
        %dma_start3A_1405 = arith.constant 1920 : i32
        %dma_start3A_1406 = tpu.memref_slice %arg10[%dma_start3A_1404, %dma_start3A_1405] : memref<16x2048xf32, #tpu.memory_space<vmem>> -> memref<16x128xf32, #tpu.memory_space<vmem>>
        %dma_start3A_1407 = arith.constant 0 : i32
        %dma_start3A_1408 = tpu.memref_slice %arg5[%dma_start3A_1407, %multiple_of3A_1398] : memref<16x1000000xf32, #tpu.memory_space<hbm>> -> memref<16x128xf32, #tpu.memory_space<hbm>>
        tpu.enqueue_dma source(%dma_start3A_1408 : memref<16x128xf32, #tpu.memory_space<hbm>>) target(%dma_start3A_1406 : memref<16x128xf32, #tpu.memory_space<vmem>>) target_semaphore(%arg14 : memref<!tpu.dma_semaphore, #tpu.memory_space<semaphore_mem>>)
      } else {
      }
      %dma_wait3A_953 = arith.constant 0 : i32
      %dma_wait3A_954 = arith.constant 0 : i32
      %dma_wait3A_955 = tpu.memref_slice %arg5[%dma_wait3A_953, %dma_wait3A_954] : memref<16x1000000xf32, #tpu.memory_space<hbm>> -> memref<16x2048xf32, #tpu.memory_space<hbm>>
      %dma_wait3A_956 = arith.constant 0 : i32
      %dma_wait3A_957 = arith.constant 0 : i32
      %dma_wait3A_958 = tpu.memref_slice %arg5[%dma_wait3A_956, %dma_wait3A_957] : memref<16x1000000xf32, #tpu.memory_space<hbm>> -> memref<16x2048xf32, #tpu.memory_space<hbm>>
      tpu.wait_dma2 semaphore(%arg14 : memref<!tpu.dma_semaphore, #tpu.memory_space<semaphore_mem>>) src(%dma_wait3A_958 : memref<16x2048xf32, #tpu.memory_space<hbm>>) dst(%arg11 : memref<16x2048xf32, #tpu.memory_space<vmem>>)
      %add3A_959 = arith.constant 1 : i32
      %add3A_960 = arith.addi %mul3A_500, %add3A_959 : i32
      %mul3A_961 = arith.constant 16 : i32
      %mul3A_962 = arith.muli %add3A_960, %mul3A_961 : i32
      %get3A_963 = arith.index_cast %mul3A_962 : i32 to index
      %get3A_964 = tpu.vector_load %arg9[%get3A_963] {strides = array<i32>} : memref<512xi32, #tpu.memory_space<vmem>>, vector<16xi32>,
      %and3A_965 = arith.constant 127 : i32
      %and3A_966 = vector.broadcast %and3A_965 : i32 to vector<16xi32>
      %and3A_967 = arith.andi %get3A_964, %and3A_966 : vector<16xi32>
      %broadcast_in_dim3A_968 = arith.constant 0 : i32
      %broadcast_in_dim3A_969 = vector.broadcast %broadcast_in_dim3A_968 : i32 to vector<16xi32>
      %slice3A_970 = vector.extract_strided_slice %and3A_967 {offsets = [0], sizes = [1], strides = [1]} : vector<16xi32> to vector<1xi32>
      %squeeze3A_971 = vector.extract %slice3A_970[0] : i32 from vector<1xi32>
      %add3A_972 = vector.broadcast %squeeze3A_971 : i32 to vector<16xi32>
      %add3A_973 = arith.addi %broadcast_in_dim3A_969, %add3A_972 : vector<16xi32>
      %gather3A_974 = tpu.vector_load_idx %arg11[%iota3A, %add3A_973] : memref<16x2048xf32, #tpu.memory_space<vmem>>[vector<16xi32>, vector<16xi32>], vector<16xf32>,
      %mul3A_975 = arith.constant 16 : i32
      %mul3A_976 = arith.muli %add3A_960, %mul3A_975 : i32
      %add3A_977 = arith.constant 0 : i32
      %add3A_978 = arith.addi %mul3A_976, %add3A_977 : i32
      %broadcast_in_dim3A_979 = vector.broadcast %add3A_978 : i32 to vector<16xi32>
      tpu.vector_store_idx %arg13[%iota3A, %broadcast_in_dim3A_979], %gather3A_974 : memref<16x512xf32, #tpu.memory_space<vmem>>[vector<16xi32>, vector<16xi32>], vector<16xf32>,
      %broadcast_in_dim3A_980 = arith.constant 128 : i32
      %broadcast_in_dim3A_981 = vector.broadcast %broadcast_in_dim3A_980 : i32 to vector<16xi32>
      %slice3A_982 = vector.extract_strided_slice %and3A_967 {offsets = [1], sizes = [1], strides = [1]} : vector<16xi32> to vector<1xi32>
      %squeeze3A_983 = vector.extract %slice3A_982[0] : i32 from vector<1xi32>
      %add3A_984 = vector.broadcast %squeeze3A_983 : i32 to vector<16xi32>
      %add3A_985 = arith.addi %broadcast_in_dim3A_981, %add3A_984 : vector<16xi32>
      %gather3A_986 = tpu.vector_load_idx %arg11[%iota3A, %add3A_985] : memref<16x2048xf32, #tpu.memory_space<vmem>>[vector<16xi32>, vector<16xi32>], vector<16xf32>,
      %mul3A_987 = arith.constant 16 : i32
      %mul3A_988 = arith.muli %add3A_960, %mul3A_987 : i32
      %add3A_989 = arith.constant 1 : i32
      %add3A_990 = arith.addi %mul3A_988, %add3A_989 : i32
      %broadcast_in_dim3A_991 = vector.broadcast %add3A_990 : i32 to vector<16xi32>
      tpu.vector_store_idx %arg13[%iota3A, %broadcast_in_dim3A_991], %gather3A_986 : memref<16x512xf32, #tpu.memory_space<vmem>>[vector<16xi32>, vector<16xi32>], vector<16xf32>,
      %broadcast_in_dim3A_992 = arith.constant 256 : i32
      %broadcast_in_dim3A_993 = vector.broadcast %broadcast_in_dim3A_992 : i32 to vector<16xi32>
      %slice3A_994 = vector.extract_strided_slice %and3A_967 {offsets = [2], sizes = [1], strides = [1]} : vector<16xi32> to vector<1xi32>
      %squeeze3A_995 = vector.extract %slice3A_994[0] : i32 from vector<1xi32>
      %add3A_996 = vector.broadcast %squeeze3A_995 : i32 to vector<16xi32>
      %add3A_997 = arith.addi %broadcast_in_dim3A_993, %add3A_996 : vector<16xi32>
      %gather3A_998 = tpu.vector_load_idx %arg11[%iota3A, %add3A_997] : memref<16x2048xf32, #tpu.memory_space<vmem>>[vector<16xi32>, vector<16xi32>], vector<16xf32>,
      %mul3A_999 = arith.constant 16 : i32
      %mul3A_1000 = arith.muli %add3A_960, %mul3A_999 : i32
      %add3A_1001 = arith.constant 2 : i32
      %add3A_1002 = arith.addi %mul3A_1000, %add3A_1001 : i32
      %broadcast_in_dim3A_1003 = vector.broadcast %add3A_1002 : i32 to vector<16xi32>
      tpu.vector_store_idx %arg13[%iota3A, %broadcast_in_dim3A_1003], %gather3A_998 : memref<16x512xf32, #tpu.memory_space<vmem>>[vector<16xi32>, vector<16xi32>], vector<16xf32>,
      %broadcast_in_dim3A_1004 = arith.constant 384 : i32
      %broadcast_in_dim3A_1005 = vector.broadcast %broadcast_in_dim3A_1004 : i32 to vector<16xi32>
      %slice3A_1006 = vector.extract_strided_slice %and3A_967 {offsets = [3], sizes = [1], strides = [1]} : vector<16xi32> to vector<1xi32>
      %squeeze3A_1007 = vector.extract %slice3A_1006[0] : i32 from vector<1xi32>
      %add3A_1008 = vector.broadcast %squeeze3A_1007 : i32 to vector<16xi32>
      %add3A_1009 = arith.addi %broadcast_in_dim3A_1005, %add3A_1008 : vector<16xi32>
      %gather3A_1010 = tpu.vector_load_idx %arg11[%iota3A, %add3A_1009] : memref<16x2048xf32, #tpu.memory_space<vmem>>[vector<16xi32>, vector<16xi32>], vector<16xf32>,
      %mul3A_1011 = arith.constant 16 : i32
      %mul3A_1012 = arith.muli %add3A_960, %mul3A_1011 : i32
      %add3A_1013 = arith.constant 3 : i32
      %add3A_1014 = arith.addi %mul3A_1012, %add3A_1013 : i32
      %broadcast_in_dim3A_1015 = vector.broadcast %add3A_1014 : i32 to vector<16xi32>
      tpu.vector_store_idx %arg13[%iota3A, %broadcast_in_dim3A_1015], %gather3A_1010 : memref<16x512xf32, #tpu.memory_space<vmem>>[vector<16xi32>, vector<16xi32>], vector<16xf32>,
      %broadcast_in_dim3A_1016 = arith.constant 512 : i32
      %broadcast_in_dim3A_1017 = vector.broadcast %broadcast_in_dim3A_1016 : i32 to vector<16xi32>
      %slice3A_1018 = vector.extract_strided_slice %and3A_967 {offsets = [4], sizes = [1], strides = [1]} : vector<16xi32> to vector<1xi32>
      %squeeze3A_1019 = vector.extract %slice3A_1018[0] : i32 from vector<1xi32>
      %add3A_1020 = vector.broadcast %squeeze3A_1019 : i32 to vector<16xi32>
      %add3A_1021 = arith.addi %broadcast_in_dim3A_1017, %add3A_1020 : vector<16xi32>
      %gather3A_1022 = tpu.vector_load_idx %arg11[%iota3A, %add3A_1021] : memref<16x2048xf32, #tpu.memory_space<vmem>>[vector<16xi32>, vector<16xi32>], vector<16xf32>,
      %mul3A_1023 = arith.constant 16 : i32
      %mul3A_1024 = arith.muli %add3A_960, %mul3A_1023 : i32
      %add3A_1025 = arith.constant 4 : i32
      %add3A_1026 = arith.addi %mul3A_1024, %add3A_1025 : i32
      %broadcast_in_dim3A_1027 = vector.broadcast %add3A_1026 : i32 to vector<16xi32>
      tpu.vector_store_idx %arg13[%iota3A, %broadcast_in_dim3A_1027], %gather3A_1022 : memref<16x512xf32, #tpu.memory_space<vmem>>[vector<16xi32>, vector<16xi32>], vector<16xf32>,
      %broadcast_in_dim3A_1028 = arith.constant 640 : i32
      %broadcast_in_dim3A_1029 = vector.broadcast %broadcast_in_dim3A_1028 : i32 to vector<16xi32>
      %slice3A_1030 = vector.extract_strided_slice %and3A_967 {offsets = [5], sizes = [1], strides = [1]} : vector<16xi32> to vector<1xi32>
      %squeeze3A_1031 = vector.extract %slice3A_1030[0] : i32 from vector<1xi32>
      %add3A_1032 = vector.broadcast %squeeze3A_1031 : i32 to vector<16xi32>
      %add3A_1033 = arith.addi %broadcast_in_dim3A_1029, %add3A_1032 : vector<16xi32>
      %gather3A_1034 = tpu.vector_load_idx %arg11[%iota3A, %add3A_1033] : memref<16x2048xf32, #tpu.memory_space<vmem>>[vector<16xi32>, vector<16xi32>], vector<16xf32>,
      %mul3A_1035 = arith.constant 16 : i32
      %mul3A_1036 = arith.muli %add3A_960, %mul3A_1035 : i32
      %add3A_1037 = arith.constant 5 : i32
      %add3A_1038 = arith.addi %mul3A_1036, %add3A_1037 : i32
      %broadcast_in_dim3A_1039 = vector.broadcast %add3A_1038 : i32 to vector<16xi32>
      tpu.vector_store_idx %arg13[%iota3A, %broadcast_in_dim3A_1039], %gather3A_1034 : memref<16x512xf32, #tpu.memory_space<vmem>>[vector<16xi32>, vector<16xi32>], vector<16xf32>,
      %broadcast_in_dim3A_1040 = arith.constant 768 : i32
      %broadcast_in_dim3A_1041 = vector.broadcast %broadcast_in_dim3A_1040 : i32 to vector<16xi32>
      %slice3A_1042 = vector.extract_strided_slice %and3A_967 {offsets = [6], sizes = [1], strides = [1]} : vector<16xi32> to vector<1xi32>
      %squeeze3A_1043 = vector.extract %slice3A_1042[0] : i32 from vector<1xi32>
      %add3A_1044 = vector.broadcast %squeeze3A_1043 : i32 to vector<16xi32>
      %add3A_1045 = arith.addi %broadcast_in_dim3A_1041, %add3A_1044 : vector<16xi32>
      %gather3A_1046 = tpu.vector_load_idx %arg11[%iota3A, %add3A_1045] : memref<16x2048xf32, #tpu.memory_space<vmem>>[vector<16xi32>, vector<16xi32>], vector<16xf32>,
      %mul3A_1047 = arith.constant 16 : i32
      %mul3A_1048 = arith.muli %add3A_960, %mul3A_1047 : i32
      %add3A_1049 = arith.constant 6 : i32
      %add3A_1050 = arith.addi %mul3A_1048, %add3A_1049 : i32
      %broadcast_in_dim3A_1051 = vector.broadcast %add3A_1050 : i32 to vector<16xi32>
      tpu.vector_store_idx %arg13[%iota3A, %broadcast_in_dim3A_1051], %gather3A_1046 : memref<16x512xf32, #tpu.memory_space<vmem>>[vector<16xi32>, vector<16xi32>], vector<16xf32>,
      %broadcast_in_dim3A_1052 = arith.constant 896 : i32
      %broadcast_in_dim3A_1053 = vector.broadcast %broadcast_in_dim3A_1052 : i32 to vector<16xi32>
      %slice3A_1054 = vector.extract_strided_slice %and3A_967 {offsets = [7], sizes = [1], strides = [1]} : vector<16xi32> to vector<1xi32>
      %squeeze3A_1055 = vector.extract %slice3A_1054[0] : i32 from vector<1xi32>
      %add3A_1056 = vector.broadcast %squeeze3A_1055 : i32 to vector<16xi32>
      %add3A_1057 = arith.addi %broadcast_in_dim3A_1053, %add3A_1056 : vector<16xi32>
      %gather3A_1058 = tpu.vector_load_idx %arg11[%iota3A, %add3A_1057] : memref<16x2048xf32, #tpu.memory_space<vmem>>[vector<16xi32>, vector<16xi32>], vector<16xf32>,
      %mul3A_1059 = arith.constant 16 : i32
      %mul3A_1060 = arith.muli %add3A_960, %mul3A_1059 : i32
      %add3A_1061 = arith.constant 7 : i32
      %add3A_1062 = arith.addi %mul3A_1060, %add3A_1061 : i32
      %broadcast_in_dim3A_1063 = vector.broadcast %add3A_1062 : i32 to vector<16xi32>
      tpu.vector_store_idx %arg13[%iota3A, %broadcast_in_dim3A_1063], %gather3A_1058 : memref<16x512xf32, #tpu.memory_space<vmem>>[vector<16xi32>, vector<16xi32>], vector<16xf32>,
      %broadcast_in_dim3A_1064 = arith.constant 1024 : i32
      %broadcast_in_dim3A_1065 = vector.broadcast %broadcast_in_dim3A_1064 : i32 to vector<16xi32>
      %slice3A_1066 = vector.extract_strided_slice %and3A_967 {offsets = [8], sizes = [1], strides = [1]} : vector<16xi32> to vector<1xi32>
      %squeeze3A_1067 = vector.extract %slice3A_1066[0] : i32 from vector<1xi32>
      %add3A_1068 = vector.broadcast %squeeze3A_1067 : i32 to vector<16xi32>
      %add3A_1069 = arith.addi %broadcast_in_dim3A_1065, %add3A_1068 : vector<16xi32>
      %gather3A_1070 = tpu.vector_load_idx %arg11[%iota3A, %add3A_1069] : memref<16x2048xf32, #tpu.memory_space<vmem>>[vector<16xi32>, vector<16xi32>], vector<16xf32>,
      %mul3A_1071 = arith.constant 16 : i32
      %mul3A_1072 = arith.muli %add3A_960, %mul3A_1071 : i32
      %add3A_1073 = arith.constant 8 : i32
      %add3A_1074 = arith.addi %mul3A_1072, %add3A_1073 : i32
      %broadcast_in_dim3A_1075 = vector.broadcast %add3A_1074 : i32 to vector<16xi32>
      tpu.vector_store_idx %arg13[%iota3A, %broadcast_in_dim3A_1075], %gather3A_1070 : memref<16x512xf32, #tpu.memory_space<vmem>>[vector<16xi32>, vector<16xi32>], vector<16xf32>,
      %broadcast_in_dim3A_1076 = arith.constant 1152 : i32
      %broadcast_in_dim3A_1077 = vector.broadcast %broadcast_in_dim3A_1076 : i32 to vector<16xi32>
      %slice3A_1078 = vector.extract_strided_slice %and3A_967 {offsets = [9], sizes = [1], strides = [1]} : vector<16xi32> to vector<1xi32>
      %squeeze3A_1079 = vector.extract %slice3A_1078[0] : i32 from vector<1xi32>
      %add3A_1080 = vector.broadcast %squeeze3A_1079 : i32 to vector<16xi32>
      %add3A_1081 = arith.addi %broadcast_in_dim3A_1077, %add3A_1080 : vector<16xi32>
      %gather3A_1082 = tpu.vector_load_idx %arg11[%iota3A, %add3A_1081] : memref<16x2048xf32, #tpu.memory_space<vmem>>[vector<16xi32>, vector<16xi32>], vector<16xf32>,
      %mul3A_1083 = arith.constant 16 : i32
      %mul3A_1084 = arith.muli %add3A_960, %mul3A_1083 : i32
      %add3A_1085 = arith.constant 9 : i32
      %add3A_1086 = arith.addi %mul3A_1084, %add3A_1085 : i32
      %broadcast_in_dim3A_1087 = vector.broadcast %add3A_1086 : i32 to vector<16xi32>
      tpu.vector_store_idx %arg13[%iota3A, %broadcast_in_dim3A_1087], %gather3A_1082 : memref<16x512xf32, #tpu.memory_space<vmem>>[vector<16xi32>, vector<16xi32>], vector<16xf32>,
      %broadcast_in_dim3A_1088 = arith.constant 1280 : i32
      %broadcast_in_dim3A_1089 = vector.broadcast %broadcast_in_dim3A_1088 : i32 to vector<16xi32>
      %slice3A_1090 = vector.extract_strided_slice %and3A_967 {offsets = [10], sizes = [1], strides = [1]} : vector<16xi32> to vector<1xi32>
      %squeeze3A_1091 = vector.extract %slice3A_1090[0] : i32 from vector<1xi32>
      %add3A_1092 = vector.broadcast %squeeze3A_1091 : i32 to vector<16xi32>
      %add3A_1093 = arith.addi %broadcast_in_dim3A_1089, %add3A_1092 : vector<16xi32>
      %gather3A_1094 = tpu.vector_load_idx %arg11[%iota3A, %add3A_1093] : memref<16x2048xf32, #tpu.memory_space<vmem>>[vector<16xi32>, vector<16xi32>], vector<16xf32>,
      %mul3A_1095 = arith.constant 16 : i32
      %mul3A_1096 = arith.muli %add3A_960, %mul3A_1095 : i32
      %add3A_1097 = arith.constant 10 : i32
      %add3A_1098 = arith.addi %mul3A_1096, %add3A_1097 : i32
      %broadcast_in_dim3A_1099 = vector.broadcast %add3A_1098 : i32 to vector<16xi32>
      tpu.vector_store_idx %arg13[%iota3A, %broadcast_in_dim3A_1099], %gather3A_1094 : memref<16x512xf32, #tpu.memory_space<vmem>>[vector<16xi32>, vector<16xi32>], vector<16xf32>,
      %broadcast_in_dim3A_1100 = arith.constant 1408 : i32
      %broadcast_in_dim3A_1101 = vector.broadcast %broadcast_in_dim3A_1100 : i32 to vector<16xi32>
      %slice3A_1102 = vector.extract_strided_slice %and3A_967 {offsets = [11], sizes = [1], strides = [1]} : vector<16xi32> to vector<1xi32>
      %squeeze3A_1103 = vector.extract %slice3A_1102[0] : i32 from vector<1xi32>
      %add3A_1104 = vector.broadcast %squeeze3A_1103 : i32 to vector<16xi32>
      %add3A_1105 = arith.addi %broadcast_in_dim3A_1101, %add3A_1104 : vector<16xi32>
      %gather3A_1106 = tpu.vector_load_idx %arg11[%iota3A, %add3A_1105] : memref<16x2048xf32, #tpu.memory_space<vmem>>[vector<16xi32>, vector<16xi32>], vector<16xf32>,
      %mul3A_1107 = arith.constant 16 : i32
      %mul3A_1108 = arith.muli %add3A_960, %mul3A_1107 : i32
      %add3A_1109 = arith.constant 11 : i32
      %add3A_1110 = arith.addi %mul3A_1108, %add3A_1109 : i32
      %broadcast_in_dim3A_1111 = vector.broadcast %add3A_1110 : i32 to vector<16xi32>
      tpu.vector_store_idx %arg13[%iota3A, %broadcast_in_dim3A_1111], %gather3A_1106 : memref<16x512xf32, #tpu.memory_space<vmem>>[vector<16xi32>, vector<16xi32>], vector<16xf32>,
      %broadcast_in_dim3A_1112 = arith.constant 1536 : i32
      %broadcast_in_dim3A_1113 = vector.broadcast %broadcast_in_dim3A_1112 : i32 to vector<16xi32>
      %slice3A_1114 = vector.extract_strided_slice %and3A_967 {offsets = [12], sizes = [1], strides = [1]} : vector<16xi32> to vector<1xi32>
      %squeeze3A_1115 = vector.extract %slice3A_1114[0] : i32 from vector<1xi32>
      %add3A_1116 = vector.broadcast %squeeze3A_1115 : i32 to vector<16xi32>
      %add3A_1117 = arith.addi %broadcast_in_dim3A_1113, %add3A_1116 : vector<16xi32>
      %gather3A_1118 = tpu.vector_load_idx %arg11[%iota3A, %add3A_1117] : memref<16x2048xf32, #tpu.memory_space<vmem>>[vector<16xi32>, vector<16xi32>], vector<16xf32>,
      %mul3A_1119 = arith.constant 16 : i32
      %mul3A_1120 = arith.muli %add3A_960, %mul3A_1119 : i32
      %add3A_1121 = arith.constant 12 : i32
      %add3A_1122 = arith.addi %mul3A_1120, %add3A_1121 : i32
      %broadcast_in_dim3A_1123 = vector.broadcast %add3A_1122 : i32 to vector<16xi32>
      tpu.vector_store_idx %arg13[%iota3A, %broadcast_in_dim3A_1123], %gather3A_1118 : memref<16x512xf32, #tpu.memory_space<vmem>>[vector<16xi32>, vector<16xi32>], vector<16xf32>,
      %broadcast_in_dim3A_1124 = arith.constant 1664 : i32
      %broadcast_in_dim3A_1125 = vector.broadcast %broadcast_in_dim3A_1124 : i32 to vector<16xi32>
      %slice3A_1126 = vector.extract_strided_slice %and3A_967 {offsets = [13], sizes = [1], strides = [1]} : vector<16xi32> to vector<1xi32>
      %squeeze3A_1127 = vector.extract %slice3A_1126[0] : i32 from vector<1xi32>
      %add3A_1128 = vector.broadcast %squeeze3A_1127 : i32 to vector<16xi32>
      %add3A_1129 = arith.addi %broadcast_in_dim3A_1125, %add3A_1128 : vector<16xi32>
      %gather3A_1130 = tpu.vector_load_idx %arg11[%iota3A, %add3A_1129] : memref<16x2048xf32, #tpu.memory_space<vmem>>[vector<16xi32>, vector<16xi32>], vector<16xf32>,
      %mul3A_1131 = arith.constant 16 : i32
      %mul3A_1132 = arith.muli %add3A_960, %mul3A_1131 : i32
      %add3A_1133 = arith.constant 13 : i32
      %add3A_1134 = arith.addi %mul3A_1132, %add3A_1133 : i32
      %broadcast_in_dim3A_1135 = vector.broadcast %add3A_1134 : i32 to vector<16xi32>
      tpu.vector_store_idx %arg13[%iota3A, %broadcast_in_dim3A_1135], %gather3A_1130 : memref<16x512xf32, #tpu.memory_space<vmem>>[vector<16xi32>, vector<16xi32>], vector<16xf32>,
      %broadcast_in_dim3A_1136 = arith.constant 1792 : i32
      %broadcast_in_dim3A_1137 = vector.broadcast %broadcast_in_dim3A_1136 : i32 to vector<16xi32>
      %slice3A_1138 = vector.extract_strided_slice %and3A_967 {offsets = [14], sizes = [1], strides = [1]} : vector<16xi32> to vector<1xi32>
      %squeeze3A_1139 = vector.extract %slice3A_1138[0] : i32 from vector<1xi32>
      %add3A_1140 = vector.broadcast %squeeze3A_1139 : i32 to vector<16xi32>
      %add3A_1141 = arith.addi %broadcast_in_dim3A_1137, %add3A_1140 : vector<16xi32>
      %gather3A_1142 = tpu.vector_load_idx %arg11[%iota3A, %add3A_1141] : memref<16x2048xf32, #tpu.memory_space<vmem>>[vector<16xi32>, vector<16xi32>], vector<16xf32>,
      %mul3A_1143 = arith.constant 16 : i32
      %mul3A_1144 = arith.muli %add3A_960, %mul3A_1143 : i32
      %add3A_1145 = arith.constant 14 : i32
      %add3A_1146 = arith.addi %mul3A_1144, %add3A_1145 : i32
      %broadcast_in_dim3A_1147 = vector.broadcast %add3A_1146 : i32 to vector<16xi32>
      tpu.vector_store_idx %arg13[%iota3A, %broadcast_in_dim3A_1147], %gather3A_1142 : memref<16x512xf32, #tpu.memory_space<vmem>>[vector<16xi32>, vector<16xi32>], vector<16xf32>,
      %broadcast_in_dim3A_1148 = arith.constant 1920 : i32
      %broadcast_in_dim3A_1149 = vector.broadcast %broadcast_in_dim3A_1148 : i32 to vector<16xi32>
      %slice3A_1150 = vector.extract_strided_slice %and3A_967 {offsets = [15], sizes = [1], strides = [1]} : vector<16xi32> to vector<1xi32>
      %squeeze3A_1151 = vector.extract %slice3A_1150[0] : i32 from vector<1xi32>
      %add3A_1152 = vector.broadcast %squeeze3A_1151 : i32 to vector<16xi32>
      %add3A_1153 = arith.addi %broadcast_in_dim3A_1149, %add3A_1152 : vector<16xi32>
      %gather3A_1154 = tpu.vector_load_idx %arg11[%iota3A, %add3A_1153] : memref<16x2048xf32, #tpu.memory_space<vmem>>[vector<16xi32>, vector<16xi32>], vector<16xf32>,
      %mul3A_1155 = arith.constant 16 : i32
      %mul3A_1156 = arith.muli %add3A_960, %mul3A_1155 : i32
      %add3A_1157 = arith.constant 15 : i32
      %add3A_1158 = arith.addi %mul3A_1156, %add3A_1157 : i32
      %broadcast_in_dim3A_1159 = vector.broadcast %add3A_1158 : i32 to vector<16xi32>
      tpu.vector_store_idx %arg13[%iota3A, %broadcast_in_dim3A_1159], %gather3A_1154 : memref<16x512xf32, #tpu.memory_space<vmem>>[vector<16xi32>, vector<16xi32>], vector<16xf32>,
    }
    %scan3A_497 = arith.constant 16 : i32
    "tpu.region"() ({
      %run_scoped3A = tpu.sem_alloc : memref<!tpu.dma_semaphore, #tpu.memory_space<semaphore_mem>>
      %dma_start3A_498 = arith.constant 0 : i32
      %dma_start3A_499 = tpu.memref_slice %arg6[%dma_start3A_498, %mul3A_2] : memref<16x16384xf32, #tpu.memory_space<hbm>> -> memref<16x512xf32, #tpu.memory_space<hbm>>
      %dma_start3A_500 = arith.constant 0 : i32
      %dma_start3A_501 = tpu.memref_slice %arg6[%dma_start3A_500, %mul3A_2] : memref<16x16384xf32, #tpu.memory_space<hbm>> -> memref<16x512xf32, #tpu.memory_space<hbm>>
      tpu.enqueue_dma source(%arg12 : memref<16x512xf32, #tpu.memory_space<vmem>>) target(%dma_start3A_501 : memref<16x512xf32, #tpu.memory_space<hbm>>) target_semaphore(%run_scoped3A : memref<!tpu.dma_semaphore, #tpu.memory_space<semaphore_mem>>)
      %dma_wait3A = arith.constant 0 : i32
      %dma_wait3A_502 = tpu.memref_slice %arg6[%dma_wait3A, %mul3A_2] : memref<16x16384xf32, #tpu.memory_space<hbm>> -> memref<16x512xf32, #tpu.memory_space<hbm>>
      %dma_wait3A_503 = arith.constant 0 : i32
      %dma_wait3A_504 = tpu.memref_slice %arg6[%dma_wait3A_503, %mul3A_2] : memref<16x16384xf32, #tpu.memory_space<hbm>> -> memref<16x512xf32, #tpu.memory_space<hbm>>
      tpu.wait_dma2 semaphore(%run_scoped3A : memref<!tpu.dma_semaphore, #tpu.memory_space<semaphore_mem>>) src(%arg12 : memref<16x512xf32, #tpu.memory_space<vmem>>) dst(%dma_wait3A_504 : memref<16x512xf32, #tpu.memory_space<hbm>>)
      tpu.yield
    }) : () -> ()
    "tpu.region"() ({
      %run_scoped3A = tpu.sem_alloc : memref<!tpu.dma_semaphore, #tpu.memory_space<semaphore_mem>>
      %dma_start3A_498 = arith.constant 0 : i32
      %dma_start3A_499 = tpu.memref_slice %arg7[%dma_start3A_498, %mul3A_2] : memref<16x16384xf32, #tpu.memory_space<hbm>> -> memref<16x512xf32, #tpu.memory_space<hbm>>
      %dma_start3A_500 = arith.constant 0 : i32
      %dma_start3A_501 = tpu.memref_slice %arg7[%dma_start3A_500, %mul3A_2] : memref<16x16384xf32, #tpu.memory_space<hbm>> -> memref<16x512xf32, #tpu.memory_space<hbm>>
      tpu.enqueue_dma source(%arg13 : memref<16x512xf32, #tpu.memory_space<vmem>>) target(%dma_start3A_501 : memref<16x512xf32, #tpu.memory_space<hbm>>) target_semaphore(%run_scoped3A : memref<!tpu.dma_semaphore, #tpu.memory_space<semaphore_mem>>)
      %dma_wait3A = arith.constant 0 : i32
      %dma_wait3A_502 = tpu.memref_slice %arg7[%dma_wait3A, %mul3A_2] : memref<16x16384xf32, #tpu.memory_space<hbm>> -> memref<16x512xf32, #tpu.memory_space<hbm>>
      %dma_wait3A_503 = arith.constant 0 : i32
      %dma_wait3A_504 = tpu.memref_slice %arg7[%dma_wait3A_503, %mul3A_2] : memref<16x16384xf32, #tpu.memory_space<hbm>> -> memref<16x512xf32, #tpu.memory_space<hbm>>
      tpu.wait_dma2 semaphore(%run_scoped3A : memref<!tpu.dma_semaphore, #tpu.memory_space<semaphore_mem>>) src(%arg13 : memref<16x512xf32, #tpu.memory_space<vmem>>) dst(%dma_wait3A_504 : memref<16x512xf32, #tpu.memory_space<hbm>>)
      tpu.yield
    }) : () -> ()
    return
  }
}

module attributes {stable_mosaic.version = 14 : i64} {
  func.func @_mlp_body(%arg0: i32, %arg1: memref<16x16384xf32, #tpu.memory_space<vmem>>, %arg2: memref<16x16384xf32, #tpu.memory_space<vmem>>, %arg3: memref<16x16xf32, #tpu.memory_space<vmem>>, %arg4: memref<16x16xf32, #tpu.memory_space<vmem>>, %arg5: memref<16x1xf32, #tpu.memory_space<vmem>>, %arg6: memref<8x16xf32, #tpu.memory_space<vmem>>, %arg7: memref<8x1xf32, #tpu.memory_space<vmem>>, %arg8: memref<1x8xf32, #tpu.memory_space<vmem>>, %arg9: memref<1x1xf32, #tpu.memory_space<vmem>>, %arg10: memref<1x16384xf32, #tpu.memory_space<vmem>>) attributes {dimension_semantics = [#tpu.dimension_semantics<arbitrary>], iteration_bounds = array<i64: 1>, scalar_prefetch = 0 : i64, scratch_operands = 0 : i64, tpu.core_type = #tpu.core_type<tc>, window_params = [{transform_indices = @transform_0, window_bounds = array<i64: 16, 16384>}, {transform_indices = @transform_1, window_bounds = array<i64: 16, 16384>}, {pipeline_mode = #tpu.pipeline_mode<synchronous>, transform_indices = @transform_2, window_bounds = array<i64: 16, 16>}, {pipeline_mode = #tpu.pipeline_mode<synchronous>, transform_indices = @transform_3, window_bounds = array<i64: 16, 16>}, {pipeline_mode = #tpu.pipeline_mode<synchronous>, transform_indices = @transform_4, window_bounds = array<i64: 16, 1>}, {pipeline_mode = #tpu.pipeline_mode<synchronous>, transform_indices = @transform_5, window_bounds = array<i64: 8, 16>}, {pipeline_mode = #tpu.pipeline_mode<synchronous>, transform_indices = @transform_6, window_bounds = array<i64: 8, 1>}, {pipeline_mode = #tpu.pipeline_mode<synchronous>, transform_indices = @transform_7, window_bounds = array<i64: 1, 8>}, {pipeline_mode = #tpu.pipeline_mode<synchronous>, transform_indices = @transform_8, window_bounds = array<i64: 1, 1>}, {transform_indices = @transform_9, window_bounds = array<i64: 1, 16384>}]} {
    %get3A = arith.constant 0 : index
    %get3A_0 = arith.constant 0 : index
    %get3A_1 = vector.load %arg3[%get3A, %get3A_0] : memref<16x16xf32, #tpu.memory_space<vmem>>, vector<16x16xf32>
    %get3A_2 = arith.constant 0 : index
    %get3A_3 = arith.constant 0 : index
    %get3A_4 = vector.load %arg1[%get3A_2, %get3A_3] : memref<16x16384xf32, #tpu.memory_space<vmem>>, vector<16x16384xf32>
    %dot_general3A = arith.constant dense<0.000000e+00> : vector<16x16384xf32>
    %dot_general3A_5 = tpu.matmul %get3A_1, %get3A_4, %dot_general3A {dimension_numbers = #tpu.dot_dimension_numbers<[1], [0], [0], [1], [0, 0, 1, 1], [], []>, transpose_lhs_hint = false} : vector<16x16xf32>, vector<16x16384xf32>, vector<16x16384xf32> -> vector<16x16384xf32>
    %get3A_6 = arith.constant 0 : index
    %get3A_7 = arith.constant 0 : index
    %get3A_8 = vector.load %arg4[%get3A_6, %get3A_7] : memref<16x16xf32, #tpu.memory_space<vmem>>, vector<16x16xf32>
    %get3A_9 = arith.constant 0 : index
    %get3A_10 = arith.constant 0 : index
    %get3A_11 = vector.load %arg2[%get3A_9, %get3A_10] : memref<16x16384xf32, #tpu.memory_space<vmem>>, vector<16x16384xf32>
    %dot_general3A_12 = arith.constant dense<0.000000e+00> : vector<16x16384xf32>
    %dot_general3A_13 = tpu.matmul %get3A_8, %get3A_11, %dot_general3A_12 {dimension_numbers = #tpu.dot_dimension_numbers<[1], [0], [0], [1], [0, 0, 1, 1], [], []>, transpose_lhs_hint = false} : vector<16x16xf32>, vector<16x16384xf32>, vector<16x16384xf32> -> vector<16x16384xf32>
    %add3A = arith.addf %dot_general3A_5, %dot_general3A_13 : vector<16x16384xf32>
    %get3A_14 = arith.constant 0 : index
    %get3A_15 = arith.constant 0 : index
    %get3A_16 = vector.load %arg5[%get3A_14, %get3A_15] : memref<16x1xf32, #tpu.memory_space<vmem>>, vector<16x1xf32>
    %add3A_17 = vector.broadcast %get3A_16 : vector<16x1xf32> to vector<16x16384xf32>
    %add3A_18 = arith.addf %add3A, %add3A_17 : vector<16x16384xf32>
    %max3A = arith.constant 0.000000e+00 : f32
    %max3A_19 = vector.broadcast %max3A : f32 to vector<16x16384xf32>
    %max3A_20 = arith.maximumf %add3A_18, %max3A_19 : vector<16x16384xf32>
    %get3A_21 = arith.constant 0 : index
    %get3A_22 = arith.constant 0 : index
    %get3A_23 = vector.load %arg6[%get3A_21, %get3A_22] : memref<8x16xf32, #tpu.memory_space<vmem>>, vector<8x16xf32>
    %dot_general3A_24 = arith.constant dense<0.000000e+00> : vector<8x16384xf32>
    %dot_general3A_25 = tpu.matmul %get3A_23, %max3A_20, %dot_general3A_24 {dimension_numbers = #tpu.dot_dimension_numbers<[1], [0], [0], [1], [0, 0, 1, 1], [], []>, transpose_lhs_hint = false} : vector<8x16xf32>, vector<16x16384xf32>, vector<8x16384xf32> -> vector<8x16384xf32>
    %get3A_26 = arith.constant 0 : index
    %get3A_27 = arith.constant 0 : index
    %get3A_28 = vector.load %arg7[%get3A_26, %get3A_27] : memref<8x1xf32, #tpu.memory_space<vmem>>, vector<8x1xf32>
    %add3A_29 = vector.broadcast %get3A_28 : vector<8x1xf32> to vector<8x16384xf32>
    %add3A_30 = arith.addf %dot_general3A_25, %add3A_29 : vector<8x16384xf32>
    %max3A_31 = arith.constant 0.000000e+00 : f32
    %max3A_32 = vector.broadcast %max3A_31 : f32 to vector<8x16384xf32>
    %max3A_33 = arith.maximumf %add3A_30, %max3A_32 : vector<8x16384xf32>
    %get3A_34 = arith.constant 0 : index
    %get3A_35 = arith.constant 0 : index
    %get3A_36 = vector.load %arg8[%get3A_34, %get3A_35] : memref<1x8xf32, #tpu.memory_space<vmem>>, vector<1x8xf32>
    %dot_general3A_37 = arith.constant dense<0.000000e+00> : vector<1x16384xf32>
    %dot_general3A_38 = tpu.matmul %get3A_36, %max3A_33, %dot_general3A_37 {dimension_numbers = #tpu.dot_dimension_numbers<[1], [0], [0], [1], [0, 0, 1, 1], [], []>, transpose_lhs_hint = false} : vector<1x8xf32>, vector<8x16384xf32>, vector<1x16384xf32> -> vector<1x16384xf32>
    %get3A_39 = arith.constant 0 : index
    %get3A_40 = arith.constant 0 : index
    %get3A_41 = vector.load %arg9[%get3A_39, %get3A_40] : memref<1x1xf32, #tpu.memory_space<vmem>>, vector<1x1xf32>
    %add3A_42 = vector.broadcast %get3A_41 : vector<1x1xf32> to vector<1x16384xf32>
    %add3A_43 = arith.addf %dot_general3A_38, %add3A_42 : vector<1x16384xf32>
    %logistic3A = arith.negf %add3A_43 : vector<1x16384xf32>
    %logistic3A_44 = math.exp %logistic3A : vector<1x16384xf32>
    %logistic3A_45 = arith.constant 1.000000e+00 : f32
    %logistic3A_46 = vector.broadcast %logistic3A_45 : f32 to vector<1x16384xf32>
    %logistic3A_47 = arith.addf %logistic3A_46, %logistic3A_44 : vector<1x16384xf32>
    %logistic3A_48 = arith.divf %logistic3A_46, %logistic3A_47 : vector<1x16384xf32>
    %swap3A = arith.constant 0 : index
    %swap3A_49 = arith.constant 0 : index
    %swap3A_50 = vector.load %arg10[%swap3A, %swap3A_49] : memref<1x16384xf32, #tpu.memory_space<vmem>>, vector<1x16384xf32>
    tpu.vector_store %arg10[%swap3A, %swap3A_49], %logistic3A_48 {strides = array<i32>} : memref<1x16384xf32, #tpu.memory_space<vmem>>, vector<1x16384xf32>,
    return
  }
  func.func @transform_0(%arg0: i32) -> (i32, i32) {
    %c0_i32 = arith.constant 0 : i32
    %c0_i32_0 = arith.constant 0 : i32
    return %c0_i32, %arg0 : i32, i32
  }
  func.func @transform_1(%arg0: i32) -> (i32, i32) {
    %c0_i32 = arith.constant 0 : i32
    %c0_i32_0 = arith.constant 0 : i32
    return %c0_i32, %arg0 : i32, i32
  }
  func.func @transform_2(%arg0: i32) -> (i32, i32) {
    %c0_i32 = arith.constant 0 : i32
    %c0_i32_0 = arith.constant 0 : i32
    %c0_i32_1 = arith.constant 0 : i32
    return %c0_i32, %c0_i32_0 : i32, i32
  }
  func.func @transform_3(%arg0: i32) -> (i32, i32) {
    %c0_i32 = arith.constant 0 : i32
    %c0_i32_0 = arith.constant 0 : i32
    %c0_i32_1 = arith.constant 0 : i32
    return %c0_i32, %c0_i32_0 : i32, i32
  }
  func.func @transform_4(%arg0: i32) -> (i32, i32) {
    %c0_i32 = arith.constant 0 : i32
    %c0_i32_0 = arith.constant 0 : i32
    %c0_i32_1 = arith.constant 0 : i32
    return %c0_i32, %c0_i32_0 : i32, i32
  }
  func.func @transform_5(%arg0: i32) -> (i32, i32) {
    %c0_i32 = arith.constant 0 : i32
    %c0_i32_0 = arith.constant 0 : i32
    %c0_i32_1 = arith.constant 0 : i32
    return %c0_i32, %c0_i32_0 : i32, i32
  }
  func.func @transform_6(%arg0: i32) -> (i32, i32) {
    %c0_i32 = arith.constant 0 : i32
    %c0_i32_0 = arith.constant 0 : i32
    %c0_i32_1 = arith.constant 0 : i32
    return %c0_i32, %c0_i32_0 : i32, i32
  }
  func.func @transform_7(%arg0: i32) -> (i32, i32) {
    %c0_i32 = arith.constant 0 : i32
    %c0_i32_0 = arith.constant 0 : i32
    %c0_i32_1 = arith.constant 0 : i32
    return %c0_i32, %c0_i32_0 : i32, i32
  }
  func.func @transform_8(%arg0: i32) -> (i32, i32) {
    %c0_i32 = arith.constant 0 : i32
    %c0_i32_0 = arith.constant 0 : i32
    %c0_i32_1 = arith.constant 0 : i32
    return %c0_i32, %c0_i32_0 : i32, i32
  }
  func.func @transform_9(%arg0: i32) -> (i32, i32) {
    %c0_i32 = arith.constant 0 : i32
    %c0_i32_0 = arith.constant 0 : i32
    return %c0_i32, %arg0 : i32, i32
  }
}

</mosaic_0001>

<sc_bundles>
// kernel: kernel.4.cloned.1.call-start
scs
__scs_entry_jumppad:
0x0: {  	(pc) =	sbr.rel $0x88, $3  }
0x1: {  	(tag) =	ssettag $0x0;
	lr =	simm.s32 $0x1  }
0x2: {  	[smem:$0x3F97] =	sst lr;
	_ =	strace $0xD0000000  }
0x3: {  	_ = 	snop  }
0x4: {  	_ = 	snop  }
0x5: {  	_ = 	snop  }
0x6: {  	_ = 	snop  }
0x7: {  	_ = 	snop  }
__scs_overlays_trampoline_lowered:
0x8: {  	[smem:$0x3FA6] =	sst s0  }
0x9: {  	[smem:$0x3FA7] =	sst s1  }
0xa: {  	[smem:$0x3FA8] =	sst s2  }
0xb: {  	[smem:$0x3FA9] =	sst s3  }
0xc: {  	[smem:$0x3FAA] =	sst s4  }
0xd: {  	[smem:$0x3FAB] =	sst s5  }
0xe: {  	[smem:$0x3FAC] =	sst s6  }
0xf: {  	[smem:$0x3FAD] =	sst s7  }
0x10: {  	[smem:$0x3FAE] =	sst s8  }
0x11: {  	[smem:$0x3FAF] =	sst s9;
	s0 =	simm.s32 @!p0 $0x0  }
0x12: {  	s1 =	sld [smem:$0x3F95];
	s0 =	simm.s32 @p0 $0x1  }
0x13: {  	[smem:$0x3FB0] =	sst s0;
	s0 =	simm.s32 @!p1 $0x0  }
0x14: {  	s2 =	sld [smem:$0x3F94];
	s0 =	simm.s32 @p1 $0x1  }
0x15: {  	[smem:$0x3FB1] =	sst s0;
	s0 =	simm.s32 @!p2 $0x0  }
0x16: {  	s3 =	sld [smem:$0x3FDB];
	s0 =	simm.s32 @p2 $0x1  }
0x17: {  	s4 =	simm.s32 $0x1BF5;
	[smem:$0x3FB3] =	sst s0  }
0x18: {  	s0 =	sld [smem:$0x3F96];
	_ =	swait.ge [sflag:s4], $0x0  }
0x19: {  	s7 =	sld [smem:$0x3F97]  }
0x1a: {  	s8 =	sadd.s32 $0xFFFFE003, lr  }
0x1b: {  	s9 =	sadd.s32 $0xFFFFFEF7, lr;
	s5 =	simm.s32 $0xFFFFFFFF;
	p2 =	slt.u32 s8, $0xFFFFF086  }
0x1c: {  	p1 =	slt.u32 s9, $0xF7A;
	s5 =	simm.s32 @!p2 $0x0  }
0x1d: {  	s5 =	simm.s32 @p1 $0x1;
	p0 =	seq.s32 s7, s2  }
0x1e: {  	s7 =	smul.u32 @!p0 $0xF7A, s2;
	p2 =	seq.s32 @!p0 s5, $0x0  }
0x1f: {  	s9 =	smul.u32 $0xF7A, s1;
	s8 =	simm.s32 @!p0 $0x1BF5;
	p2 =	por !p2, p0  }
0x20: {  	[sflag:s8] =	ssyncset.s32 @!p0 $0xFFFFF086;
	s6 =	sadd.s32 @!p0 s3, s7;
	s7 =	simm.s32 @!p0 $0x108  }
0x21: {  	s3 =	sadd.s32 s3, s9;
	s6 =	sadd.s32 @!p0 $0x88, s6;
	s7 =	simm.s32 @p2 $0x1082  }
0x22: {  	[simem:s7], [sflag:s8] =	dma.local @!p0 [hbm:s6], $0xF7A  }
0x23: {  	s9 =	sor.u32 $0xD0000000, s2;
	s6 =	simm.s32 $0x108;
	_ =	swait.ge @!p0 [sflag:s8], $0x0  }
0x24: {  	s3 =	sadd.s32 $0x88, s3;
	s6 =	simm.s32 @!p1 $0x1082;
	[sflag:s4] =	ssyncset.s32 $0xFFFFF086  }
0x25: {  	[simem:s6], [sflag:s4] =	dma.local [hbm:s3], $0xF7A  }
0x26: {  	[smem:$0x3F97] =	sst s1;
	(tag) =	ssettag s2;
	_ =	strace s9  }
0x27: {  	s1 =	sld [smem:$0x3FA7]  }
0x28: {  	s2 =	sld [smem:$0x3FA8]  }
0x29: {  	s4 =	sld [smem:$0x3FAA]  }
0x2a: {  	p0 =	seq.s32 s5, $0x0;
	s5 =	sld [smem:$0x3FAB]  }
0x2b: {  	s6 =	sld [smem:$0x3FAC]  }
0x2c: {  	s7 =	sld [smem:$0x3FAD]  }
0x2d: {  	s3 =	simm.s32 $0x108;
	s8 =	sld [smem:$0x3FAE]  }
0x2e: {  	s3 =	simm.s32 @!p0 $0x1082;
	s9 =	sld [smem:$0x3FAF]  }
0x2f: {  	lr =	sadd.s32 s0, s3;
	s0 =	sld [smem:$0x3FA6]  }
0x30: {  	s3 =	sld [smem:$0x3FA9]  }
0x31: {  	[smem:$0x3FB2] =	sst s10  }
0x32: {  	s10 =	sld [smem:$0x3FB0];
	_ =	sdelay $0x3  }
0x33: {  	p0 =	seq.s32 s10, $0x1;
	s10 =	sld [smem:$0x3FB2];
	_ =	sdelay $0x3  }
0x34: {  	[smem:$0x3FB2] =	sst s10  }
0x35: {  	s10 =	sld [smem:$0x3FB1];
	_ =	sdelay $0x3  }
0x36: {  	p1 =	seq.s32 s10, $0x1;
	s10 =	sld [smem:$0x3FB2];
	_ =	sdelay $0x3  }
0x37: {  	[smem:$0x3FB2] =	sst s10  }
0x38: {  	s10 =	sld [smem:$0x3FB3]  }
0x39: {  	_ = 	snop;
	(pc) =	sbr.ind lr, $3  }
0x3a: {  	_ = 	snop  }
0x3b: {  	_ = 	snop  }
0x3c: {  	p2 =	seq.s32 s10, $0x1;
	s10 =	sld [smem:$0x3FB2]  }
0x3d: {  	_ =	shalt  }
0x3e: {  	_ =	shalt  }
0x3f: {  	_ =	shalt  }
0x40: {  	_ =	shalt  }
0x41: {  	_ =	shalt  }
0x42: {  	_ =	shalt  }
0x43: {  	_ =	shalt  }
0x44: {  	_ =	shalt  }
0x45: {  	_ =	shalt  }
0x46: {  	_ =	shalt  }
0x47: {  	_ =	shalt  }
0x48: {  	_ =	shalt  }
0x49: {  	_ =	shalt  }
0x4a: {  	_ =	shalt  }
0x4b: {  	_ =	shalt  }
0x4c: {  	_ =	shalt  }
0x4d: {  	_ =	shalt  }
0x4e: {  	_ =	shalt  }
0x4f: {  	_ =	shalt  }
0x50: {  	_ =	shalt  }
0x51: {  	_ =	shalt  }
0x52: {  	_ =	shalt  }
0x53: {  	_ =	shalt  }
0x54: {  	_ =	shalt  }
0x55: {  	_ =	shalt  }
0x56: {  	_ =	shalt  }
0x57: {  	_ =	shalt  }
0x58: {  	_ =	shalt  }
0x59: {  	_ =	shalt  }
0x5a: {  	_ =	shalt  }
0x5b: {  	_ =	shalt  }
0x5c: {  	_ =	shalt  }
0x5d: {  	_ =	shalt  }
0x5e: {  	_ =	shalt  }
0x5f: {  	_ =	shalt  }
0x60: {  	_ =	shalt  }
0x61: {  	_ =	shalt  }
0x62: {  	_ =	shalt  }
0x63: {  	_ =	shalt  }
0x64: {  	_ =	shalt  }
0x65: {  	_ =	shalt  }
0x66: {  	_ =	shalt  }
0x67: {  	_ =	shalt  }
0x68: {  	_ =	shalt  }
0x69: {  	_ =	shalt  }
0x6a: {  	_ =	shalt  }
0x6b: {  	_ =	shalt  }
0x6c: {  	_ =	shalt  }
0x6d: {  	_ =	shalt  }
0x6e: {  	_ =	shalt  }
0x6f: {  	_ =	shalt  }
0x70: {  	_ =	shalt  }
0x71: {  	_ =	shalt  }
0x72: {  	_ =	shalt  }
0x73: {  	_ =	shalt  }
0x74: {  	_ =	shalt  }
0x75: {  	_ =	shalt  }
0x76: {  	_ =	shalt  }
0x77: {  	_ =	shalt  }
0x78: {  	_ =	shalt  }
0x79: {  	_ =	shalt  }
0x7a: {  	_ =	shalt  }
0x7b: {  	_ =	shalt  }
0x7c: {  	_ =	shalt  }
0x7d: {  	_ =	shalt  }
0x7e: {  	_ =	shalt  }
0x7f: {  	_ =	shalt  }
0x80: {  	_ =	shalt  }
0x81: {  	_ =	shalt  }
0x82: {  	_ =	shalt  }
0x83: {  	_ =	shalt  }
0x84: {  	_ =	shalt  }
0x85: {  	_ =	shalt  }
0x86: {  	_ =	shalt  }
0x87: {  	_ =	shalt  }
.Lfunc_end0:
.L_simem_size_0:
called_computation_lowered:
.L_overlay_start_0:
0x88: {  	s2 =	sld [smem:$0x3FD9]  }
0x89: {  	s3 =	sld [smem:$0x3FFE];
	_ =	sdelay $0x1  }
0x8a: {  	s1 =	srdreg.scid  }
0x8b: {  	s0 =	sand.u32 $0x1, s1  }
0x8c: {  	s17 =	sshll.u32 s0, $0xA;
	s2 =	sadd.s32 s3, s2  }
0x8d: {  	s2 =	sadd.s32 s2, s17  }
0x8e: {  	[smem:$0x3FBE] =	sst s2  }
0x8f: {  	_ = 	snop  }
0x90: {  	s2 =	sld [smem:$0x3FC9]  }
0x91: {  	s18 =	sld [smem:$0x3FC8]  }
0x92: {  	s4 =	sld [smem:$0x3FC7]  }
0x93: {  	s5 =	sld [smem:$0x3FC6];
	(tm) =	ssettm $0x1  }
0x94: {  	s6 =	sld [smem:$0x3FFB];
	_ =	sdelay $0x3  }
0x95: {  	_ =	strace s6  }
0x96: {  	s6 =	sld [smem:$0x3FFC];
	_ =	sdelay $0x3  }
0x97: {  	_ =	strace s6  }
0x98: {  	s6 =	sld [smem:$0x3FFD];
	_ =	sdelay $0x3  }
0x99: {  	_ =	strace s6  }
0x9a: {  	_ =	strace $0x8FFFFFFF  }
0x9b: {  	s19 =	sld [smem:$0x3FDB];
	_ =	sdelay $0x1  }
0x9c: {  	s7 =	simm.s32 $_scs_section_size  }
0x9d: {  	s8 =	simm.s32 $_size__tile_overlayer_lowered;
	s9 =	simm.s32 $_tile_overlayer_lowered  }
0x9e: {  	s22 =	simm.s32 $0x1BFF;
	s21 =	sshll.u32 s9, $0x1;
	s6 =	sadd.s32 s7, s19  }
0x9f: {  	s10 =	simm.s32 $0x0;
	s20 =	sshll.u32 s8, $0x1;
	s8 =	sadd.s32 s21, s6  }
0xa0: {  	[timem:s10], [sflag:s22] =	dma.local [hbm:s8], s20  }
0xa1: {  	_ =	swait.ge [sflag:s22], s20  }
0xa2: {  	s7 =	ssub.s32 $0x0, s20;
	[sflag:s22] =	ssyncset.done $0x0  }
0xa3: {  	[sflag:s22] =	ssyncadd.s32 s7;
	_ =	sdelay $0x1  }
0xa4: {  	s23 =	simm.s32 $0x1B8B  }
0xa5: {  	_ =	swait.ge [sflag:s23], $0x1  }
0xa6: {  	[sflag:s23] =	ssyncset.done $0x0  }
0xa7: {  	s25 =	simm.s32 $0x1B8E;
	s24 =	sld [smem:$0x3FFE];
	[sflag:s23] =	ssyncadd.s32 $0xFFFFFFFF  }
0xa8: {  	s26 =	simm.s32 $execute0_lowered;
	[smem:$0x3FD2] =	sst s25  }
0xa9: {  	s8 =	sshll.u32 s26, $0x1;
	_ =	strace $0x80000046;
	[dreg:$0x1] =	wrdreg $0xFFFFFFFF  }
0xaa: {  	s28 =	simm.s32 $_size_execute0_lowered;
	s6 =	sadd.s32 s6, s8;
	[dreg:$0x0] =	wrdreg $0x0  }
0xab: {  	s8 =	sshll.u32 s28, $0x1;
	[dreg:$0x2] =	wrdreg s6  }
0xac: {  	[dreg:$0x3] =	wrdreg s8  }
0xad: {  	[dreg:$0x4] =	wrdreg $0xC0  }
0xae: {  	_ =	task [dreg:s10], $0x5FFFF  }
0xaf: {  	[dreg:$0x1] =	wrdreg $0xFFFFFFFF  }
0xb0: {  	[dreg:$0x0] =	wrdreg $0x60  }
0xb1: {  	[dreg:$0x2] =	wrdreg s2  }
0xb2: {  	[dreg:$0x3] =	wrdreg s18  }
0xb3: {  	[dreg:$0x4] =	wrdreg s4  }
0xb4: {  	[dreg:$0x5] =	wrdreg s5  }
0xb5: {  	[dreg:$0x6] =	wrdreg s24  }
0xb6: {  	[dreg:$0x7] =	wrdreg $0x9  }
0xb7: {  	_ =	task.clear_ibuf [dreg:s10], $0x8FFFF;
	_ =	strace $0x90000046  }
0xb8: {  	s29 =	simm.s32 $0x9;
	_ =	strace $0x80000048  }
0xb9: {  	_ =	swait.ge [sflag:s29], $0x1  }
0xba: {  	[sflag:s29] =	ssyncadd.s32 $0xFFFFFFFF  }
0xbb: {  	_ =	strace $0x90000048  }
0xbc: {  	_ =	sfence  }
0xbd: {  	s30 =	sld [smem:$0x0];
	_ =	sdelay $0x2  }
0xbe: {  	s31 =	sshll.u32 s1, $0xD;
	s1 =	sshrl.u32 s1, $0x2  }
0xbf: {  	s3 =	sand.u32 $0x4000, s31;
	s1 =	sadd.s32 s1, s30  }
0xc0: {  	s0 =	sor.u32 s3, s0;
	s1 =	sshll.u32 s1, $0x11  }
0xc1: {  	s0 =	sor.u32 s1, s0  }
0xc2: {  	s0 =	sadd.s32 $0x8F2B, s0  }
0xc3: {  	[sflag:s0] =	ssyncadd.remote.s32 $0x1  }
0xc4: {  	_ =	sfence.sel $0xFFFF  }
0xc5: {  	[dreg:$0x0] =	wrdreg $0xFFFFFFFF;
	(pc) =	sbr.abs _section_cstart, $3  }
0xc6: {  	[dreg:$0x1] =	wrdreg $0xFFFFFFFF  }
0xc7: {  	_ =	task.clear_ibuf [dreg:s10], $0x2FFFF;
	_ =	strace $0x9FFFFFFF  }
0xc8: {  	(tm) =	ssettm $0x7FFFFFFF  }
0xc9: {  	_ =	shalt  }
tec
execute0_lowered:
.L_overlay_start_1:
0x0: {  	(tag) =	ssettag $0x1  }
0x1: {  	v0 =	vimm.s32 $0x4380;
	vm14 =	vcmask $0x300  }
0x2: {  	v1 =	vimm.s32 $0x1380;
	vm13 =	vcmask $0x704;
	vm12 =	vcmask $0xB08  }
0x3: {  	vm11 =	vcmask $0xF0C;
	vm10 =	vcmask $0x1310;
	vm9 =	vcmask $0x1714  }
0x4: {  	vm8 =	vcmask $0x1B18;
	vm7 =	vcmask $0x1F1C;
	vm6 =	vcmask $0x2320  }
0x5: {  	vm5 =	vcmask $0x2724;
	vm4 =	vcmask $0x2B28;
	vm3 =	vcmask $0x2F2C  }
0x6: {  	vm2 =	vcmask $0x3330;
	vm1 =	vcmask $0x3734;
	vm0 =	vcmask $0x3B38  }
0x7: {  	v2 =	vimm.s32 $0x4780;
	v3 =	vimm.s32 $0x4B80;
	v4 =	vimm.s32 $0x4F80  }
0x8: {  	v5 =	vimm.s32 $0x5380;
	v6 =	vimm.s32 $0x5780;
	v7 =	vimm.s32 $0x5B80  }
0x9: {  	v8 =	vimm.s32 $0x5F80;
	v9 =	vimm.s32 $0x6380;
	v10 =	vimm.s32 $0x6780  }
0xa: {  	v11 =	vimm.s32 $0x6B80;
	v12 =	vimm.s32 $0x6F80;
	v13 =	vimm.s32 $0x7380  }
0xb: {  	v14 =	vimm.s32 $0x7780;
	v15 =	vimm.s32 $0x7B80;
	v16 =	vimm.s32 $0x7F80  }
0xc: {  	v0 =	vsel vm14, $0x0, v0;
	v1 =	vsel vm14, $0x0, v1;
	v2 =	vsel vm14, $0x400, v2  }
0xd: {  	v3 =	vsel vm14, $0x800, v3;
	v4 =	vsel vm14, $0xC00, v4;
	v5 =	vsel vm14, $0x1000, v5  }
0xe: {  	v6 =	vsel vm14, $0x1400, v6;
	v7 =	vsel vm14, $0x1800, v7;
	v8 =	vsel vm14, $0x1C00, v8  }
0xf: {  	v9 =	vsel vm14, $0x2000, v9;
	v10 =	vsel vm14, $0x2400, v10;
	v11 =	vsel vm14, $0x2800, v11  }
0x10: {  	v12 =	vsel vm14, $0x2C00, v12;
	v13 =	vsel vm14, $0x3000, v13;
	v14 =	vsel vm14, $0x3400, v14  }
0x11: {  	v15 =	vsel vm14, $0x3800, v15;
	v16 =	vsel vm14, $0x3C00, v16;
	v0 =	vsel vm13, $0x80, v0  }
0x12: {  	v1 =	vsel vm13, $0x80, v1;
	v2 =	vsel vm13, $0x480, v2;
	v3 =	vsel vm13, $0x880, v3  }
0x13: {  	v4 =	vsel vm13, $0xC80, v4;
	v5 =	vsel vm13, $0x1080, v5;
	v6 =	vsel vm13, $0x1480, v6  }
0x14: {  	v7 =	vsel vm13, $0x1880, v7;
	v8 =	vsel vm13, $0x1C80, v8;
	v9 =	vsel vm13, $0x2080, v9  }
0x15: {  	v10 =	vsel vm13, $0x2480, v10;
	v11 =	vsel vm13, $0x2880, v11;
	v12 =	vsel vm13, $0x2C80, v12  }
0x16: {  	v13 =	vsel vm13, $0x3080, v13;
	v14 =	vsel vm13, $0x3480, v14;
	v15 =	vsel vm13, $0x3880, v15  }
0x17: {  	v16 =	vsel vm13, $0x3C80, v16;
	v0 =	vsel vm12, $0x100, v0;
	v1 =	vsel vm12, $0x100, v1  }
0x18: {  	v2 =	vsel vm12, $0x500, v2;
	v3 =	vsel vm12, $0x900, v3;
	v4 =	vsel vm12, $0xD00, v4  }
0x19: {  	v5 =	vsel vm12, $0x1100, v5;
	v6 =	vsel vm12, $0x1500, v6;
	v7 =	vsel vm12, $0x1900, v7  }
0x1a: {  	v8 =	vsel vm12, $0x1D00, v8;
	v9 =	vsel vm12, $0x2100, v9;
	v10 =	vsel vm12, $0x2500, v10  }
0x1b: {  	v11 =	vsel vm12, $0x2900, v11;
	v12 =	vsel vm12, $0x2D00, v12;
	v13 =	vsel vm12, $0x3100, v13  }
0x1c: {  	v14 =	vsel vm12, $0x3500, v14;
	v15 =	vsel vm12, $0x3900, v15;
	v16 =	vsel vm12, $0x3D00, v16  }
0x1d: {  	v0 =	vsel vm11, $0x180, v0;
	v1 =	vsel vm11, $0x180, v1;
	v2 =	vsel vm11, $0x580, v2  }
0x1e: {  	v3 =	vsel vm11, $0x980, v3;
	v4 =	vsel vm11, $0xD80, v4;
	v5 =	vsel vm11, $0x1180, v5  }
0x1f: {  	v6 =	vsel vm11, $0x1580, v6;
	v7 =	vsel vm11, $0x1980, v7;
	v8 =	vsel vm11, $0x1D80, v8  }
0x20: {  	v9 =	vsel vm11, $0x2180, v9;
	v10 =	vsel vm11, $0x2580, v10;
	v11 =	vsel vm11, $0x2980, v11  }
0x21: {  	v12 =	vsel vm11, $0x2D80, v12;
	v13 =	vsel vm11, $0x3180, v13;
	v14 =	vsel vm11, $0x3580, v14  }
0x22: {  	v15 =	vsel vm11, $0x3980, v15;
	v16 =	vsel vm11, $0x3D80, v16;
	v0 =	vsel vm10, $0x200, v0  }
0x23: {  	v1 =	vsel vm10, $0x200, v1;
	v2 =	vsel vm10, $0x600, v2;
	v3 =	vsel vm10, $0xA00, v3  }
0x24: {  	v4 =	vsel vm10, $0xE00, v4;
	v5 =	vsel vm10, $0x1200, v5;
	v6 =	vsel vm10, $0x1600, v6  }
0x25: {  	v7 =	vsel vm10, $0x1A00, v7;
	v8 =	vsel vm10, $0x1E00, v8;
	v9 =	vsel vm10, $0x2200, v9  }
0x26: {  	v10 =	vsel vm10, $0x2600, v10;
	v11 =	vsel vm10, $0x2A00, v11;
	v12 =	vsel vm10, $0x2E00, v12  }
0x27: {  	v13 =	vsel vm10, $0x3200, v13;
	v14 =	vsel vm10, $0x3600, v14;
	v15 =	vsel vm10, $0x3A00, v15  }
0x28: {  	v16 =	vsel vm10, $0x3E00, v16;
	v0 =	vsel vm9, $0x280, v0;
	v1 =	vsel vm9, $0x280, v1  }
0x29: {  	v2 =	vsel vm9, $0x680, v2;
	v3 =	vsel vm9, $0xA80, v3;
	v4 =	vsel vm9, $0xE80, v4  }
0x2a: {  	v5 =	vsel vm9, $0x1280, v5;
	v6 =	vsel vm9, $0x1680, v6;
	v7 =	vsel vm9, $0x1A80, v7  }
0x2b: {  	v8 =	vsel vm9, $0x1E80, v8;
	v9 =	vsel vm9, $0x2280, v9;
	v10 =	vsel vm9, $0x2680, v10  }
0x2c: {  	v11 =	vsel vm9, $0x2A80, v11;
	v12 =	vsel vm9, $0x2E80, v12;
	v13 =	vsel vm9, $0x3280, v13  }
0x2d: {  	v14 =	vsel vm9, $0x3680, v14;
	v15 =	vsel vm9, $0x3A80, v15;
	v16 =	vsel vm9, $0x3E80, v16  }
0x2e: {  	v0 =	vsel vm8, $0x300, v0;
	v1 =	vsel vm8, $0x300, v1;
	v2 =	vsel vm8, $0x700, v2  }
0x2f: {  	v3 =	vsel vm8, $0xB00, v3;
	v4 =	vsel vm8, $0xF00, v4;
	v5 =	vsel vm8, $0x1300, v5  }
0x30: {  	v6 =	vsel vm8, $0x1700, v6;
	v7 =	vsel vm8, $0x1B00, v7;
	v8 =	vsel vm8, $0x1F00, v8  }
0x31: {  	v9 =	vsel vm8, $0x2300, v9;
	v10 =	vsel vm8, $0x2700, v10;
	v11 =	vsel vm8, $0x2B00, v11  }
0x32: {  	v12 =	vsel vm8, $0x2F00, v12;
	v13 =	vsel vm8, $0x3300, v13;
	v14 =	vsel vm8, $0x3700, v14  }
0x33: {  	v15 =	vsel vm8, $0x3B00, v15;
	v16 =	vsel vm8, $0x3F00, v16;
	v0 =	vsel vm7, $0x380, v0  }
0x34: {  	v1 =	vsel vm7, $0x380, v1;
	v2 =	vsel vm7, $0x780, v2;
	v3 =	vsel vm7, $0xB80, v3  }
0x35: {  	v4 =	vsel vm7, $0xF80, v4;
	v5 =	vsel vm7, $0x1380, v5;
	v6 =	vsel vm7, $0x1780, v6  }
0x36: {  	v7 =	vsel vm7, $0x1B80, v7;
	v8 =	vsel vm7, $0x1F80, v8;
	v9 =	vsel vm7, $0x2380, v9  }
0x37: {  	v10 =	vsel vm7, $0x2780, v10;
	v11 =	vsel vm7, $0x2B80, v11;
	v12 =	vsel vm7, $0x2F80, v12  }
0x38: {  	v13 =	vsel vm7, $0x3380, v13;
	v14 =	vsel vm7, $0x3780, v14;
	v15 =	vsel vm7, $0x3B80, v15  }
0x39: {  	v16 =	vsel vm7, $0x3F80, v16;
	v0 =	vsel vm6, $0x4000, v0;
	v1 =	vsel vm6, $0x1000, v1  }
0x3a: {  	v2 =	vsel vm6, $0x4400, v2;
	v3 =	vsel vm6, $0x4800, v3;
	v4 =	vsel vm6, $0x4C00, v4  }
0x3b: {  	v5 =	vsel vm6, $0x5000, v5;
	v6 =	vsel vm6, $0x5400, v6;
	v7 =	vsel vm6, $0x5800, v7  }
0x3c: {  	v8 =	vsel vm6, $0x5C00, v8;
	v9 =	vsel vm6, $0x6000, v9;
	v10 =	vsel vm6, $0x6400, v10  }
0x3d: {  	v11 =	vsel vm6, $0x6800, v11;
	v12 =	vsel vm6, $0x6C00, v12;
	v13 =	vsel vm6, $0x7000, v13  }
0x3e: {  	v14 =	vsel vm6, $0x7400, v14;
	v15 =	vsel vm6, $0x7800, v15;
	v16 =	vsel vm6, $0x7C00, v16  }
0x3f: {  	v0 =	vsel vm5, $0x4080, v0;
	v1 =	vsel vm5, $0x1080, v1;
	v2 =	vsel vm5, $0x4480, v2  }
0x40: {  	v3 =	vsel vm5, $0x4880, v3;
	v4 =	vsel vm5, $0x4C80, v4;
	v5 =	vsel vm5, $0x5080, v5  }
0x41: {  	v6 =	vsel vm5, $0x5480, v6;
	v7 =	vsel vm5, $0x5880, v7;
	v8 =	vsel vm5, $0x5C80, v8  }
0x42: {  	v9 =	vsel vm5, $0x6080, v9;
	v10 =	vsel vm5, $0x6480, v10;
	v11 =	vsel vm5, $0x6880, v11  }
0x43: {  	v12 =	vsel vm5, $0x6C80, v12;
	v13 =	vsel vm5, $0x7080, v13;
	v14 =	vsel vm5, $0x7480, v14  }
0x44: {  	v15 =	vsel vm5, $0x7880, v15;
	v16 =	vsel vm5, $0x7C80, v16;
	v0 =	vsel vm4, $0x4100, v0  }
0x45: {  	v1 =	vsel vm4, $0x1100, v1;
	v2 =	vsel vm4, $0x4500, v2;
	v3 =	vsel vm4, $0x4900, v3  }
0x46: {  	v4 =	vsel vm4, $0x4D00, v4;
	v5 =	vsel vm4, $0x5100, v5;
	v6 =	vsel vm4, $0x5500, v6  }
0x47: {  	v7 =	vsel vm4, $0x5900, v7;
	v8 =	vsel vm4, $0x5D00, v8;
	v9 =	vsel vm4, $0x6100, v9  }
0x48: {  	v10 =	vsel vm4, $0x6500, v10;
	v11 =	vsel vm4, $0x6900, v11;
	v12 =	vsel vm4, $0x6D00, v12  }
0x49: {  	v13 =	vsel vm4, $0x7100, v13;
	v14 =	vsel vm4, $0x7500, v14;
	v15 =	vsel vm4, $0x7900, v15  }
0x4a: {  	v16 =	vsel vm4, $0x7D00, v16;
	v0 =	vsel vm3, $0x4180, v0;
	v1 =	vsel vm3, $0x1180, v1  }
0x4b: {  	s2 =	rddreg [dreg:$0x0];
	v2 =	vsel vm3, $0x4580, v2;
	v3 =	vsel vm3, $0x4980, v3;
	v4 =	vsel vm3, $0x4D80, v4  }
0x4c: {  	s3 =	rddreg [dreg:$0x1];
	v5 =	vsel vm3, $0x5180, v5;
	v6 =	vsel vm3, $0x5580, v6;
	v7 =	vsel vm3, $0x5980, v7  }
0x4d: {  	s0 =	rddreg [dreg:$0x2];
	v8 =	vsel vm3, $0x5D80, v8;
	v9 =	vsel vm3, $0x6180, v9;
	v10 =	vsel vm3, $0x6580, v10  }
0x4e: {  	s1 =	rddreg [dreg:$0x3];
	v11 =	vsel vm3, $0x6980, v11;
	v12 =	vsel vm3, $0x6D80, v12;
	v13 =	vsel vm3, $0x7180, v13  }
0x4f: {  	s5 =	rddreg [dreg:$0x4];
	v14 =	vsel vm3, $0x7580, v14;
	v15 =	vsel vm3, $0x7980, v15;
	v16 =	vsel vm3, $0x7D80, v16  }
0x50: {  	s4 =	srdreg.scid;
	s7 =	stileid.u32;
	s29 =	simm.s32 $0x2;
	v0 =	vsel vm2, $0x4200, v0;
	v1 =	vsel vm2, $0x1200, v1;
	v2 =	vsel vm2, $0x4600, v2  }
0x51: {  	s12 =	simm.s32 $0x400;
	s31 =	simm.s32 $0x1000;
	s17 =	simm.s32 $0x8400;
	v3 =	vsel vm2, $0x4A00, v3;
	v4 =	vsel vm2, $0x4E00, v4;
	v5 =	vsel vm2, $0x5200, v5  }
0x52: {  	s11 =	simm.s32 $0xE000;
	s10 =	simm.s32 $0xEC00;
	s13 =	simm.s32 $0xB000;
	v6 =	vsel vm2, $0x5600, v6;
	v7 =	vsel vm2, $0x5A00, v7;
	v8 =	vsel vm2, $0x5E00, v8  }
0x53: {  	s14 =	simm.s32 $0xF000;
	s15 =	simm.s32 $0xB400;
	s16 =	simm.s32 $0xF400;
	v9 =	vsel vm2, $0x6200, v9;
	v10 =	vsel vm2, $0x6600, v10;
	v11 =	vsel vm2, $0x6A00, v11  }
0x54: {  	s18 =	simm.s32 $0xB800;
	s19 =	simm.s32 $0xF800;
	s20 =	simm.s32 $0xBC00;
	v12 =	vsel vm2, $0x6E00, v12;
	v13 =	vsel vm2, $0x7200, v13;
	v14 =	vsel vm2, $0x7600, v14  }
0x55: {  	s21 =	simm.s32 $0xFC00;
	s22 =	simm.s32 $0xC000;
	s23 =	simm.s32 $0x10000;
	v15 =	vsel vm2, $0x7A00, v15;
	v16 =	vsel vm2, $0x7E00, v16;
	v0 =	vsel vm1, $0x4280, v0  }
0x56: {  	s6 =	sand.u32 $0x1, s4;
	s4 =	simm.s32 $0x0;
	s7 =	sshll.u32 s7, $0xA;
	v1 =	vsel vm1, $0x1280, v1;
	v2 =	vsel vm1, $0x4680, v2;
	v3 =	vsel vm1, $0x4A80, v3  }
0x57: {  	s8 =	sshll.u32 s6, $0x9;
	[smem:$0x7FF] =	sst s4;
	s6 =	ssub.s32 $0x2, s6;
	v4 =	vsel vm1, $0x4E80, v4;
	v5 =	vsel vm1, $0x5280, v5;
	v6 =	vsel vm1, $0x5680, v6  }
0x58: {  	s7 =	sor.u32 s8, s7;
	_ =	strace $0x80000047;
	s24 =	sshrl.u32 s6, $0x1;
	v7 =	vsel vm1, $0x5A80, v7;
	v8 =	vsel vm1, $0x5E80, v8;
	v9 =	vsel vm1, $0x6280, v9  }
0x59: {  	s8 =	simm.s32 $0xE800;
	s9 =	sshrl.u32 s7, $0x3;
	s5 =	sadd.s32 s7, s5;
	v10 =	vsel vm1, $0x6680, v10;
	v11 =	vsel vm1, $0x6A80, v11;
	v12 =	vsel vm1, $0x6E80, v12  }
0x5a: {  	s6 =	ssub.s32 s6, s24;
	s7 =	simm.s32 $0xA800;
	s2 =	sadd.s32 s2, s9;
	v13 =	vsel vm1, $0x7280, v13;
	v14 =	vsel vm1, $0x7680, v14;
	v15 =	vsel vm1, $0x7A80, v15  }
0x5b: {  	s24 =	simm.s32 $0x1;
	s25 =	sadd.s32 s3, s9;
	[dreg:$0x6] =	wrdreg s2;
	v16 =	vsel vm1, $0x7E80, v16;
	v0 =	vsel vm0, $0x4300, v0;
	v1 =	vsel vm0, $0x1300, v1  }
.Ltmp0:
0x5c: {  	s26 =	sadd.s32 $0x1800, s5;
	[dreg:$0x7] =	wrdreg s25;
	v2 =	vsel vm0, $0x4700, v2;
	v3 =	vsel vm0, $0x4B00, v3;
	v4 =	vsel vm0, $0x4F00, v4;
	(pc) =	sbr.rel .LBB2_1-.Ltmp0, $4  }
0x5d: {  	s28 =	sadd.s32 $0x9800, s5;
	s30 =	smax.u32 s6, $0x1;
	[dreg:$0x8] =	wrdreg s26;
	v5 =	vsel vm0, $0x5300, v5;
	v6 =	vsel vm0, $0x5700, v6;
	v7 =	vsel vm0, $0x5B00, v7  }
0x5e: {  	s3 =	simm.s32 $0xA000;
	s5 =	simm.s32 $0xA400;
	[dreg:$0x9] =	wrdreg s28;
	v8 =	vsel vm0, $0x5F00, v8;
	v9 =	vsel vm0, $0x6300, v9;
	v10 =	vsel vm0, $0x6700, v10  }
0x5f: {  	s6 =	simm.s32 $0xE400;
	s9 =	simm.s32 $0xAC00;
	[dreg:$0xa] =	wrdreg s30;
	v11 =	vsel vm0, $0x6B00, v11;
	v12 =	vsel vm0, $0x6F00, v12;
	v13 =	vsel vm0, $0x7300, v13  }
0x60: {  	s25 =	simm.s32 $0x10400;
	s26 =	simm.s32 $0x12400;
	s2 =	simm.s32 $0x0;
	v14 =	vsel vm0, $0x7700, v14;
	v15 =	vsel vm0, $0x7B00, v15;
	v16 =	vsel vm0, $0x7F00, v16  }
.LBB2_9:
0x61: {  	s28 =	rddreg [dreg:$0x8];
	s2 =	simm.s32 $0x20000;
	s29 =	simm.s32 $0x2  }
0x62: {  	[hbm4b:s28+s31] =	stream.strided.scatter [tilespmem:s25], [sflag:$0x2], $0x2000, s2, s31, $0x38;
	[tilespmem:$0x14400] =	vst v63  }
0x63: {  	_ =	swait.ge [sflag:s29], $0x2000  }
0x64: {  	[sflag:s29] =	ssyncset.done $0x0  }
0x65: {  	s30 =	rddreg [dreg:$0x9];
	[sflag:s29] =	ssyncadd.s32 $0xFFFFE000  }
0x66: {  	[hbm4b:s30+s31] =	stream.strided.scatter [tilespmem:s26], [sflag:$0x2], $0x2000, s2, s31, $0x38;
	[tilespmem:$0x14400] =	vst v63  }
0x67: {  	_ =	swait.ge [sflag:s29], $0x2000  }
0x68: {  	s28 =	rddreg [dreg:$0xb]  }
0x69: {  	s30 =	rddreg [dreg:$0xa];
	s2 =	sadd.s32 $0x1, s28  }
0x6a: {  	p0 =	sne.s32 s2, s30  }
.Ltmp1:
0x6b: {  	_ = 	snop;
	(pc) =	sbr.rel @!p0 .LBB2_10-.Ltmp1, $3  }
0x6c: {  	_ =	sdelay $0x1  }
0x6d: {  	[sflag:s29] =	ssyncset.done $0x0  }
0x6e: {  	[sflag:s29] =	ssyncadd.s32 $0xFFFFE000  }
.LBB2_1:
0x6f: {  	[dreg:$0xb] =	wrdreg s2  }
0x70: {  	s28 =	rddreg [dreg:$0x6]  }
0x71: {  	[tilespmem:s4], [sflag:$0x2] =	stream.linear.gather [hbm4b:s28+s4], $0x200, $0x38;
	[tilespmem:$0x14400] =	vst v63  }
0x72: {  	_ =	swait.ge [sflag:s29], $0x200  }
0x73: {  	[sflag:s29] =	ssyncset.done $0x0  }
0x74: {  	s30 =	simm.s32 $0x200;
	s28 =	rddreg [dreg:$0x7];
	[sflag:s29] =	ssyncadd.s32 $0xFFFFFE00  }
0x75: {  	[tilespmem:s30], [sflag:$0x2] =	stream.linear.gather [hbm4b:s28+s4], $0x200, $0x38;
	[tilespmem:$0x14400] =	vst v63  }
0x76: {  	_ =	swait.ge [sflag:s29], $0x200  }
0x77: {  	[sflag:s29] =	ssyncset.done $0x0  }
0x78: {  	[sflag:s29] =	ssyncadd.s32 $0xFFFFFE00  }
0x79: {  	v17 =	vld [tilespmem:$0x0];
	_ =	sdelay $0x4  }
0x7a: {  	v17 =	vshrl.u32 v17, $0x7  }
0x7b: {  	v17 =	vshll.u32 v17, $0x7  }
0x7c: {  	(v2sf) =	vpush v17, $0x0;
	_ =	sdelay $0x5  }
0x7d: {  	(v2sf) =	vpush v17, $0x1;
	_ =	sdelay $0x5  }
0x7e: {  	(v2sf) =	vpush v17, $0x2;
	_ =	sdelay $0x2  }
0x7f: {  	s28 =	spop (v2sf)  }
0x80: {  	s28 =	sand.u32 $0x1FFFFF80, s28  }
0x81: {  	s28 =	sadd.s32 s0, s28  }
0x82: {  	(v2sf) =	vpush v17, $0x3;
	[tilespmem:s12], [sflag:$0x1] =	stream.linear.gather [hbm4b:s28+s4], $0x400, $0x38;
	[tilespmem:$0x14400] =	vst v63  }
0x83: {  	s29 =	simm.s32 $0x4400;
	s28 =	sadd.s32 $0xF4280, s28  }
0x84: {  	[tilespmem:s29], [sflag:$0x1] =	stream.linear.gather [hbm4b:s28+s4], $0x400, $0x38;
	[tilespmem:$0x14400] =	vst v63  }
0x85: {  	s28 =	spop (v2sf)  }
0x86: {  	s28 =	sand.u32 $0x1FFFFF80, s28  }
0x87: {  	s29 =	simm.s32 $0x800;
	s28 =	sadd.s32 s0, s28  }
0x88: {  	(v2sf) =	vpush v17, $0x4;
	[tilespmem:s29], [sflag:$0x1] =	stream.linear.gather [hbm4b:s28+s4], $0x400, $0x38;
	[tilespmem:$0x14400] =	vst v63  }
0x89: {  	s28 =	sadd.s32 $0xF4280, s28;
	s29 =	simm.s32 $0x4800  }
0x8a: {  	[tilespmem:s29], [sflag:$0x1] =	stream.linear.gather [hbm4b:s28+s4], $0x400, $0x38;
	[tilespmem:$0x14400] =	vst v63  }
0x8b: {  	s28 =	spop (v2sf)  }
0x8c: {  	s28 =	sand.u32 $0x1FFFFF80, s28  }
0x8d: {  	s29 =	simm.s32 $0xC00;
	s28 =	sadd.s32 s0, s28  }
0x8e: {  	(v2sf) =	vpush v17, $0x5;
	[tilespmem:s29], [sflag:$0x1] =	stream.linear.gather [hbm4b:s28+s4], $0x400, $0x38;
	[tilespmem:$0x14400] =	vst v63  }
0x8f: {  	s28 =	sadd.s32 $0xF4280, s28;
	s29 =	simm.s32 $0x4C00  }
0x90: {  	[tilespmem:s29], [sflag:$0x1] =	stream.linear.gather [hbm4b:s28+s4], $0x400, $0x38;
	[tilespmem:$0x14400] =	vst v63  }
0x91: {  	s28 =	spop (v2sf)  }
0x92: {  	s28 =	sand.u32 $0x1FFFFF80, s28  }
0x93: {  	s28 =	sadd.s32 s0, s28  }
0x94: {  	(v2sf) =	vpush v17, $0x6;
	[tilespmem:s31], [sflag:$0x1] =	stream.linear.gather [hbm4b:s28+s4], $0x400, $0x38;
	[tilespmem:$0x14400] =	vst v63  }
0x95: {  	s29 =	simm.s32 $0x5000;
	s28 =	sadd.s32 $0xF4280, s28  }
0x96: {  	[tilespmem:s29], [sflag:$0x1] =	stream.linear.gather [hbm4b:s28+s4], $0x400, $0x38;
	[tilespmem:$0x14400] =	vst v63  }
0x97: {  	s28 =	spop (v2sf)  }
0x98: {  	s28 =	sand.u32 $0x1FFFFF80, s28  }
0x99: {  	s30 =	simm.s32 $0x1400;
	s28 =	sadd.s32 s0, s28  }
0x9a: {  	(v2sf) =	vpush v17, $0x7;
	[tilespmem:s30], [sflag:$0x1] =	stream.linear.gather [hbm4b:s28+s4], $0x400, $0x38;
	[tilespmem:$0x14400] =	vst v63  }
0x9b: {  	s28 =	sadd.s32 $0xF4280, s28;
	s30 =	simm.s32 $0x5400  }
0x9c: {  	[tilespmem:s30], [sflag:$0x1] =	stream.linear.gather [hbm4b:s28+s4], $0x400, $0x38;
	[tilespmem:$0x14400] =	vst v63  }
0x9d: {  	s28 =	spop (v2sf)  }
0x9e: {  	s28 =	sand.u32 $0x1FFFFF80, s28  }
0x9f: {  	s30 =	simm.s32 $0x1800;
	s28 =	sadd.s32 s0, s28  }
0xa0: {  	(v2sf) =	vpush v17, $0x8;
	[tilespmem:s30], [sflag:$0x1] =	stream.linear.gather [hbm4b:s28+s4], $0x400, $0x38;
	[tilespmem:$0x14400] =	vst v63  }
0xa1: {  	s28 =	sadd.s32 $0xF4280, s28;
	s30 =	simm.s32 $0x5800  }
0xa2: {  	[tilespmem:s30], [sflag:$0x1] =	stream.linear.gather [hbm4b:s28+s4], $0x400, $0x38;
	[tilespmem:$0x14400] =	vst v63  }
0xa3: {  	s28 =	spop (v2sf)  }
0xa4: {  	s28 =	sand.u32 $0x1FFFFF80, s28  }
0xa5: {  	s30 =	simm.s32 $0x1C00;
	s28 =	sadd.s32 s0, s28  }
0xa6: {  	(v2sf) =	vpush v17, $0x9;
	[tilespmem:s30], [sflag:$0x1] =	stream.linear.gather [hbm4b:s28+s4], $0x400, $0x38;
	[tilespmem:$0x14400] =	vst v63  }
0xa7: {  	s28 =	sadd.s32 $0xF4280, s28;
	s30 =	simm.s32 $0x5C00  }
0xa8: {  	[tilespmem:s30], [sflag:$0x1] =	stream.linear.gather [hbm4b:s28+s4], $0x400, $0x38;
	[tilespmem:$0x14400] =	vst v63  }
0xa9: {  	s28 =	spop (v2sf)  }
0xaa: {  	s28 =	sand.u32 $0x1FFFFF80, s28  }
0xab: {  	s30 =	simm.s32 $0x2000;
	s28 =	sadd.s32 s0, s28  }
0xac: {  	(v2sf) =	vpush v17, $0xA;
	[tilespmem:s30], [sflag:$0x1] =	stream.linear.gather [hbm4b:s28+s4], $0x400, $0x38;
	[tilespmem:$0x14400] =	vst v63  }
0xad: {  	s28 =	sadd.s32 $0xF4280, s28;
	s30 =	simm.s32 $0x6000  }
0xae: {  	[tilespmem:s30], [sflag:$0x1] =	stream.linear.gather [hbm4b:s28+s4], $0x400, $0x38;
	[tilespmem:$0x14400] =	vst v63  }
0xaf: {  	s28 =	spop (v2sf)  }
0xb0: {  	s28 =	sand.u32 $0x1FFFFF80, s28  }
0xb1: {  	s30 =	simm.s32 $0x2400;
	s28 =	sadd.s32 s0, s28  }
0xb2: {  	(v2sf) =	vpush v17, $0xB;
	[tilespmem:s30], [sflag:$0x1] =	stream.linear.gather [hbm4b:s28+s4], $0x400, $0x38;
	[tilespmem:$0x14400] =	vst v63  }
0xb3: {  	s28 =	sadd.s32 $0xF4280, s28;
	s30 =	simm.s32 $0x6400  }
0xb4: {  	[tilespmem:s30], [sflag:$0x1] =	stream.linear.gather [hbm4b:s28+s4], $0x400, $0x38;
	[tilespmem:$0x14400] =	vst v63  }
0xb5: {  	s28 =	spop (v2sf)  }
0xb6: {  	s28 =	sand.u32 $0x1FFFFF80, s28  }
0xb7: {  	s30 =	simm.s32 $0x2800;
	s28 =	sadd.s32 s0, s28  }
0xb8: {  	(v2sf) =	vpush v17, $0xC;
	[tilespmem:s30], [sflag:$0x1] =	stream.linear.gather [hbm4b:s28+s4], $0x400, $0x38;
	[tilespmem:$0x14400] =	vst v63  }
0xb9: {  	s28 =	sadd.s32 $0xF4280, s28;
	s30 =	simm.s32 $0x6800  }
0xba: {  	[tilespmem:s30], [sflag:$0x1] =	stream.linear.gather [hbm4b:s28+s4], $0x400, $0x38;
	[tilespmem:$0x14400] =	vst v63  }
0xbb: {  	s28 =	spop (v2sf)  }
0xbc: {  	(v2sf) =	vpush v17, $0xD;
	s28 =	sand.u32 $0x1FFFFF80, s28  }
0xbd: {  	s30 =	simm.s32 $0x2C00;
	s28 =	sadd.s32 s0, s28  }
0xbe: {  	[tilespmem:s30], [sflag:$0x1] =	stream.linear.gather [hbm4b:s28+s4], $0x400, $0x38;
	[tilespmem:$0x14400] =	vst v63  }
0xbf: {  	s28 =	sadd.s32 $0xF4280, s28;
	s30 =	simm.s32 $0x6C00  }
0xc0: {  	[tilespmem:s30], [sflag:$0x1] =	stream.linear.gather [hbm4b:s28+s4], $0x400, $0x38;
	[tilespmem:$0x14400] =	vst v63  }
0xc1: {  	s28 =	spop (v2sf);
	(v2sf) =	vpush v17, $0xE  }
0xc2: {  	s28 =	sand.u32 $0x1FFFFF80, s28  }
0xc3: {  	s30 =	simm.s32 $0x3000;
	s28 =	sadd.s32 s0, s28  }
0xc4: {  	[tilespmem:s30], [sflag:$0x1] =	stream.linear.gather [hbm4b:s28+s4], $0x400, $0x38;
	[tilespmem:$0x14400] =	vst v63  }
0xc5: {  	s28 =	sadd.s32 $0xF4280, s28;
	s30 =	simm.s32 $0x7000  }
0xc6: {  	[tilespmem:s30], [sflag:$0x1] =	stream.linear.gather [hbm4b:s28+s4], $0x400, $0x38;
	[tilespmem:$0x14400] =	vst v63  }
0xc7: {  	s28 =	spop (v2sf)  }
0xc8: {  	(v2sf) =	vpush v17, $0xF;
	s28 =	sand.u32 $0x1FFFFF80, s28  }
0xc9: {  	s30 =	simm.s32 $0x3400;
	s28 =	sadd.s32 s0, s28  }
0xca: {  	[tilespmem:s30], [sflag:$0x1] =	stream.linear.gather [hbm4b:s28+s4], $0x400, $0x38;
	[tilespmem:$0x14400] =	vst v63  }
0xcb: {  	s28 =	sadd.s32 $0xF4280, s28;
	s30 =	simm.s32 $0x7400;
	s29 =	spop (v2sf)  }
0xcc: {  	[tilespmem:s30], [sflag:$0x1] =	stream.linear.gather [hbm4b:s28+s4], $0x400, $0x38;
	[tilespmem:$0x14400] =	vst v63  }
0xcd: {  	s28 =	sand.u32 $0x1FFFFF80, s29  }
0xce: {  	s30 =	simm.s32 $0x3800;
	s28 =	sadd.s32 s0, s28  }
0xcf: {  	[tilespmem:s30], [sflag:$0x1] =	stream.linear.gather [hbm4b:s28+s4], $0x400, $0x38;
	[tilespmem:$0x14400] =	vst v63  }
0xd0: {  	s28 =	sadd.s32 $0xF4280, s28;
	s30 =	simm.s32 $0x7800;
	s29 =	spop (v2sf)  }
0xd1: {  	[tilespmem:s30], [sflag:$0x1] =	stream.linear.gather [hbm4b:s28+s4], $0x400, $0x38;
	[tilespmem:$0x14400] =	vst v63  }
0xd2: {  	s28 =	sand.u32 $0x1FFFFF80, s29  }
0xd3: {  	s30 =	simm.s32 $0x3C00;
	s28 =	sadd.s32 s0, s28  }
0xd4: {  	[tilespmem:s30], [sflag:$0x1] =	stream.linear.gather [hbm4b:s28+s4], $0x400, $0x38;
	[tilespmem:$0x14400] =	vst v63  }
0xd5: {  	s28 =	sadd.s32 $0xF4280, s28;
	s30 =	simm.s32 $0x7C00  }
0xd6: {  	[tilespmem:s30], [sflag:$0x1] =	stream.linear.gather [hbm4b:s28+s4], $0x400, $0x38;
	[tilespmem:$0x14400] =	vst v63  }
0xd7: {  	s28 =	spop (v2sf)  }
0xd8: {  	s28 =	sand.u32 $0x1FFFFF80, s28  }
.Ltmp2:
0xd9: {  	s30 =	simm.s32 $0x4000;
	s28 =	sadd.s32 s0, s28;
	(pc) =	sbr.rel .LBB2_2-.Ltmp2, $4  }
0xda: {  	[tilespmem:s30], [sflag:$0x1] =	stream.linear.gather [hbm4b:s28+s4], $0x400, $0x38;
	[tilespmem:$0x14400] =	vst v63  }
0xdb: {  	s28 =	sadd.s32 $0xF4280, s28;
	s30 =	simm.s32 $0x8000  }
0xdc: {  	[tilespmem:s30], [sflag:$0x1] =	stream.linear.gather [hbm4b:s28+s4], $0x400, $0x38;
	[tilespmem:$0x14400] =	vst v63  }
0xdd: {  	s29 =	simm.s32 $0x0;
	s28 =	simm.s32 $0x10  }
.LBB2_4:
0xde: {  	_ =	swait.ge [sflag:s24], $0x8000  }
0xdf: {  	[sflag:s24] =	ssyncset.done $0x0  }
0xe0: {  	[sflag:s24] =	ssyncadd.s32 $0xFFFF8000  }
0xe1: {  	v17 =	vld [tilespmem:s28+$0x0];
	_ =	sdelay $0x4  }
0xe2: {  	v17 =	vand.u32 $0x7F, v17  }
0xe3: {  	v18 =	vbroadcast v17, $0x0;
	_ =	sdelay $0x1  }
0xe4: {  	s30 =	sadd.s32 $0x10, s29;
	v18 =	vor.u32 v0, v18  }
0xe5: {  	v19 =	vmov s30  }
0xe6: {  	v20 =	vshll.u32 v19, $0x3  }
0xe7: {  	v19 =	vand.u32 $0x70, v19;
	v20 =	vand.u32 $0xC00, v20  }
0xe8: {  	v19 =	vor.u32 v20, v19;
	v29 =	vbroadcast v17, $0x1  }
0xe9: {  	v19 =	vor.u32 v1, v19;
	v18 =	vld.idx.msk [tilespmem:v18+s17+$0x0], $0xffff  }
0xea: {  	s2 =	sadd.s32 $0x11, s29;
	v20 =	vor.u32 v2, v29  }
0xeb: {  	v21 =	vmov s2  }
0xec: {  	v22 =	vshll.u32 v21, $0x3  }
0xed: {  	v21 =	vand.u32 $0x71, v21;
	v22 =	vand.u32 $0xC00, v22  }
0xee: {  	[tilespmem:v19+s25+$0x0] =	vst.idx.msk $0xffff, v18;
	v18 =	vor.u32 v22, v21;
	v19 =	vbroadcast v17, $0x2  }
0xef: {  	v20 =	vld.idx.msk [tilespmem:v20+s17+$0x0], $0xffff;
	v18 =	vor.u32 v1, v18  }
0xf0: {  	s2 =	sadd.s32 $0x12, s29;
	v19 =	vor.u32 v3, v19  }
0xf1: {  	v30 =	vmov s2  }
0xf2: {  	v31 =	vshll.u32 v30, $0x3  }
0xf3: {  	v21 =	vand.u32 $0x72, v30;
	v22 =	vand.u32 $0xC00, v31  }
0xf4: {  	v32 =	vbroadcast v17, $0x3;
	[tilespmem:v18+s25+$0x0] =	vst.idx.msk $0xffff, v20;
	v18 =	vor.u32 v22, v21  }
0xf5: {  	v19 =	vld.idx.msk [tilespmem:v19+s17+$0x0], $0xffff;
	v18 =	vor.u32 v1, v18  }
0xf6: {  	s2 =	sadd.s32 $0x13, s29;
	v20 =	vor.u32 v4, v32  }
0xf7: {  	v33 =	vmov s2  }
0xf8: {  	v34 =	vshll.u32 v33, $0x3  }
0xf9: {  	v21 =	vand.u32 $0x73, v33;
	v22 =	vand.u32 $0xC00, v34  }
0xfa: {  	[tilespmem:v18+s25+$0x0] =	vst.idx.msk $0xffff, v19;
	v18 =	vor.u32 v22, v21;
	v19 =	vbroadcast v17, $0x4  }
0xfb: {  	v20 =	vld.idx.msk [tilespmem:v20+s17+$0x0], $0xffff;
	v18 =	vor.u32 v1, v18  }
0xfc: {  	s2 =	sadd.s32 $0x14, s29;
	v19 =	vor.u32 v5, v19  }
0xfd: {  	v35 =	vmov s2  }
0xfe: {  	v36 =	vshll.u32 v35, $0x3  }
0xff: {  	v21 =	vand.u32 $0x74, v35;
	v22 =	vand.u32 $0xC00, v36  }
0x100: {  	v37 =	vbroadcast v17, $0x5;
	[tilespmem:v18+s25+$0x0] =	vst.idx.msk $0xffff, v20;
	v18 =	vor.u32 v22, v21  }
0x101: {  	v19 =	vld.idx.msk [tilespmem:v19+s17+$0x0], $0xffff;
	v18 =	vor.u32 v1, v18  }
0x102: {  	s2 =	sadd.s32 $0x15, s29;
	v20 =	vor.u32 v6, v37  }
0x103: {  	v38 =	vmov s2  }
0x104: {  	v39 =	vshll.u32 v38, $0x3  }
0x105: {  	v21 =	vand.u32 $0x75, v38;
	v22 =	vand.u32 $0xC00, v39  }
0x106: {  	[tilespmem:v18+s25+$0x0] =	vst.idx.msk $0xffff, v19;
	v18 =	vor.u32 v22, v21;
	v19 =	vbroadcast v17, $0x6  }
0x107: {  	v20 =	vld.idx.msk [tilespmem:v20+s17+$0x0], $0xffff;
	v18 =	vor.u32 v1, v18  }
0x108: {  	s2 =	sadd.s32 $0x16, s29;
	v19 =	vor.u32 v7, v19  }
0x109: {  	v40 =	vmov s2  }
0x10a: {  	v41 =	vshll.u32 v40, $0x3  }
0x10b: {  	v21 =	vand.u32 $0x76, v40;
	v22 =	vand.u32 $0xC00, v41  }
0x10c: {  	v42 =	vbroadcast v17, $0x7;
	[tilespmem:v18+s25+$0x0] =	vst.idx.msk $0xffff, v20;
	v18 =	vor.u32 v22, v21  }
0x10d: {  	v19 =	vld.idx.msk [tilespmem:v19+s17+$0x0], $0xffff;
	v18 =	vor.u32 v1, v18  }
0x10e: {  	s2 =	sadd.s32 $0x17, s29;
	v20 =	vor.u32 v8, v42  }
0x10f: {  	v43 =	vmov s2  }
0x110: {  	v44 =	vshll.u32 v43, $0x3  }
0x111: {  	v21 =	vand.u32 $0x77, v43;
	v22 =	vand.u32 $0xC00, v44  }
0x112: {  	[tilespmem:v18+s25+$0x0] =	vst.idx.msk $0xffff, v19;
	v18 =	vor.u32 v22, v21;
	v19 =	vbroadcast v17, $0x8  }
0x113: {  	v20 =	vld.idx.msk [tilespmem:v20+s17+$0x0], $0xffff;
	v18 =	vor.u32 v1, v18  }
0x114: {  	s2 =	sadd.s32 $0x18, s29;
	v19 =	vor.u32 v9, v19  }
0x115: {  	v45 =	vmov s2  }
0x116: {  	v46 =	vshll.u32 v45, $0x3  }
0x117: {  	v21 =	vand.u32 $0x78, v45;
	v22 =	vand.u32 $0xC00, v46  }
0x118: {  	v47 =	vbroadcast v17, $0x9;
	[tilespmem:v18+s25+$0x0] =	vst.idx.msk $0xffff, v20;
	v18 =	vor.u32 v22, v21  }
0x119: {  	v19 =	vld.idx.msk [tilespmem:v19+s17+$0x0], $0xffff;
	v18 =	vor.u32 v1, v18  }
0x11a: {  	s2 =	sadd.s32 $0x19, s29;
	v20 =	vor.u32 v10, v47  }
0x11b: {  	v48 =	vmov s2  }
0x11c: {  	v49 =	vshll.u32 v48, $0x3  }
0x11d: {  	v21 =	vand.u32 $0x79, v48;
	v22 =	vand.u32 $0xC00, v49  }
0x11e: {  	[tilespmem:v18+s25+$0x0] =	vst.idx.msk $0xffff, v19;
	v18 =	vor.u32 v22, v21;
	v19 =	vbroadcast v17, $0xA  }
0x11f: {  	v20 =	vld.idx.msk [tilespmem:v20+s17+$0x0], $0xffff;
	v18 =	vor.u32 v1, v18  }
0x120: {  	s2 =	sadd.s32 $0x1A, s29;
	v19 =	vor.u32 v11, v19  }
0x121: {  	v50 =	vmov s2  }
0x122: {  	v51 =	vshll.u32 v50, $0x3  }
0x123: {  	v21 =	vand.u32 $0x7A, v50;
	v22 =	vand.u32 $0xC00, v51  }
0x124: {  	v52 =	vbroadcast v17, $0xB;
	[tilespmem:v18+s25+$0x0] =	vst.idx.msk $0xffff, v20;
	v18 =	vor.u32 v22, v21  }
0x125: {  	v19 =	vld.idx.msk [tilespmem:v19+s17+$0x0], $0xffff;
	v18 =	vor.u32 v1, v18  }
0x126: {  	s2 =	sadd.s32 $0x1B, s29;
	v20 =	vor.u32 v12, v52  }
0x127: {  	v53 =	vmov s2  }
0x128: {  	v54 =	vshll.u32 v53, $0x3  }
0x129: {  	v21 =	vand.u32 $0x7B, v53;
	v22 =	vand.u32 $0xC00, v54  }
0x12a: {  	[tilespmem:v18+s25+$0x0] =	vst.idx.msk $0xffff, v19;
	v18 =	vor.u32 v22, v21;
	v19 =	vbroadcast v17, $0xC  }
0x12b: {  	v20 =	vld.idx.msk [tilespmem:v20+s17+$0x0], $0xffff;
	v18 =	vor.u32 v1, v18  }
0x12c: {  	s2 =	sadd.s32 $0x1C, s29;
	v19 =	vor.u32 v13, v19  }
0x12d: {  	v55 =	vmov s2  }
0x12e: {  	v56 =	vshll.u32 v55, $0x3  }
0x12f: {  	v21 =	vand.u32 $0x7C, v55;
	v22 =	vand.u32 $0xC00, v56  }
0x130: {  	v57 =	vbroadcast v17, $0xD;
	[tilespmem:v18+s25+$0x0] =	vst.idx.msk $0xffff, v20;
	v18 =	vor.u32 v22, v21  }
0x131: {  	v19 =	vld.idx.msk [tilespmem:v19+s17+$0x0], $0xffff;
	v18 =	vor.u32 v1, v18  }
0x132: {  	s2 =	sadd.s32 $0x1D, s29;
	v20 =	vor.u32 v14, v57  }
0x133: {  	v58 =	vmov s2  }
0x134: {  	v59 =	vshll.u32 v58, $0x3  }
0x135: {  	v21 =	vand.u32 $0x7D, v58;
	v22 =	vand.u32 $0xC00, v59  }
0x136: {  	[tilespmem:v18+s25+$0x0] =	vst.idx.msk $0xffff, v19;
	v18 =	vor.u32 v22, v21;
	v19 =	vbroadcast v17, $0xE  }
0x137: {  	v20 =	vld.idx.msk [tilespmem:v20+s17+$0x0], $0xffff;
	v18 =	vor.u32 v1, v18  }
0x138: {  	s2 =	sadd.s32 $0x1E, s29;
	v19 =	vor.u32 v15, v19  }
0x139: {  	v60 =	vmov s2  }
0x13a: {  	v61 =	vshll.u32 v60, $0x3  }
0x13b: {  	v21 =	vand.u32 $0x7E, v60;
	v22 =	vand.u32 $0xC00, v61  }
0x13c: {  	v17 =	vbroadcast v17, $0xF;
	[tilespmem:v18+s25+$0x0] =	vst.idx.msk $0xffff, v20;
	v18 =	vor.u32 v22, v21  }
0x13d: {  	v19 =	vld.idx.msk [tilespmem:v19+s17+$0x0], $0xffff;
	v18 =	vor.u32 v1, v18  }
0x13e: {  	s2 =	sadd.s32 $0x1F, s29;
	v17 =	vor.u32 v16, v17  }
0x13f: {  	v62 =	vmov s2  }
0x140: {  	v63 =	vshll.u32 v62, $0x3  }
0x141: {  	v20 =	vand.u32 $0x7F, v62;
	v21 =	vand.u32 $0xC00, v63  }
0x142: {  	s29 =	sadd.s32 $0x20, s29;
	[tilespmem:v18+s25+$0x0] =	vst.idx.msk $0xffff, v19;
	v18 =	vor.u32 v21, v20  }
0x143: {  	p0 =	sne.s32 s29, $0x200;
	v17 =	vld.idx.msk [tilespmem:v17+s17+$0x0], $0xffff;
	v18 =	vor.u32 v1, v18  }
.Ltmp3:
0x144: {  	_ = 	snop;
	(pc) =	sbr.rel @!p0 .LBB2_5-.Ltmp3, $2  }
0x145: {  	_ =	sdelay $0x2  }
0x146: {  	s28 =	sadd.s32 $0x20, s28;
	[tilespmem:v18+s25+$0x0] =	vst.idx.msk $0xffff, v17  }
.LBB2_2:
0x147: {  	v17 =	vld [tilespmem:s28+$0x0];
	_ =	sdelay $0x4  }
0x148: {  	v17 =	vshrl.u32 v17, $0x7  }
0x149: {  	v17 =	vshll.u32 v17, $0x7  }
0x14a: {  	(v2sf) =	vpush v17, $0x0;
	_ =	sdelay $0x5  }
0x14b: {  	(v2sf) =	vpush v17, $0x1;
	_ =	sdelay $0x5  }
0x14c: {  	(v2sf) =	vpush v17, $0x2;
	_ =	sdelay $0x2  }
0x14d: {  	s30 =	spop (v2sf)  }
0x14e: {  	s30 =	sand.u32 $0x1FFFFF80, s30  }
0x14f: {  	s30 =	sadd.s32 s0, s30  }
0x150: {  	(v2sf) =	vpush v17, $0x3;
	[tilespmem:s17], [sflag:$0x1] =	stream.linear.gather [hbm4b:s30+s4], $0x400, $0x38;
	[tilespmem:$0x14400] =	vst v63  }
0x151: {  	s2 =	simm.s32 $0xC400;
	s30 =	sadd.s32 $0xF4280, s30  }
0x152: {  	[tilespmem:s2], [sflag:$0x1] =	stream.linear.gather [hbm4b:s30+s4], $0x400, $0x38;
	[tilespmem:$0x14400] =	vst v63  }
0x153: {  	s2 =	spop (v2sf)  }
0x154: {  	s30 =	sand.u32 $0x1FFFFF80, s2  }
0x155: {  	s2 =	simm.s32 $0x8800;
	s30 =	sadd.s32 s0, s30  }
0x156: {  	(v2sf) =	vpush v17, $0x4;
	[tilespmem:s2], [sflag:$0x1] =	stream.linear.gather [hbm4b:s30+s4], $0x400, $0x38;
	[tilespmem:$0x14400] =	vst v63  }
0x157: {  	s30 =	sadd.s32 $0xF4280, s30;
	s2 =	simm.s32 $0xC800  }
0x158: {  	[tilespmem:s2], [sflag:$0x1] =	stream.linear.gather [hbm4b:s30+s4], $0x400, $0x38;
	[tilespmem:$0x14400] =	vst v63  }
0x159: {  	s2 =	spop (v2sf)  }
0x15a: {  	s30 =	sand.u32 $0x1FFFFF80, s2  }
0x15b: {  	s2 =	simm.s32 $0x8C00;
	s30 =	sadd.s32 s0, s30  }
0x15c: {  	(v2sf) =	vpush v17, $0x5;
	[tilespmem:s2], [sflag:$0x1] =	stream.linear.gather [hbm4b:s30+s4], $0x400, $0x38;
	[tilespmem:$0x14400] =	vst v63  }
0x15d: {  	s30 =	sadd.s32 $0xF4280, s30;
	s2 =	simm.s32 $0xCC00  }
0x15e: {  	[tilespmem:s2], [sflag:$0x1] =	stream.linear.gather [hbm4b:s30+s4], $0x400, $0x38;
	[tilespmem:$0x14400] =	vst v63  }
0x15f: {  	s2 =	spop (v2sf)  }
0x160: {  	s30 =	sand.u32 $0x1FFFFF80, s2  }
0x161: {  	s2 =	simm.s32 $0x9000;
	s30 =	sadd.s32 s0, s30  }
0x162: {  	(v2sf) =	vpush v17, $0x6;
	[tilespmem:s2], [sflag:$0x1] =	stream.linear.gather [hbm4b:s30+s4], $0x400, $0x38;
	[tilespmem:$0x14400] =	vst v63  }
0x163: {  	s30 =	sadd.s32 $0xF4280, s30;
	s2 =	simm.s32 $0xD000  }
0x164: {  	[tilespmem:s2], [sflag:$0x1] =	stream.linear.gather [hbm4b:s30+s4], $0x400, $0x38;
	[tilespmem:$0x14400] =	vst v63  }
0x165: {  	s2 =	spop (v2sf)  }
0x166: {  	s30 =	sand.u32 $0x1FFFFF80, s2  }
0x167: {  	s2 =	simm.s32 $0x9400;
	s30 =	sadd.s32 s0, s30  }
0x168: {  	(v2sf) =	vpush v17, $0x7;
	[tilespmem:s2], [sflag:$0x1] =	stream.linear.gather [hbm4b:s30+s4], $0x400, $0x38;
	[tilespmem:$0x14400] =	vst v63  }
0x169: {  	s30 =	sadd.s32 $0xF4280, s30;
	s2 =	simm.s32 $0xD400  }
0x16a: {  	[tilespmem:s2], [sflag:$0x1] =	stream.linear.gather [hbm4b:s30+s4], $0x400, $0x38;
	[tilespmem:$0x14400] =	vst v63  }
0x16b: {  	s2 =	spop (v2sf)  }
0x16c: {  	s30 =	sand.u32 $0x1FFFFF80, s2  }
0x16d: {  	s2 =	simm.s32 $0x9800;
	s30 =	sadd.s32 s0, s30  }
0x16e: {  	(v2sf) =	vpush v17, $0x8;
	[tilespmem:s2], [sflag:$0x1] =	stream.linear.gather [hbm4b:s30+s4], $0x400, $0x38;
	[tilespmem:$0x14400] =	vst v63  }
0x16f: {  	s30 =	sadd.s32 $0xF4280, s30;
	s2 =	simm.s32 $0xD800  }
0x170: {  	[tilespmem:s2], [sflag:$0x1] =	stream.linear.gather [hbm4b:s30+s4], $0x400, $0x38;
	[tilespmem:$0x14400] =	vst v63  }
0x171: {  	s2 =	spop (v2sf)  }
0x172: {  	s30 =	sand.u32 $0x1FFFFF80, s2  }
0x173: {  	s2 =	simm.s32 $0x9C00;
	s30 =	sadd.s32 s0, s30  }
0x174: {  	(v2sf) =	vpush v17, $0x9;
	[tilespmem:s2], [sflag:$0x1] =	stream.linear.gather [hbm4b:s30+s4], $0x400, $0x38;
	[tilespmem:$0x14400] =	vst v63  }
0x175: {  	s30 =	sadd.s32 $0xF4280, s30;
	s2 =	simm.s32 $0xDC00  }
0x176: {  	[tilespmem:s2], [sflag:$0x1] =	stream.linear.gather [hbm4b:s30+s4], $0x400, $0x38;
	[tilespmem:$0x14400] =	vst v63  }
0x177: {  	s2 =	spop (v2sf)  }
0x178: {  	s30 =	sand.u32 $0x1FFFFF80, s2  }
0x179: {  	s30 =	sadd.s32 s0, s30  }
0x17a: {  	(v2sf) =	vpush v17, $0xA;
	[tilespmem:s3], [sflag:$0x1] =	stream.linear.gather [hbm4b:s30+s4], $0x400, $0x38;
	[tilespmem:$0x14400] =	vst v63  }
0x17b: {  	s30 =	sadd.s32 $0xF4280, s30  }
0x17c: {  	[tilespmem:s11], [sflag:$0x1] =	stream.linear.gather [hbm4b:s30+s4], $0x400, $0x38;
	[tilespmem:$0x14400] =	vst v63  }
0x17d: {  	s2 =	spop (v2sf)  }
0x17e: {  	s30 =	sand.u32 $0x1FFFFF80, s2  }
0x17f: {  	s30 =	sadd.s32 s0, s30  }
0x180: {  	(v2sf) =	vpush v17, $0xB;
	[tilespmem:s5], [sflag:$0x1] =	stream.linear.gather [hbm4b:s30+s4], $0x400, $0x38;
	[tilespmem:$0x14400] =	vst v63  }
0x181: {  	s30 =	sadd.s32 $0xF4280, s30  }
0x182: {  	[tilespmem:s6], [sflag:$0x1] =	stream.linear.gather [hbm4b:s30+s4], $0x400, $0x38;
	[tilespmem:$0x14400] =	vst v63  }
0x183: {  	s2 =	spop (v2sf)  }
0x184: {  	s30 =	sand.u32 $0x1FFFFF80, s2  }
0x185: {  	s30 =	sadd.s32 s0, s30  }
0x186: {  	(v2sf) =	vpush v17, $0xC;
	[tilespmem:s7], [sflag:$0x1] =	stream.linear.gather [hbm4b:s30+s4], $0x400, $0x38;
	[tilespmem:$0x14400] =	vst v63  }
0x187: {  	s30 =	sadd.s32 $0xF4280, s30  }
0x188: {  	[tilespmem:s8], [sflag:$0x1] =	stream.linear.gather [hbm4b:s30+s4], $0x400, $0x38;
	[tilespmem:$0x14400] =	vst v63  }
0x189: {  	s2 =	spop (v2sf)  }
0x18a: {  	s30 =	sand.u32 $0x1FFFFF80, s2  }
0x18b: {  	s30 =	sadd.s32 s0, s30  }
0x18c: {  	(v2sf) =	vpush v17, $0xD;
	[tilespmem:s9], [sflag:$0x1] =	stream.linear.gather [hbm4b:s30+s4], $0x400, $0x38;
	[tilespmem:$0x14400] =	vst v63  }
0x18d: {  	s30 =	sadd.s32 $0xF4280, s30  }
0x18e: {  	[tilespmem:s10], [sflag:$0x1] =	stream.linear.gather [hbm4b:s30+s4], $0x400, $0x38;
	[tilespmem:$0x14400] =	vst v63  }
0x18f: {  	s2 =	spop (v2sf)  }
0x190: {  	s30 =	sand.u32 $0x1FFFFF80, s2  }
0x191: {  	s30 =	sadd.s32 s0, s30  }
0x192: {  	(v2sf) =	vpush v17, $0xE;
	[tilespmem:s13], [sflag:$0x1] =	stream.linear.gather [hbm4b:s30+s4], $0x400, $0x38;
	[tilespmem:$0x14400] =	vst v63  }
0x193: {  	s30 =	sadd.s32 $0xF4280, s30  }
0x194: {  	[tilespmem:s14], [sflag:$0x1] =	stream.linear.gather [hbm4b:s30+s4], $0x400, $0x38;
	[tilespmem:$0x14400] =	vst v63  }
0x195: {  	s2 =	spop (v2sf)  }
0x196: {  	s30 =	sand.u32 $0x1FFFFF80, s2  }
0x197: {  	s30 =	sadd.s32 s0, s30  }
0x198: {  	(v2sf) =	vpush v17, $0xF;
	[tilespmem:s15], [sflag:$0x1] =	stream.linear.gather [hbm4b:s30+s4], $0x400, $0x38;
	[tilespmem:$0x14400] =	vst v63  }
0x199: {  	s30 =	sadd.s32 $0xF4280, s30  }
0x19a: {  	[tilespmem:s16], [sflag:$0x1] =	stream.linear.gather [hbm4b:s30+s4], $0x400, $0x38;
	[tilespmem:$0x14400] =	vst v63  }
0x19b: {  	s2 =	spop (v2sf)  }
0x19c: {  	s30 =	sand.u32 $0x1FFFFF80, s2  }
0x19d: {  	s30 =	sadd.s32 s0, s30  }
0x19e: {  	[tilespmem:s18], [sflag:$0x1] =	stream.linear.gather [hbm4b:s30+s4], $0x400, $0x38;
	[tilespmem:$0x14400] =	vst v63  }
0x19f: {  	s30 =	sadd.s32 $0xF4280, s30  }
0x1a0: {  	[tilespmem:s19], [sflag:$0x1] =	stream.linear.gather [hbm4b:s30+s4], $0x400, $0x38;
	[tilespmem:$0x14400] =	vst v63  }
0x1a1: {  	s2 =	spop (v2sf)  }
0x1a2: {  	s30 =	sand.u32 $0x1FFFFF80, s2  }
0x1a3: {  	s30 =	sadd.s32 s0, s30  }
0x1a4: {  	[tilespmem:s20], [sflag:$0x1] =	stream.linear.gather [hbm4b:s30+s4], $0x400, $0x38;
	[tilespmem:$0x14400] =	vst v63  }
0x1a5: {  	s30 =	sadd.s32 $0xF4280, s30  }
0x1a6: {  	[tilespmem:s21], [sflag:$0x1] =	stream.linear.gather [hbm4b:s30+s4], $0x400, $0x38;
	[tilespmem:$0x14400] =	vst v63  }
0x1a7: {  	s2 =	spop (v2sf)  }
0x1a8: {  	s30 =	sand.u32 $0x1FFFFF80, s2  }
0x1a9: {  	s30 =	sadd.s32 s0, s30  }
0x1aa: {  	[tilespmem:s22], [sflag:$0x1] =	stream.linear.gather [hbm4b:s30+s4], $0x400, $0x38;
	[tilespmem:$0x14400] =	vst v63  }
0x1ab: {  	s30 =	sadd.s32 $0xF4280, s30  }
0x1ac: {  	[tilespmem:s23], [sflag:$0x1] =	stream.linear.gather [hbm4b:s30+s4], $0x400, $0x38;
	[tilespmem:$0x14400] =	vst v63  }
0x1ad: {  	_ =	swait.ge [sflag:s24], $0x8000  }
0x1ae: {  	[sflag:s24] =	ssyncset.done $0x0  }
0x1af: {  	[sflag:s24] =	ssyncadd.s32 $0xFFFF8000  }
0x1b0: {  	v17 =	vld [tilespmem:s28+$0xFFFFFFF0];
	_ =	sdelay $0x4  }
0x1b1: {  	v17 =	vand.u32 $0x7F, v17  }
0x1b2: {  	v18 =	vbroadcast v17, $0x0;
	_ =	sdelay $0x1  }
0x1b3: {  	v18 =	vor.u32 v0, v18  }
0x1b4: {  	v19 =	vmov s29  }
0x1b5: {  	v20 =	vshll.u32 v19, $0x3  }
0x1b6: {  	v19 =	vand.u32 $0x60, v19;
	v20 =	vand.u32 $0xC00, v20  }
0x1b7: {  	v19 =	vor.u32 v20, v19;
	v29 =	vbroadcast v17, $0x1  }
0x1b8: {  	v19 =	vor.u32 v1, v19;
	v18 =	vld.idx.msk [tilespmem:v18+s12+$0x0], $0xffff  }
0x1b9: {  	s2 =	sadd.s32 $0x1, s29;
	v20 =	vor.u32 v2, v29  }
0x1ba: {  	v21 =	vmov s2  }
0x1bb: {  	v22 =	vshll.u32 v21, $0x3  }
0x1bc: {  	v21 =	vand.u32 $0x61, v21;
	v22 =	vand.u32 $0xC00, v22  }
0x1bd: {  	[tilespmem:v19+s25+$0x0] =	vst.idx.msk $0xffff, v18;
	v18 =	vor.u32 v22, v21;
	v19 =	vbroadcast v17, $0x2  }
0x1be: {  	v20 =	vld.idx.msk [tilespmem:v20+s12+$0x0], $0xffff;
	v18 =	vor.u32 v1, v18  }
0x1bf: {  	s2 =	sadd.s32 $0x2, s29;
	v19 =	vor.u32 v3, v19  }
0x1c0: {  	v30 =	vmov s2  }
0x1c1: {  	v31 =	vshll.u32 v30, $0x3  }
0x1c2: {  	v21 =	vand.u32 $0x62, v30;
	v22 =	vand.u32 $0xC00, v31  }
0x1c3: {  	v32 =	vbroadcast v17, $0x3;
	[tilespmem:v18+s25+$0x0] =	vst.idx.msk $0xffff, v20;
	v18 =	vor.u32 v22, v21  }
0x1c4: {  	v19 =	vld.idx.msk [tilespmem:v19+s12+$0x0], $0xffff;
	v18 =	vor.u32 v1, v18  }
0x1c5: {  	s2 =	sadd.s32 $0x3, s29;
	v20 =	vor.u32 v4, v32  }
0x1c6: {  	v33 =	vmov s2  }
0x1c7: {  	v34 =	vshll.u32 v33, $0x3  }
0x1c8: {  	v21 =	vand.u32 $0x63, v33;
	v22 =	vand.u32 $0xC00, v34  }
0x1c9: {  	[tilespmem:v18+s25+$0x0] =	vst.idx.msk $0xffff, v19;
	v18 =	vor.u32 v22, v21;
	v19 =	vbroadcast v17, $0x4  }
0x1ca: {  	v20 =	vld.idx.msk [tilespmem:v20+s12+$0x0], $0xffff;
	v18 =	vor.u32 v1, v18  }
0x1cb: {  	s2 =	sadd.s32 $0x4, s29;
	v19 =	vor.u32 v5, v19  }
0x1cc: {  	v35 =	vmov s2  }
0x1cd: {  	v36 =	vshll.u32 v35, $0x3  }
0x1ce: {  	v21 =	vand.u32 $0x64, v35;
	v22 =	vand.u32 $0xC00, v36  }
0x1cf: {  	v37 =	vbroadcast v17, $0x5;
	[tilespmem:v18+s25+$0x0] =	vst.idx.msk $0xffff, v20;
	v18 =	vor.u32 v22, v21  }
0x1d0: {  	v19 =	vld.idx.msk [tilespmem:v19+s12+$0x0], $0xffff;
	v18 =	vor.u32 v1, v18  }
0x1d1: {  	s2 =	sadd.s32 $0x5, s29;
	v20 =	vor.u32 v6, v37  }
0x1d2: {  	v38 =	vmov s2  }
0x1d3: {  	v39 =	vshll.u32 v38, $0x3  }
0x1d4: {  	v21 =	vand.u32 $0x65, v38;
	v22 =	vand.u32 $0xC00, v39  }
0x1d5: {  	[tilespmem:v18+s25+$0x0] =	vst.idx.msk $0xffff, v19;
	v18 =	vor.u32 v22, v21;
	v19 =	vbroadcast v17, $0x6  }
0x1d6: {  	v20 =	vld.idx.msk [tilespmem:v20+s12+$0x0], $0xffff;
	v18 =	vor.u32 v1, v18  }
0x1d7: {  	s2 =	sadd.s32 $0x6, s29;
	v19 =	vor.u32 v7, v19  }
0x1d8: {  	v40 =	vmov s2  }
0x1d9: {  	v41 =	vshll.u32 v40, $0x3  }
0x1da: {  	v21 =	vand.u32 $0x66, v40;
	v22 =	vand.u32 $0xC00, v41  }
0x1db: {  	v42 =	vbroadcast v17, $0x7;
	[tilespmem:v18+s25+$0x0] =	vst.idx.msk $0xffff, v20;
	v18 =	vor.u32 v22, v21  }
0x1dc: {  	v19 =	vld.idx.msk [tilespmem:v19+s12+$0x0], $0xffff;
	v18 =	vor.u32 v1, v18  }
0x1dd: {  	s2 =	sadd.s32 $0x7, s29;
	v20 =	vor.u32 v8, v42  }
0x1de: {  	v43 =	vmov s2  }
0x1df: {  	v44 =	vshll.u32 v43, $0x3  }
0x1e0: {  	v21 =	vand.u32 $0x67, v43;
	v22 =	vand.u32 $0xC00, v44  }
0x1e1: {  	[tilespmem:v18+s25+$0x0] =	vst.idx.msk $0xffff, v19;
	v18 =	vor.u32 v22, v21;
	v19 =	vbroadcast v17, $0x8  }
0x1e2: {  	v20 =	vld.idx.msk [tilespmem:v20+s12+$0x0], $0xffff;
	v18 =	vor.u32 v1, v18  }
0x1e3: {  	s2 =	sadd.s32 $0x8, s29;
	v19 =	vor.u32 v9, v19  }
0x1e4: {  	v45 =	vmov s2  }
0x1e5: {  	v46 =	vshll.u32 v45, $0x3  }
0x1e6: {  	v21 =	vand.u32 $0x68, v45;
	v22 =	vand.u32 $0xC00, v46  }
0x1e7: {  	v47 =	vbroadcast v17, $0x9;
	[tilespmem:v18+s25+$0x0] =	vst.idx.msk $0xffff, v20;
	v18 =	vor.u32 v22, v21  }
0x1e8: {  	v19 =	vld.idx.msk [tilespmem:v19+s12+$0x0], $0xffff;
	v18 =	vor.u32 v1, v18  }
0x1e9: {  	s2 =	sadd.s32 $0x9, s29;
	v20 =	vor.u32 v10, v47  }
0x1ea: {  	v48 =	vmov s2  }
0x1eb: {  	v49 =	vshll.u32 v48, $0x3  }
0x1ec: {  	v21 =	vand.u32 $0x69, v48;
	v22 =	vand.u32 $0xC00, v49  }
0x1ed: {  	[tilespmem:v18+s25+$0x0] =	vst.idx.msk $0xffff, v19;
	v18 =	vor.u32 v22, v21;
	v19 =	vbroadcast v17, $0xA  }
0x1ee: {  	v20 =	vld.idx.msk [tilespmem:v20+s12+$0x0], $0xffff;
	v18 =	vor.u32 v1, v18  }
0x1ef: {  	s2 =	sadd.s32 $0xA, s29;
	v19 =	vor.u32 v11, v19  }
0x1f0: {  	v50 =	vmov s2  }
0x1f1: {  	v51 =	vshll.u32 v50, $0x3  }
0x1f2: {  	v21 =	vand.u32 $0x6A, v50;
	v22 =	vand.u32 $0xC00, v51  }
0x1f3: {  	v52 =	vbroadcast v17, $0xB;
	[tilespmem:v18+s25+$0x0] =	vst.idx.msk $0xffff, v20;
	v18 =	vor.u32 v22, v21  }
0x1f4: {  	v19 =	vld.idx.msk [tilespmem:v19+s12+$0x0], $0xffff;
	v18 =	vor.u32 v1, v18  }
0x1f5: {  	s2 =	sadd.s32 $0xB, s29;
	v20 =	vor.u32 v12, v52  }
0x1f6: {  	v53 =	vmov s2  }
0x1f7: {  	v54 =	vshll.u32 v53, $0x3  }
0x1f8: {  	v21 =	vand.u32 $0x6B, v53;
	v22 =	vand.u32 $0xC00, v54  }
0x1f9: {  	[tilespmem:v18+s25+$0x0] =	vst.idx.msk $0xffff, v19;
	v18 =	vor.u32 v22, v21;
	v19 =	vbroadcast v17, $0xC  }
0x1fa: {  	v20 =	vld.idx.msk [tilespmem:v20+s12+$0x0], $0xffff;
	v18 =	vor.u32 v1, v18  }
0x1fb: {  	s2 =	sadd.s32 $0xC, s29;
	v19 =	vor.u32 v13, v19  }
0x1fc: {  	v55 =	vmov s2  }
0x1fd: {  	v56 =	vshll.u32 v55, $0x3  }
0x1fe: {  	v21 =	vand.u32 $0x6C, v55;
	v22 =	vand.u32 $0xC00, v56  }
0x1ff: {  	v57 =	vbroadcast v17, $0xD;
	[tilespmem:v18+s25+$0x0] =	vst.idx.msk $0xffff, v20;
	v18 =	vor.u32 v22, v21  }
0x200: {  	v19 =	vld.idx.msk [tilespmem:v19+s12+$0x0], $0xffff;
	v18 =	vor.u32 v1, v18  }
0x201: {  	s2 =	sadd.s32 $0xD, s29;
	v20 =	vor.u32 v14, v57  }
0x202: {  	v58 =	vmov s2  }
0x203: {  	v59 =	vshll.u32 v58, $0x3  }
0x204: {  	v21 =	vand.u32 $0x6D, v58;
	v22 =	vand.u32 $0xC00, v59  }
0x205: {  	[tilespmem:v18+s25+$0x0] =	vst.idx.msk $0xffff, v19;
	v18 =	vor.u32 v22, v21;
	v19 =	vbroadcast v17, $0xE  }
0x206: {  	v20 =	vld.idx.msk [tilespmem:v20+s12+$0x0], $0xffff;
	v18 =	vor.u32 v1, v18  }
0x207: {  	s2 =	sadd.s32 $0xE, s29;
	v19 =	vor.u32 v15, v19  }
0x208: {  	v60 =	vmov s2  }
0x209: {  	v61 =	vshll.u32 v60, $0x3  }
0x20a: {  	v21 =	vand.u32 $0x6E, v60;
	v22 =	vand.u32 $0xC00, v61  }
0x20b: {  	v17 =	vbroadcast v17, $0xF;
	[tilespmem:v18+s25+$0x0] =	vst.idx.msk $0xffff, v20;
	v18 =	vor.u32 v22, v21  }
0x20c: {  	v19 =	vld.idx.msk [tilespmem:v19+s12+$0x0], $0xffff;
	v18 =	vor.u32 v1, v18  }
0x20d: {  	s2 =	sadd.s32 $0xF, s29;
	v17 =	vor.u32 v16, v17  }
0x20e: {  	v62 =	vmov s2  }
0x20f: {  	v63 =	vshll.u32 v62, $0x3  }
0x210: {  	v20 =	vand.u32 $0x6F, v62;
	v21 =	vand.u32 $0xC00, v63  }
0x211: {  	[tilespmem:v18+s25+$0x0] =	vst.idx.msk $0xffff, v19;
	v18 =	vor.u32 v21, v20  }
0x212: {  	p0 =	seq.s32 s29, $0x1E0;
	v17 =	vld.idx.msk [tilespmem:v17+s12+$0x0], $0xffff;
	v18 =	vor.u32 v1, v18  }
.Ltmp4:
0x213: {  	_ = 	snop;
	(pc) =	sbr.rel @p0 .LBB2_4-.Ltmp4, $2  }
0x214: {  	_ =	sdelay $0x2  }
0x215: {  	[tilespmem:v18+s25+$0x0] =	vst.idx.msk $0xffff, v17  }
0x216: {  	v17 =	vld [tilespmem:s28+$0x10];
	_ =	sdelay $0x4  }
0x217: {  	v17 =	vshrl.u32 v17, $0x7  }
0x218: {  	v17 =	vshll.u32 v17, $0x7  }
0x219: {  	(v2sf) =	vpush v17, $0x0;
	_ =	sdelay $0x3  }
0x21a: {  	(v2sf) =	vpush v17, $0x1;
	_ =	sdelay $0x4  }
0x21b: {  	(v2sf) =	vpush v17, $0x2;
	_ =	sdelay $0x5  }
0x21c: {  	s30 =	spop (v2sf)  }
0x21d: {  	(v2sf) =	vpush v17, $0x3;
	s30 =	sand.u32 $0x1FFFFF80, s30  }
0x21e: {  	s30 =	sadd.s32 s0, s30  }
0x21f: {  	[tilespmem:s12], [sflag:$0x1] =	stream.linear.gather [hbm4b:s30+s4], $0x400, $0x38;
	[tilespmem:$0x14400] =	vst v63  }
0x220: {  	s31 =	simm.s32 $0x4400;
	s2 =	spop (v2sf);
	s30 =	sadd.s32 $0xF4280, s30  }
0x221: {  	[tilespmem:s31], [sflag:$0x1] =	stream.linear.gather [hbm4b:s30+s4], $0x400, $0x38;
	[tilespmem:$0x14400] =	vst v63  }
0x222: {  	s30 =	sand.u32 $0x1FFFFF80, s2  }
0x223: {  	(v2sf) =	vpush v17, $0x4;
	s31 =	simm.s32 $0x800;
	s30 =	sadd.s32 s0, s30  }
0x224: {  	[tilespmem:s31], [sflag:$0x1] =	stream.linear.gather [hbm4b:s30+s4], $0x400, $0x38;
	[tilespmem:$0x14400] =	vst v63  }
0x225: {  	s2 =	spop (v2sf);
	s30 =	sadd.s32 $0xF4280, s30;
	s31 =	simm.s32 $0x4800  }
0x226: {  	[tilespmem:s31], [sflag:$0x1] =	stream.linear.gather [hbm4b:s30+s4], $0x400, $0x38;
	[tilespmem:$0x14400] =	vst v63  }
0x227: {  	s30 =	sand.u32 $0x1FFFFF80, s2  }
0x228: {  	s31 =	simm.s32 $0xC00;
	s30 =	sadd.s32 s0, s30  }
0x229: {  	(v2sf) =	vpush v17, $0x5;
	[tilespmem:s31], [sflag:$0x1] =	stream.linear.gather [hbm4b:s30+s4], $0x400, $0x38;
	[tilespmem:$0x14400] =	vst v63  }
0x22a: {  	s30 =	sadd.s32 $0xF4280, s30;
	s31 =	simm.s32 $0x4C00  }
0x22b: {  	[tilespmem:s31], [sflag:$0x1] =	stream.linear.gather [hbm4b:s30+s4], $0x400, $0x38;
	[tilespmem:$0x14400] =	vst v63  }
0x22c: {  	s2 =	spop (v2sf)  }
0x22d: {  	s30 =	sand.u32 $0x1FFFFF80, s2  }
0x22e: {  	s31 =	simm.s32 $0x1000;
	s30 =	sadd.s32 s0, s30  }
0x22f: {  	(v2sf) =	vpush v17, $0x6;
	[tilespmem:s31], [sflag:$0x1] =	stream.linear.gather [hbm4b:s30+s4], $0x400, $0x38;
	[tilespmem:$0x14400] =	vst v63  }
0x230: {  	s2 =	simm.s32 $0x5000;
	s30 =	sadd.s32 $0xF4280, s30  }
0x231: {  	[tilespmem:s2], [sflag:$0x1] =	stream.linear.gather [hbm4b:s30+s4], $0x400, $0x38;
	[tilespmem:$0x14400] =	vst v63  }
0x232: {  	s2 =	spop (v2sf)  }
0x233: {  	s30 =	sand.u32 $0x1FFFFF80, s2  }
0x234: {  	s2 =	simm.s32 $0x1400;
	s30 =	sadd.s32 s0, s30  }
0x235: {  	(v2sf) =	vpush v17, $0x7;
	[tilespmem:s2], [sflag:$0x1] =	stream.linear.gather [hbm4b:s30+s4], $0x400, $0x38;
	[tilespmem:$0x14400] =	vst v63  }
0x236: {  	s30 =	sadd.s32 $0xF4280, s30;
	s2 =	simm.s32 $0x5400  }
0x237: {  	[tilespmem:s2], [sflag:$0x1] =	stream.linear.gather [hbm4b:s30+s4], $0x400, $0x38;
	[tilespmem:$0x14400] =	vst v63  }
0x238: {  	s2 =	spop (v2sf)  }
0x239: {  	s30 =	sand.u32 $0x1FFFFF80, s2  }
0x23a: {  	s2 =	simm.s32 $0x1800;
	s30 =	sadd.s32 s0, s30  }
0x23b: {  	(v2sf) =	vpush v17, $0x8;
	[tilespmem:s2], [sflag:$0x1] =	stream.linear.gather [hbm4b:s30+s4], $0x400, $0x38;
	[tilespmem:$0x14400] =	vst v63  }
0x23c: {  	s30 =	sadd.s32 $0xF4280, s30;
	s2 =	simm.s32 $0x5800  }
0x23d: {  	[tilespmem:s2], [sflag:$0x1] =	stream.linear.gather [hbm4b:s30+s4], $0x400, $0x38;
	[tilespmem:$0x14400] =	vst v63  }
0x23e: {  	s2 =	spop (v2sf)  }
0x23f: {  	s30 =	sand.u32 $0x1FFFFF80, s2  }
0x240: {  	s2 =	simm.s32 $0x1C00;
	s30 =	sadd.s32 s0, s30  }
0x241: {  	(v2sf) =	vpush v17, $0x9;
	[tilespmem:s2], [sflag:$0x1] =	stream.linear.gather [hbm4b:s30+s4], $0x400, $0x38;
	[tilespmem:$0x14400] =	vst v63  }
0x242: {  	s30 =	sadd.s32 $0xF4280, s30;
	s2 =	simm.s32 $0x5C00  }
0x243: {  	[tilespmem:s2], [sflag:$0x1] =	stream.linear.gather [hbm4b:s30+s4], $0x400, $0x38;
	[tilespmem:$0x14400] =	vst v63  }
0x244: {  	s2 =	spop (v2sf)  }
0x245: {  	s30 =	sand.u32 $0x1FFFFF80, s2  }
0x246: {  	s2 =	simm.s32 $0x2000;
	s30 =	sadd.s32 s0, s30  }
0x247: {  	(v2sf) =	vpush v17, $0xA;
	[tilespmem:s2], [sflag:$0x1] =	stream.linear.gather [hbm4b:s30+s4], $0x400, $0x38;
	[tilespmem:$0x14400] =	vst v63  }
0x248: {  	s30 =	sadd.s32 $0xF4280, s30;
	s2 =	simm.s32 $0x6000  }
0x249: {  	[tilespmem:s2], [sflag:$0x1] =	stream.linear.gather [hbm4b:s30+s4], $0x400, $0x38;
	[tilespmem:$0x14400] =	vst v63  }
0x24a: {  	s2 =	spop (v2sf)  }
0x24b: {  	s30 =	sand.u32 $0x1FFFFF80, s2  }
0x24c: {  	s2 =	simm.s32 $0x2400;
	s30 =	sadd.s32 s0, s30  }
0x24d: {  	(v2sf) =	vpush v17, $0xB;
	[tilespmem:s2], [sflag:$0x1] =	stream.linear.gather [hbm4b:s30+s4], $0x400, $0x38;
	[tilespmem:$0x14400] =	vst v63  }
0x24e: {  	s30 =	sadd.s32 $0xF4280, s30;
	s2 =	simm.s32 $0x6400  }
0x24f: {  	[tilespmem:s2], [sflag:$0x1] =	stream.linear.gather [hbm4b:s30+s4], $0x400, $0x38;
	[tilespmem:$0x14400] =	vst v63  }
0x250: {  	s2 =	spop (v2sf)  }
0x251: {  	s30 =	sand.u32 $0x1FFFFF80, s2  }
0x252: {  	s2 =	simm.s32 $0x2800;
	s30 =	sadd.s32 s0, s30  }
0x253: {  	(v2sf) =	vpush v17, $0xC;
	[tilespmem:s2], [sflag:$0x1] =	stream.linear.gather [hbm4b:s30+s4], $0x400, $0x38;
	[tilespmem:$0x14400] =	vst v63  }
0x254: {  	s30 =	sadd.s32 $0xF4280, s30;
	s2 =	simm.s32 $0x6800  }
0x255: {  	[tilespmem:s2], [sflag:$0x1] =	stream.linear.gather [hbm4b:s30+s4], $0x400, $0x38;
	[tilespmem:$0x14400] =	vst v63  }
0x256: {  	s2 =	spop (v2sf)  }
0x257: {  	s30 =	sand.u32 $0x1FFFFF80, s2  }
0x258: {  	s2 =	simm.s32 $0x2C00;
	s30 =	sadd.s32 s0, s30  }
0x259: {  	(v2sf) =	vpush v17, $0xD;
	[tilespmem:s2], [sflag:$0x1] =	stream.linear.gather [hbm4b:s30+s4], $0x400, $0x38;
	[tilespmem:$0x14400] =	vst v63  }
0x25a: {  	s30 =	sadd.s32 $0xF4280, s30;
	s2 =	simm.s32 $0x6C00  }
0x25b: {  	[tilespmem:s2], [sflag:$0x1] =	stream.linear.gather [hbm4b:s30+s4], $0x400, $0x38;
	[tilespmem:$0x14400] =	vst v63  }
0x25c: {  	s2 =	spop (v2sf)  }
0x25d: {  	s30 =	sand.u32 $0x1FFFFF80, s2  }
0x25e: {  	s2 =	simm.s32 $0x3000;
	s30 =	sadd.s32 s0, s30  }
0x25f: {  	(v2sf) =	vpush v17, $0xE;
	[tilespmem:s2], [sflag:$0x1] =	stream.linear.gather [hbm4b:s30+s4], $0x400, $0x38;
	[tilespmem:$0x14400] =	vst v63  }
0x260: {  	s30 =	sadd.s32 $0xF4280, s30;
	s2 =	simm.s32 $0x7000  }
0x261: {  	[tilespmem:s2], [sflag:$0x1] =	stream.linear.gather [hbm4b:s30+s4], $0x400, $0x38;
	[tilespmem:$0x14400] =	vst v63  }
0x262: {  	s2 =	spop (v2sf)  }
0x263: {  	s30 =	sand.u32 $0x1FFFFF80, s2  }
0x264: {  	s2 =	simm.s32 $0x3400;
	s30 =	sadd.s32 s0, s30  }
0x265: {  	(v2sf) =	vpush v17, $0xF;
	[tilespmem:s2], [sflag:$0x1] =	stream.linear.gather [hbm4b:s30+s4], $0x400, $0x38;
	[tilespmem:$0x14400] =	vst v63  }
0x266: {  	s30 =	sadd.s32 $0xF4280, s30;
	s2 =	simm.s32 $0x7400  }
0x267: {  	[tilespmem:s2], [sflag:$0x1] =	stream.linear.gather [hbm4b:s30+s4], $0x400, $0x38;
	[tilespmem:$0x14400] =	vst v63  }
0x268: {  	s2 =	spop (v2sf)  }
0x269: {  	s30 =	sand.u32 $0x1FFFFF80, s2  }
0x26a: {  	s2 =	simm.s32 $0x3800;
	s30 =	sadd.s32 s0, s30  }
0x26b: {  	[tilespmem:s2], [sflag:$0x1] =	stream.linear.gather [hbm4b:s30+s4], $0x400, $0x38;
	[tilespmem:$0x14400] =	vst v63  }
0x26c: {  	s30 =	sadd.s32 $0xF4280, s30;
	s2 =	simm.s32 $0x7800  }
0x26d: {  	[tilespmem:s2], [sflag:$0x1] =	stream.linear.gather [hbm4b:s30+s4], $0x400, $0x38;
	[tilespmem:$0x14400] =	vst v63  }
0x26e: {  	s2 =	spop (v2sf)  }
0x26f: {  	s30 =	sand.u32 $0x1FFFFF80, s2  }
0x270: {  	s2 =	simm.s32 $0x3C00;
	s30 =	sadd.s32 s0, s30  }
0x271: {  	[tilespmem:s2], [sflag:$0x1] =	stream.linear.gather [hbm4b:s30+s4], $0x400, $0x38;
	[tilespmem:$0x14400] =	vst v63  }
0x272: {  	s30 =	sadd.s32 $0xF4280, s30;
	s2 =	simm.s32 $0x7C00  }
0x273: {  	[tilespmem:s2], [sflag:$0x1] =	stream.linear.gather [hbm4b:s30+s4], $0x400, $0x38;
	[tilespmem:$0x14400] =	vst v63  }
0x274: {  	s2 =	spop (v2sf)  }
.Ltmp5:
0x275: {  	s30 =	sand.u32 $0x1FFFFF80, s2;
	(pc) =	sbr.rel .LBB2_4-.Ltmp5, $4  }
0x276: {  	s2 =	simm.s32 $0x4000;
	s30 =	sadd.s32 s0, s30  }
0x277: {  	[tilespmem:s2], [sflag:$0x1] =	stream.linear.gather [hbm4b:s30+s4], $0x400, $0x38;
	[tilespmem:$0x14400] =	vst v63  }
0x278: {  	s30 =	sadd.s32 $0xF4280, s30;
	s2 =	simm.s32 $0x8000  }
0x279: {  	[tilespmem:s2], [sflag:$0x1] =	stream.linear.gather [hbm4b:s30+s4], $0x400, $0x38;
	[tilespmem:$0x14400] =	vst v63  }
.LBB2_5:
0x27a: {  	v17 =	vld [tilespmem:$0x200];
	_ =	sdelay $0x4  }
0x27b: {  	v17 =	vshrl.u32 v17, $0x7  }
0x27c: {  	v17 =	vshll.u32 v17, $0x7  }
0x27d: {  	(v2sf) =	vpush v17, $0x0;
	_ =	sdelay $0x5  }
0x27e: {  	(v2sf) =	vpush v17, $0x1;
	_ =	sdelay $0x5  }
0x27f: {  	(v2sf) =	vpush v17, $0x2;
	_ =	sdelay $0x2  }
0x280: {  	s28 =	spop (v2sf)  }
0x281: {  	s28 =	sand.u32 $0x1FFFFF80, s28  }
0x282: {  	s29 =	sadd.s32 s1, s28;
	s28 =	simm.s32 $0x0  }
0x283: {  	(v2sf) =	vpush v17, $0x3;
	[tilespmem:s12], [sflag:$0x1] =	stream.linear.gather [hbm4b:s29+s28], $0x400, $0x38;
	[tilespmem:$0x14400] =	vst v63  }
0x284: {  	s30 =	simm.s32 $0x4400;
	s29 =	sadd.s32 $0xF4280, s29  }
0x285: {  	[tilespmem:s30], [sflag:$0x1] =	stream.linear.gather [hbm4b:s29+s28], $0x400, $0x38;
	[tilespmem:$0x14400] =	vst v63  }
0x286: {  	s29 =	spop (v2sf)  }
0x287: {  	s29 =	sand.u32 $0x1FFFFF80, s29  }
0x288: {  	s2 =	simm.s32 $0x800;
	s29 =	sadd.s32 s1, s29  }
0x289: {  	(v2sf) =	vpush v17, $0x4;
	[tilespmem:s2], [sflag:$0x1] =	stream.linear.gather [hbm4b:s29+s28], $0x400, $0x38;
	[tilespmem:$0x14400] =	vst v63  }
0x28a: {  	s29 =	sadd.s32 $0xF4280, s29;
	s2 =	simm.s32 $0x4800  }
0x28b: {  	[tilespmem:s2], [sflag:$0x1] =	stream.linear.gather [hbm4b:s29+s28], $0x400, $0x38;
	[tilespmem:$0x14400] =	vst v63  }
0x28c: {  	s29 =	spop (v2sf)  }
0x28d: {  	s29 =	sand.u32 $0x1FFFFF80, s29  }
0x28e: {  	s2 =	simm.s32 $0xC00;
	s29 =	sadd.s32 s1, s29  }
0x28f: {  	(v2sf) =	vpush v17, $0x5;
	[tilespmem:s2], [sflag:$0x1] =	stream.linear.gather [hbm4b:s29+s28], $0x400, $0x38;
	[tilespmem:$0x14400] =	vst v63  }
0x290: {  	s29 =	sadd.s32 $0xF4280, s29;
	s2 =	simm.s32 $0x4C00  }
0x291: {  	[tilespmem:s2], [sflag:$0x1] =	stream.linear.gather [hbm4b:s29+s28], $0x400, $0x38;
	[tilespmem:$0x14400] =	vst v63  }
0x292: {  	s29 =	spop (v2sf)  }
0x293: {  	s29 =	sand.u32 $0x1FFFFF80, s29  }
0x294: {  	s29 =	sadd.s32 s1, s29  }
0x295: {  	(v2sf) =	vpush v17, $0x6;
	[tilespmem:s31], [sflag:$0x1] =	stream.linear.gather [hbm4b:s29+s28], $0x400, $0x38;
	[tilespmem:$0x14400] =	vst v63  }
0x296: {  	s2 =	simm.s32 $0x5000;
	s29 =	sadd.s32 $0xF4280, s29  }
0x297: {  	[tilespmem:s2], [sflag:$0x1] =	stream.linear.gather [hbm4b:s29+s28], $0x400, $0x38;
	[tilespmem:$0x14400] =	vst v63  }
0x298: {  	s29 =	spop (v2sf)  }
0x299: {  	s29 =	sand.u32 $0x1FFFFF80, s29  }
0x29a: {  	s2 =	simm.s32 $0x1400;
	s29 =	sadd.s32 s1, s29  }
0x29b: {  	(v2sf) =	vpush v17, $0x7;
	[tilespmem:s2], [sflag:$0x1] =	stream.linear.gather [hbm4b:s29+s28], $0x400, $0x38;
	[tilespmem:$0x14400] =	vst v63  }
0x29c: {  	s30 =	simm.s32 $0x5400;
	s29 =	sadd.s32 $0xF4280, s29  }
0x29d: {  	[tilespmem:s30], [sflag:$0x1] =	stream.linear.gather [hbm4b:s29+s28], $0x400, $0x38;
	[tilespmem:$0x14400] =	vst v63  }
0x29e: {  	s29 =	spop (v2sf)  }
0x29f: {  	s29 =	sand.u32 $0x1FFFFF80, s29  }
0x2a0: {  	s30 =	simm.s32 $0x1800;
	s29 =	sadd.s32 s1, s29  }
0x2a1: {  	(v2sf) =	vpush v17, $0x8;
	[tilespmem:s30], [sflag:$0x1] =	stream.linear.gather [hbm4b:s29+s28], $0x400, $0x38;
	[tilespmem:$0x14400] =	vst v63  }
0x2a2: {  	s29 =	sadd.s32 $0xF4280, s29;
	s30 =	simm.s32 $0x5800  }
0x2a3: {  	[tilespmem:s30], [sflag:$0x1] =	stream.linear.gather [hbm4b:s29+s28], $0x400, $0x38;
	[tilespmem:$0x14400] =	vst v63  }
0x2a4: {  	s29 =	spop (v2sf)  }
0x2a5: {  	s29 =	sand.u32 $0x1FFFFF80, s29  }
0x2a6: {  	s30 =	simm.s32 $0x1C00;
	s29 =	sadd.s32 s1, s29  }
0x2a7: {  	(v2sf) =	vpush v17, $0x9;
	[tilespmem:s30], [sflag:$0x1] =	stream.linear.gather [hbm4b:s29+s28], $0x400, $0x38;
	[tilespmem:$0x14400] =	vst v63  }
0x2a8: {  	s29 =	sadd.s32 $0xF4280, s29;
	s30 =	simm.s32 $0x5C00  }
0x2a9: {  	[tilespmem:s30], [sflag:$0x1] =	stream.linear.gather [hbm4b:s29+s28], $0x400, $0x38;
	[tilespmem:$0x14400] =	vst v63  }
0x2aa: {  	s29 =	spop (v2sf)  }
0x2ab: {  	s29 =	sand.u32 $0x1FFFFF80, s29  }
0x2ac: {  	s30 =	simm.s32 $0x2000;
	s29 =	sadd.s32 s1, s29  }
0x2ad: {  	(v2sf) =	vpush v17, $0xA;
	[tilespmem:s30], [sflag:$0x1] =	stream.linear.gather [hbm4b:s29+s28], $0x400, $0x38;
	[tilespmem:$0x14400] =	vst v63  }
0x2ae: {  	s29 =	sadd.s32 $0xF4280, s29;
	s30 =	simm.s32 $0x6000  }
0x2af: {  	[tilespmem:s30], [sflag:$0x1] =	stream.linear.gather [hbm4b:s29+s28], $0x400, $0x38;
	[tilespmem:$0x14400] =	vst v63  }
0x2b0: {  	s29 =	spop (v2sf)  }
0x2b1: {  	s29 =	sand.u32 $0x1FFFFF80, s29  }
0x2b2: {  	s30 =	simm.s32 $0x2400;
	s29 =	sadd.s32 s1, s29  }
0x2b3: {  	(v2sf) =	vpush v17, $0xB;
	[tilespmem:s30], [sflag:$0x1] =	stream.linear.gather [hbm4b:s29+s28], $0x400, $0x38;
	[tilespmem:$0x14400] =	vst v63  }
0x2b4: {  	s29 =	sadd.s32 $0xF4280, s29;
	s30 =	simm.s32 $0x6400  }
0x2b5: {  	[tilespmem:s30], [sflag:$0x1] =	stream.linear.gather [hbm4b:s29+s28], $0x400, $0x38;
	[tilespmem:$0x14400] =	vst v63  }
0x2b6: {  	s29 =	spop (v2sf)  }
0x2b7: {  	s29 =	sand.u32 $0x1FFFFF80, s29  }
0x2b8: {  	s30 =	simm.s32 $0x2800;
	s29 =	sadd.s32 s1, s29  }
0x2b9: {  	(v2sf) =	vpush v17, $0xC;
	[tilespmem:s30], [sflag:$0x1] =	stream.linear.gather [hbm4b:s29+s28], $0x400, $0x38;
	[tilespmem:$0x14400] =	vst v63  }
0x2ba: {  	s29 =	sadd.s32 $0xF4280, s29;
	s30 =	simm.s32 $0x6800  }
0x2bb: {  	[tilespmem:s30], [sflag:$0x1] =	stream.linear.gather [hbm4b:s29+s28], $0x400, $0x38;
	[tilespmem:$0x14400] =	vst v63  }
0x2bc: {  	s29 =	spop (v2sf)  }
0x2bd: {  	s29 =	sand.u32 $0x1FFFFF80, s29  }
0x2be: {  	s30 =	simm.s32 $0x2C00;
	s29 =	sadd.s32 s1, s29  }
0x2bf: {  	(v2sf) =	vpush v17, $0xD;
	[tilespmem:s30], [sflag:$0x1] =	stream.linear.gather [hbm4b:s29+s28], $0x400, $0x38;
	[tilespmem:$0x14400] =	vst v63  }
0x2c0: {  	s29 =	sadd.s32 $0xF4280, s29;
	s30 =	simm.s32 $0x6C00  }
0x2c1: {  	[tilespmem:s30], [sflag:$0x1] =	stream.linear.gather [hbm4b:s29+s28], $0x400, $0x38;
	[tilespmem:$0x14400] =	vst v63  }
0x2c2: {  	s29 =	spop (v2sf)  }
0x2c3: {  	s29 =	sand.u32 $0x1FFFFF80, s29  }
0x2c4: {  	s30 =	simm.s32 $0x3000;
	s29 =	sadd.s32 s1, s29  }
0x2c5: {  	(v2sf) =	vpush v17, $0xE;
	[tilespmem:s30], [sflag:$0x1] =	stream.linear.gather [hbm4b:s29+s28], $0x400, $0x38;
	[tilespmem:$0x14400] =	vst v63  }
0x2c6: {  	s29 =	sadd.s32 $0xF4280, s29;
	s30 =	simm.s32 $0x7000  }
0x2c7: {  	[tilespmem:s30], [sflag:$0x1] =	stream.linear.gather [hbm4b:s29+s28], $0x400, $0x38;
	[tilespmem:$0x14400] =	vst v63  }
0x2c8: {  	s29 =	spop (v2sf)  }
0x2c9: {  	s29 =	sand.u32 $0x1FFFFF80, s29  }
0x2ca: {  	s30 =	simm.s32 $0x3400;
	s29 =	sadd.s32 s1, s29  }
0x2cb: {  	(v2sf) =	vpush v17, $0xF;
	[tilespmem:s30], [sflag:$0x1] =	stream.linear.gather [hbm4b:s29+s28], $0x400, $0x38;
	[tilespmem:$0x14400] =	vst v63  }
0x2cc: {  	s29 =	sadd.s32 $0xF4280, s29;
	s30 =	simm.s32 $0x7400  }
0x2cd: {  	[tilespmem:s30], [sflag:$0x1] =	stream.linear.gather [hbm4b:s29+s28], $0x400, $0x38;
	[tilespmem:$0x14400] =	vst v63  }
0x2ce: {  	s29 =	spop (v2sf)  }
0x2cf: {  	s29 =	sand.u32 $0x1FFFFF80, s29  }
0x2d0: {  	s30 =	simm.s32 $0x3800;
	s29 =	sadd.s32 s1, s29  }
0x2d1: {  	[tilespmem:s30], [sflag:$0x1] =	stream.linear.gather [hbm4b:s29+s28], $0x400, $0x38;
	[tilespmem:$0x14400] =	vst v63  }
0x2d2: {  	s29 =	sadd.s32 $0xF4280, s29;
	s30 =	simm.s32 $0x7800  }
0x2d3: {  	[tilespmem:s30], [sflag:$0x1] =	stream.linear.gather [hbm4b:s29+s28], $0x400, $0x38;
	[tilespmem:$0x14400] =	vst v63  }
0x2d4: {  	s29 =	spop (v2sf)  }
0x2d5: {  	s29 =	sand.u32 $0x1FFFFF80, s29  }
0x2d6: {  	s30 =	simm.s32 $0x3C00;
	s29 =	sadd.s32 s1, s29  }
0x2d7: {  	[tilespmem:s30], [sflag:$0x1] =	stream.linear.gather [hbm4b:s29+s28], $0x400, $0x38;
	[tilespmem:$0x14400] =	vst v63  }
0x2d8: {  	s29 =	sadd.s32 $0xF4280, s29;
	s30 =	simm.s32 $0x7C00  }
0x2d9: {  	[tilespmem:s30], [sflag:$0x1] =	stream.linear.gather [hbm4b:s29+s28], $0x400, $0x38;
	[tilespmem:$0x14400] =	vst v63  }
0x2da: {  	s29 =	spop (v2sf)  }
0x2db: {  	s29 =	sand.u32 $0x1FFFFF80, s29  }
.Ltmp6:
0x2dc: {  	s30 =	simm.s32 $0x4000;
	s29 =	sadd.s32 s1, s29;
	(pc) =	sbr.rel .LBB2_6-.Ltmp6, $4  }
0x2dd: {  	[tilespmem:s30], [sflag:$0x1] =	stream.linear.gather [hbm4b:s29+s28], $0x400, $0x38;
	[tilespmem:$0x14400] =	vst v63  }
0x2de: {  	s29 =	sadd.s32 $0xF4280, s29;
	s30 =	simm.s32 $0x8000  }
0x2df: {  	[tilespmem:s30], [sflag:$0x1] =	stream.linear.gather [hbm4b:s29+s28], $0x400, $0x38;
	[tilespmem:$0x14400] =	vst v63  }
0x2e0: {  	s29 =	simm.s32 $0x210  }
.LBB2_8:
0x2e1: {  	_ =	swait.ge [sflag:s24], $0x8000  }
0x2e2: {  	[sflag:s24] =	ssyncset.done $0x0  }
0x2e3: {  	[sflag:s24] =	ssyncadd.s32 $0xFFFF8000  }
0x2e4: {  	v17 =	vld [tilespmem:s29+$0x0];
	_ =	sdelay $0x4  }
0x2e5: {  	v17 =	vand.u32 $0x7F, v17  }
0x2e6: {  	v18 =	vbroadcast v17, $0x0;
	_ =	sdelay $0x1  }
0x2e7: {  	s30 =	sadd.s32 $0x10, s28;
	v18 =	vor.u32 v0, v18  }
0x2e8: {  	v19 =	vmov s30  }
0x2e9: {  	v20 =	vshll.u32 v19, $0x3  }
0x2ea: {  	v19 =	vand.u32 $0x70, v19;
	v20 =	vand.u32 $0xC00, v20  }
0x2eb: {  	v19 =	vor.u32 v20, v19;
	v29 =	vbroadcast v17, $0x1  }
0x2ec: {  	v19 =	vor.u32 v1, v19;
	v18 =	vld.idx.msk [tilespmem:v18+s17+$0x0], $0xffff  }
0x2ed: {  	s2 =	sadd.s32 $0x11, s28;
	v20 =	vor.u32 v2, v29  }
0x2ee: {  	v21 =	vmov s2  }
0x2ef: {  	v22 =	vshll.u32 v21, $0x3  }
0x2f0: {  	v21 =	vand.u32 $0x71, v21;
	v22 =	vand.u32 $0xC00, v22  }
0x2f1: {  	[tilespmem:v19+s26+$0x0] =	vst.idx.msk $0xffff, v18;
	v18 =	vor.u32 v22, v21;
	v19 =	vbroadcast v17, $0x2  }
0x2f2: {  	v20 =	vld.idx.msk [tilespmem:v20+s17+$0x0], $0xffff;
	v18 =	vor.u32 v1, v18  }
0x2f3: {  	s2 =	sadd.s32 $0x12, s28;
	v19 =	vor.u32 v3, v19  }
0x2f4: {  	v30 =	vmov s2  }
0x2f5: {  	v31 =	vshll.u32 v30, $0x3  }
0x2f6: {  	v21 =	vand.u32 $0x72, v30;
	v22 =	vand.u32 $0xC00, v31  }
0x2f7: {  	v32 =	vbroadcast v17, $0x3;
	[tilespmem:v18+s26+$0x0] =	vst.idx.msk $0xffff, v20;
	v18 =	vor.u32 v22, v21  }
0x2f8: {  	v19 =	vld.idx.msk [tilespmem:v19+s17+$0x0], $0xffff;
	v18 =	vor.u32 v1, v18  }
0x2f9: {  	s2 =	sadd.s32 $0x13, s28;
	v20 =	vor.u32 v4, v32  }
0x2fa: {  	v33 =	vmov s2  }
0x2fb: {  	v34 =	vshll.u32 v33, $0x3  }
0x2fc: {  	v21 =	vand.u32 $0x73, v33;
	v22 =	vand.u32 $0xC00, v34  }
0x2fd: {  	[tilespmem:v18+s26+$0x0] =	vst.idx.msk $0xffff, v19;
	v18 =	vor.u32 v22, v21;
	v19 =	vbroadcast v17, $0x4  }
0x2fe: {  	v20 =	vld.idx.msk [tilespmem:v20+s17+$0x0], $0xffff;
	v18 =	vor.u32 v1, v18  }
0x2ff: {  	s2 =	sadd.s32 $0x14, s28;
	v19 =	vor.u32 v5, v19  }
0x300: {  	v35 =	vmov s2  }
0x301: {  	v36 =	vshll.u32 v35, $0x3  }
0x302: {  	v21 =	vand.u32 $0x74, v35;
	v22 =	vand.u32 $0xC00, v36  }
0x303: {  	v37 =	vbroadcast v17, $0x5;
	[tilespmem:v18+s26+$0x0] =	vst.idx.msk $0xffff, v20;
	v18 =	vor.u32 v22, v21  }
0x304: {  	v19 =	vld.idx.msk [tilespmem:v19+s17+$0x0], $0xffff;
	v18 =	vor.u32 v1, v18  }
0x305: {  	s2 =	sadd.s32 $0x15, s28;
	v20 =	vor.u32 v6, v37  }
0x306: {  	v38 =	vmov s2  }
0x307: {  	v39 =	vshll.u32 v38, $0x3  }
0x308: {  	v21 =	vand.u32 $0x75, v38;
	v22 =	vand.u32 $0xC00, v39  }
0x309: {  	[tilespmem:v18+s26+$0x0] =	vst.idx.msk $0xffff, v19;
	v18 =	vor.u32 v22, v21;
	v19 =	vbroadcast v17, $0x6  }
0x30a: {  	v20 =	vld.idx.msk [tilespmem:v20+s17+$0x0], $0xffff;
	v18 =	vor.u32 v1, v18  }
0x30b: {  	s2 =	sadd.s32 $0x16, s28;
	v19 =	vor.u32 v7, v19  }
0x30c: {  	v40 =	vmov s2  }
0x30d: {  	v41 =	vshll.u32 v40, $0x3  }
0x30e: {  	v21 =	vand.u32 $0x76, v40;
	v22 =	vand.u32 $0xC00, v41  }
0x30f: {  	v42 =	vbroadcast v17, $0x7;
	[tilespmem:v18+s26+$0x0] =	vst.idx.msk $0xffff, v20;
	v18 =	vor.u32 v22, v21  }
0x310: {  	v19 =	vld.idx.msk [tilespmem:v19+s17+$0x0], $0xffff;
	v18 =	vor.u32 v1, v18  }
0x311: {  	s2 =	sadd.s32 $0x17, s28;
	v20 =	vor.u32 v8, v42  }
0x312: {  	v43 =	vmov s2  }
0x313: {  	v44 =	vshll.u32 v43, $0x3  }
0x314: {  	v21 =	vand.u32 $0x77, v43;
	v22 =	vand.u32 $0xC00, v44  }
0x315: {  	[tilespmem:v18+s26+$0x0] =	vst.idx.msk $0xffff, v19;
	v18 =	vor.u32 v22, v21;
	v19 =	vbroadcast v17, $0x8  }
0x316: {  	v20 =	vld.idx.msk [tilespmem:v20+s17+$0x0], $0xffff;
	v18 =	vor.u32 v1, v18  }
0x317: {  	s2 =	sadd.s32 $0x18, s28;
	v19 =	vor.u32 v9, v19  }
0x318: {  	v45 =	vmov s2  }
0x319: {  	v46 =	vshll.u32 v45, $0x3  }
0x31a: {  	v21 =	vand.u32 $0x78, v45;
	v22 =	vand.u32 $0xC00, v46  }
0x31b: {  	v47 =	vbroadcast v17, $0x9;
	[tilespmem:v18+s26+$0x0] =	vst.idx.msk $0xffff, v20;
	v18 =	vor.u32 v22, v21  }
0x31c: {  	v19 =	vld.idx.msk [tilespmem:v19+s17+$0x0], $0xffff;
	v18 =	vor.u32 v1, v18  }
0x31d: {  	s2 =	sadd.s32 $0x19, s28;
	v20 =	vor.u32 v10, v47  }
0x31e: {  	v48 =	vmov s2  }
0x31f: {  	v49 =	vshll.u32 v48, $0x3  }
0x320: {  	v21 =	vand.u32 $0x79, v48;
	v22 =	vand.u32 $0xC00, v49  }
0x321: {  	[tilespmem:v18+s26+$0x0] =	vst.idx.msk $0xffff, v19;
	v18 =	vor.u32 v22, v21;
	v19 =	vbroadcast v17, $0xA  }
0x322: {  	v20 =	vld.idx.msk [tilespmem:v20+s17+$0x0], $0xffff;
	v18 =	vor.u32 v1, v18  }
0x323: {  	s2 =	sadd.s32 $0x1A, s28;
	v19 =	vor.u32 v11, v19  }
0x324: {  	v50 =	vmov s2  }
0x325: {  	v51 =	vshll.u32 v50, $0x3  }
0x326: {  	v21 =	vand.u32 $0x7A, v50;
	v22 =	vand.u32 $0xC00, v51  }
0x327: {  	v52 =	vbroadcast v17, $0xB;
	[tilespmem:v18+s26+$0x0] =	vst.idx.msk $0xffff, v20;
	v18 =	vor.u32 v22, v21  }
0x328: {  	v19 =	vld.idx.msk [tilespmem:v19+s17+$0x0], $0xffff;
	v18 =	vor.u32 v1, v18  }
0x329: {  	s2 =	sadd.s32 $0x1B, s28;
	v20 =	vor.u32 v12, v52  }
0x32a: {  	v53 =	vmov s2  }
0x32b: {  	v54 =	vshll.u32 v53, $0x3  }
0x32c: {  	v21 =	vand.u32 $0x7B, v53;
	v22 =	vand.u32 $0xC00, v54  }
0x32d: {  	[tilespmem:v18+s26+$0x0] =	vst.idx.msk $0xffff, v19;
	v18 =	vor.u32 v22, v21;
	v19 =	vbroadcast v17, $0xC  }
0x32e: {  	v20 =	vld.idx.msk [tilespmem:v20+s17+$0x0], $0xffff;
	v18 =	vor.u32 v1, v18  }
0x32f: {  	s2 =	sadd.s32 $0x1C, s28;
	v19 =	vor.u32 v13, v19  }
0x330: {  	v55 =	vmov s2  }
0x331: {  	v56 =	vshll.u32 v55, $0x3  }
0x332: {  	v21 =	vand.u32 $0x7C, v55;
	v22 =	vand.u32 $0xC00, v56  }
0x333: {  	v57 =	vbroadcast v17, $0xD;
	[tilespmem:v18+s26+$0x0] =	vst.idx.msk $0xffff, v20;
	v18 =	vor.u32 v22, v21  }
0x334: {  	v19 =	vld.idx.msk [tilespmem:v19+s17+$0x0], $0xffff;
	v18 =	vor.u32 v1, v18  }
0x335: {  	s2 =	sadd.s32 $0x1D, s28;
	v20 =	vor.u32 v14, v57  }
0x336: {  	v58 =	vmov s2  }
0x337: {  	v59 =	vshll.u32 v58, $0x3  }
0x338: {  	v21 =	vand.u32 $0x7D, v58;
	v22 =	vand.u32 $0xC00, v59  }
0x339: {  	[tilespmem:v18+s26+$0x0] =	vst.idx.msk $0xffff, v19;
	v18 =	vor.u32 v22, v21;
	v19 =	vbroadcast v17, $0xE  }
0x33a: {  	v20 =	vld.idx.msk [tilespmem:v20+s17+$0x0], $0xffff;
	v18 =	vor.u32 v1, v18  }
0x33b: {  	s2 =	sadd.s32 $0x1E, s28;
	v19 =	vor.u32 v15, v19  }
0x33c: {  	v60 =	vmov s2  }
0x33d: {  	v61 =	vshll.u32 v60, $0x3  }
0x33e: {  	v21 =	vand.u32 $0x7E, v60;
	v22 =	vand.u32 $0xC00, v61  }
0x33f: {  	v17 =	vbroadcast v17, $0xF;
	[tilespmem:v18+s26+$0x0] =	vst.idx.msk $0xffff, v20;
	v18 =	vor.u32 v22, v21  }
0x340: {  	v19 =	vld.idx.msk [tilespmem:v19+s17+$0x0], $0xffff;
	v18 =	vor.u32 v1, v18  }
0x341: {  	s2 =	sadd.s32 $0x1F, s28;
	v17 =	vor.u32 v16, v17  }
0x342: {  	v62 =	vmov s2  }
0x343: {  	v63 =	vshll.u32 v62, $0x3  }
0x344: {  	v20 =	vand.u32 $0x7F, v62;
	v21 =	vand.u32 $0xC00, v63  }
0x345: {  	s28 =	sadd.s32 $0x20, s28;
	[tilespmem:v18+s26+$0x0] =	vst.idx.msk $0xffff, v19;
	v18 =	vor.u32 v21, v20  }
0x346: {  	p0 =	sne.s32 s28, $0x200;
	v17 =	vld.idx.msk [tilespmem:v17+s17+$0x0], $0xffff;
	v18 =	vor.u32 v1, v18  }
.Ltmp7:
0x347: {  	_ = 	snop;
	(pc) =	sbr.rel @!p0 .LBB2_9-.Ltmp7, $2  }
0x348: {  	_ =	sdelay $0x2  }
0x349: {  	s29 =	sadd.s32 $0x20, s29;
	[tilespmem:v18+s26+$0x0] =	vst.idx.msk $0xffff, v17  }
.LBB2_6:
0x34a: {  	v17 =	vld [tilespmem:s29+$0x0];
	_ =	sdelay $0x4  }
0x34b: {  	v17 =	vshrl.u32 v17, $0x7  }
0x34c: {  	v17 =	vshll.u32 v17, $0x7  }
0x34d: {  	(v2sf) =	vpush v17, $0x0;
	_ =	sdelay $0x5  }
0x34e: {  	(v2sf) =	vpush v17, $0x1;
	_ =	sdelay $0x5  }
0x34f: {  	(v2sf) =	vpush v17, $0x2;
	_ =	sdelay $0x2  }
0x350: {  	s30 =	spop (v2sf)  }
0x351: {  	s30 =	sand.u32 $0x1FFFFF80, s30  }
0x352: {  	s30 =	sadd.s32 s1, s30  }
0x353: {  	(v2sf) =	vpush v17, $0x3;
	[tilespmem:s17], [sflag:$0x1] =	stream.linear.gather [hbm4b:s30+s4], $0x400, $0x38;
	[tilespmem:$0x14400] =	vst v63  }
0x354: {  	s2 =	simm.s32 $0xC400;
	s30 =	sadd.s32 $0xF4280, s30  }
0x355: {  	[tilespmem:s2], [sflag:$0x1] =	stream.linear.gather [hbm4b:s30+s4], $0x400, $0x38;
	[tilespmem:$0x14400] =	vst v63  }
0x356: {  	s2 =	spop (v2sf)  }
0x357: {  	s30 =	sand.u32 $0x1FFFFF80, s2  }
0x358: {  	s2 =	simm.s32 $0x8800;
	s30 =	sadd.s32 s1, s30  }
0x359: {  	(v2sf) =	vpush v17, $0x4;
	[tilespmem:s2], [sflag:$0x1] =	stream.linear.gather [hbm4b:s30+s4], $0x400, $0x38;
	[tilespmem:$0x14400] =	vst v63  }
0x35a: {  	s30 =	sadd.s32 $0xF4280, s30;
	s2 =	simm.s32 $0xC800  }
0x35b: {  	[tilespmem:s2], [sflag:$0x1] =	stream.linear.gather [hbm4b:s30+s4], $0x400, $0x38;
	[tilespmem:$0x14400] =	vst v63  }
0x35c: {  	s2 =	spop (v2sf)  }
0x35d: {  	s30 =	sand.u32 $0x1FFFFF80, s2  }
0x35e: {  	s2 =	simm.s32 $0x8C00;
	s30 =	sadd.s32 s1, s30  }
0x35f: {  	(v2sf) =	vpush v17, $0x5;
	[tilespmem:s2], [sflag:$0x1] =	stream.linear.gather [hbm4b:s30+s4], $0x400, $0x38;
	[tilespmem:$0x14400] =	vst v63  }
0x360: {  	s30 =	sadd.s32 $0xF4280, s30;
	s2 =	simm.s32 $0xCC00  }
0x361: {  	[tilespmem:s2], [sflag:$0x1] =	stream.linear.gather [hbm4b:s30+s4], $0x400, $0x38;
	[tilespmem:$0x14400] =	vst v63  }
0x362: {  	s2 =	spop (v2sf)  }
0x363: {  	s30 =	sand.u32 $0x1FFFFF80, s2  }
0x364: {  	s2 =	simm.s32 $0x9000;
	s30 =	sadd.s32 s1, s30  }
0x365: {  	(v2sf) =	vpush v17, $0x6;
	[tilespmem:s2], [sflag:$0x1] =	stream.linear.gather [hbm4b:s30+s4], $0x400, $0x38;
	[tilespmem:$0x14400] =	vst v63  }
0x366: {  	s30 =	sadd.s32 $0xF4280, s30;
	s2 =	simm.s32 $0xD000  }
0x367: {  	[tilespmem:s2], [sflag:$0x1] =	stream.linear.gather [hbm4b:s30+s4], $0x400, $0x38;
	[tilespmem:$0x14400] =	vst v63  }
0x368: {  	s2 =	spop (v2sf)  }
0x369: {  	s30 =	sand.u32 $0x1FFFFF80, s2  }
0x36a: {  	s2 =	simm.s32 $0x9400;
	s30 =	sadd.s32 s1, s30  }
0x36b: {  	(v2sf) =	vpush v17, $0x7;
	[tilespmem:s2], [sflag:$0x1] =	stream.linear.gather [hbm4b:s30+s4], $0x400, $0x38;
	[tilespmem:$0x14400] =	vst v63  }
0x36c: {  	s30 =	sadd.s32 $0xF4280, s30;
	s2 =	simm.s32 $0xD400  }
0x36d: {  	[tilespmem:s2], [sflag:$0x1] =	stream.linear.gather [hbm4b:s30+s4], $0x400, $0x38;
	[tilespmem:$0x14400] =	vst v63  }
0x36e: {  	s2 =	spop (v2sf)  }
0x36f: {  	s30 =	sand.u32 $0x1FFFFF80, s2  }
0x370: {  	s2 =	simm.s32 $0x9800;
	s30 =	sadd.s32 s1, s30  }
0x371: {  	(v2sf) =	vpush v17, $0x8;
	[tilespmem:s2], [sflag:$0x1] =	stream.linear.gather [hbm4b:s30+s4], $0x400, $0x38;
	[tilespmem:$0x14400] =	vst v63  }
0x372: {  	s30 =	sadd.s32 $0xF4280, s30;
	s2 =	simm.s32 $0xD800  }
0x373: {  	[tilespmem:s2], [sflag:$0x1] =	stream.linear.gather [hbm4b:s30+s4], $0x400, $0x38;
	[tilespmem:$0x14400] =	vst v63  }
0x374: {  	s2 =	spop (v2sf)  }
0x375: {  	s30 =	sand.u32 $0x1FFFFF80, s2  }
0x376: {  	s2 =	simm.s32 $0x9C00;
	s30 =	sadd.s32 s1, s30  }
0x377: {  	(v2sf) =	vpush v17, $0x9;
	[tilespmem:s2], [sflag:$0x1] =	stream.linear.gather [hbm4b:s30+s4], $0x400, $0x38;
	[tilespmem:$0x14400] =	vst v63  }
0x378: {  	s30 =	sadd.s32 $0xF4280, s30;
	s2 =	simm.s32 $0xDC00  }
0x379: {  	[tilespmem:s2], [sflag:$0x1] =	stream.linear.gather [hbm4b:s30+s4], $0x400, $0x38;
	[tilespmem:$0x14400] =	vst v63  }
0x37a: {  	s2 =	spop (v2sf)  }
0x37b: {  	s30 =	sand.u32 $0x1FFFFF80, s2  }
0x37c: {  	s30 =	sadd.s32 s1, s30  }
0x37d: {  	(v2sf) =	vpush v17, $0xA;
	[tilespmem:s3], [sflag:$0x1] =	stream.linear.gather [hbm4b:s30+s4], $0x400, $0x38;
	[tilespmem:$0x14400] =	vst v63  }
0x37e: {  	s30 =	sadd.s32 $0xF4280, s30  }
0x37f: {  	[tilespmem:s11], [sflag:$0x1] =	stream.linear.gather [hbm4b:s30+s4], $0x400, $0x38;
	[tilespmem:$0x14400] =	vst v63  }
0x380: {  	s2 =	spop (v2sf)  }
0x381: {  	s30 =	sand.u32 $0x1FFFFF80, s2  }
0x382: {  	s30 =	sadd.s32 s1, s30  }
0x383: {  	(v2sf) =	vpush v17, $0xB;
	[tilespmem:s5], [sflag:$0x1] =	stream.linear.gather [hbm4b:s30+s4], $0x400, $0x38;
	[tilespmem:$0x14400] =	vst v63  }
0x384: {  	s30 =	sadd.s32 $0xF4280, s30  }
0x385: {  	[tilespmem:s6], [sflag:$0x1] =	stream.linear.gather [hbm4b:s30+s4], $0x400, $0x38;
	[tilespmem:$0x14400] =	vst v63  }
0x386: {  	s2 =	spop (v2sf)  }
0x387: {  	s30 =	sand.u32 $0x1FFFFF80, s2  }
0x388: {  	s30 =	sadd.s32 s1, s30  }
0x389: {  	(v2sf) =	vpush v17, $0xC;
	[tilespmem:s7], [sflag:$0x1] =	stream.linear.gather [hbm4b:s30+s4], $0x400, $0x38;
	[tilespmem:$0x14400] =	vst v63  }
0x38a: {  	s30 =	sadd.s32 $0xF4280, s30  }
0x38b: {  	[tilespmem:s8], [sflag:$0x1] =	stream.linear.gather [hbm4b:s30+s4], $0x400, $0x38;
	[tilespmem:$0x14400] =	vst v63  }
0x38c: {  	s2 =	spop (v2sf)  }
0x38d: {  	s30 =	sand.u32 $0x1FFFFF80, s2  }
0x38e: {  	s30 =	sadd.s32 s1, s30  }
0x38f: {  	(v2sf) =	vpush v17, $0xD;
	[tilespmem:s9], [sflag:$0x1] =	stream.linear.gather [hbm4b:s30+s4], $0x400, $0x38;
	[tilespmem:$0x14400] =	vst v63  }
0x390: {  	s30 =	sadd.s32 $0xF4280, s30  }
0x391: {  	[tilespmem:s10], [sflag:$0x1] =	stream.linear.gather [hbm4b:s30+s4], $0x400, $0x38;
	[tilespmem:$0x14400] =	vst v63  }
0x392: {  	s2 =	spop (v2sf)  }
0x393: {  	s30 =	sand.u32 $0x1FFFFF80, s2  }
0x394: {  	s30 =	sadd.s32 s1, s30  }
0x395: {  	(v2sf) =	vpush v17, $0xE;
	[tilespmem:s13], [sflag:$0x1] =	stream.linear.gather [hbm4b:s30+s4], $0x400, $0x38;
	[tilespmem:$0x14400] =	vst v63  }
0x396: {  	s30 =	sadd.s32 $0xF4280, s30  }
0x397: {  	[tilespmem:s14], [sflag:$0x1] =	stream.linear.gather [hbm4b:s30+s4], $0x400, $0x38;
	[tilespmem:$0x14400] =	vst v63  }
0x398: {  	s2 =	spop (v2sf)  }
0x399: {  	s30 =	sand.u32 $0x1FFFFF80, s2  }
0x39a: {  	s30 =	sadd.s32 s1, s30  }
0x39b: {  	(v2sf) =	vpush v17, $0xF;
	[tilespmem:s15], [sflag:$0x1] =	stream.linear.gather [hbm4b:s30+s4], $0x400, $0x38;
	[tilespmem:$0x14400] =	vst v63  }
0x39c: {  	s30 =	sadd.s32 $0xF4280, s30  }
0x39d: {  	[tilespmem:s16], [sflag:$0x1] =	stream.linear.gather [hbm4b:s30+s4], $0x400, $0x38;
	[tilespmem:$0x14400] =	vst v63  }
0x39e: {  	s2 =	spop (v2sf)  }
0x39f: {  	s30 =	sand.u32 $0x1FFFFF80, s2  }
0x3a0: {  	s30 =	sadd.s32 s1, s30  }
0x3a1: {  	[tilespmem:s18], [sflag:$0x1] =	stream.linear.gather [hbm4b:s30+s4], $0x400, $0x38;
	[tilespmem:$0x14400] =	vst v63  }
0x3a2: {  	s30 =	sadd.s32 $0xF4280, s30  }
0x3a3: {  	[tilespmem:s19], [sflag:$0x1] =	stream.linear.gather [hbm4b:s30+s4], $0x400, $0x38;
	[tilespmem:$0x14400] =	vst v63  }
0x3a4: {  	s2 =	spop (v2sf)  }
0x3a5: {  	s30 =	sand.u32 $0x1FFFFF80, s2  }
0x3a6: {  	s30 =	sadd.s32 s1, s30  }
0x3a7: {  	[tilespmem:s20], [sflag:$0x1] =	stream.linear.gather [hbm4b:s30+s4], $0x400, $0x38;
	[tilespmem:$0x14400] =	vst v63  }
0x3a8: {  	s30 =	sadd.s32 $0xF4280, s30  }
0x3a9: {  	[tilespmem:s21], [sflag:$0x1] =	stream.linear.gather [hbm4b:s30+s4], $0x400, $0x38;
	[tilespmem:$0x14400] =	vst v63  }
0x3aa: {  	s2 =	spop (v2sf)  }
0x3ab: {  	s30 =	sand.u32 $0x1FFFFF80, s2  }
0x3ac: {  	s30 =	sadd.s32 s1, s30  }
0x3ad: {  	[tilespmem:s22], [sflag:$0x1] =	stream.linear.gather [hbm4b:s30+s4], $0x400, $0x38;
	[tilespmem:$0x14400] =	vst v63  }
0x3ae: {  	s30 =	sadd.s32 $0xF4280, s30  }
0x3af: {  	[tilespmem:s23], [sflag:$0x1] =	stream.linear.gather [hbm4b:s30+s4], $0x400, $0x38;
	[tilespmem:$0x14400] =	vst v63  }
0x3b0: {  	_ =	swait.ge [sflag:s24], $0x8000  }
0x3b1: {  	[sflag:s24] =	ssyncset.done $0x0  }
0x3b2: {  	[sflag:s24] =	ssyncadd.s32 $0xFFFF8000  }
0x3b3: {  	v17 =	vld [tilespmem:s29+$0xFFFFFFF0];
	_ =	sdelay $0x4  }
0x3b4: {  	v17 =	vand.u32 $0x7F, v17  }
0x3b5: {  	v18 =	vbroadcast v17, $0x0;
	_ =	sdelay $0x1  }
0x3b6: {  	v18 =	vor.u32 v0, v18  }
0x3b7: {  	v19 =	vmov s28  }
0x3b8: {  	v20 =	vshll.u32 v19, $0x3  }
0x3b9: {  	v19 =	vand.u32 $0x60, v19;
	v20 =	vand.u32 $0xC00, v20  }
0x3ba: {  	v19 =	vor.u32 v20, v19;
	v29 =	vbroadcast v17, $0x1  }
0x3bb: {  	v19 =	vor.u32 v1, v19;
	v18 =	vld.idx.msk [tilespmem:v18+s12+$0x0], $0xffff  }
0x3bc: {  	s2 =	sadd.s32 $0x1, s28;
	v20 =	vor.u32 v2, v29  }
0x3bd: {  	v21 =	vmov s2  }
0x3be: {  	v22 =	vshll.u32 v21, $0x3  }
0x3bf: {  	v21 =	vand.u32 $0x61, v21;
	v22 =	vand.u32 $0xC00, v22  }
0x3c0: {  	[tilespmem:v19+s26+$0x0] =	vst.idx.msk $0xffff, v18;
	v18 =	vor.u32 v22, v21;
	v19 =	vbroadcast v17, $0x2  }
0x3c1: {  	v20 =	vld.idx.msk [tilespmem:v20+s12+$0x0], $0xffff;
	v18 =	vor.u32 v1, v18  }
0x3c2: {  	s2 =	sadd.s32 $0x2, s28;
	v19 =	vor.u32 v3, v19  }
0x3c3: {  	v30 =	vmov s2  }
0x3c4: {  	v31 =	vshll.u32 v30, $0x3  }
0x3c5: {  	v21 =	vand.u32 $0x62, v30;
	v22 =	vand.u32 $0xC00, v31  }
0x3c6: {  	v32 =	vbroadcast v17, $0x3;
	[tilespmem:v18+s26+$0x0] =	vst.idx.msk $0xffff, v20;
	v18 =	vor.u32 v22, v21  }
0x3c7: {  	v19 =	vld.idx.msk [tilespmem:v19+s12+$0x0], $0xffff;
	v18 =	vor.u32 v1, v18  }
0x3c8: {  	s2 =	sadd.s32 $0x3, s28;
	v20 =	vor.u32 v4, v32  }
0x3c9: {  	v33 =	vmov s2  }
0x3ca: {  	v34 =	vshll.u32 v33, $0x3  }
0x3cb: {  	v21 =	vand.u32 $0x63, v33;
	v22 =	vand.u32 $0xC00, v34  }
0x3cc: {  	[tilespmem:v18+s26+$0x0] =	vst.idx.msk $0xffff, v19;
	v18 =	vor.u32 v22, v21;
	v19 =	vbroadcast v17, $0x4  }
0x3cd: {  	v20 =	vld.idx.msk [tilespmem:v20+s12+$0x0], $0xffff;
	v18 =	vor.u32 v1, v18  }
0x3ce: {  	s2 =	sadd.s32 $0x4, s28;
	v19 =	vor.u32 v5, v19  }
0x3cf: {  	v35 =	vmov s2  }
0x3d0: {  	v36 =	vshll.u32 v35, $0x3  }
0x3d1: {  	v21 =	vand.u32 $0x64, v35;
	v22 =	vand.u32 $0xC00, v36  }
0x3d2: {  	v37 =	vbroadcast v17, $0x5;
	[tilespmem:v18+s26+$0x0] =	vst.idx.msk $0xffff, v20;
	v18 =	vor.u32 v22, v21  }
0x3d3: {  	v19 =	vld.idx.msk [tilespmem:v19+s12+$0x0], $0xffff;
	v18 =	vor.u32 v1, v18  }
0x3d4: {  	s2 =	sadd.s32 $0x5, s28;
	v20 =	vor.u32 v6, v37  }
0x3d5: {  	v38 =	vmov s2  }
0x3d6: {  	v39 =	vshll.u32 v38, $0x3  }
0x3d7: {  	v21 =	vand.u32 $0x65, v38;
	v22 =	vand.u32 $0xC00, v39  }
0x3d8: {  	[tilespmem:v18+s26+$0x0] =	vst.idx.msk $0xffff, v19;
	v18 =	vor.u32 v22, v21;
	v19 =	vbroadcast v17, $0x6  }
0x3d9: {  	v20 =	vld.idx.msk [tilespmem:v20+s12+$0x0], $0xffff;
	v18 =	vor.u32 v1, v18  }
0x3da: {  	s2 =	sadd.s32 $0x6, s28;
	v19 =	vor.u32 v7, v19  }
0x3db: {  	v40 =	vmov s2  }
0x3dc: {  	v41 =	vshll.u32 v40, $0x3  }
0x3dd: {  	v21 =	vand.u32 $0x66, v40;
	v22 =	vand.u32 $0xC00, v41  }
0x3de: {  	v42 =	vbroadcast v17, $0x7;
	[tilespmem:v18+s26+$0x0] =	vst.idx.msk $0xffff, v20;
	v18 =	vor.u32 v22, v21  }
0x3df: {  	v19 =	vld.idx.msk [tilespmem:v19+s12+$0x0], $0xffff;
	v18 =	vor.u32 v1, v18  }
0x3e0: {  	s2 =	sadd.s32 $0x7, s28;
	v20 =	vor.u32 v8, v42  }
0x3e1: {  	v43 =	vmov s2  }
0x3e2: {  	v44 =	vshll.u32 v43, $0x3  }
0x3e3: {  	v21 =	vand.u32 $0x67, v43;
	v22 =	vand.u32 $0xC00, v44  }
0x3e4: {  	[tilespmem:v18+s26+$0x0] =	vst.idx.msk $0xffff, v19;
	v18 =	vor.u32 v22, v21;
	v19 =	vbroadcast v17, $0x8  }
0x3e5: {  	v20 =	vld.idx.msk [tilespmem:v20+s12+$0x0], $0xffff;
	v18 =	vor.u32 v1, v18  }
0x3e6: {  	s2 =	sadd.s32 $0x8, s28;
	v19 =	vor.u32 v9, v19  }
0x3e7: {  	v45 =	vmov s2  }
0x3e8: {  	v46 =	vshll.u32 v45, $0x3  }
0x3e9: {  	v21 =	vand.u32 $0x68, v45;
	v22 =	vand.u32 $0xC00, v46  }
0x3ea: {  	v47 =	vbroadcast v17, $0x9;
	[tilespmem:v18+s26+$0x0] =	vst.idx.msk $0xffff, v20;
	v18 =	vor.u32 v22, v21  }
0x3eb: {  	v19 =	vld.idx.msk [tilespmem:v19+s12+$0x0], $0xffff;
	v18 =	vor.u32 v1, v18  }
0x3ec: {  	s2 =	sadd.s32 $0x9, s28;
	v20 =	vor.u32 v10, v47  }
0x3ed: {  	v48 =	vmov s2  }
0x3ee: {  	v49 =	vshll.u32 v48, $0x3  }
0x3ef: {  	v21 =	vand.u32 $0x69, v48;
	v22 =	vand.u32 $0xC00, v49  }
0x3f0: {  	[tilespmem:v18+s26+$0x0] =	vst.idx.msk $0xffff, v19;
	v18 =	vor.u32 v22, v21;
	v19 =	vbroadcast v17, $0xA  }
0x3f1: {  	v20 =	vld.idx.msk [tilespmem:v20+s12+$0x0], $0xffff;
	v18 =	vor.u32 v1, v18  }
0x3f2: {  	s2 =	sadd.s32 $0xA, s28;
	v19 =	vor.u32 v11, v19  }
0x3f3: {  	v50 =	vmov s2  }
0x3f4: {  	v51 =	vshll.u32 v50, $0x3  }
0x3f5: {  	v21 =	vand.u32 $0x6A, v50;
	v22 =	vand.u32 $0xC00, v51  }
0x3f6: {  	v52 =	vbroadcast v17, $0xB;
	[tilespmem:v18+s26+$0x0] =	vst.idx.msk $0xffff, v20;
	v18 =	vor.u32 v22, v21  }
0x3f7: {  	v19 =	vld.idx.msk [tilespmem:v19+s12+$0x0], $0xffff;
	v18 =	vor.u32 v1, v18  }
0x3f8: {  	s2 =	sadd.s32 $0xB, s28;
	v20 =	vor.u32 v12, v52  }
0x3f9: {  	v53 =	vmov s2  }
0x3fa: {  	v54 =	vshll.u32 v53, $0x3  }
0x3fb: {  	v21 =	vand.u32 $0x6B, v53;
	v22 =	vand.u32 $0xC00, v54  }
0x3fc: {  	[tilespmem:v18+s26+$0x0] =	vst.idx.msk $0xffff, v19;
	v18 =	vor.u32 v22, v21;
	v19 =	vbroadcast v17, $0xC  }
0x3fd: {  	v20 =	vld.idx.msk [tilespmem:v20+s12+$0x0], $0xffff;
	v18 =	vor.u32 v1, v18  }
0x3fe: {  	s2 =	sadd.s32 $0xC, s28;
	v19 =	vor.u32 v13, v19  }
0x3ff: {  	v55 =	vmov s2  }
0x400: {  	v56 =	vshll.u32 v55, $0x3  }
0x401: {  	v21 =	vand.u32 $0x6C, v55;
	v22 =	vand.u32 $0xC00, v56  }
0x402: {  	v57 =	vbroadcast v17, $0xD;
	[tilespmem:v18+s26+$0x0] =	vst.idx.msk $0xffff, v20;
	v18 =	vor.u32 v22, v21  }
0x403: {  	v19 =	vld.idx.msk [tilespmem:v19+s12+$0x0], $0xffff;
	v18 =	vor.u32 v1, v18  }
0x404: {  	s2 =	sadd.s32 $0xD, s28;
	v20 =	vor.u32 v14, v57  }
0x405: {  	v58 =	vmov s2  }
0x406: {  	v59 =	vshll.u32 v58, $0x3  }
0x407: {  	v21 =	vand.u32 $0x6D, v58;
	v22 =	vand.u32 $0xC00, v59  }
0x408: {  	[tilespmem:v18+s26+$0x0] =	vst.idx.msk $0xffff, v19;
	v18 =	vor.u32 v22, v21;
	v19 =	vbroadcast v17, $0xE  }
0x409: {  	v20 =	vld.idx.msk [tilespmem:v20+s12+$0x0], $0xffff;
	v18 =	vor.u32 v1, v18  }
0x40a: {  	s2 =	sadd.s32 $0xE, s28;
	v19 =	vor.u32 v15, v19  }
0x40b: {  	v60 =	vmov s2  }
0x40c: {  	v61 =	vshll.u32 v60, $0x3  }
0x40d: {  	v21 =	vand.u32 $0x6E, v60;
	v22 =	vand.u32 $0xC00, v61  }
0x40e: {  	v17 =	vbroadcast v17, $0xF;
	[tilespmem:v18+s26+$0x0] =	vst.idx.msk $0xffff, v20;
	v18 =	vor.u32 v22, v21  }
0x40f: {  	v19 =	vld.idx.msk [tilespmem:v19+s12+$0x0], $0xffff;
	v18 =	vor.u32 v1, v18  }
0x410: {  	s2 =	sadd.s32 $0xF, s28;
	v17 =	vor.u32 v16, v17  }
0x411: {  	v62 =	vmov s2  }
0x412: {  	v63 =	vshll.u32 v62, $0x3  }
0x413: {  	v20 =	vand.u32 $0x6F, v62;
	v21 =	vand.u32 $0xC00, v63  }
0x414: {  	[tilespmem:v18+s26+$0x0] =	vst.idx.msk $0xffff, v19;
	v18 =	vor.u32 v21, v20  }
0x415: {  	p0 =	seq.s32 s28, $0x1E0;
	v17 =	vld.idx.msk [tilespmem:v17+s12+$0x0], $0xffff;
	v18 =	vor.u32 v1, v18  }
.Ltmp8:
0x416: {  	_ = 	snop;
	(pc) =	sbr.rel @p0 .LBB2_8-.Ltmp8, $2  }
0x417: {  	_ =	sdelay $0x2  }
0x418: {  	[tilespmem:v18+s26+$0x0] =	vst.idx.msk $0xffff, v17  }
0x419: {  	v17 =	vld [tilespmem:s29+$0x10];
	_ =	sdelay $0x4  }
0x41a: {  	v17 =	vshrl.u32 v17, $0x7  }
0x41b: {  	v17 =	vshll.u32 v17, $0x7  }
0x41c: {  	(v2sf) =	vpush v17, $0x0;
	_ =	sdelay $0x3  }
0x41d: {  	(v2sf) =	vpush v17, $0x1;
	_ =	sdelay $0x4  }
0x41e: {  	(v2sf) =	vpush v17, $0x2;
	_ =	sdelay $0x5  }
0x41f: {  	s30 =	spop (v2sf)  }
0x420: {  	(v2sf) =	vpush v17, $0x3;
	s30 =	sand.u32 $0x1FFFFF80, s30  }
0x421: {  	s30 =	sadd.s32 s1, s30  }
0x422: {  	[tilespmem:s12], [sflag:$0x1] =	stream.linear.gather [hbm4b:s30+s4], $0x400, $0x38;
	[tilespmem:$0x14400] =	vst v63  }
0x423: {  	s31 =	simm.s32 $0x4400;
	s2 =	spop (v2sf);
	s30 =	sadd.s32 $0xF4280, s30  }
0x424: {  	[tilespmem:s31], [sflag:$0x1] =	stream.linear.gather [hbm4b:s30+s4], $0x400, $0x38;
	[tilespmem:$0x14400] =	vst v63  }
0x425: {  	s30 =	sand.u32 $0x1FFFFF80, s2  }
0x426: {  	(v2sf) =	vpush v17, $0x4;
	s31 =	simm.s32 $0x800;
	s30 =	sadd.s32 s1, s30  }
0x427: {  	[tilespmem:s31], [sflag:$0x1] =	stream.linear.gather [hbm4b:s30+s4], $0x400, $0x38;
	[tilespmem:$0x14400] =	vst v63  }
0x428: {  	s2 =	spop (v2sf);
	s30 =	sadd.s32 $0xF4280, s30;
	s31 =	simm.s32 $0x4800  }
0x429: {  	[tilespmem:s31], [sflag:$0x1] =	stream.linear.gather [hbm4b:s30+s4], $0x400, $0x38;
	[tilespmem:$0x14400] =	vst v63  }
0x42a: {  	s30 =	sand.u32 $0x1FFFFF80, s2  }
0x42b: {  	s31 =	simm.s32 $0xC00;
	s30 =	sadd.s32 s1, s30  }
0x42c: {  	(v2sf) =	vpush v17, $0x5;
	[tilespmem:s31], [sflag:$0x1] =	stream.linear.gather [hbm4b:s30+s4], $0x400, $0x38;
	[tilespmem:$0x14400] =	vst v63  }
0x42d: {  	s30 =	sadd.s32 $0xF4280, s30;
	s31 =	simm.s32 $0x4C00  }
0x42e: {  	[tilespmem:s31], [sflag:$0x1] =	stream.linear.gather [hbm4b:s30+s4], $0x400, $0x38;
	[tilespmem:$0x14400] =	vst v63  }
0x42f: {  	s2 =	spop (v2sf)  }
0x430: {  	s30 =	sand.u32 $0x1FFFFF80, s2  }
0x431: {  	s31 =	simm.s32 $0x1000;
	s30 =	sadd.s32 s1, s30  }
0x432: {  	(v2sf) =	vpush v17, $0x6;
	[tilespmem:s31], [sflag:$0x1] =	stream.linear.gather [hbm4b:s30+s4], $0x400, $0x38;
	[tilespmem:$0x14400] =	vst v63  }
0x433: {  	s2 =	simm.s32 $0x5000;
	s30 =	sadd.s32 $0xF4280, s30  }
0x434: {  	[tilespmem:s2], [sflag:$0x1] =	stream.linear.gather [hbm4b:s30+s4], $0x400, $0x38;
	[tilespmem:$0x14400] =	vst v63  }
0x435: {  	s2 =	spop (v2sf)  }
0x436: {  	s30 =	sand.u32 $0x1FFFFF80, s2  }
0x437: {  	s2 =	simm.s32 $0x1400;
	s30 =	sadd.s32 s1, s30  }
0x438: {  	(v2sf) =	vpush v17, $0x7;
	[tilespmem:s2], [sflag:$0x1] =	stream.linear.gather [hbm4b:s30+s4], $0x400, $0x38;
	[tilespmem:$0x14400] =	vst v63  }
0x439: {  	s30 =	sadd.s32 $0xF4280, s30;
	s2 =	simm.s32 $0x5400  }
0x43a: {  	[tilespmem:s2], [sflag:$0x1] =	stream.linear.gather [hbm4b:s30+s4], $0x400, $0x38;
	[tilespmem:$0x14400] =	vst v63  }
0x43b: {  	s2 =	spop (v2sf)  }
0x43c: {  	s30 =	sand.u32 $0x1FFFFF80, s2  }
0x43d: {  	s2 =	simm.s32 $0x1800;
	s30 =	sadd.s32 s1, s30  }
0x43e: {  	(v2sf) =	vpush v17, $0x8;
	[tilespmem:s2], [sflag:$0x1] =	stream.linear.gather [hbm4b:s30+s4], $0x400, $0x38;
	[tilespmem:$0x14400] =	vst v63  }
0x43f: {  	s30 =	sadd.s32 $0xF4280, s30;
	s2 =	simm.s32 $0x5800  }
0x440: {  	[tilespmem:s2], [sflag:$0x1] =	stream.linear.gather [hbm4b:s30+s4], $0x400, $0x38;
	[tilespmem:$0x14400] =	vst v63  }
0x441: {  	s2 =	spop (v2sf)  }
0x442: {  	s30 =	sand.u32 $0x1FFFFF80, s2  }
0x443: {  	s2 =	simm.s32 $0x1C00;
	s30 =	sadd.s32 s1, s30  }
0x444: {  	(v2sf) =	vpush v17, $0x9;
	[tilespmem:s2], [sflag:$0x1] =	stream.linear.gather [hbm4b:s30+s4], $0x400, $0x38;
	[tilespmem:$0x14400] =	vst v63  }
0x445: {  	s30 =	sadd.s32 $0xF4280, s30;
	s2 =	simm.s32 $0x5C00  }
0x446: {  	[tilespmem:s2], [sflag:$0x1] =	stream.linear.gather [hbm4b:s30+s4], $0x400, $0x38;
	[tilespmem:$0x14400] =	vst v63  }
0x447: {  	s2 =	spop (v2sf)  }
0x448: {  	s30 =	sand.u32 $0x1FFFFF80, s2  }
0x449: {  	s2 =	simm.s32 $0x2000;
	s30 =	sadd.s32 s1, s30  }
0x44a: {  	(v2sf) =	vpush v17, $0xA;
	[tilespmem:s2], [sflag:$0x1] =	stream.linear.gather [hbm4b:s30+s4], $0x400, $0x38;
	[tilespmem:$0x14400] =	vst v63  }
0x44b: {  	s30 =	sadd.s32 $0xF4280, s30;
	s2 =	simm.s32 $0x6000  }
0x44c: {  	[tilespmem:s2], [sflag:$0x1] =	stream.linear.gather [hbm4b:s30+s4], $0x400, $0x38;
	[tilespmem:$0x14400] =	vst v63  }
0x44d: {  	s2 =	spop (v2sf)  }
0x44e: {  	s30 =	sand.u32 $0x1FFFFF80, s2  }
0x44f: {  	s2 =	simm.s32 $0x2400;
	s30 =	sadd.s32 s1, s30  }
0x450: {  	(v2sf) =	vpush v17, $0xB;
	[tilespmem:s2], [sflag:$0x1] =	stream.linear.gather [hbm4b:s30+s4], $0x400, $0x38;
	[tilespmem:$0x14400] =	vst v63  }
0x451: {  	s30 =	sadd.s32 $0xF4280, s30;
	s2 =	simm.s32 $0x6400  }
0x452: {  	[tilespmem:s2], [sflag:$0x1] =	stream.linear.gather [hbm4b:s30+s4], $0x400, $0x38;
	[tilespmem:$0x14400] =	vst v63  }
0x453: {  	s2 =	spop (v2sf)  }
0x454: {  	s30 =	sand.u32 $0x1FFFFF80, s2  }
0x455: {  	s2 =	simm.s32 $0x2800;
	s30 =	sadd.s32 s1, s30  }
0x456: {  	(v2sf) =	vpush v17, $0xC;
	[tilespmem:s2], [sflag:$0x1] =	stream.linear.gather [hbm4b:s30+s4], $0x400, $0x38;
	[tilespmem:$0x14400] =	vst v63  }
0x457: {  	s30 =	sadd.s32 $0xF4280, s30;
	s2 =	simm.s32 $0x6800  }
0x458: {  	[tilespmem:s2], [sflag:$0x1] =	stream.linear.gather [hbm4b:s30+s4], $0x400, $0x38;
	[tilespmem:$0x14400] =	vst v63  }
0x459: {  	s2 =	spop (v2sf)  }
0x45a: {  	s30 =	sand.u32 $0x1FFFFF80, s2  }
0x45b: {  	s2 =	simm.s32 $0x2C00;
	s30 =	sadd.s32 s1, s30  }
0x45c: {  	(v2sf) =	vpush v17, $0xD;
	[tilespmem:s2], [sflag:$0x1] =	stream.linear.gather [hbm4b:s30+s4], $0x400, $0x38;
	[tilespmem:$0x14400] =	vst v63  }
0x45d: {  	s30 =	sadd.s32 $0xF4280, s30;
	s2 =	simm.s32 $0x6C00  }
0x45e: {  	[tilespmem:s2], [sflag:$0x1] =	stream.linear.gather [hbm4b:s30+s4], $0x400, $0x38;
	[tilespmem:$0x14400] =	vst v63  }
0x45f: {  	s2 =	spop (v2sf)  }
0x460: {  	s30 =	sand.u32 $0x1FFFFF80, s2  }
0x461: {  	s2 =	simm.s32 $0x3000;
	s30 =	sadd.s32 s1, s30  }
0x462: {  	(v2sf) =	vpush v17, $0xE;
	[tilespmem:s2], [sflag:$0x1] =	stream.linear.gather [hbm4b:s30+s4], $0x400, $0x38;
	[tilespmem:$0x14400] =	vst v63  }
0x463: {  	s30 =	sadd.s32 $0xF4280, s30;
	s2 =	simm.s32 $0x7000  }
0x464: {  	[tilespmem:s2], [sflag:$0x1] =	stream.linear.gather [hbm4b:s30+s4], $0x400, $0x38;
	[tilespmem:$0x14400] =	vst v63  }
0x465: {  	s2 =	spop (v2sf)  }
0x466: {  	s30 =	sand.u32 $0x1FFFFF80, s2  }
0x467: {  	s2 =	simm.s32 $0x3400;
	s30 =	sadd.s32 s1, s30  }
0x468: {  	(v2sf) =	vpush v17, $0xF;
	[tilespmem:s2], [sflag:$0x1] =	stream.linear.gather [hbm4b:s30+s4], $0x400, $0x38;
	[tilespmem:$0x14400] =	vst v63  }
0x469: {  	s30 =	sadd.s32 $0xF4280, s30;
	s2 =	simm.s32 $0x7400  }
0x46a: {  	[tilespmem:s2], [sflag:$0x1] =	stream.linear.gather [hbm4b:s30+s4], $0x400, $0x38;
	[tilespmem:$0x14400] =	vst v63  }
0x46b: {  	s2 =	spop (v2sf)  }
0x46c: {  	s30 =	sand.u32 $0x1FFFFF80, s2  }
0x46d: {  	s2 =	simm.s32 $0x3800;
	s30 =	sadd.s32 s1, s30  }
0x46e: {  	[tilespmem:s2], [sflag:$0x1] =	stream.linear.gather [hbm4b:s30+s4], $0x400, $0x38;
	[tilespmem:$0x14400] =	vst v63  }
0x46f: {  	s30 =	sadd.s32 $0xF4280, s30;
	s2 =	simm.s32 $0x7800  }
0x470: {  	[tilespmem:s2], [sflag:$0x1] =	stream.linear.gather [hbm4b:s30+s4], $0x400, $0x38;
	[tilespmem:$0x14400] =	vst v63  }
0x471: {  	s2 =	spop (v2sf)  }
0x472: {  	s30 =	sand.u32 $0x1FFFFF80, s2  }
0x473: {  	s2 =	simm.s32 $0x3C00;
	s30 =	sadd.s32 s1, s30  }
0x474: {  	[tilespmem:s2], [sflag:$0x1] =	stream.linear.gather [hbm4b:s30+s4], $0x400, $0x38;
	[tilespmem:$0x14400] =	vst v63  }
0x475: {  	s30 =	sadd.s32 $0xF4280, s30;
	s2 =	simm.s32 $0x7C00  }
0x476: {  	[tilespmem:s2], [sflag:$0x1] =	stream.linear.gather [hbm4b:s30+s4], $0x400, $0x38;
	[tilespmem:$0x14400] =	vst v63  }
0x477: {  	s2 =	spop (v2sf)  }
.Ltmp9:
0x478: {  	s30 =	sand.u32 $0x1FFFFF80, s2;
	(pc) =	sbr.rel .LBB2_8-.Ltmp9, $4  }
0x479: {  	s2 =	simm.s32 $0x4000;
	s30 =	sadd.s32 s1, s30  }
0x47a: {  	[tilespmem:s2], [sflag:$0x1] =	stream.linear.gather [hbm4b:s30+s4], $0x400, $0x38;
	[tilespmem:$0x14400] =	vst v63  }
0x47b: {  	s30 =	sadd.s32 $0xF4280, s30;
	s2 =	simm.s32 $0x8000  }
0x47c: {  	[tilespmem:s2], [sflag:$0x1] =	stream.linear.gather [hbm4b:s30+s4], $0x400, $0x38;
	[tilespmem:$0x14400] =	vst v63  }
.LBB2_10:
0x47d: {  	_ =	sfence.sel $0x180000  }
0x47e: {  	[bflag:$0x0] =	sbarrier.arrive $0xFFFF  }
0x47f: {  	_ =	strace $0x90000047  }
0x480: {  	s0 =	stileid.u32;
	[bflag:$0x2] =	sbarrier.arrive $0xFFFF  }
0x481: {  	p0 =	sne.s32 s0, $0x0;
	s0 =	rddreg [dreg:$0x5]  }
0x482: {  	s0 =	sadd.s32 @!p0 $0x100000, s0  }
0x483: {  	[sflag:s0] =	ssyncadd.tile.s32 @!p0 $0x1;
	_ =	shalt  }
.Lfunc_end2:
_tile_overlayer_lowered:
.L_overlay_start_2:
0x484: {  	(tag) =	ssettag $0x2  }
0x485: {  	s0 =	rddreg [dreg:$0x0];
	s2 =	stileid.u32  }
0x486: {  	s1 =	rddreg [dreg:$0x1];
	p0 =	sne.s32 s2, $0x0  }
0x487: {  	s3 =	rddreg [dreg:$0x2];
	[bflag:$0x3] =	sbarrier.arrive $0xFFFF;
	s2 =	simm.s32 @!p0 $0x1C02  }
0x488: {  	[timem:s3], [sflag:s2] =	dma.local @!p0 [hbm:s0], s1  }
0x489: {  	s0 =	simm.s32 @!p0 $0x2  }
0x48a: {  	_ =	swait.ge @!p0 [sflag:s0], s1  }
0x48b: {  	s1 =	ssub.s32 @!p0 $0x0, s1;
	[sflag:s0] =	ssyncset.done @!p0 $0x0  }
0x48c: {  	[sflag:s0] =	ssyncadd.s32 @!p0 s1  }
0x48d: {  	[bflag:$0x3] =	sbarrier.arrive $0xFFFF  }
0x48e: {  	_ =	shalt  }

</sc_bundles>
